<compile_context>
chip_gen: v7x
topology: tpu7x:2x2x1
jax: 0.10.2.dev20260603
libtpu: 0.0.44.dev20260713+nightly
codegen_flags: <defaults>
</compile_context>

<pallas_src>
import jax
import jax.numpy as jnp
from jax import lax
from jax.experimental import pallas as pl
from jax.experimental.pallas import tpu as pltpu
from jax.experimental.pallas import tpu_sc as plsc

N = 10000
E = 320000
E_PAD = 327680
N_INTER = 3
NF = 128
FH = NF // 2
NB = 25
CUTOFF = 5.0

NC = 2
NS = 16
NW = NC * NS
EPW = E_PAD // NW
EPT = E_PAD // NS
ROWS_PER_TILE = 632
NACC = 10112
N_PADR = 10240
ZROWS = 128

B_E = 1024
B_N = 2000

CE_D2 = 512
CE = 128



def _smear_body(d2_ref, fij_ref, cij_ref):
    d2 = d2_ref[...]
    r = jnp.sqrt(d2 + 1e-12)
    x = r * (jnp.pi / CUTOFF)
    t = x * x
    cs = (0.99999999, -0.499999918, 4.16665243e-02, -1.38879703e-03,
          2.47734208e-05, -2.71133377e-07, 1.73689959e-09)
    p = cs[6]
    for cc in cs[5::-1]:
        p = p * t + cc
    c = 0.5 * (p + 1.0)
    cij_ref[...] = jnp.where(r < CUTOFF, c, 0.0)
    width = CUTOFF / (NB - 1)
    coeff = -0.5 / (width * width)
    k = jax.lax.broadcasted_iota(jnp.int32, (1, 32), 1)
    off = k.astype(jnp.float32) * width
    diff = r - off
    fij = jnp.exp(coeff * diff * diff)
    fij = jnp.where(k < NB, fij, 0.0)
    fij_ref[...] = fij.astype(jnp.bfloat16)


def _smear(d2_col):
    grid = E_PAD // B_E
    return pl.pallas_call(
        _smear_body,
        grid=(grid,),
        in_specs=[pl.BlockSpec((B_E, 1), lambda i: (i, 0))],
        out_specs=[
            pl.BlockSpec((B_E, 32), lambda i: (i, 0)),
            pl.BlockSpec((B_E, 1), lambda i: (i, 0)),
        ],
        out_shape=[
            jax.ShapeDtypeStruct((E_PAD, 32), jnp.bfloat16),
            jax.ShapeDtypeStruct((E_PAD, 1), jnp.float32),
        ],
    )(d2_col)


def _edge_filter_body(fij_ref, cij_ref, wf1_ref, wf2h_ref, bf1_ref, bf2h_ref,
                      wc_ref):
    fij = fij_ref[...]
    u = jnp.dot(fij, wf1_ref[...], preferred_element_type=jnp.float32) + bf1_ref[...]
    su = (u * jax.nn.sigmoid(u)).astype(jnp.bfloat16)
    c = cij_ref[...]
    for half in range(2):
        w = jnp.dot(su, wf2h_ref[half], preferred_element_type=jnp.float32)
        wc_ref[half] = (w + bf2h_ref[half]) * c


def _edge_filter(fij, cij, wf1p, wf2h, bf1, bf2h):
    grid = E_PAD // B_E
    return pl.pallas_call(
        _edge_filter_body,
        grid=(grid,),
        in_specs=[
            pl.BlockSpec((B_E, 32), lambda i: (i, 0)),
            pl.BlockSpec((B_E, 1), lambda i: (i, 0)),
            pl.BlockSpec((32, NF), lambda i: (0, 0)),
            pl.BlockSpec((2, NF, FH), lambda i: (0, 0, 0)),
            pl.BlockSpec((1, NF), lambda i: (0, 0)),
            pl.BlockSpec((2, 1, FH), lambda i: (0, 0, 0)),
        ],
        out_specs=pl.BlockSpec((2, B_E, FH), lambda i: (0, i, 0)),
        out_shape=jax.ShapeDtypeStruct((2, E_PAD, FH), jnp.float32),
    )(fij, cij, wf1p, wf2h, bf1, bf2h)


def _init_body(z_ref, emb_ref, winh_ref, feat_ref, h_ref):
    z = z_ref[...]
    lane = jax.lax.broadcasted_iota(jnp.int32, (1, NF), 1)
    oh = (z == lane).astype(jnp.float32)
    feat = jnp.dot(oh, emb_ref[...], preferred_element_type=jnp.float32)
    feat_ref[...] = feat
    for half in range(2):
        h_ref[half] = jnp.dot(feat, winh_ref[half],
                              preferred_element_type=jnp.float32)


def _init_feat(z_col, emb_pad, winh0):
    grid = N // B_N
    return pl.pallas_call(
        _init_body,
        grid=(grid,),
        in_specs=[
            pl.BlockSpec((B_N, 1), lambda i: (i, 0)),
            pl.BlockSpec((NF, NF), lambda i: (0, 0)),
            pl.BlockSpec((2, NF, FH), lambda i: (0, 0, 0)),
        ],
        out_specs=[
            pl.BlockSpec((B_N, NF), lambda i: (i, 0)),
            pl.BlockSpec((2, B_N, FH), lambda i: (0, i, 0)),
        ],
        out_shape=[
            jax.ShapeDtypeStruct((N, NF), jnp.float32),
            jax.ShapeDtypeStruct((2, N, FH), jnp.float32),
        ],
    )(z_col, emb_pad, winh0)


def _node_body(feat_ref, m_ref, wout1_ref, wout2_ref, bout1_ref, bout2_ref,
               gamma_ref, beta_ref, winh_next_ref, feat_out_ref, h_out_ref):
    m = jnp.concatenate([m_ref[0], m_ref[1]], axis=1)
    u = jnp.dot(m, wout1_ref[...], preferred_element_type=jnp.float32) + bout1_ref[...]
    su = u * jax.nn.sigmoid(u)
    mm = jnp.dot(su, wout2_ref[...], preferred_element_type=jnp.float32) + bout2_ref[...]
    f = feat_ref[...] + mm
    mu = jnp.mean(f, axis=1, keepdims=True)
    d = f - mu
    var = jnp.mean(d * d, axis=1, keepdims=True)
    fn = gamma_ref[...] * d * jax.lax.rsqrt(var + 1e-5) + beta_ref[...]
    feat_out_ref[...] = fn
    for half in range(2):
        h_out_ref[half] = jnp.dot(fn, winh_next_ref[half],
                                  preferred_element_type=jnp.float32)


def _node_update(feat, m2, wout1, wout2, bout1, bout2, gamma, beta, winh_next):
    grid = N // B_N
    return pl.pallas_call(
        _node_body,
        grid=(grid,),
        in_specs=[
            pl.BlockSpec((B_N, NF), lambda i: (i, 0)),
            pl.BlockSpec((2, B_N, FH), lambda i: (0, i, 0)),
            pl.BlockSpec((NF, NF), lambda i: (0, 0)),
            pl.BlockSpec((NF, NF), lambda i: (0, 0)),
            pl.BlockSpec((1, NF), lambda i: (0, 0)),
            pl.BlockSpec((1, NF), lambda i: (0, 0)),
            pl.BlockSpec((1, NF), lambda i: (0, 0)),
            pl.BlockSpec((1, NF), lambda i: (0, 0)),
            pl.BlockSpec((2, NF, FH), lambda i: (0, 0, 0)),
        ],
        out_specs=[
            pl.BlockSpec((B_N, NF), lambda i: (i, 0)),
            pl.BlockSpec((2, B_N, FH), lambda i: (0, i, 0)),
        ],
        out_shape=[
            jax.ShapeDtypeStruct((N, NF), jnp.float32),
            jax.ShapeDtypeStruct((2, N, FH), jnp.float32),
        ],
    )(feat, m2, wout1, wout2, bout1, bout2, gamma, beta, winh_next)



def _sc_mesh():
    return plsc.VectorSubcoreMesh(core_axis_name="c", subcore_axis_name="s",
                                  num_cores=NC, num_subcores=NS)


def _sc_d2_body(px_hbm, py_hbm, pz_hbm, src_hbm, dst_hbm, d2_hbm,
                px_v, py_v, pz_v, src_v, dst_v, d2_v):
    cid = lax.axis_index("c")
    sid = lax.axis_index("s")
    wid = sid * NC + cid
    pltpu.sync_copy(px_hbm, px_v)
    pltpu.sync_copy(py_hbm, py_v)
    pltpu.sync_copy(pz_hbm, pz_v)
    lanes = jnp.arange(16, dtype=jnp.int32)
    wbase = wid * EPW

    @pl.loop(0, EPW // CE_D2)
    def _chunk(ci):
        base = wbase + ci * CE_D2
        pltpu.sync_copy(src_hbm.at[pl.ds(base, CE_D2)], src_v)
        pltpu.sync_copy(dst_hbm.at[pl.ds(base, CE_D2)], dst_v)

        @pl.loop(0, CE_D2 // 16)
        def _vec(j):
            sl = pl.ds(j * 16, 16)
            si = src_v[sl]
            di = dst_v[sl]
            dx = plsc.load_gather(px_v, [di]) - plsc.load_gather(px_v, [si])
            dy = plsc.load_gather(py_v, [di]) - plsc.load_gather(py_v, [si])
            dz = plsc.load_gather(pz_v, [di]) - plsc.load_gather(pz_v, [si])
            d2 = dx * dx + dy * dy + dz * dz
            eid = base + j * 16 + lanes
            d2_v[sl] = jnp.where(eid < E, d2, 100.0)

        pltpu.sync_copy(d2_v, d2_hbm.at[pl.ds(base, CE_D2)])


def _sc_d2(px, py, pz, src, dst):
    f = pl.kernel(
        _sc_d2_body,
        out_type=jax.ShapeDtypeStruct((E_PAD,), jnp.float32),
        mesh=_sc_mesh(),
        compiler_params=pltpu.CompilerParams(needs_layout_passes=False),
        scratch_types=[
            pltpu.VMEM((N_PADR,), jnp.float32),
            pltpu.VMEM((N_PADR,), jnp.float32),
            pltpu.VMEM((N_PADR,), jnp.float32),
            pltpu.VMEM((CE_D2,), jnp.int32),
            pltpu.VMEM((CE_D2,), jnp.int32),
            pltpu.VMEM((CE_D2,), jnp.float32),
        ],
    )
    return f(px, py, pz, src, dst)


def _sc_cfconv_body(h_hbm, wc_hbm, src_hbm, dst_hbm, out_hbm,
                    src_blk, dst_blk, hrows0, hrows1, wcv0, wcv1, sbuf0, sbuf1,
                    macc, gsem0, gsem1, wsem0, wsem1, ssem0, ssem1):
    cid = lax.axis_index("c")
    sid = lax.axis_index("s")
    hrows = (hrows0, hrows1)
    wcv = (wcv0, wcv1)
    sbuf = (sbuf0, sbuf1)
    gsem = (gsem0, gsem1)
    wsem = (wsem0, wsem1)
    ssem = (ssem0, ssem1)
    NCH = EPT // CE

    @pl.loop(0, ZROWS)
    def _zr(i):
        for k2 in range(FH // 16):
            hrows0[i, pl.ds(k2 * 16, 16)] = jnp.zeros((16,), jnp.float32)

    row0 = sid * ROWS_PER_TILE
    for k in range(ROWS_PER_TILE // ZROWS):
        pltpu.sync_copy(hrows0.at[pl.ds(0, ZROWS)],
                        macc.at[pl.ds(row0 + k * ZROWS, ZROWS)])
    ztail = ROWS_PER_TILE % ZROWS
    if ztail:
        pltpu.sync_copy(hrows0.at[pl.ds(0, ztail)],
                        macc.at[pl.ds(row0 + ROWS_PER_TILE - ztail, ztail)])
    plsc.subcore_barrier()

    pltpu.sync_copy(src_hbm.at[pl.ds(sid * NCH, NCH)], src_blk)
    pltpu.sync_copy(dst_hbm.at[pl.ds(sid * NCH, NCH)], dst_blk)

    def start_gather(ci, b):
        pltpu.async_copy(h_hbm.at[cid].at[src_blk.at[ci]], hrows[b], gsem[b])

    def start_wc(ci, b):
        base = sid * EPT + ci * CE
        pltpu.async_copy(wc_hbm.at[cid, pl.ds(base, CE)], wcv[b], wsem[b])

    start_gather(0, 0)
    start_gather(1, 1)
    start_wc(0, 0)
    start_wc(1, 1)

    @pl.loop(0, NCH, step=2)
    def _chunk(ci0):
        for b in range(2):
            ci = ci0 + b
            base = sid * EPT + ci * CE
            pltpu.make_async_copy(h_hbm.at[cid].at[src_blk.at[ci]], hrows[b],
                                  gsem[b]).wait()
            pltpu.make_async_copy(wc_hbm.at[cid, pl.ds(base, CE)], wcv[b],
                                  wsem[b]).wait()

            @pl.when(ci >= 2)
            def _():
                pltpu.make_async_copy(sbuf[b], macc.at[dst_blk.at[ci - 2]],
                                      ssem[b]).wait()

            @pl.loop(0, CE)
            def _row(i):
                for k2 in range(FH // 16):
                    sl = pl.ds(k2 * 16, 16)
                    sbuf[b][i, sl] = hrows[b][i, sl] * wcv[b][i, sl]

            pltpu.async_copy(sbuf[b], macc.at[dst_blk.at[ci]], ssem[b],
                             add=True)

            @pl.when(ci + 2 < NCH)
            def _():
                start_gather(ci + 2, b)
                start_wc(ci + 2, b)

    for b in range(2):
        pltpu.make_async_copy(sbuf[b], macc.at[dst_blk.at[NCH - 2 + b]],
                              ssem[b]).wait()

    plsc.subcore_barrier()
    pltpu.sync_copy(macc.at[pl.ds(row0, ROWS_PER_TILE)],
                    out_hbm.at[cid, pl.ds(row0, ROWS_PER_TILE)])


def _sc_cfconv(h2, wc2, src2, dst2):
    f = pl.kernel(
        _sc_cfconv_body,
        out_type=jax.ShapeDtypeStruct((NC, NACC, FH), jnp.float32),
        mesh=_sc_mesh(),
        compiler_params=pltpu.CompilerParams(needs_layout_passes=False,
                                             use_tc_tiling_on_sc=False),
        scratch_types=(
            [pltpu.VMEM((EPT // CE, CE), jnp.int32) for _ in range(2)]
            + [pltpu.VMEM((CE, FH), jnp.float32) for _ in range(6)]
            + [pltpu.VMEM_SHARED((NACC, FH), jnp.float32)]
            + [pltpu.SemaphoreType.DMA for _ in range(6)]
        ),
    )
    return f(h2, wc2, src2, dst2)



def kernel(z, pos, edge_index, emb, Wf1, bf1, Wf2, bf2, Win, Wout1, bout1, Wout2, bout2, gamma, beta):
    src = jnp.pad(edge_index[0].astype(jnp.int32), (0, E_PAD - E))
    dst = jnp.pad(edge_index[1].astype(jnp.int32), (0, E_PAD - E))

    pos_t = jnp.pad(pos.T, ((0, 0), (0, N_PADR - N)))
    d2 = _sc_d2(pos_t[0], pos_t[1], pos_t[2], src, dst)
    d2_col = d2.reshape(E_PAD, 1)

    wf1p = jnp.pad(Wf1, ((0, 0), (0, 32 - NB), (0, 0))).astype(jnp.bfloat16)
    emb_pad = jnp.pad(emb, ((0, NF - emb.shape[0]), (0, 0)))
    wf2h = Wf2.reshape(N_INTER, NF, 2, FH).transpose(0, 2, 1, 3).astype(jnp.bfloat16)
    winh = Win.reshape(N_INTER, NF, 2, FH).transpose(0, 2, 1, 3)
    bf2h = bf2.reshape(N_INTER, 2, 1, FH)
    b2 = lambda b: b.reshape(N_INTER, 1, NF)
    bf1c, bout1c, bout2c = b2(bf1), b2(bout1), b2(bout2)
    gammac, betac = b2(gamma), b2(beta)

    src2 = src.reshape(E_PAD // CE, CE)
    dst2 = dst.reshape(E_PAD // CE, CE)
    z_col = z.reshape(N, 1).astype(jnp.int32)

    fij, cij = _smear(d2_col)
    wcs = [_edge_filter(fij, cij, wf1p[i], wf2h[i], bf1c[i], bf2h[i])
           for i in range(N_INTER)]
    feat, h2 = _init_feat(z_col, emb_pad, winh[0])

    for i in range(N_INTER):
        m2 = _sc_cfconv(h2, wcs[i], src2, dst2)
        feat, h2 = _node_update(feat, m2[:, :N], Wout1[i], Wout2[i],
                                bout1c[i], bout2c[i], gammac[i], betac[i],
                                winh[(i + 1) % N_INTER])
    return feat

# --- scband reference (transcript-rebuilt; emitter-appended) ---
"""Pipeline reference for scband-sch-net-9216999817564 (READ-ONLY COPY).

The authoritative reference and input builder live on the scoring server;
editing this copy changes nothing except your own understanding.
"""

import jax, jax.numpy as jnp
import numpy as np

N = 10000
E = 320000
N_INTER = 3
N_ATOM_BASIS = 128
N_FILTERS = 128
N_BASIS = 25
MAX_Z = 100
CUTOFF = 5.0


def swish(x):
    return x * jax.nn.sigmoid(x)


def setup_inputs(seed: int = 0) -> dict:
    key = jax.random.key(seed)
    ks = jax.random.split(key, 16)
    s = 0.05
    z = jax.random.randint(ks[0], (N,), 0, MAX_Z)
    pos = jax.random.uniform(ks[1], (N, 3), dtype=jnp.float32)
    edge_index = jax.random.randint(ks[2], (2, E), 0, N)
    emb = jax.random.normal(ks[3], (MAX_Z, N_ATOM_BASIS), dtype=jnp.float32) * s
    emb = emb.at[0].set(0.0)  # padding_idx=0
    Wf1 = jax.random.normal(ks[4], (N_INTER, N_BASIS, N_FILTERS), dtype=jnp.float32) * s
    bf1 = jnp.zeros((N_INTER, N_FILTERS), dtype=jnp.float32)
    Wf2 = jax.random.normal(ks[5], (N_INTER, N_FILTERS, N_FILTERS), dtype=jnp.float32) * s
    bf2 = jnp.zeros((N_INTER, N_FILTERS), dtype=jnp.float32)
    Win = jax.random.normal(ks[6], (N_INTER, N_ATOM_BASIS, N_FILTERS), dtype=jnp.float32) * s
    Wout1 = jax.random.normal(ks[7], (N_INTER, N_FILTERS, N_ATOM_BASIS), dtype=jnp.float32) * s
    bout1 = jnp.zeros((N_INTER, N_ATOM_BASIS), dtype=jnp.float32)
    Wout2 = jax.random.normal(ks[8], (N_INTER, N_ATOM_BASIS, N_ATOM_BASIS), dtype=jnp.float32) * s
    bout2 = jnp.zeros((N_INTER, N_ATOM_BASIS), dtype=jnp.float32)
    gamma = jnp.ones((N_INTER, N_ATOM_BASIS), dtype=jnp.float32)
    beta = jnp.zeros((N_INTER, N_ATOM_BASIS), dtype=jnp.float32)
    return {"z": z, "pos": pos, "edge_index": edge_index, "emb": emb,
            "Wf1": Wf1, "bf1": bf1, "Wf2": Wf2, "bf2": bf2, "Win": Win,
            "Wout1": Wout1, "bout1": bout1, "Wout2": Wout2, "bout2": bout2,
            "gamma": gamma, "beta": beta}


def reference(z, pos, edge_index, emb, Wf1, bf1, Wf2, bf2, Win, Wout1, bout1, Wout2, bout2, gamma, beta):
    src = edge_index[0]
    dst = edge_index[1]
    # distance() : pairwise edge distances
    vij = pos[dst] - pos[src]
    rij = jnp.sqrt(jnp.sum(vij * vij, axis=-1) + 1e-12)
    # GaussianSmearing(0.0, cutoff, n_gaussians=n_basis)
    offsets = jnp.linspace(0.0, CUTOFF, N_BASIS)
    width = offsets[1] - offsets[0]
    coeff = -0.5 / (width ** 2)
    fij = jnp.exp(coeff * (rij[:, None] - offsets[None, :]) ** 2)
    # CosineCutoff
    cij = 0.5 * (jnp.cos(rij * jnp.pi / CUTOFF) + 1.0) * (rij < CUTOFF).astype(jnp.float32)
    # atom embedding
    feat = emb[z]
    for i in range(N_INTER):
        # filter_network: Dense(n_basis, n_filters, swish) -> Dense(n_filters, n_filters)
        Wfilt = swish(fij @ Wf1[i] + bf1[i]) @ Wf2[i] + bf2[i]
        # in2f, gather source features, cfconv with cutoff, scatter-add aggregate
        h = feat @ Win[i]
        m_e = h[src] * Wfilt * cij[:, None]
        m = jnp.zeros((N, N_FILTERS), dtype=feat.dtype).at[dst].add(m_e)
        # f2out: Dense(n_filters, n_atom_basis, swish) -> Dense(n_atom_basis, n_atom_basis)
        m = swish(m @ Wout1[i] + bout1[i]) @ Wout2[i] + bout2[i]
        # residual
        feat = feat + m
        # graph_norm (per-node feature normalization with learned affine)
        mu = jnp.mean(feat, axis=-1, keepdims=True)
        var = jnp.mean((feat - mu) ** 2, axis=-1, keepdims=True)
        feat = gamma[i] * (feat - mu) / jnp.sqrt(var + 1e-5) + beta[i]
    return feat

if __name__ == "__main__":
    import jax
    _d = setup_inputs()
    print(jax.jit(kernel)(*tuple(_d.values())))

</pallas_src>

<mosaic_0001>
#map = affine_map<(d0, d1) -> (0, 0, 0)>
#map1 = affine_map<(d0, d1) -> (0, 0)>
module attributes {stable_mosaic.version = 14 : i64} {
  func.func @_sc_cfconv_body(%arg0: i32, %arg1: i32, %arg2: memref<2x10000x64xf32, #tpu.memory_space<hbm>>, %arg3: memref<2x327680x64xf32, #tpu.memory_space<hbm>>, %arg4: memref<2560x128xi32, #tpu.memory_space<hbm>>, %arg5: memref<2560x128xi32, #tpu.memory_space<hbm>>, %arg6: memref<2x10112x64xf32, #tpu.memory_space<hbm>>, %arg7: memref<160x128xi32, #tpu.memory_space<vmem>>, %arg8: memref<160x128xi32, #tpu.memory_space<vmem>>, %arg9: memref<128x64xf32, #tpu.memory_space<vmem>>, %arg10: memref<128x64xf32, #tpu.memory_space<vmem>>, %arg11: memref<128x64xf32, #tpu.memory_space<vmem>>, %arg12: memref<128x64xf32, #tpu.memory_space<vmem>>, %arg13: memref<128x64xf32, #tpu.memory_space<vmem>>, %arg14: memref<128x64xf32, #tpu.memory_space<vmem>>, %arg15: memref<10112x64xf32, #tpu.memory_space<vmem_shared>>, %arg16: memref<!tpu.dma_semaphore, #tpu.memory_space<semaphore_mem>>, %arg17: memref<!tpu.dma_semaphore, #tpu.memory_space<semaphore_mem>>, %arg18: memref<!tpu.dma_semaphore, #tpu.memory_space<semaphore_mem>>, %arg19: memref<!tpu.dma_semaphore, #tpu.memory_space<semaphore_mem>>, %arg20: memref<!tpu.dma_semaphore, #tpu.memory_space<semaphore_mem>>, %arg21: memref<!tpu.dma_semaphore, #tpu.memory_space<semaphore_mem>>) attributes {dimension_semantics = [#tpu.dimension_semantics<core_parallel>, #tpu.dimension_semantics<subcore_parallel>], iteration_bounds = array<i64: 2, 16>, scalar_prefetch = 0 : i64, scratch_operands = 15 : i64, tpu.core_type = #tpu.core_type<sc_vector_subcore>, window_params = [{transform_indices = #map}, {transform_indices = #map}, {transform_indices = #map1}, {transform_indices = #map1}, {transform_indices = #map}]} {
    %scan3A = arith.constant 0 : i32
    %scan3A_0 = arith.constant 128 : i32
    %scan3A_1 = arith.addi %scan3A, %scan3A_0 : i32
    %scan3A_2 = arith.constant 1 : i32
    scf.for %scan3A_79 = %scan3A to %scan3A_1 step %scan3A_2  : i32 {
      %mul3A_80 = arith.constant 1 : i32
      %mul3A_81 = arith.muli %scan3A_79, %mul3A_80 : i32
      %add3A_82 = arith.constant 0 : i32
      %add3A_83 = arith.addi %add3A_82, %mul3A_81 : i32
      %broadcast_in_dim3A = arith.constant 0.000000e+00 : f32
      %broadcast_in_dim3A_84 = vector.broadcast %broadcast_in_dim3A : f32 to vector<16xf32>
      %swap3A = arith.index_cast %add3A_83 : i32 to index
      %swap3A_85 = arith.constant 0 : index
      %swap3A_86 = tpu.vector_load %arg9[%swap3A, %swap3A_85] {strides = array<i32>} : memref<128x64xf32, #tpu.memory_space<vmem>>, vector<16xf32>,
      tpu.vector_store %arg9[%swap3A, %swap3A_85], %broadcast_in_dim3A_84 {strides = array<i32>} : memref<128x64xf32, #tpu.memory_space<vmem>>, vector<16xf32>,
      %broadcast_in_dim3A_87 = arith.constant 0.000000e+00 : f32
      %broadcast_in_dim3A_88 = vector.broadcast %broadcast_in_dim3A_87 : f32 to vector<16xf32>
      %swap3A_89 = arith.index_cast %add3A_83 : i32 to index
      %swap3A_90 = arith.constant 16 : index
      %swap3A_91 = tpu.vector_load %arg9[%swap3A_89, %swap3A_90] {strides = array<i32>} : memref<128x64xf32, #tpu.memory_space<vmem>>, vector<16xf32>,
      tpu.vector_store %arg9[%swap3A_89, %swap3A_90], %broadcast_in_dim3A_88 {strides = array<i32>} : memref<128x64xf32, #tpu.memory_space<vmem>>, vector<16xf32>,
      %broadcast_in_dim3A_92 = arith.constant 0.000000e+00 : f32
      %broadcast_in_dim3A_93 = vector.broadcast %broadcast_in_dim3A_92 : f32 to vector<16xf32>
      %swap3A_94 = arith.index_cast %add3A_83 : i32 to index
      %swap3A_95 = arith.constant 32 : index
      %swap3A_96 = tpu.vector_load %arg9[%swap3A_94, %swap3A_95] {strides = array<i32>} : memref<128x64xf32, #tpu.memory_space<vmem>>, vector<16xf32>,
      tpu.vector_store %arg9[%swap3A_94, %swap3A_95], %broadcast_in_dim3A_93 {strides = array<i32>} : memref<128x64xf32, #tpu.memory_space<vmem>>, vector<16xf32>,
      %broadcast_in_dim3A_97 = arith.constant 0.000000e+00 : f32
      %broadcast_in_dim3A_98 = vector.broadcast %broadcast_in_dim3A_97 : f32 to vector<16xf32>
      %swap3A_99 = arith.index_cast %add3A_83 : i32 to index
      %swap3A_100 = arith.constant 48 : index
      %swap3A_101 = tpu.vector_load %arg9[%swap3A_99, %swap3A_100] {strides = array<i32>} : memref<128x64xf32, #tpu.memory_space<vmem>>, vector<16xf32>,
      tpu.vector_store %arg9[%swap3A_99, %swap3A_100], %broadcast_in_dim3A_98 {strides = array<i32>} : memref<128x64xf32, #tpu.memory_space<vmem>>, vector<16xf32>,
    }
    %scan3A_3 = arith.constant 128 : i32
    %mul3A = arith.constant 632 : i32
    %mul3A_4 = arith.muli %arg1, %mul3A : i32
    %add3A = arith.constant 0 : i32
    %add3A_5 = arith.addi %mul3A_4, %add3A : i32
    "tpu.region"() ({
      %run_scoped3A = tpu.sem_alloc : memref<!tpu.dma_semaphore, #tpu.memory_space<semaphore_mem>>
      %dma_start3A_79 = arith.constant 0 : i32
      %dma_start3A_80 = arith.constant 0 : i32
      %dma_start3A_81 = tpu.memref_slice %arg9[%dma_start3A_79, %dma_start3A_80] : memref<128x64xf32, #tpu.memory_space<vmem>> -> memref<128x64xf32, #tpu.memory_space<vmem>>
      %dma_start3A_82 = arith.constant 0 : i32
      %dma_start3A_83 = tpu.memref_slice %arg15[%add3A_5, %dma_start3A_82] : memref<10112x64xf32, #tpu.memory_space<vmem_shared>> -> memref<128x64xf32, #tpu.memory_space<vmem_shared>>
      %dma_start3A_84 = arith.constant 0 : i32
      %dma_start3A_85 = tpu.memref_slice %arg15[%add3A_5, %dma_start3A_84] : memref<10112x64xf32, #tpu.memory_space<vmem_shared>> -> memref<128x64xf32, #tpu.memory_space<vmem_shared>>
      %dma_start3A_86 = arith.constant 0 : i32
      %dma_start3A_87 = arith.constant 0 : i32
      %dma_start3A_88 = tpu.memref_slice %arg9[%dma_start3A_86, %dma_start3A_87] : memref<128x64xf32, #tpu.memory_space<vmem>> -> memref<128x64xf32, #tpu.memory_space<vmem>>
      tpu.enqueue_dma source(%dma_start3A_88 : memref<128x64xf32, #tpu.memory_space<vmem>>) target(%dma_start3A_85 : memref<128x64xf32, #tpu.memory_space<vmem_shared>>) target_semaphore(%run_scoped3A : memref<!tpu.dma_semaphore, #tpu.memory_space<semaphore_mem>>)
      %dma_wait3A_89 = arith.constant 0 : i32
      %dma_wait3A_90 = arith.constant 0 : i32
      %dma_wait3A_91 = tpu.memref_slice %arg9[%dma_wait3A_89, %dma_wait3A_90] : memref<128x64xf32, #tpu.memory_space<vmem>> -> memref<128x64xf32, #tpu.memory_space<vmem>>
      %dma_wait3A_92 = arith.constant 0 : i32
      %dma_wait3A_93 = tpu.memref_slice %arg15[%add3A_5, %dma_wait3A_92] : memref<10112x64xf32, #tpu.memory_space<vmem_shared>> -> memref<128x64xf32, #tpu.memory_space<vmem_shared>>
      %dma_wait3A_94 = arith.constant 0 : i32
      %dma_wait3A_95 = tpu.memref_slice %arg15[%add3A_5, %dma_wait3A_94] : memref<10112x64xf32, #tpu.memory_space<vmem_shared>> -> memref<128x64xf32, #tpu.memory_space<vmem_shared>>
      %dma_wait3A_96 = arith.constant 0 : i32
      %dma_wait3A_97 = arith.constant 0 : i32
      %dma_wait3A_98 = tpu.memref_slice %arg9[%dma_wait3A_96, %dma_wait3A_97] : memref<128x64xf32, #tpu.memory_space<vmem>> -> memref<128x64xf32, #tpu.memory_space<vmem>>
      tpu.wait_dma2 semaphore(%run_scoped3A : memref<!tpu.dma_semaphore, #tpu.memory_space<semaphore_mem>>) src(%dma_wait3A_98 : memref<128x64xf32, #tpu.memory_space<vmem>>) dst(%dma_wait3A_95 : memref<128x64xf32, #tpu.memory_space<vmem_shared>>)
      tpu.yield
    }) : () -> ()
    %add3A_6 = arith.constant 128 : i32
    %add3A_7 = arith.addi %mul3A_4, %add3A_6 : i32
    "tpu.region"() ({
      %run_scoped3A = tpu.sem_alloc : memref<!tpu.dma_semaphore, #tpu.memory_space<semaphore_mem>>
      %dma_start3A_79 = arith.constant 0 : i32
      %dma_start3A_80 = arith.constant 0 : i32
      %dma_start3A_81 = tpu.memref_slice %arg9[%dma_start3A_79, %dma_start3A_80] : memref<128x64xf32, #tpu.memory_space<vmem>> -> memref<128x64xf32, #tpu.memory_space<vmem>>
      %dma_start3A_82 = arith.constant 0 : i32
      %dma_start3A_83 = tpu.memref_slice %arg15[%add3A_7, %dma_start3A_82] : memref<10112x64xf32, #tpu.memory_space<vmem_shared>> -> memref<128x64xf32, #tpu.memory_space<vmem_shared>>
      %dma_start3A_84 = arith.constant 0 : i32
      %dma_start3A_85 = tpu.memref_slice %arg15[%add3A_7, %dma_start3A_84] : memref<10112x64xf32, #tpu.memory_space<vmem_shared>> -> memref<128x64xf32, #tpu.memory_space<vmem_shared>>
      %dma_start3A_86 = arith.constant 0 : i32
      %dma_start3A_87 = arith.constant 0 : i32
      %dma_start3A_88 = tpu.memref_slice %arg9[%dma_start3A_86, %dma_start3A_87] : memref<128x64xf32, #tpu.memory_space<vmem>> -> memref<128x64xf32, #tpu.memory_space<vmem>>
      tpu.enqueue_dma source(%dma_start3A_88 : memref<128x64xf32, #tpu.memory_space<vmem>>) target(%dma_start3A_85 : memref<128x64xf32, #tpu.memory_space<vmem_shared>>) target_semaphore(%run_scoped3A : memref<!tpu.dma_semaphore, #tpu.memory_space<semaphore_mem>>)
      %dma_wait3A_89 = arith.constant 0 : i32
      %dma_wait3A_90 = arith.constant 0 : i32
      %dma_wait3A_91 = tpu.memref_slice %arg9[%dma_wait3A_89, %dma_wait3A_90] : memref<128x64xf32, #tpu.memory_space<vmem>> -> memref<128x64xf32, #tpu.memory_space<vmem>>
      %dma_wait3A_92 = arith.constant 0 : i32
      %dma_wait3A_93 = tpu.memref_slice %arg15[%add3A_7, %dma_wait3A_92] : memref<10112x64xf32, #tpu.memory_space<vmem_shared>> -> memref<128x64xf32, #tpu.memory_space<vmem_shared>>
      %dma_wait3A_94 = arith.constant 0 : i32
      %dma_wait3A_95 = tpu.memref_slice %arg15[%add3A_7, %dma_wait3A_94] : memref<10112x64xf32, #tpu.memory_space<vmem_shared>> -> memref<128x64xf32, #tpu.memory_space<vmem_shared>>
      %dma_wait3A_96 = arith.constant 0 : i32
      %dma_wait3A_97 = arith.constant 0 : i32
      %dma_wait3A_98 = tpu.memref_slice %arg9[%dma_wait3A_96, %dma_wait3A_97] : memref<128x64xf32, #tpu.memory_space<vmem>> -> memref<128x64xf32, #tpu.memory_space<vmem>>
      tpu.wait_dma2 semaphore(%run_scoped3A : memref<!tpu.dma_semaphore, #tpu.memory_space<semaphore_mem>>) src(%dma_wait3A_98 : memref<128x64xf32, #tpu.memory_space<vmem>>) dst(%dma_wait3A_95 : memref<128x64xf32, #tpu.memory_space<vmem_shared>>)
      tpu.yield
    }) : () -> ()
    %add3A_8 = arith.constant 256 : i32
    %add3A_9 = arith.addi %mul3A_4, %add3A_8 : i32
    "tpu.region"() ({
      %run_scoped3A = tpu.sem_alloc : memref<!tpu.dma_semaphore, #tpu.memory_space<semaphore_mem>>
      %dma_start3A_79 = arith.constant 0 : i32
      %dma_start3A_80 = arith.constant 0 : i32
      %dma_start3A_81 = tpu.memref_slice %arg9[%dma_start3A_79, %dma_start3A_80] : memref<128x64xf32, #tpu.memory_space<vmem>> -> memref<128x64xf32, #tpu.memory_space<vmem>>
      %dma_start3A_82 = arith.constant 0 : i32
      %dma_start3A_83 = tpu.memref_slice %arg15[%add3A_9, %dma_start3A_82] : memref<10112x64xf32, #tpu.memory_space<vmem_shared>> -> memref<128x64xf32, #tpu.memory_space<vmem_shared>>
      %dma_start3A_84 = arith.constant 0 : i32
      %dma_start3A_85 = tpu.memref_slice %arg15[%add3A_9, %dma_start3A_84] : memref<10112x64xf32, #tpu.memory_space<vmem_shared>> -> memref<128x64xf32, #tpu.memory_space<vmem_shared>>
      %dma_start3A_86 = arith.constant 0 : i32
      %dma_start3A_87 = arith.constant 0 : i32
      %dma_start3A_88 = tpu.memref_slice %arg9[%dma_start3A_86, %dma_start3A_87] : memref<128x64xf32, #tpu.memory_space<vmem>> -> memref<128x64xf32, #tpu.memory_space<vmem>>
      tpu.enqueue_dma source(%dma_start3A_88 : memref<128x64xf32, #tpu.memory_space<vmem>>) target(%dma_start3A_85 : memref<128x64xf32, #tpu.memory_space<vmem_shared>>) target_semaphore(%run_scoped3A : memref<!tpu.dma_semaphore, #tpu.memory_space<semaphore_mem>>)
      %dma_wait3A_89 = arith.constant 0 : i32
      %dma_wait3A_90 = arith.constant 0 : i32
      %dma_wait3A_91 = tpu.memref_slice %arg9[%dma_wait3A_89, %dma_wait3A_90] : memref<128x64xf32, #tpu.memory_space<vmem>> -> memref<128x64xf32, #tpu.memory_space<vmem>>
      %dma_wait3A_92 = arith.constant 0 : i32
      %dma_wait3A_93 = tpu.memref_slice %arg15[%add3A_9, %dma_wait3A_92] : memref<10112x64xf32, #tpu.memory_space<vmem_shared>> -> memref<128x64xf32, #tpu.memory_space<vmem_shared>>
      %dma_wait3A_94 = arith.constant 0 : i32
      %dma_wait3A_95 = tpu.memref_slice %arg15[%add3A_9, %dma_wait3A_94] : memref<10112x64xf32, #tpu.memory_space<vmem_shared>> -> memref<128x64xf32, #tpu.memory_space<vmem_shared>>
      %dma_wait3A_96 = arith.constant 0 : i32
      %dma_wait3A_97 = arith.constant 0 : i32
      %dma_wait3A_98 = tpu.memref_slice %arg9[%dma_wait3A_96, %dma_wait3A_97] : memref<128x64xf32, #tpu.memory_space<vmem>> -> memref<128x64xf32, #tpu.memory_space<vmem>>
      tpu.wait_dma2 semaphore(%run_scoped3A : memref<!tpu.dma_semaphore, #tpu.memory_space<semaphore_mem>>) src(%dma_wait3A_98 : memref<128x64xf32, #tpu.memory_space<vmem>>) dst(%dma_wait3A_95 : memref<128x64xf32, #tpu.memory_space<vmem_shared>>)
      tpu.yield
    }) : () -> ()
    %add3A_10 = arith.constant 384 : i32
    %add3A_11 = arith.addi %mul3A_4, %add3A_10 : i32
    "tpu.region"() ({
      %run_scoped3A = tpu.sem_alloc : memref<!tpu.dma_semaphore, #tpu.memory_space<semaphore_mem>>
      %dma_start3A_79 = arith.constant 0 : i32
      %dma_start3A_80 = arith.constant 0 : i32
      %dma_start3A_81 = tpu.memref_slice %arg9[%dma_start3A_79, %dma_start3A_80] : memref<128x64xf32, #tpu.memory_space<vmem>> -> memref<128x64xf32, #tpu.memory_space<vmem>>
      %dma_start3A_82 = arith.constant 0 : i32
      %dma_start3A_83 = tpu.memref_slice %arg15[%add3A_11, %dma_start3A_82] : memref<10112x64xf32, #tpu.memory_space<vmem_shared>> -> memref<128x64xf32, #tpu.memory_space<vmem_shared>>
      %dma_start3A_84 = arith.constant 0 : i32
      %dma_start3A_85 = tpu.memref_slice %arg15[%add3A_11, %dma_start3A_84] : memref<10112x64xf32, #tpu.memory_space<vmem_shared>> -> memref<128x64xf32, #tpu.memory_space<vmem_shared>>
      %dma_start3A_86 = arith.constant 0 : i32
      %dma_start3A_87 = arith.constant 0 : i32
      %dma_start3A_88 = tpu.memref_slice %arg9[%dma_start3A_86, %dma_start3A_87] : memref<128x64xf32, #tpu.memory_space<vmem>> -> memref<128x64xf32, #tpu.memory_space<vmem>>
      tpu.enqueue_dma source(%dma_start3A_88 : memref<128x64xf32, #tpu.memory_space<vmem>>) target(%dma_start3A_85 : memref<128x64xf32, #tpu.memory_space<vmem_shared>>) target_semaphore(%run_scoped3A : memref<!tpu.dma_semaphore, #tpu.memory_space<semaphore_mem>>)
      %dma_wait3A_89 = arith.constant 0 : i32
      %dma_wait3A_90 = arith.constant 0 : i32
      %dma_wait3A_91 = tpu.memref_slice %arg9[%dma_wait3A_89, %dma_wait3A_90] : memref<128x64xf32, #tpu.memory_space<vmem>> -> memref<128x64xf32, #tpu.memory_space<vmem>>
      %dma_wait3A_92 = arith.constant 0 : i32
      %dma_wait3A_93 = tpu.memref_slice %arg15[%add3A_11, %dma_wait3A_92] : memref<10112x64xf32, #tpu.memory_space<vmem_shared>> -> memref<128x64xf32, #tpu.memory_space<vmem_shared>>
      %dma_wait3A_94 = arith.constant 0 : i32
      %dma_wait3A_95 = tpu.memref_slice %arg15[%add3A_11, %dma_wait3A_94] : memref<10112x64xf32, #tpu.memory_space<vmem_shared>> -> memref<128x64xf32, #tpu.memory_space<vmem_shared>>
      %dma_wait3A_96 = arith.constant 0 : i32
      %dma_wait3A_97 = arith.constant 0 : i32
      %dma_wait3A_98 = tpu.memref_slice %arg9[%dma_wait3A_96, %dma_wait3A_97] : memref<128x64xf32, #tpu.memory_space<vmem>> -> memref<128x64xf32, #tpu.memory_space<vmem>>
      tpu.wait_dma2 semaphore(%run_scoped3A : memref<!tpu.dma_semaphore, #tpu.memory_space<semaphore_mem>>) src(%dma_wait3A_98 : memref<128x64xf32, #tpu.memory_space<vmem>>) dst(%dma_wait3A_95 : memref<128x64xf32, #tpu.memory_space<vmem_shared>>)
      tpu.yield
    }) : () -> ()
    %add3A_12 = arith.constant 632 : i32
    %add3A_13 = arith.addi %mul3A_4, %add3A_12 : i32
    %sub3A = arith.constant 120 : i32
    %sub3A_14 = arith.subi %add3A_13, %sub3A : i32
    "tpu.region"() ({
      %run_scoped3A = tpu.sem_alloc : memref<!tpu.dma_semaphore, #tpu.memory_space<semaphore_mem>>
      %dma_start3A_79 = arith.constant 0 : i32
      %dma_start3A_80 = arith.constant 0 : i32
      %dma_start3A_81 = tpu.memref_slice %arg9[%dma_start3A_79, %dma_start3A_80] : memref<128x64xf32, #tpu.memory_space<vmem>> -> memref<120x64xf32, #tpu.memory_space<vmem>>
      %dma_start3A_82 = arith.constant 0 : i32
      %dma_start3A_83 = tpu.memref_slice %arg15[%sub3A_14, %dma_start3A_82] : memref<10112x64xf32, #tpu.memory_space<vmem_shared>> -> memref<120x64xf32, #tpu.memory_space<vmem_shared>>
      %dma_start3A_84 = arith.constant 0 : i32
      %dma_start3A_85 = tpu.memref_slice %arg15[%sub3A_14, %dma_start3A_84] : memref<10112x64xf32, #tpu.memory_space<vmem_shared>> -> memref<120x64xf32, #tpu.memory_space<vmem_shared>>
      %dma_start3A_86 = arith.constant 0 : i32
      %dma_start3A_87 = arith.constant 0 : i32
      %dma_start3A_88 = tpu.memref_slice %arg9[%dma_start3A_86, %dma_start3A_87] : memref<128x64xf32, #tpu.memory_space<vmem>> -> memref<120x64xf32, #tpu.memory_space<vmem>>
      tpu.enqueue_dma source(%dma_start3A_88 : memref<120x64xf32, #tpu.memory_space<vmem>>) target(%dma_start3A_85 : memref<120x64xf32, #tpu.memory_space<vmem_shared>>) target_semaphore(%run_scoped3A : memref<!tpu.dma_semaphore, #tpu.memory_space<semaphore_mem>>)
      %dma_wait3A_89 = arith.constant 0 : i32
      %dma_wait3A_90 = arith.constant 0 : i32
      %dma_wait3A_91 = tpu.memref_slice %arg9[%dma_wait3A_89, %dma_wait3A_90] : memref<128x64xf32, #tpu.memory_space<vmem>> -> memref<120x64xf32, #tpu.memory_space<vmem>>
      %dma_wait3A_92 = arith.constant 0 : i32
      %dma_wait3A_93 = tpu.memref_slice %arg15[%sub3A_14, %dma_wait3A_92] : memref<10112x64xf32, #tpu.memory_space<vmem_shared>> -> memref<120x64xf32, #tpu.memory_space<vmem_shared>>
      %dma_wait3A_94 = arith.constant 0 : i32
      %dma_wait3A_95 = tpu.memref_slice %arg15[%sub3A_14, %dma_wait3A_94] : memref<10112x64xf32, #tpu.memory_space<vmem_shared>> -> memref<120x64xf32, #tpu.memory_space<vmem_shared>>
      %dma_wait3A_96 = arith.constant 0 : i32
      %dma_wait3A_97 = arith.constant 0 : i32
      %dma_wait3A_98 = tpu.memref_slice %arg9[%dma_wait3A_96, %dma_wait3A_97] : memref<128x64xf32, #tpu.memory_space<vmem>> -> memref<120x64xf32, #tpu.memory_space<vmem>>
      tpu.wait_dma2 semaphore(%run_scoped3A : memref<!tpu.dma_semaphore, #tpu.memory_space<semaphore_mem>>) src(%dma_wait3A_98 : memref<120x64xf32, #tpu.memory_space<vmem>>) dst(%dma_wait3A_95 : memref<120x64xf32, #tpu.memory_space<vmem_shared>>)
      tpu.yield
    }) : () -> ()
    %barrier3A = arith.constant 0 : index
    tpu.barrier barrier_id(%barrier3A)
    %mul3A_15 = arith.constant 160 : i32
    %mul3A_16 = arith.muli %arg1, %mul3A_15 : i32
    "tpu.region"() ({
      %run_scoped3A = tpu.sem_alloc : memref<!tpu.dma_semaphore, #tpu.memory_space<semaphore_mem>>
      %dma_start3A_79 = arith.constant 0 : i32
      %dma_start3A_80 = tpu.memref_slice %arg4[%mul3A_16, %dma_start3A_79] : memref<2560x128xi32, #tpu.memory_space<hbm>> -> memref<160x128xi32, #tpu.memory_space<hbm>>
      %dma_start3A_81 = arith.constant 0 : i32
      %dma_start3A_82 = tpu.memref_slice %arg4[%mul3A_16, %dma_start3A_81] : memref<2560x128xi32, #tpu.memory_space<hbm>> -> memref<160x128xi32, #tpu.memory_space<hbm>>
      tpu.enqueue_dma source(%dma_start3A_82 : memref<160x128xi32, #tpu.memory_space<hbm>>) target(%arg7 : memref<160x128xi32, #tpu.memory_space<vmem>>) target_semaphore(%run_scoped3A : memref<!tpu.dma_semaphore, #tpu.memory_space<semaphore_mem>>)
      %dma_wait3A_83 = arith.constant 0 : i32
      %dma_wait3A_84 = tpu.memref_slice %arg4[%mul3A_16, %dma_wait3A_83] : memref<2560x128xi32, #tpu.memory_space<hbm>> -> memref<160x128xi32, #tpu.memory_space<hbm>>
      %dma_wait3A_85 = arith.constant 0 : i32
      %dma_wait3A_86 = tpu.memref_slice %arg4[%mul3A_16, %dma_wait3A_85] : memref<2560x128xi32, #tpu.memory_space<hbm>> -> memref<160x128xi32, #tpu.memory_space<hbm>>
      tpu.wait_dma2 semaphore(%run_scoped3A : memref<!tpu.dma_semaphore, #tpu.memory_space<semaphore_mem>>) src(%dma_wait3A_86 : memref<160x128xi32, #tpu.memory_space<hbm>>) dst(%arg7 : memref<160x128xi32, #tpu.memory_space<vmem>>)
      tpu.yield
    }) : () -> ()
    %mul3A_17 = arith.constant 160 : i32
    %mul3A_18 = arith.muli %arg1, %mul3A_17 : i32
    "tpu.region"() ({
      %run_scoped3A = tpu.sem_alloc : memref<!tpu.dma_semaphore, #tpu.memory_space<semaphore_mem>>
      %dma_start3A_79 = arith.constant 0 : i32
      %dma_start3A_80 = tpu.memref_slice %arg5[%mul3A_18, %dma_start3A_79] : memref<2560x128xi32, #tpu.memory_space<hbm>> -> memref<160x128xi32, #tpu.memory_space<hbm>>
      %dma_start3A_81 = arith.constant 0 : i32
      %dma_start3A_82 = tpu.memref_slice %arg5[%mul3A_18, %dma_start3A_81] : memref<2560x128xi32, #tpu.memory_space<hbm>> -> memref<160x128xi32, #tpu.memory_space<hbm>>
      tpu.enqueue_dma source(%dma_start3A_82 : memref<160x128xi32, #tpu.memory_space<hbm>>) target(%arg8 : memref<160x128xi32, #tpu.memory_space<vmem>>) target_semaphore(%run_scoped3A : memref<!tpu.dma_semaphore, #tpu.memory_space<semaphore_mem>>)
      %dma_wait3A_83 = arith.constant 0 : i32
      %dma_wait3A_84 = tpu.memref_slice %arg5[%mul3A_18, %dma_wait3A_83] : memref<2560x128xi32, #tpu.memory_space<hbm>> -> memref<160x128xi32, #tpu.memory_space<hbm>>
      %dma_wait3A_85 = arith.constant 0 : i32
      %dma_wait3A_86 = tpu.memref_slice %arg5[%mul3A_18, %dma_wait3A_85] : memref<2560x128xi32, #tpu.memory_space<hbm>> -> memref<160x128xi32, #tpu.memory_space<hbm>>
      tpu.wait_dma2 semaphore(%run_scoped3A : memref<!tpu.dma_semaphore, #tpu.memory_space<semaphore_mem>>) src(%dma_wait3A_86 : memref<160x128xi32, #tpu.memory_space<hbm>>) dst(%arg8 : memref<160x128xi32, #tpu.memory_space<vmem>>)
      tpu.yield
    }) : () -> ()
    %dma_start3A = arith.constant 0 : i32
    %dma_start3A_19 = arith.constant 0 : i32
    %dma_start3A_20 = tpu.memref_slice %arg7[%dma_start3A, %dma_start3A_19] : memref<160x128xi32, #tpu.memory_space<vmem>> -> memref<1x128xi32, #tpu.memory_space<vmem>>
    %dma_start3A_21 = tpu.memref_squeeze %dma_start3A_20 : memref<1x128xi32, #tpu.memory_space<vmem>> -> memref<128xi32, #tpu.memory_space<vmem>>
    %dma_start3A_22 = arith.constant 0 : i32
    %dma_start3A_23 = arith.constant 0 : i32
    %dma_start3A_24 = tpu.memref_slice %arg2[%arg0, %dma_start3A_22, %dma_start3A_23] : memref<2x10000x64xf32, #tpu.memory_space<hbm>> -> memref<1x10000x64xf32, #tpu.memory_space<hbm>>
    %dma_start3A_25 = tpu.memref_squeeze %dma_start3A_24 : memref<1x10000x64xf32, #tpu.memory_space<hbm>> -> memref<10000x64xf32, #tpu.memory_space<hbm>>
    %dma_start3A_26 = arith.constant 0 : i32
    %dma_start3A_27 = arith.constant 0 : i32
    %dma_start3A_28 = tpu.memref_slice %dma_start3A_25[%dma_start3A_26, %dma_start3A_27] : memref<10000x64xf32, #tpu.memory_space<hbm>> -> memref<10000x64xf32, #tpu.memory_space<hbm>>
    tpu.enqueue_indirect_dma source(%dma_start3A_28 : memref<10000x64xf32, #tpu.memory_space<hbm>>) target(%arg9 : memref<128x64xf32, #tpu.memory_space<vmem>>) offsets(%dma_start3A_21 : memref<128xi32, #tpu.memory_space<vmem>>) semaphore(%arg16 : memref<!tpu.dma_semaphore, #tpu.memory_space<semaphore_mem>>)
    %dma_start3A_29 = arith.constant 1 : i32
    %dma_start3A_30 = arith.constant 0 : i32
    %dma_start3A_31 = tpu.memref_slice %arg7[%dma_start3A_29, %dma_start3A_30] : memref<160x128xi32, #tpu.memory_space<vmem>> -> memref<1x128xi32, #tpu.memory_space<vmem>>
    %dma_start3A_32 = tpu.memref_squeeze %dma_start3A_31 : memref<1x128xi32, #tpu.memory_space<vmem>> -> memref<128xi32, #tpu.memory_space<vmem>>
    %dma_start3A_33 = arith.constant 0 : i32
    %dma_start3A_34 = arith.constant 0 : i32
    %dma_start3A_35 = tpu.memref_slice %arg2[%arg0, %dma_start3A_33, %dma_start3A_34] : memref<2x10000x64xf32, #tpu.memory_space<hbm>> -> memref<1x10000x64xf32, #tpu.memory_space<hbm>>
    %dma_start3A_36 = tpu.memref_squeeze %dma_start3A_35 : memref<1x10000x64xf32, #tpu.memory_space<hbm>> -> memref<10000x64xf32, #tpu.memory_space<hbm>>
    %dma_start3A_37 = arith.constant 0 : i32
    %dma_start3A_38 = arith.constant 0 : i32
    %dma_start3A_39 = tpu.memref_slice %dma_start3A_36[%dma_start3A_37, %dma_start3A_38] : memref<10000x64xf32, #tpu.memory_space<hbm>> -> memref<10000x64xf32, #tpu.memory_space<hbm>>
    tpu.enqueue_indirect_dma source(%dma_start3A_39 : memref<10000x64xf32, #tpu.memory_space<hbm>>) target(%arg10 : memref<128x64xf32, #tpu.memory_space<vmem>>) offsets(%dma_start3A_32 : memref<128xi32, #tpu.memory_space<vmem>>) semaphore(%arg17 : memref<!tpu.dma_semaphore, #tpu.memory_space<semaphore_mem>>)
    %mul3A_40 = arith.constant 20480 : i32
    %mul3A_41 = arith.muli %arg1, %mul3A_40 : i32
    %add3A_42 = arith.constant 0 : i32
    %add3A_43 = arith.addi %mul3A_41, %add3A_42 : i32
    %dma_start3A_44 = arith.constant 0 : i32
    %dma_start3A_45 = tpu.memref_slice %arg3[%arg0, %add3A_43, %dma_start3A_44] : memref<2x327680x64xf32, #tpu.memory_space<hbm>> -> memref<1x128x64xf32, #tpu.memory_space<hbm>>
    %dma_start3A_46 = tpu.memref_squeeze %dma_start3A_45 : memref<1x128x64xf32, #tpu.memory_space<hbm>> -> memref<128x64xf32, #tpu.memory_space<hbm>>
    %dma_start3A_47 = arith.constant 0 : i32
    %dma_start3A_48 = tpu.memref_slice %arg3[%arg0, %add3A_43, %dma_start3A_47] : memref<2x327680x64xf32, #tpu.memory_space<hbm>> -> memref<1x128x64xf32, #tpu.memory_space<hbm>>
    %dma_start3A_49 = tpu.memref_squeeze %dma_start3A_48 : memref<1x128x64xf32, #tpu.memory_space<hbm>> -> memref<128x64xf32, #tpu.memory_space<hbm>>
    tpu.enqueue_dma source(%dma_start3A_49 : memref<128x64xf32, #tpu.memory_space<hbm>>) target(%arg11 : memref<128x64xf32, #tpu.memory_space<vmem>>) target_semaphore(%arg18 : memref<!tpu.dma_semaphore, #tpu.memory_space<semaphore_mem>>)
    %mul3A_50 = arith.constant 20480 : i32
    %mul3A_51 = arith.muli %arg1, %mul3A_50 : i32
    %add3A_52 = arith.constant 128 : i32
    %add3A_53 = arith.addi %mul3A_51, %add3A_52 : i32
    %dma_start3A_54 = arith.constant 0 : i32
    %dma_start3A_55 = tpu.memref_slice %arg3[%arg0, %add3A_53, %dma_start3A_54] : memref<2x327680x64xf32, #tpu.memory_space<hbm>> -> memref<1x128x64xf32, #tpu.memory_space<hbm>>
    %dma_start3A_56 = tpu.memref_squeeze %dma_start3A_55 : memref<1x128x64xf32, #tpu.memory_space<hbm>> -> memref<128x64xf32, #tpu.memory_space<hbm>>
    %dma_start3A_57 = arith.constant 0 : i32
    %dma_start3A_58 = tpu.memref_slice %arg3[%arg0, %add3A_53, %dma_start3A_57] : memref<2x327680x64xf32, #tpu.memory_space<hbm>> -> memref<1x128x64xf32, #tpu.memory_space<hbm>>
    %dma_start3A_59 = tpu.memref_squeeze %dma_start3A_58 : memref<1x128x64xf32, #tpu.memory_space<hbm>> -> memref<128x64xf32, #tpu.memory_space<hbm>>
    tpu.enqueue_dma source(%dma_start3A_59 : memref<128x64xf32, #tpu.memory_space<hbm>>) target(%arg12 : memref<128x64xf32, #tpu.memory_space<vmem>>) target_semaphore(%arg19 : memref<!tpu.dma_semaphore, #tpu.memory_space<semaphore_mem>>)
    %scan3A_60 = arith.constant 0 : i32
    %scan3A_61 = arith.constant 80 : i32
    %scan3A_62 = arith.addi %scan3A_60, %scan3A_61 : i32
    %scan3A_63 = arith.constant 1 : i32
    scf.for %scan3A_79 = %scan3A_60 to %scan3A_62 step %scan3A_63  : i32 {
      %mul3A_80 = arith.constant 2 : i32
      %mul3A_81 = arith.muli %scan3A_79, %mul3A_80 : i32
      %add3A_82 = arith.constant 0 : i32
      %add3A_83 = arith.addi %add3A_82, %mul3A_81 : i32
      %add3A_84 = arith.constant 0 : i32
      %add3A_85 = arith.addi %add3A_83, %add3A_84 : i32
      %mul3A_86 = arith.constant 20480 : i32
      %mul3A_87 = arith.muli %arg1, %mul3A_86 : i32
      %mul3A_88 = arith.constant 128 : i32
      %mul3A_89 = arith.muli %add3A_85, %mul3A_88 : i32
      %add3A_90 = arith.addi %mul3A_87, %mul3A_89 : i32
      %dma_wait3A_91 = arith.constant 0 : i32
      %dma_wait3A_92 = tpu.memref_slice %arg7[%add3A_85, %dma_wait3A_91] : memref<160x128xi32, #tpu.memory_space<vmem>> -> memref<1x128xi32, #tpu.memory_space<vmem>>
      %dma_wait3A_93 = tpu.memref_squeeze %dma_wait3A_92 : memref<1x128xi32, #tpu.memory_space<vmem>> -> memref<128xi32, #tpu.memory_space<vmem>>
      %dma_wait3A_94 = arith.constant 0 : i32
      %dma_wait3A_95 = arith.constant 0 : i32
      %dma_wait3A_96 = tpu.memref_slice %arg2[%arg0, %dma_wait3A_94, %dma_wait3A_95] : memref<2x10000x64xf32, #tpu.memory_space<hbm>> -> memref<1x10000x64xf32, #tpu.memory_space<hbm>>
      %dma_wait3A_97 = tpu.memref_squeeze %dma_wait3A_96 : memref<1x10000x64xf32, #tpu.memory_space<hbm>> -> memref<10000x64xf32, #tpu.memory_space<hbm>>
      %dma_wait3A_98 = arith.constant 0 : i32
      %dma_wait3A_99 = arith.constant 0 : i32
      %dma_wait3A_100 = tpu.memref_slice %dma_wait3A_97[%dma_wait3A_98, %dma_wait3A_99] : memref<10000x64xf32, #tpu.memory_space<hbm>> -> memref<10000x64xf32, #tpu.memory_space<hbm>>
      tpu.wait_indirect_dma semaphore(%arg16 : memref<!tpu.dma_semaphore, #tpu.memory_space<semaphore_mem>>) src(%dma_wait3A_100 : memref<10000x64xf32, #tpu.memory_space<hbm>>) dst(%arg9 : memref<128x64xf32, #tpu.memory_space<vmem>>)
      %dma_wait3A_101 = arith.constant 0 : i32
      %dma_wait3A_102 = tpu.memref_slice %arg3[%arg0, %add3A_90, %dma_wait3A_101] : memref<2x327680x64xf32, #tpu.memory_space<hbm>> -> memref<1x128x64xf32, #tpu.memory_space<hbm>>
      %dma_wait3A_103 = tpu.memref_squeeze %dma_wait3A_102 : memref<1x128x64xf32, #tpu.memory_space<hbm>> -> memref<128x64xf32, #tpu.memory_space<hbm>>
      %dma_wait3A_104 = arith.constant 0 : i32
      %dma_wait3A_105 = tpu.memref_slice %arg3[%arg0, %add3A_90, %dma_wait3A_104] : memref<2x327680x64xf32, #tpu.memory_space<hbm>> -> memref<1x128x64xf32, #tpu.memory_space<hbm>>
      %dma_wait3A_106 = tpu.memref_squeeze %dma_wait3A_105 : memref<1x128x64xf32, #tpu.memory_space<hbm>> -> memref<128x64xf32, #tpu.memory_space<hbm>>
      tpu.wait_dma2 semaphore(%arg18 : memref<!tpu.dma_semaphore, #tpu.memory_space<semaphore_mem>>) src(%dma_wait3A_106 : memref<128x64xf32, #tpu.memory_space<hbm>>) dst(%arg11 : memref<128x64xf32, #tpu.memory_space<vmem>>)
      %ge3A = arith.constant 2 : i32
      %ge3A_107 = arith.cmpi sge, %add3A_85, %ge3A : i32
      %convert_element_type3A = arith.extui %ge3A_107 : i1 to i32
      %cond3A = arith.constant 0 : i32
      %cond3A_108 = arith.cmpi ne, %convert_element_type3A, %cond3A : i32
      scf.if %cond3A_108 {
        %sub3A_172 = arith.constant 2 : i32
        %sub3A_173 = arith.subi %add3A_85, %sub3A_172 : i32
        %dma_wait3A_174 = arith.constant 0 : i32
        %dma_wait3A_175 = tpu.memref_slice %arg8[%sub3A_173, %dma_wait3A_174] : memref<160x128xi32, #tpu.memory_space<vmem>> -> memref<1x128xi32, #tpu.memory_space<vmem>>
        %dma_wait3A_176 = tpu.memref_squeeze %dma_wait3A_175 : memref<1x128xi32, #tpu.memory_space<vmem>> -> memref<128xi32, #tpu.memory_space<vmem>>
        %dma_wait3A_177 = arith.constant 0 : i32
        %dma_wait3A_178 = arith.constant 0 : i32
        %dma_wait3A_179 = tpu.memref_slice %arg15[%dma_wait3A_177, %dma_wait3A_178] : memref<10112x64xf32, #tpu.memory_space<vmem_shared>> -> memref<10112x64xf32, #tpu.memory_space<vmem_shared>>
        tpu.wait_indirect_dma semaphore(%arg20 : memref<!tpu.dma_semaphore, #tpu.memory_space<semaphore_mem>>) src(%arg13 : memref<128x64xf32, #tpu.memory_space<vmem>>) dst(%dma_wait3A_179 : memref<10112x64xf32, #tpu.memory_space<vmem_shared>>)
      } else {
      }
      %scan3A_109 = arith.constant 0 : i32
      %scan3A_110 = arith.constant 128 : i32
      %scan3A_111 = arith.addi %scan3A_109, %scan3A_110 : i32
      %scan3A_112 = arith.constant 1 : i32
      scf.for %scan3A_172 = %scan3A_109 to %scan3A_111 step %scan3A_112  : i32 {
        %mul3A_173 = arith.constant 1 : i32
        %mul3A_174 = arith.muli %scan3A_172, %mul3A_173 : i32
        %add3A_175 = arith.constant 0 : i32
        %add3A_176 = arith.addi %add3A_175, %mul3A_174 : i32
        %get3A = arith.index_cast %add3A_176 : i32 to index
        %get3A_177 = arith.constant 0 : index
        %get3A_178 = tpu.vector_load %arg9[%get3A, %get3A_177] {strides = array<i32>} : memref<128x64xf32, #tpu.memory_space<vmem>>, vector<16xf32>,
        %get3A_179 = arith.index_cast %add3A_176 : i32 to index
        %get3A_180 = arith.constant 0 : index
        %get3A_181 = tpu.vector_load %arg11[%get3A_179, %get3A_180] {strides = array<i32>} : memref<128x64xf32, #tpu.memory_space<vmem>>, vector<16xf32>,
        %mul3A_182 = arith.mulf %get3A_178, %get3A_181 : vector<16xf32>
        %swap3A = arith.index_cast %add3A_176 : i32 to index
        %swap3A_183 = arith.constant 0 : index
        %swap3A_184 = tpu.vector_load %arg13[%swap3A, %swap3A_183] {strides = array<i32>} : memref<128x64xf32, #tpu.memory_space<vmem>>, vector<16xf32>,
        tpu.vector_store %arg13[%swap3A, %swap3A_183], %mul3A_182 {strides = array<i32>} : memref<128x64xf32, #tpu.memory_space<vmem>>, vector<16xf32>,
        %get3A_185 = arith.index_cast %add3A_176 : i32 to index
        %get3A_186 = arith.constant 16 : index
        %get3A_187 = tpu.vector_load %arg9[%get3A_185, %get3A_186] {strides = array<i32>} : memref<128x64xf32, #tpu.memory_space<vmem>>, vector<16xf32>,
        %get3A_188 = arith.index_cast %add3A_176 : i32 to index
        %get3A_189 = arith.constant 16 : index
        %get3A_190 = tpu.vector_load %arg11[%get3A_188, %get3A_189] {strides = array<i32>} : memref<128x64xf32, #tpu.memory_space<vmem>>, vector<16xf32>,
        %mul3A_191 = arith.mulf %get3A_187, %get3A_190 : vector<16xf32>
        %swap3A_192 = arith.index_cast %add3A_176 : i32 to index
        %swap3A_193 = arith.constant 16 : index
        %swap3A_194 = tpu.vector_load %arg13[%swap3A_192, %swap3A_193] {strides = array<i32>} : memref<128x64xf32, #tpu.memory_space<vmem>>, vector<16xf32>,
        tpu.vector_store %arg13[%swap3A_192, %swap3A_193], %mul3A_191 {strides = array<i32>} : memref<128x64xf32, #tpu.memory_space<vmem>>, vector<16xf32>,
        %get3A_195 = arith.index_cast %add3A_176 : i32 to index
        %get3A_196 = arith.constant 32 : index
        %get3A_197 = tpu.vector_load %arg9[%get3A_195, %get3A_196] {strides = array<i32>} : memref<128x64xf32, #tpu.memory_space<vmem>>, vector<16xf32>,
        %get3A_198 = arith.index_cast %add3A_176 : i32 to index
        %get3A_199 = arith.constant 32 : index
        %get3A_200 = tpu.vector_load %arg11[%get3A_198, %get3A_199] {strides = array<i32>} : memref<128x64xf32, #tpu.memory_space<vmem>>, vector<16xf32>,
        %mul3A_201 = arith.mulf %get3A_197, %get3A_200 : vector<16xf32>
        %swap3A_202 = arith.index_cast %add3A_176 : i32 to index
        %swap3A_203 = arith.constant 32 : index
        %swap3A_204 = tpu.vector_load %arg13[%swap3A_202, %swap3A_203] {strides = array<i32>} : memref<128x64xf32, #tpu.memory_space<vmem>>, vector<16xf32>,
        tpu.vector_store %arg13[%swap3A_202, %swap3A_203], %mul3A_201 {strides = array<i32>} : memref<128x64xf32, #tpu.memory_space<vmem>>, vector<16xf32>,
        %get3A_205 = arith.index_cast %add3A_176 : i32 to index
        %get3A_206 = arith.constant 48 : index
        %get3A_207 = tpu.vector_load %arg9[%get3A_205, %get3A_206] {strides = array<i32>} : memref<128x64xf32, #tpu.memory_space<vmem>>, vector<16xf32>,
        %get3A_208 = arith.index_cast %add3A_176 : i32 to index
        %get3A_209 = arith.constant 48 : index
        %get3A_210 = tpu.vector_load %arg11[%get3A_208, %get3A_209] {strides = array<i32>} : memref<128x64xf32, #tpu.memory_space<vmem>>, vector<16xf32>,
        %mul3A_211 = arith.mulf %get3A_207, %get3A_210 : vector<16xf32>
        %swap3A_212 = arith.index_cast %add3A_176 : i32 to index
        %swap3A_213 = arith.constant 48 : index
        %swap3A_214 = tpu.vector_load %arg13[%swap3A_212, %swap3A_213] {strides = array<i32>} : memref<128x64xf32, #tpu.memory_space<vmem>>, vector<16xf32>,
        tpu.vector_store %arg13[%swap3A_212, %swap3A_213], %mul3A_211 {strides = array<i32>} : memref<128x64xf32, #tpu.memory_space<vmem>>, vector<16xf32>,
      }
      %scan3A_113 = arith.constant 128 : i32
      %dma_start3A_114 = arith.constant 0 : i32
      %dma_start3A_115 = tpu.memref_slice %arg8[%add3A_85, %dma_start3A_114] : memref<160x128xi32, #tpu.memory_space<vmem>> -> memref<1x128xi32, #tpu.memory_space<vmem>>
      %dma_start3A_116 = tpu.memref_squeeze %dma_start3A_115 : memref<1x128xi32, #tpu.memory_space<vmem>> -> memref<128xi32, #tpu.memory_space<vmem>>
      %dma_start3A_117 = arith.constant 0 : i32
      %dma_start3A_118 = arith.constant 0 : i32
      %dma_start3A_119 = tpu.memref_slice %arg15[%dma_start3A_117, %dma_start3A_118] : memref<10112x64xf32, #tpu.memory_space<vmem_shared>> -> memref<10112x64xf32, #tpu.memory_space<vmem_shared>>
      tpu.enqueue_indirect_dma source(%arg13 : memref<128x64xf32, #tpu.memory_space<vmem>>) target(%dma_start3A_119 : memref<10112x64xf32, #tpu.memory_space<vmem_shared>>) offsets(%dma_start3A_116 : memref<128xi32, #tpu.memory_space<vmem>>) semaphore(%arg20 : memref<!tpu.dma_semaphore, #tpu.memory_space<semaphore_mem>>) {add = true}
      %add3A_120 = arith.constant 2 : i32
      %add3A_121 = arith.addi %add3A_85, %add3A_120 : i32
      %lt3A = arith.constant 160 : i32
      %lt3A_122 = arith.cmpi slt, %add3A_121, %lt3A : i32
      %convert_element_type3A_123 = arith.extui %lt3A_122 : i1 to i32
      %cond3A_124 = arith.constant 0 : i32
      %cond3A_125 = arith.cmpi ne, %convert_element_type3A_123, %cond3A_124 : i32
      scf.if %cond3A_125 {
        %add3A_172 = arith.constant 2 : i32
        %add3A_173 = arith.addi %add3A_85, %add3A_172 : i32
        %dma_start3A_174 = arith.constant 0 : i32
        %dma_start3A_175 = tpu.memref_slice %arg7[%add3A_173, %dma_start3A_174] : memref<160x128xi32, #tpu.memory_space<vmem>> -> memref<1x128xi32, #tpu.memory_space<vmem>>
        %dma_start3A_176 = tpu.memref_squeeze %dma_start3A_175 : memref<1x128xi32, #tpu.memory_space<vmem>> -> memref<128xi32, #tpu.memory_space<vmem>>
        %dma_start3A_177 = arith.constant 0 : i32
        %dma_start3A_178 = arith.constant 0 : i32
        %dma_start3A_179 = tpu.memref_slice %arg2[%arg0, %dma_start3A_177, %dma_start3A_178] : memref<2x10000x64xf32, #tpu.memory_space<hbm>> -> memref<1x10000x64xf32, #tpu.memory_space<hbm>>
        %dma_start3A_180 = tpu.memref_squeeze %dma_start3A_179 : memref<1x10000x64xf32, #tpu.memory_space<hbm>> -> memref<10000x64xf32, #tpu.memory_space<hbm>>
        %dma_start3A_181 = arith.constant 0 : i32
        %dma_start3A_182 = arith.constant 0 : i32
        %dma_start3A_183 = tpu.memref_slice %dma_start3A_180[%dma_start3A_181, %dma_start3A_182] : memref<10000x64xf32, #tpu.memory_space<hbm>> -> memref<10000x64xf32, #tpu.memory_space<hbm>>
        tpu.enqueue_indirect_dma source(%dma_start3A_183 : memref<10000x64xf32, #tpu.memory_space<hbm>>) target(%arg9 : memref<128x64xf32, #tpu.memory_space<vmem>>) offsets(%dma_start3A_176 : memref<128xi32, #tpu.memory_space<vmem>>) semaphore(%arg16 : memref<!tpu.dma_semaphore, #tpu.memory_space<semaphore_mem>>)
        %add3A_184 = arith.constant 2 : i32
        %add3A_185 = arith.addi %add3A_85, %add3A_184 : i32
        %mul3A_186 = arith.constant 20480 : i32
        %mul3A_187 = arith.muli %arg1, %mul3A_186 : i32
        %mul3A_188 = arith.constant 128 : i32
        %mul3A_189 = arith.muli %add3A_185, %mul3A_188 : i32
        %add3A_190 = arith.addi %mul3A_187, %mul3A_189 : i32
        %dma_start3A_191 = arith.constant 0 : i32
        %dma_start3A_192 = tpu.memref_slice %arg3[%arg0, %add3A_190, %dma_start3A_191] : memref<2x327680x64xf32, #tpu.memory_space<hbm>> -> memref<1x128x64xf32, #tpu.memory_space<hbm>>
        %dma_start3A_193 = tpu.memref_squeeze %dma_start3A_192 : memref<1x128x64xf32, #tpu.memory_space<hbm>> -> memref<128x64xf32, #tpu.memory_space<hbm>>
        %dma_start3A_194 = arith.constant 0 : i32
        %dma_start3A_195 = tpu.memref_slice %arg3[%arg0, %add3A_190, %dma_start3A_194] : memref<2x327680x64xf32, #tpu.memory_space<hbm>> -> memref<1x128x64xf32, #tpu.memory_space<hbm>>
        %dma_start3A_196 = tpu.memref_squeeze %dma_start3A_195 : memref<1x128x64xf32, #tpu.memory_space<hbm>> -> memref<128x64xf32, #tpu.memory_space<hbm>>
        tpu.enqueue_dma source(%dma_start3A_196 : memref<128x64xf32, #tpu.memory_space<hbm>>) target(%arg11 : memref<128x64xf32, #tpu.memory_space<vmem>>) target_semaphore(%arg18 : memref<!tpu.dma_semaphore, #tpu.memory_space<semaphore_mem>>)
      } else {
      }
      %add3A_126 = arith.constant 1 : i32
      %add3A_127 = arith.addi %add3A_83, %add3A_126 : i32
      %mul3A_128 = arith.constant 20480 : i32
      %mul3A_129 = arith.muli %arg1, %mul3A_128 : i32
      %mul3A_130 = arith.constant 128 : i32
      %mul3A_131 = arith.muli %add3A_127, %mul3A_130 : i32
      %add3A_132 = arith.addi %mul3A_129, %mul3A_131 : i32
      %dma_wait3A_133 = arith.constant 0 : i32
      %dma_wait3A_134 = tpu.memref_slice %arg7[%add3A_127, %dma_wait3A_133] : memref<160x128xi32, #tpu.memory_space<vmem>> -> memref<1x128xi32, #tpu.memory_space<vmem>>
      %dma_wait3A_135 = tpu.memref_squeeze %dma_wait3A_134 : memref<1x128xi32, #tpu.memory_space<vmem>> -> memref<128xi32, #tpu.memory_space<vmem>>
      %dma_wait3A_136 = arith.constant 0 : i32
      %dma_wait3A_137 = arith.constant 0 : i32
      %dma_wait3A_138 = tpu.memref_slice %arg2[%arg0, %dma_wait3A_136, %dma_wait3A_137] : memref<2x10000x64xf32, #tpu.memory_space<hbm>> -> memref<1x10000x64xf32, #tpu.memory_space<hbm>>
      %dma_wait3A_139 = tpu.memref_squeeze %dma_wait3A_138 : memref<1x10000x64xf32, #tpu.memory_space<hbm>> -> memref<10000x64xf32, #tpu.memory_space<hbm>>
      %dma_wait3A_140 = arith.constant 0 : i32
      %dma_wait3A_141 = arith.constant 0 : i32
      %dma_wait3A_142 = tpu.memref_slice %dma_wait3A_139[%dma_wait3A_140, %dma_wait3A_141] : memref<10000x64xf32, #tpu.memory_space<hbm>> -> memref<10000x64xf32, #tpu.memory_space<hbm>>
      tpu.wait_indirect_dma semaphore(%arg17 : memref<!tpu.dma_semaphore, #tpu.memory_space<semaphore_mem>>) src(%dma_wait3A_142 : memref<10000x64xf32, #tpu.memory_space<hbm>>) dst(%arg10 : memref<128x64xf32, #tpu.memory_space<vmem>>)
      %dma_wait3A_143 = arith.constant 0 : i32
      %dma_wait3A_144 = tpu.memref_slice %arg3[%arg0, %add3A_132, %dma_wait3A_143] : memref<2x327680x64xf32, #tpu.memory_space<hbm>> -> memref<1x128x64xf32, #tpu.memory_space<hbm>>
      %dma_wait3A_145 = tpu.memref_squeeze %dma_wait3A_144 : memref<1x128x64xf32, #tpu.memory_space<hbm>> -> memref<128x64xf32, #tpu.memory_space<hbm>>
      %dma_wait3A_146 = arith.constant 0 : i32
      %dma_wait3A_147 = tpu.memref_slice %arg3[%arg0, %add3A_132, %dma_wait3A_146] : memref<2x327680x64xf32, #tpu.memory_space<hbm>> -> memref<1x128x64xf32, #tpu.memory_space<hbm>>
      %dma_wait3A_148 = tpu.memref_squeeze %dma_wait3A_147 : memref<1x128x64xf32, #tpu.memory_space<hbm>> -> memref<128x64xf32, #tpu.memory_space<hbm>>
      tpu.wait_dma2 semaphore(%arg19 : memref<!tpu.dma_semaphore, #tpu.memory_space<semaphore_mem>>) src(%dma_wait3A_148 : memref<128x64xf32, #tpu.memory_space<hbm>>) dst(%arg12 : memref<128x64xf32, #tpu.memory_space<vmem>>)
      %ge3A_149 = arith.constant 2 : i32
      %ge3A_150 = arith.cmpi sge, %add3A_127, %ge3A_149 : i32
      %convert_element_type3A_151 = arith.extui %ge3A_150 : i1 to i32
      %cond3A_152 = arith.constant 0 : i32
      %cond3A_153 = arith.cmpi ne, %convert_element_type3A_151, %cond3A_152 : i32
      scf.if %cond3A_153 {
        %sub3A_172 = arith.constant 2 : i32
        %sub3A_173 = arith.subi %add3A_127, %sub3A_172 : i32
        %dma_wait3A_174 = arith.constant 0 : i32
        %dma_wait3A_175 = tpu.memref_slice %arg8[%sub3A_173, %dma_wait3A_174] : memref<160x128xi32, #tpu.memory_space<vmem>> -> memref<1x128xi32, #tpu.memory_space<vmem>>
        %dma_wait3A_176 = tpu.memref_squeeze %dma_wait3A_175 : memref<1x128xi32, #tpu.memory_space<vmem>> -> memref<128xi32, #tpu.memory_space<vmem>>
        %dma_wait3A_177 = arith.constant 0 : i32
        %dma_wait3A_178 = arith.constant 0 : i32
        %dma_wait3A_179 = tpu.memref_slice %arg15[%dma_wait3A_177, %dma_wait3A_178] : memref<10112x64xf32, #tpu.memory_space<vmem_shared>> -> memref<10112x64xf32, #tpu.memory_space<vmem_shared>>
        tpu.wait_indirect_dma semaphore(%arg21 : memref<!tpu.dma_semaphore, #tpu.memory_space<semaphore_mem>>) src(%arg14 : memref<128x64xf32, #tpu.memory_space<vmem>>) dst(%dma_wait3A_179 : memref<10112x64xf32, #tpu.memory_space<vmem_shared>>)
      } else {
      }
      %scan3A_154 = arith.constant 0 : i32
      %scan3A_155 = arith.constant 128 : i32
      %scan3A_156 = arith.addi %scan3A_154, %scan3A_155 : i32
      %scan3A_157 = arith.constant 1 : i32
      scf.for %scan3A_172 = %scan3A_154 to %scan3A_156 step %scan3A_157  : i32 {
        %mul3A_173 = arith.constant 1 : i32
        %mul3A_174 = arith.muli %scan3A_172, %mul3A_173 : i32
        %add3A_175 = arith.constant 0 : i32
        %add3A_176 = arith.addi %add3A_175, %mul3A_174 : i32
        %get3A = arith.index_cast %add3A_176 : i32 to index
        %get3A_177 = arith.constant 0 : index
        %get3A_178 = tpu.vector_load %arg10[%get3A, %get3A_177] {strides = array<i32>} : memref<128x64xf32, #tpu.memory_space<vmem>>, vector<16xf32>,
        %get3A_179 = arith.index_cast %add3A_176 : i32 to index
        %get3A_180 = arith.constant 0 : index
        %get3A_181 = tpu.vector_load %arg12[%get3A_179, %get3A_180] {strides = array<i32>} : memref<128x64xf32, #tpu.memory_space<vmem>>, vector<16xf32>,
        %mul3A_182 = arith.mulf %get3A_178, %get3A_181 : vector<16xf32>
        %swap3A = arith.index_cast %add3A_176 : i32 to index
        %swap3A_183 = arith.constant 0 : index
        %swap3A_184 = tpu.vector_load %arg14[%swap3A, %swap3A_183] {strides = array<i32>} : memref<128x64xf32, #tpu.memory_space<vmem>>, vector<16xf32>,
        tpu.vector_store %arg14[%swap3A, %swap3A_183], %mul3A_182 {strides = array<i32>} : memref<128x64xf32, #tpu.memory_space<vmem>>, vector<16xf32>,
        %get3A_185 = arith.index_cast %add3A_176 : i32 to index
        %get3A_186 = arith.constant 16 : index
        %get3A_187 = tpu.vector_load %arg10[%get3A_185, %get3A_186] {strides = array<i32>} : memref<128x64xf32, #tpu.memory_space<vmem>>, vector<16xf32>,
        %get3A_188 = arith.index_cast %add3A_176 : i32 to index
        %get3A_189 = arith.constant 16 : index
        %get3A_190 = tpu.vector_load %arg12[%get3A_188, %get3A_189] {strides = array<i32>} : memref<128x64xf32, #tpu.memory_space<vmem>>, vector<16xf32>,
        %mul3A_191 = arith.mulf %get3A_187, %get3A_190 : vector<16xf32>
        %swap3A_192 = arith.index_cast %add3A_176 : i32 to index
        %swap3A_193 = arith.constant 16 : index
        %swap3A_194 = tpu.vector_load %arg14[%swap3A_192, %swap3A_193] {strides = array<i32>} : memref<128x64xf32, #tpu.memory_space<vmem>>, vector<16xf32>,
        tpu.vector_store %arg14[%swap3A_192, %swap3A_193], %mul3A_191 {strides = array<i32>} : memref<128x64xf32, #tpu.memory_space<vmem>>, vector<16xf32>,
        %get3A_195 = arith.index_cast %add3A_176 : i32 to index
        %get3A_196 = arith.constant 32 : index
        %get3A_197 = tpu.vector_load %arg10[%get3A_195, %get3A_196] {strides = array<i32>} : memref<128x64xf32, #tpu.memory_space<vmem>>, vector<16xf32>,
        %get3A_198 = arith.index_cast %add3A_176 : i32 to index
        %get3A_199 = arith.constant 32 : index
        %get3A_200 = tpu.vector_load %arg12[%get3A_198, %get3A_199] {strides = array<i32>} : memref<128x64xf32, #tpu.memory_space<vmem>>, vector<16xf32>,
        %mul3A_201 = arith.mulf %get3A_197, %get3A_200 : vector<16xf32>
        %swap3A_202 = arith.index_cast %add3A_176 : i32 to index
        %swap3A_203 = arith.constant 32 : index
        %swap3A_204 = tpu.vector_load %arg14[%swap3A_202, %swap3A_203] {strides = array<i32>} : memref<128x64xf32, #tpu.memory_space<vmem>>, vector<16xf32>,
        tpu.vector_store %arg14[%swap3A_202, %swap3A_203], %mul3A_201 {strides = array<i32>} : memref<128x64xf32, #tpu.memory_space<vmem>>, vector<16xf32>,
        %get3A_205 = arith.index_cast %add3A_176 : i32 to index
        %get3A_206 = arith.constant 48 : index
        %get3A_207 = tpu.vector_load %arg10[%get3A_205, %get3A_206] {strides = array<i32>} : memref<128x64xf32, #tpu.memory_space<vmem>>, vector<16xf32>,
        %get3A_208 = arith.index_cast %add3A_176 : i32 to index
        %get3A_209 = arith.constant 48 : index
        %get3A_210 = tpu.vector_load %arg12[%get3A_208, %get3A_209] {strides = array<i32>} : memref<128x64xf32, #tpu.memory_space<vmem>>, vector<16xf32>,
        %mul3A_211 = arith.mulf %get3A_207, %get3A_210 : vector<16xf32>
        %swap3A_212 = arith.index_cast %add3A_176 : i32 to index
        %swap3A_213 = arith.constant 48 : index
        %swap3A_214 = tpu.vector_load %arg14[%swap3A_212, %swap3A_213] {strides = array<i32>} : memref<128x64xf32, #tpu.memory_space<vmem>>, vector<16xf32>,
        tpu.vector_store %arg14[%swap3A_212, %swap3A_213], %mul3A_211 {strides = array<i32>} : memref<128x64xf32, #tpu.memory_space<vmem>>, vector<16xf32>,
      }
      %scan3A_158 = arith.constant 128 : i32
      %dma_start3A_159 = arith.constant 0 : i32
      %dma_start3A_160 = tpu.memref_slice %arg8[%add3A_127, %dma_start3A_159] : memref<160x128xi32, #tpu.memory_space<vmem>> -> memref<1x128xi32, #tpu.memory_space<vmem>>
      %dma_start3A_161 = tpu.memref_squeeze %dma_start3A_160 : memref<1x128xi32, #tpu.memory_space<vmem>> -> memref<128xi32, #tpu.memory_space<vmem>>
      %dma_start3A_162 = arith.constant 0 : i32
      %dma_start3A_163 = arith.constant 0 : i32
      %dma_start3A_164 = tpu.memref_slice %arg15[%dma_start3A_162, %dma_start3A_163] : memref<10112x64xf32, #tpu.memory_space<vmem_shared>> -> memref<10112x64xf32, #tpu.memory_space<vmem_shared>>
      tpu.enqueue_indirect_dma source(%arg14 : memref<128x64xf32, #tpu.memory_space<vmem>>) target(%dma_start3A_164 : memref<10112x64xf32, #tpu.memory_space<vmem_shared>>) offsets(%dma_start3A_161 : memref<128xi32, #tpu.memory_space<vmem>>) semaphore(%arg21 : memref<!tpu.dma_semaphore, #tpu.memory_space<semaphore_mem>>) {add = true}
      %add3A_165 = arith.constant 2 : i32
      %add3A_166 = arith.addi %add3A_127, %add3A_165 : i32
      %lt3A_167 = arith.constant 160 : i32
      %lt3A_168 = arith.cmpi slt, %add3A_166, %lt3A_167 : i32
      %convert_element_type3A_169 = arith.extui %lt3A_168 : i1 to i32
      %cond3A_170 = arith.constant 0 : i32
      %cond3A_171 = arith.cmpi ne, %convert_element_type3A_169, %cond3A_170 : i32
      scf.if %cond3A_171 {
        %add3A_172 = arith.constant 2 : i32
        %add3A_173 = arith.addi %add3A_127, %add3A_172 : i32
        %dma_start3A_174 = arith.constant 0 : i32
        %dma_start3A_175 = tpu.memref_slice %arg7[%add3A_173, %dma_start3A_174] : memref<160x128xi32, #tpu.memory_space<vmem>> -> memref<1x128xi32, #tpu.memory_space<vmem>>
        %dma_start3A_176 = tpu.memref_squeeze %dma_start3A_175 : memref<1x128xi32, #tpu.memory_space<vmem>> -> memref<128xi32, #tpu.memory_space<vmem>>
        %dma_start3A_177 = arith.constant 0 : i32
        %dma_start3A_178 = arith.constant 0 : i32
        %dma_start3A_179 = tpu.memref_slice %arg2[%arg0, %dma_start3A_177, %dma_start3A_178] : memref<2x10000x64xf32, #tpu.memory_space<hbm>> -> memref<1x10000x64xf32, #tpu.memory_space<hbm>>
        %dma_start3A_180 = tpu.memref_squeeze %dma_start3A_179 : memref<1x10000x64xf32, #tpu.memory_space<hbm>> -> memref<10000x64xf32, #tpu.memory_space<hbm>>
        %dma_start3A_181 = arith.constant 0 : i32
        %dma_start3A_182 = arith.constant 0 : i32
        %dma_start3A_183 = tpu.memref_slice %dma_start3A_180[%dma_start3A_181, %dma_start3A_182] : memref<10000x64xf32, #tpu.memory_space<hbm>> -> memref<10000x64xf32, #tpu.memory_space<hbm>>
        tpu.enqueue_indirect_dma source(%dma_start3A_183 : memref<10000x64xf32, #tpu.memory_space<hbm>>) target(%arg10 : memref<128x64xf32, #tpu.memory_space<vmem>>) offsets(%dma_start3A_176 : memref<128xi32, #tpu.memory_space<vmem>>) semaphore(%arg17 : memref<!tpu.dma_semaphore, #tpu.memory_space<semaphore_mem>>)
        %add3A_184 = arith.constant 2 : i32
        %add3A_185 = arith.addi %add3A_127, %add3A_184 : i32
        %mul3A_186 = arith.constant 20480 : i32
        %mul3A_187 = arith.muli %arg1, %mul3A_186 : i32
        %mul3A_188 = arith.constant 128 : i32
        %mul3A_189 = arith.muli %add3A_185, %mul3A_188 : i32
        %add3A_190 = arith.addi %mul3A_187, %mul3A_189 : i32
        %dma_start3A_191 = arith.constant 0 : i32
        %dma_start3A_192 = tpu.memref_slice %arg3[%arg0, %add3A_190, %dma_start3A_191] : memref<2x327680x64xf32, #tpu.memory_space<hbm>> -> memref<1x128x64xf32, #tpu.memory_space<hbm>>
        %dma_start3A_193 = tpu.memref_squeeze %dma_start3A_192 : memref<1x128x64xf32, #tpu.memory_space<hbm>> -> memref<128x64xf32, #tpu.memory_space<hbm>>
        %dma_start3A_194 = arith.constant 0 : i32
        %dma_start3A_195 = tpu.memref_slice %arg3[%arg0, %add3A_190, %dma_start3A_194] : memref<2x327680x64xf32, #tpu.memory_space<hbm>> -> memref<1x128x64xf32, #tpu.memory_space<hbm>>
        %dma_start3A_196 = tpu.memref_squeeze %dma_start3A_195 : memref<1x128x64xf32, #tpu.memory_space<hbm>> -> memref<128x64xf32, #tpu.memory_space<hbm>>
        tpu.enqueue_dma source(%dma_start3A_196 : memref<128x64xf32, #tpu.memory_space<hbm>>) target(%arg12 : memref<128x64xf32, #tpu.memory_space<vmem>>) target_semaphore(%arg19 : memref<!tpu.dma_semaphore, #tpu.memory_space<semaphore_mem>>)
      } else {
      }
    }
    %scan3A_64 = arith.constant 80 : i32
    %dma_wait3A = arith.constant 158 : i32
    %dma_wait3A_65 = arith.constant 0 : i32
    %dma_wait3A_66 = tpu.memref_slice %arg8[%dma_wait3A, %dma_wait3A_65] : memref<160x128xi32, #tpu.memory_space<vmem>> -> memref<1x128xi32, #tpu.memory_space<vmem>>
    %dma_wait3A_67 = tpu.memref_squeeze %dma_wait3A_66 : memref<1x128xi32, #tpu.memory_space<vmem>> -> memref<128xi32, #tpu.memory_space<vmem>>
    %dma_wait3A_68 = arith.constant 0 : i32
    %dma_wait3A_69 = arith.constant 0 : i32
    %dma_wait3A_70 = tpu.memref_slice %arg15[%dma_wait3A_68, %dma_wait3A_69] : memref<10112x64xf32, #tpu.memory_space<vmem_shared>> -> memref<10112x64xf32, #tpu.memory_space<vmem_shared>>
    tpu.wait_indirect_dma semaphore(%arg20 : memref<!tpu.dma_semaphore, #tpu.memory_space<semaphore_mem>>) src(%arg13 : memref<128x64xf32, #tpu.memory_space<vmem>>) dst(%dma_wait3A_70 : memref<10112x64xf32, #tpu.memory_space<vmem_shared>>)
    %dma_wait3A_71 = arith.constant 159 : i32
    %dma_wait3A_72 = arith.constant 0 : i32
    %dma_wait3A_73 = tpu.memref_slice %arg8[%dma_wait3A_71, %dma_wait3A_72] : memref<160x128xi32, #tpu.memory_space<vmem>> -> memref<1x128xi32, #tpu.memory_space<vmem>>
    %dma_wait3A_74 = tpu.memref_squeeze %dma_wait3A_73 : memref<1x128xi32, #tpu.memory_space<vmem>> -> memref<128xi32, #tpu.memory_space<vmem>>
    %dma_wait3A_75 = arith.constant 0 : i32
    %dma_wait3A_76 = arith.constant 0 : i32
    %dma_wait3A_77 = tpu.memref_slice %arg15[%dma_wait3A_75, %dma_wait3A_76] : memref<10112x64xf32, #tpu.memory_space<vmem_shared>> -> memref<10112x64xf32, #tpu.memory_space<vmem_shared>>
    tpu.wait_indirect_dma semaphore(%arg21 : memref<!tpu.dma_semaphore, #tpu.memory_space<semaphore_mem>>) src(%arg14 : memref<128x64xf32, #tpu.memory_space<vmem>>) dst(%dma_wait3A_77 : memref<10112x64xf32, #tpu.memory_space<vmem_shared>>)
    %barrier3A_78 = arith.constant 0 : index
    tpu.barrier barrier_id(%barrier3A_78)
    "tpu.region"() ({
      %run_scoped3A = tpu.sem_alloc : memref<!tpu.dma_semaphore, #tpu.memory_space<semaphore_mem>>
      %dma_start3A_79 = arith.constant 0 : i32
      %dma_start3A_80 = tpu.memref_slice %arg6[%arg0, %mul3A_4, %dma_start3A_79] : memref<2x10112x64xf32, #tpu.memory_space<hbm>> -> memref<1x632x64xf32, #tpu.memory_space<hbm>>
      %dma_start3A_81 = tpu.memref_squeeze %dma_start3A_80 : memref<1x632x64xf32, #tpu.memory_space<hbm>> -> memref<632x64xf32, #tpu.memory_space<hbm>>
      %dma_start3A_82 = arith.constant 0 : i32
      %dma_start3A_83 = tpu.memref_slice %arg15[%mul3A_4, %dma_start3A_82] : memref<10112x64xf32, #tpu.memory_space<vmem_shared>> -> memref<632x64xf32, #tpu.memory_space<vmem_shared>>
      tpu.enqueue_dma source(%dma_start3A_83 : memref<632x64xf32, #tpu.memory_space<vmem_shared>>) target(%dma_start3A_81 : memref<632x64xf32, #tpu.memory_space<hbm>>) target_semaphore(%run_scoped3A : memref<!tpu.dma_semaphore, #tpu.memory_space<semaphore_mem>>)
      %dma_wait3A_84 = arith.constant 0 : i32
      %dma_wait3A_85 = tpu.memref_slice %arg6[%arg0, %mul3A_4, %dma_wait3A_84] : memref<2x10112x64xf32, #tpu.memory_space<hbm>> -> memref<1x632x64xf32, #tpu.memory_space<hbm>>
      %dma_wait3A_86 = tpu.memref_squeeze %dma_wait3A_85 : memref<1x632x64xf32, #tpu.memory_space<hbm>> -> memref<632x64xf32, #tpu.memory_space<hbm>>
      %dma_wait3A_87 = arith.constant 0 : i32
      %dma_wait3A_88 = tpu.memref_slice %arg15[%mul3A_4, %dma_wait3A_87] : memref<10112x64xf32, #tpu.memory_space<vmem_shared>> -> memref<632x64xf32, #tpu.memory_space<vmem_shared>>
      tpu.wait_dma2 semaphore(%run_scoped3A : memref<!tpu.dma_semaphore, #tpu.memory_space<semaphore_mem>>) src(%dma_wait3A_88 : memref<632x64xf32, #tpu.memory_space<vmem_shared>>) dst(%dma_wait3A_86 : memref<632x64xf32, #tpu.memory_space<hbm>>)
      tpu.yield
    }) : () -> ()
    return
  }
}

#map = affine_map<(d0, d1) -> (0, 0, 0)>
#map1 = affine_map<(d0, d1) -> (0, 0)>
module attributes {stable_mosaic.version = 14 : i64} {
  func.func @_sc_cfconv_body(%arg0: i32, %arg1: i32, %arg2: memref<2x10000x64xf32, #tpu.memory_space<hbm>>, %arg3: memref<2x327680x64xf32, #tpu.memory_space<hbm>>, %arg4: memref<2560x128xi32, #tpu.memory_space<hbm>>, %arg5: memref<2560x128xi32, #tpu.memory_space<hbm>>, %arg6: memref<2x10112x64xf32, #tpu.memory_space<hbm>>, %arg7: memref<160x128xi32, #tpu.memory_space<vmem>>, %arg8: memref<160x128xi32, #tpu.memory_space<vmem>>, %arg9: memref<128x64xf32, #tpu.memory_space<vmem>>, %arg10: memref<128x64xf32, #tpu.memory_space<vmem>>, %arg11: memref<128x64xf32, #tpu.memory_space<vmem>>, %arg12: memref<128x64xf32, #tpu.memory_space<vmem>>, %arg13: memref<128x64xf32, #tpu.memory_space<vmem>>, %arg14: memref<128x64xf32, #tpu.memory_space<vmem>>, %arg15: memref<10112x64xf32, #tpu.memory_space<vmem_shared>>, %arg16: memref<!tpu.dma_semaphore, #tpu.memory_space<semaphore_mem>>, %arg17: memref<!tpu.dma_semaphore, #tpu.memory_space<semaphore_mem>>, %arg18: memref<!tpu.dma_semaphore, #tpu.memory_space<semaphore_mem>>, %arg19: memref<!tpu.dma_semaphore, #tpu.memory_space<semaphore_mem>>, %arg20: memref<!tpu.dma_semaphore, #tpu.memory_space<semaphore_mem>>, %arg21: memref<!tpu.dma_semaphore, #tpu.memory_space<semaphore_mem>>) attributes {dimension_semantics = [#tpu.dimension_semantics<core_parallel>, #tpu.dimension_semantics<subcore_parallel>], iteration_bounds = array<i64: 2, 16>, scalar_prefetch = 0 : i64, scratch_operands = 15 : i64, tpu.core_type = #tpu.core_type<sc_vector_subcore>, window_params = [{transform_indices = #map}, {transform_indices = #map}, {transform_indices = #map1}, {transform_indices = #map1}, {transform_indices = #map}]} {
    %scan3A = arith.constant 0 : i32
    %scan3A_0 = arith.constant 128 : i32
    %scan3A_1 = arith.addi %scan3A, %scan3A_0 : i32
    %scan3A_2 = arith.constant 1 : i32
    scf.for %scan3A_79 = %scan3A to %scan3A_1 step %scan3A_2  : i32 {
      %mul3A_80 = arith.constant 1 : i32
      %mul3A_81 = arith.muli %scan3A_79, %mul3A_80 : i32
      %add3A_82 = arith.constant 0 : i32
      %add3A_83 = arith.addi %add3A_82, %mul3A_81 : i32
      %broadcast_in_dim3A = arith.constant 0.000000e+00 : f32
      %broadcast_in_dim3A_84 = vector.broadcast %broadcast_in_dim3A : f32 to vector<16xf32>
      %swap3A = arith.index_cast %add3A_83 : i32 to index
      %swap3A_85 = arith.constant 0 : index
      %swap3A_86 = tpu.vector_load %arg9[%swap3A, %swap3A_85] {strides = array<i32>} : memref<128x64xf32, #tpu.memory_space<vmem>>, vector<16xf32>,
      tpu.vector_store %arg9[%swap3A, %swap3A_85], %broadcast_in_dim3A_84 {strides = array<i32>} : memref<128x64xf32, #tpu.memory_space<vmem>>, vector<16xf32>,
      %broadcast_in_dim3A_87 = arith.constant 0.000000e+00 : f32
      %broadcast_in_dim3A_88 = vector.broadcast %broadcast_in_dim3A_87 : f32 to vector<16xf32>
      %swap3A_89 = arith.index_cast %add3A_83 : i32 to index
      %swap3A_90 = arith.constant 16 : index
      %swap3A_91 = tpu.vector_load %arg9[%swap3A_89, %swap3A_90] {strides = array<i32>} : memref<128x64xf32, #tpu.memory_space<vmem>>, vector<16xf32>,
      tpu.vector_store %arg9[%swap3A_89, %swap3A_90], %broadcast_in_dim3A_88 {strides = array<i32>} : memref<128x64xf32, #tpu.memory_space<vmem>>, vector<16xf32>,
      %broadcast_in_dim3A_92 = arith.constant 0.000000e+00 : f32
      %broadcast_in_dim3A_93 = vector.broadcast %broadcast_in_dim3A_92 : f32 to vector<16xf32>
      %swap3A_94 = arith.index_cast %add3A_83 : i32 to index
      %swap3A_95 = arith.constant 32 : index
      %swap3A_96 = tpu.vector_load %arg9[%swap3A_94, %swap3A_95] {strides = array<i32>} : memref<128x64xf32, #tpu.memory_space<vmem>>, vector<16xf32>,
      tpu.vector_store %arg9[%swap3A_94, %swap3A_95], %broadcast_in_dim3A_93 {strides = array<i32>} : memref<128x64xf32, #tpu.memory_space<vmem>>, vector<16xf32>,
      %broadcast_in_dim3A_97 = arith.constant 0.000000e+00 : f32
      %broadcast_in_dim3A_98 = vector.broadcast %broadcast_in_dim3A_97 : f32 to vector<16xf32>
      %swap3A_99 = arith.index_cast %add3A_83 : i32 to index
      %swap3A_100 = arith.constant 48 : index
      %swap3A_101 = tpu.vector_load %arg9[%swap3A_99, %swap3A_100] {strides = array<i32>} : memref<128x64xf32, #tpu.memory_space<vmem>>, vector<16xf32>,
      tpu.vector_store %arg9[%swap3A_99, %swap3A_100], %broadcast_in_dim3A_98 {strides = array<i32>} : memref<128x64xf32, #tpu.memory_space<vmem>>, vector<16xf32>,
    }
    %scan3A_3 = arith.constant 128 : i32
    %mul3A = arith.constant 632 : i32
    %mul3A_4 = arith.muli %arg1, %mul3A : i32
    %add3A = arith.constant 0 : i32
    %add3A_5 = arith.addi %mul3A_4, %add3A : i32
    "tpu.region"() ({
      %run_scoped3A = tpu.sem_alloc : memref<!tpu.dma_semaphore, #tpu.memory_space<semaphore_mem>>
      %dma_start3A_79 = arith.constant 0 : i32
      %dma_start3A_80 = arith.constant 0 : i32
      %dma_start3A_81 = tpu.memref_slice %arg9[%dma_start3A_79, %dma_start3A_80] : memref<128x64xf32, #tpu.memory_space<vmem>> -> memref<128x64xf32, #tpu.memory_space<vmem>>
      %dma_start3A_82 = arith.constant 0 : i32
      %dma_start3A_83 = tpu.memref_slice %arg15[%add3A_5, %dma_start3A_82] : memref<10112x64xf32, #tpu.memory_space<vmem_shared>> -> memref<128x64xf32, #tpu.memory_space<vmem_shared>>
      %dma_start3A_84 = arith.constant 0 : i32
      %dma_start3A_85 = tpu.memref_slice %arg15[%add3A_5, %dma_start3A_84] : memref<10112x64xf32, #tpu.memory_space<vmem_shared>> -> memref<128x64xf32, #tpu.memory_space<vmem_shared>>
      %dma_start3A_86 = arith.constant 0 : i32
      %dma_start3A_87 = arith.constant 0 : i32
      %dma_start3A_88 = tpu.memref_slice %arg9[%dma_start3A_86, %dma_start3A_87] : memref<128x64xf32, #tpu.memory_space<vmem>> -> memref<128x64xf32, #tpu.memory_space<vmem>>
      tpu.enqueue_dma source(%dma_start3A_88 : memref<128x64xf32, #tpu.memory_space<vmem>>) target(%dma_start3A_85 : memref<128x64xf32, #tpu.memory_space<vmem_shared>>) target_semaphore(%run_scoped3A : memref<!tpu.dma_semaphore, #tpu.memory_space<semaphore_mem>>)
      %dma_wait3A_89 = arith.constant 0 : i32
      %dma_wait3A_90 = arith.constant 0 : i32
      %dma_wait3A_91 = tpu.memref_slice %arg9[%dma_wait3A_89, %dma_wait3A_90] : memref<128x64xf32, #tpu.memory_space<vmem>> -> memref<128x64xf32, #tpu.memory_space<vmem>>
      %dma_wait3A_92 = arith.constant 0 : i32
      %dma_wait3A_93 = tpu.memref_slice %arg15[%add3A_5, %dma_wait3A_92] : memref<10112x64xf32, #tpu.memory_space<vmem_shared>> -> memref<128x64xf32, #tpu.memory_space<vmem_shared>>
      %dma_wait3A_94 = arith.constant 0 : i32
      %dma_wait3A_95 = tpu.memref_slice %arg15[%add3A_5, %dma_wait3A_94] : memref<10112x64xf32, #tpu.memory_space<vmem_shared>> -> memref<128x64xf32, #tpu.memory_space<vmem_shared>>
      %dma_wait3A_96 = arith.constant 0 : i32
      %dma_wait3A_97 = arith.constant 0 : i32
      %dma_wait3A_98 = tpu.memref_slice %arg9[%dma_wait3A_96, %dma_wait3A_97] : memref<128x64xf32, #tpu.memory_space<vmem>> -> memref<128x64xf32, #tpu.memory_space<vmem>>
      tpu.wait_dma2 semaphore(%run_scoped3A : memref<!tpu.dma_semaphore, #tpu.memory_space<semaphore_mem>>) src(%dma_wait3A_98 : memref<128x64xf32, #tpu.memory_space<vmem>>) dst(%dma_wait3A_95 : memref<128x64xf32, #tpu.memory_space<vmem_shared>>)
      tpu.yield
    }) : () -> ()
    %add3A_6 = arith.constant 128 : i32
    %add3A_7 = arith.addi %mul3A_4, %add3A_6 : i32
    "tpu.region"() ({
      %run_scoped3A = tpu.sem_alloc : memref<!tpu.dma_semaphore, #tpu.memory_space<semaphore_mem>>
      %dma_start3A_79 = arith.constant 0 : i32
      %dma_start3A_80 = arith.constant 0 : i32
      %dma_start3A_81 = tpu.memref_slice %arg9[%dma_start3A_79, %dma_start3A_80] : memref<128x64xf32, #tpu.memory_space<vmem>> -> memref<128x64xf32, #tpu.memory_space<vmem>>
      %dma_start3A_82 = arith.constant 0 : i32
      %dma_start3A_83 = tpu.memref_slice %arg15[%add3A_7, %dma_start3A_82] : memref<10112x64xf32, #tpu.memory_space<vmem_shared>> -> memref<128x64xf32, #tpu.memory_space<vmem_shared>>
      %dma_start3A_84 = arith.constant 0 : i32
      %dma_start3A_85 = tpu.memref_slice %arg15[%add3A_7, %dma_start3A_84] : memref<10112x64xf32, #tpu.memory_space<vmem_shared>> -> memref<128x64xf32, #tpu.memory_space<vmem_shared>>
      %dma_start3A_86 = arith.constant 0 : i32
      %dma_start3A_87 = arith.constant 0 : i32
      %dma_start3A_88 = tpu.memref_slice %arg9[%dma_start3A_86, %dma_start3A_87] : memref<128x64xf32, #tpu.memory_space<vmem>> -> memref<128x64xf32, #tpu.memory_space<vmem>>
      tpu.enqueue_dma source(%dma_start3A_88 : memref<128x64xf32, #tpu.memory_space<vmem>>) target(%dma_start3A_85 : memref<128x64xf32, #tpu.memory_space<vmem_shared>>) target_semaphore(%run_scoped3A : memref<!tpu.dma_semaphore, #tpu.memory_space<semaphore_mem>>)
      %dma_wait3A_89 = arith.constant 0 : i32
      %dma_wait3A_90 = arith.constant 0 : i32
      %dma_wait3A_91 = tpu.memref_slice %arg9[%dma_wait3A_89, %dma_wait3A_90] : memref<128x64xf32, #tpu.memory_space<vmem>> -> memref<128x64xf32, #tpu.memory_space<vmem>>
      %dma_wait3A_92 = arith.constant 0 : i32
      %dma_wait3A_93 = tpu.memref_slice %arg15[%add3A_7, %dma_wait3A_92] : memref<10112x64xf32, #tpu.memory_space<vmem_shared>> -> memref<128x64xf32, #tpu.memory_space<vmem_shared>>
      %dma_wait3A_94 = arith.constant 0 : i32
      %dma_wait3A_95 = tpu.memref_slice %arg15[%add3A_7, %dma_wait3A_94] : memref<10112x64xf32, #tpu.memory_space<vmem_shared>> -> memref<128x64xf32, #tpu.memory_space<vmem_shared>>
      %dma_wait3A_96 = arith.constant 0 : i32
      %dma_wait3A_97 = arith.constant 0 : i32
      %dma_wait3A_98 = tpu.memref_slice %arg9[%dma_wait3A_96, %dma_wait3A_97] : memref<128x64xf32, #tpu.memory_space<vmem>> -> memref<128x64xf32, #tpu.memory_space<vmem>>
      tpu.wait_dma2 semaphore(%run_scoped3A : memref<!tpu.dma_semaphore, #tpu.memory_space<semaphore_mem>>) src(%dma_wait3A_98 : memref<128x64xf32, #tpu.memory_space<vmem>>) dst(%dma_wait3A_95 : memref<128x64xf32, #tpu.memory_space<vmem_shared>>)
      tpu.yield
    }) : () -> ()
    %add3A_8 = arith.constant 256 : i32
    %add3A_9 = arith.addi %mul3A_4, %add3A_8 : i32
    "tpu.region"() ({
      %run_scoped3A = tpu.sem_alloc : memref<!tpu.dma_semaphore, #tpu.memory_space<semaphore_mem>>
      %dma_start3A_79 = arith.constant 0 : i32
      %dma_start3A_80 = arith.constant 0 : i32
      %dma_start3A_81 = tpu.memref_slice %arg9[%dma_start3A_79, %dma_start3A_80] : memref<128x64xf32, #tpu.memory_space<vmem>> -> memref<128x64xf32, #tpu.memory_space<vmem>>
      %dma_start3A_82 = arith.constant 0 : i32
      %dma_start3A_83 = tpu.memref_slice %arg15[%add3A_9, %dma_start3A_82] : memref<10112x64xf32, #tpu.memory_space<vmem_shared>> -> memref<128x64xf32, #tpu.memory_space<vmem_shared>>
      %dma_start3A_84 = arith.constant 0 : i32
      %dma_start3A_85 = tpu.memref_slice %arg15[%add3A_9, %dma_start3A_84] : memref<10112x64xf32, #tpu.memory_space<vmem_shared>> -> memref<128x64xf32, #tpu.memory_space<vmem_shared>>
      %dma_start3A_86 = arith.constant 0 : i32
      %dma_start3A_87 = arith.constant 0 : i32
      %dma_start3A_88 = tpu.memref_slice %arg9[%dma_start3A_86, %dma_start3A_87] : memref<128x64xf32, #tpu.memory_space<vmem>> -> memref<128x64xf32, #tpu.memory_space<vmem>>
      tpu.enqueue_dma source(%dma_start3A_88 : memref<128x64xf32, #tpu.memory_space<vmem>>) target(%dma_start3A_85 : memref<128x64xf32, #tpu.memory_space<vmem_shared>>) target_semaphore(%run_scoped3A : memref<!tpu.dma_semaphore, #tpu.memory_space<semaphore_mem>>)
      %dma_wait3A_89 = arith.constant 0 : i32
      %dma_wait3A_90 = arith.constant 0 : i32
      %dma_wait3A_91 = tpu.memref_slice %arg9[%dma_wait3A_89, %dma_wait3A_90] : memref<128x64xf32, #tpu.memory_space<vmem>> -> memref<128x64xf32, #tpu.memory_space<vmem>>
      %dma_wait3A_92 = arith.constant 0 : i32
      %dma_wait3A_93 = tpu.memref_slice %arg15[%add3A_9, %dma_wait3A_92] : memref<10112x64xf32, #tpu.memory_space<vmem_shared>> -> memref<128x64xf32, #tpu.memory_space<vmem_shared>>
      %dma_wait3A_94 = arith.constant 0 : i32
      %dma_wait3A_95 = tpu.memref_slice %arg15[%add3A_9, %dma_wait3A_94] : memref<10112x64xf32, #tpu.memory_space<vmem_shared>> -> memref<128x64xf32, #tpu.memory_space<vmem_shared>>
      %dma_wait3A_96 = arith.constant 0 : i32
      %dma_wait3A_97 = arith.constant 0 : i32
      %dma_wait3A_98 = tpu.memref_slice %arg9[%dma_wait3A_96, %dma_wait3A_97] : memref<128x64xf32, #tpu.memory_space<vmem>> -> memref<128x64xf32, #tpu.memory_space<vmem>>
      tpu.wait_dma2 semaphore(%run_scoped3A : memref<!tpu.dma_semaphore, #tpu.memory_space<semaphore_mem>>) src(%dma_wait3A_98 : memref<128x64xf32, #tpu.memory_space<vmem>>) dst(%dma_wait3A_95 : memref<128x64xf32, #tpu.memory_space<vmem_shared>>)
      tpu.yield
    }) : () -> ()
    %add3A_10 = arith.constant 384 : i32
    %add3A_11 = arith.addi %mul3A_4, %add3A_10 : i32
    "tpu.region"() ({
      %run_scoped3A = tpu.sem_alloc : memref<!tpu.dma_semaphore, #tpu.memory_space<semaphore_mem>>
      %dma_start3A_79 = arith.constant 0 : i32
      %dma_start3A_80 = arith.constant 0 : i32
      %dma_start3A_81 = tpu.memref_slice %arg9[%dma_start3A_79, %dma_start3A_80] : memref<128x64xf32, #tpu.memory_space<vmem>> -> memref<128x64xf32, #tpu.memory_space<vmem>>
      %dma_start3A_82 = arith.constant 0 : i32
      %dma_start3A_83 = tpu.memref_slice %arg15[%add3A_11, %dma_start3A_82] : memref<10112x64xf32, #tpu.memory_space<vmem_shared>> -> memref<128x64xf32, #tpu.memory_space<vmem_shared>>
      %dma_start3A_84 = arith.constant 0 : i32
      %dma_start3A_85 = tpu.memref_slice %arg15[%add3A_11, %dma_start3A_84] : memref<10112x64xf32, #tpu.memory_space<vmem_shared>> -> memref<128x64xf32, #tpu.memory_space<vmem_shared>>
      %dma_start3A_86 = arith.constant 0 : i32
      %dma_start3A_87 = arith.constant 0 : i32
      %dma_start3A_88 = tpu.memref_slice %arg9[%dma_start3A_86, %dma_start3A_87] : memref<128x64xf32, #tpu.memory_space<vmem>> -> memref<128x64xf32, #tpu.memory_space<vmem>>
      tpu.enqueue_dma source(%dma_start3A_88 : memref<128x64xf32, #tpu.memory_space<vmem>>) target(%dma_start3A_85 : memref<128x64xf32, #tpu.memory_space<vmem_shared>>) target_semaphore(%run_scoped3A : memref<!tpu.dma_semaphore, #tpu.memory_space<semaphore_mem>>)
      %dma_wait3A_89 = arith.constant 0 : i32
      %dma_wait3A_90 = arith.constant 0 : i32
      %dma_wait3A_91 = tpu.memref_slice %arg9[%dma_wait3A_89, %dma_wait3A_90] : memref<128x64xf32, #tpu.memory_space<vmem>> -> memref<128x64xf32, #tpu.memory_space<vmem>>
      %dma_wait3A_92 = arith.constant 0 : i32
      %dma_wait3A_93 = tpu.memref_slice %arg15[%add3A_11, %dma_wait3A_92] : memref<10112x64xf32, #tpu.memory_space<vmem_shared>> -> memref<128x64xf32, #tpu.memory_space<vmem_shared>>
      %dma_wait3A_94 = arith.constant 0 : i32
      %dma_wait3A_95 = tpu.memref_slice %arg15[%add3A_11, %dma_wait3A_94] : memref<10112x64xf32, #tpu.memory_space<vmem_shared>> -> memref<128x64xf32, #tpu.memory_space<vmem_shared>>
      %dma_wait3A_96 = arith.constant 0 : i32
      %dma_wait3A_97 = arith.constant 0 : i32
      %dma_wait3A_98 = tpu.memref_slice %arg9[%dma_wait3A_96, %dma_wait3A_97] : memref<128x64xf32, #tpu.memory_space<vmem>> -> memref<128x64xf32, #tpu.memory_space<vmem>>
      tpu.wait_dma2 semaphore(%run_scoped3A : memref<!tpu.dma_semaphore, #tpu.memory_space<semaphore_mem>>) src(%dma_wait3A_98 : memref<128x64xf32, #tpu.memory_space<vmem>>) dst(%dma_wait3A_95 : memref<128x64xf32, #tpu.memory_space<vmem_shared>>)
      tpu.yield
    }) : () -> ()
    %add3A_12 = arith.constant 632 : i32
    %add3A_13 = arith.addi %mul3A_4, %add3A_12 : i32
    %sub3A = arith.constant 120 : i32
    %sub3A_14 = arith.subi %add3A_13, %sub3A : i32
    "tpu.region"() ({
      %run_scoped3A = tpu.sem_alloc : memref<!tpu.dma_semaphore, #tpu.memory_space<semaphore_mem>>
      %dma_start3A_79 = arith.constant 0 : i32
      %dma_start3A_80 = arith.constant 0 : i32
      %dma_start3A_81 = tpu.memref_slice %arg9[%dma_start3A_79, %dma_start3A_80] : memref<128x64xf32, #tpu.memory_space<vmem>> -> memref<120x64xf32, #tpu.memory_space<vmem>>
      %dma_start3A_82 = arith.constant 0 : i32
      %dma_start3A_83 = tpu.memref_slice %arg15[%sub3A_14, %dma_start3A_82] : memref<10112x64xf32, #tpu.memory_space<vmem_shared>> -> memref<120x64xf32, #tpu.memory_space<vmem_shared>>
      %dma_start3A_84 = arith.constant 0 : i32
      %dma_start3A_85 = tpu.memref_slice %arg15[%sub3A_14, %dma_start3A_84] : memref<10112x64xf32, #tpu.memory_space<vmem_shared>> -> memref<120x64xf32, #tpu.memory_space<vmem_shared>>
      %dma_start3A_86 = arith.constant 0 : i32
      %dma_start3A_87 = arith.constant 0 : i32
      %dma_start3A_88 = tpu.memref_slice %arg9[%dma_start3A_86, %dma_start3A_87] : memref<128x64xf32, #tpu.memory_space<vmem>> -> memref<120x64xf32, #tpu.memory_space<vmem>>
      tpu.enqueue_dma source(%dma_start3A_88 : memref<120x64xf32, #tpu.memory_space<vmem>>) target(%dma_start3A_85 : memref<120x64xf32, #tpu.memory_space<vmem_shared>>) target_semaphore(%run_scoped3A : memref<!tpu.dma_semaphore, #tpu.memory_space<semaphore_mem>>)
      %dma_wait3A_89 = arith.constant 0 : i32
      %dma_wait3A_90 = arith.constant 0 : i32
      %dma_wait3A_91 = tpu.memref_slice %arg9[%dma_wait3A_89, %dma_wait3A_90] : memref<128x64xf32, #tpu.memory_space<vmem>> -> memref<120x64xf32, #tpu.memory_space<vmem>>
      %dma_wait3A_92 = arith.constant 0 : i32
      %dma_wait3A_93 = tpu.memref_slice %arg15[%sub3A_14, %dma_wait3A_92] : memref<10112x64xf32, #tpu.memory_space<vmem_shared>> -> memref<120x64xf32, #tpu.memory_space<vmem_shared>>
      %dma_wait3A_94 = arith.constant 0 : i32
      %dma_wait3A_95 = tpu.memref_slice %arg15[%sub3A_14, %dma_wait3A_94] : memref<10112x64xf32, #tpu.memory_space<vmem_shared>> -> memref<120x64xf32, #tpu.memory_space<vmem_shared>>
      %dma_wait3A_96 = arith.constant 0 : i32
      %dma_wait3A_97 = arith.constant 0 : i32
      %dma_wait3A_98 = tpu.memref_slice %arg9[%dma_wait3A_96, %dma_wait3A_97] : memref<128x64xf32, #tpu.memory_space<vmem>> -> memref<120x64xf32, #tpu.memory_space<vmem>>
      tpu.wait_dma2 semaphore(%run_scoped3A : memref<!tpu.dma_semaphore, #tpu.memory_space<semaphore_mem>>) src(%dma_wait3A_98 : memref<120x64xf32, #tpu.memory_space<vmem>>) dst(%dma_wait3A_95 : memref<120x64xf32, #tpu.memory_space<vmem_shared>>)
      tpu.yield
    }) : () -> ()
    %barrier3A = arith.constant 0 : index
    tpu.barrier barrier_id(%barrier3A)
    %mul3A_15 = arith.constant 160 : i32
    %mul3A_16 = arith.muli %arg1, %mul3A_15 : i32
    "tpu.region"() ({
      %run_scoped3A = tpu.sem_alloc : memref<!tpu.dma_semaphore, #tpu.memory_space<semaphore_mem>>
      %dma_start3A_79 = arith.constant 0 : i32
      %dma_start3A_80 = tpu.memref_slice %arg4[%mul3A_16, %dma_start3A_79] : memref<2560x128xi32, #tpu.memory_space<hbm>> -> memref<160x128xi32, #tpu.memory_space<hbm>>
      %dma_start3A_81 = arith.constant 0 : i32
      %dma_start3A_82 = tpu.memref_slice %arg4[%mul3A_16, %dma_start3A_81] : memref<2560x128xi32, #tpu.memory_space<hbm>> -> memref<160x128xi32, #tpu.memory_space<hbm>>
      tpu.enqueue_dma source(%dma_start3A_82 : memref<160x128xi32, #tpu.memory_space<hbm>>) target(%arg7 : memref<160x128xi32, #tpu.memory_space<vmem>>) target_semaphore(%run_scoped3A : memref<!tpu.dma_semaphore, #tpu.memory_space<semaphore_mem>>)
      %dma_wait3A_83 = arith.constant 0 : i32
      %dma_wait3A_84 = tpu.memref_slice %arg4[%mul3A_16, %dma_wait3A_83] : memref<2560x128xi32, #tpu.memory_space<hbm>> -> memref<160x128xi32, #tpu.memory_space<hbm>>
      %dma_wait3A_85 = arith.constant 0 : i32
      %dma_wait3A_86 = tpu.memref_slice %arg4[%mul3A_16, %dma_wait3A_85] : memref<2560x128xi32, #tpu.memory_space<hbm>> -> memref<160x128xi32, #tpu.memory_space<hbm>>
      tpu.wait_dma2 semaphore(%run_scoped3A : memref<!tpu.dma_semaphore, #tpu.memory_space<semaphore_mem>>) src(%dma_wait3A_86 : memref<160x128xi32, #tpu.memory_space<hbm>>) dst(%arg7 : memref<160x128xi32, #tpu.memory_space<vmem>>)
      tpu.yield
    }) : () -> ()
    %mul3A_17 = arith.constant 160 : i32
    %mul3A_18 = arith.muli %arg1, %mul3A_17 : i32
    "tpu.region"() ({
      %run_scoped3A = tpu.sem_alloc : memref<!tpu.dma_semaphore, #tpu.memory_space<semaphore_mem>>
      %dma_start3A_79 = arith.constant 0 : i32
      %dma_start3A_80 = tpu.memref_slice %arg5[%mul3A_18, %dma_start3A_79] : memref<2560x128xi32, #tpu.memory_space<hbm>> -> memref<160x128xi32, #tpu.memory_space<hbm>>
      %dma_start3A_81 = arith.constant 0 : i32
      %dma_start3A_82 = tpu.memref_slice %arg5[%mul3A_18, %dma_start3A_81] : memref<2560x128xi32, #tpu.memory_space<hbm>> -> memref<160x128xi32, #tpu.memory_space<hbm>>
      tpu.enqueue_dma source(%dma_start3A_82 : memref<160x128xi32, #tpu.memory_space<hbm>>) target(%arg8 : memref<160x128xi32, #tpu.memory_space<vmem>>) target_semaphore(%run_scoped3A : memref<!tpu.dma_semaphore, #tpu.memory_space<semaphore_mem>>)
      %dma_wait3A_83 = arith.constant 0 : i32
      %dma_wait3A_84 = tpu.memref_slice %arg5[%mul3A_18, %dma_wait3A_83] : memref<2560x128xi32, #tpu.memory_space<hbm>> -> memref<160x128xi32, #tpu.memory_space<hbm>>
      %dma_wait3A_85 = arith.constant 0 : i32
      %dma_wait3A_86 = tpu.memref_slice %arg5[%mul3A_18, %dma_wait3A_85] : memref<2560x128xi32, #tpu.memory_space<hbm>> -> memref<160x128xi32, #tpu.memory_space<hbm>>
      tpu.wait_dma2 semaphore(%run_scoped3A : memref<!tpu.dma_semaphore, #tpu.memory_space<semaphore_mem>>) src(%dma_wait3A_86 : memref<160x128xi32, #tpu.memory_space<hbm>>) dst(%arg8 : memref<160x128xi32, #tpu.memory_space<vmem>>)
      tpu.yield
    }) : () -> ()
    %dma_start3A = arith.constant 0 : i32
    %dma_start3A_19 = arith.constant 0 : i32
    %dma_start3A_20 = tpu.memref_slice %arg7[%dma_start3A, %dma_start3A_19] : memref<160x128xi32, #tpu.memory_space<vmem>> -> memref<1x128xi32, #tpu.memory_space<vmem>>
    %dma_start3A_21 = tpu.memref_squeeze %dma_start3A_20 : memref<1x128xi32, #tpu.memory_space<vmem>> -> memref<128xi32, #tpu.memory_space<vmem>>
    %dma_start3A_22 = arith.constant 0 : i32
    %dma_start3A_23 = arith.constant 0 : i32
    %dma_start3A_24 = tpu.memref_slice %arg2[%arg0, %dma_start3A_22, %dma_start3A_23] : memref<2x10000x64xf32, #tpu.memory_space<hbm>> -> memref<1x10000x64xf32, #tpu.memory_space<hbm>>
    %dma_start3A_25 = tpu.memref_squeeze %dma_start3A_24 : memref<1x10000x64xf32, #tpu.memory_space<hbm>> -> memref<10000x64xf32, #tpu.memory_space<hbm>>
    %dma_start3A_26 = arith.constant 0 : i32
    %dma_start3A_27 = arith.constant 0 : i32
    %dma_start3A_28 = tpu.memref_slice %dma_start3A_25[%dma_start3A_26, %dma_start3A_27] : memref<10000x64xf32, #tpu.memory_space<hbm>> -> memref<10000x64xf32, #tpu.memory_space<hbm>>
    tpu.enqueue_indirect_dma source(%dma_start3A_28 : memref<10000x64xf32, #tpu.memory_space<hbm>>) target(%arg9 : memref<128x64xf32, #tpu.memory_space<vmem>>) offsets(%dma_start3A_21 : memref<128xi32, #tpu.memory_space<vmem>>) semaphore(%arg16 : memref<!tpu.dma_semaphore, #tpu.memory_space<semaphore_mem>>)
    %dma_start3A_29 = arith.constant 1 : i32
    %dma_start3A_30 = arith.constant 0 : i32
    %dma_start3A_31 = tpu.memref_slice %arg7[%dma_start3A_29, %dma_start3A_30] : memref<160x128xi32, #tpu.memory_space<vmem>> -> memref<1x128xi32, #tpu.memory_space<vmem>>
    %dma_start3A_32 = tpu.memref_squeeze %dma_start3A_31 : memref<1x128xi32, #tpu.memory_space<vmem>> -> memref<128xi32, #tpu.memory_space<vmem>>
    %dma_start3A_33 = arith.constant 0 : i32
    %dma_start3A_34 = arith.constant 0 : i32
    %dma_start3A_35 = tpu.memref_slice %arg2[%arg0, %dma_start3A_33, %dma_start3A_34] : memref<2x10000x64xf32, #tpu.memory_space<hbm>> -> memref<1x10000x64xf32, #tpu.memory_space<hbm>>
    %dma_start3A_36 = tpu.memref_squeeze %dma_start3A_35 : memref<1x10000x64xf32, #tpu.memory_space<hbm>> -> memref<10000x64xf32, #tpu.memory_space<hbm>>
    %dma_start3A_37 = arith.constant 0 : i32
    %dma_start3A_38 = arith.constant 0 : i32
    %dma_start3A_39 = tpu.memref_slice %dma_start3A_36[%dma_start3A_37, %dma_start3A_38] : memref<10000x64xf32, #tpu.memory_space<hbm>> -> memref<10000x64xf32, #tpu.memory_space<hbm>>
    tpu.enqueue_indirect_dma source(%dma_start3A_39 : memref<10000x64xf32, #tpu.memory_space<hbm>>) target(%arg10 : memref<128x64xf32, #tpu.memory_space<vmem>>) offsets(%dma_start3A_32 : memref<128xi32, #tpu.memory_space<vmem>>) semaphore(%arg17 : memref<!tpu.dma_semaphore, #tpu.memory_space<semaphore_mem>>)
    %mul3A_40 = arith.constant 20480 : i32
    %mul3A_41 = arith.muli %arg1, %mul3A_40 : i32
    %add3A_42 = arith.constant 0 : i32
    %add3A_43 = arith.addi %mul3A_41, %add3A_42 : i32
    %dma_start3A_44 = arith.constant 0 : i32
    %dma_start3A_45 = tpu.memref_slice %arg3[%arg0, %add3A_43, %dma_start3A_44] : memref<2x327680x64xf32, #tpu.memory_space<hbm>> -> memref<1x128x64xf32, #tpu.memory_space<hbm>>
    %dma_start3A_46 = tpu.memref_squeeze %dma_start3A_45 : memref<1x128x64xf32, #tpu.memory_space<hbm>> -> memref<128x64xf32, #tpu.memory_space<hbm>>
    %dma_start3A_47 = arith.constant 0 : i32
    %dma_start3A_48 = tpu.memref_slice %arg3[%arg0, %add3A_43, %dma_start3A_47] : memref<2x327680x64xf32, #tpu.memory_space<hbm>> -> memref<1x128x64xf32, #tpu.memory_space<hbm>>
    %dma_start3A_49 = tpu.memref_squeeze %dma_start3A_48 : memref<1x128x64xf32, #tpu.memory_space<hbm>> -> memref<128x64xf32, #tpu.memory_space<hbm>>
    tpu.enqueue_dma source(%dma_start3A_49 : memref<128x64xf32, #tpu.memory_space<hbm>>) target(%arg11 : memref<128x64xf32, #tpu.memory_space<vmem>>) target_semaphore(%arg18 : memref<!tpu.dma_semaphore, #tpu.memory_space<semaphore_mem>>)
    %mul3A_50 = arith.constant 20480 : i32
    %mul3A_51 = arith.muli %arg1, %mul3A_50 : i32
    %add3A_52 = arith.constant 128 : i32
    %add3A_53 = arith.addi %mul3A_51, %add3A_52 : i32
    %dma_start3A_54 = arith.constant 0 : i32
    %dma_start3A_55 = tpu.memref_slice %arg3[%arg0, %add3A_53, %dma_start3A_54] : memref<2x327680x64xf32, #tpu.memory_space<hbm>> -> memref<1x128x64xf32, #tpu.memory_space<hbm>>
    %dma_start3A_56 = tpu.memref_squeeze %dma_start3A_55 : memref<1x128x64xf32, #tpu.memory_space<hbm>> -> memref<128x64xf32, #tpu.memory_space<hbm>>
    %dma_start3A_57 = arith.constant 0 : i32
    %dma_start3A_58 = tpu.memref_slice %arg3[%arg0, %add3A_53, %dma_start3A_57] : memref<2x327680x64xf32, #tpu.memory_space<hbm>> -> memref<1x128x64xf32, #tpu.memory_space<hbm>>
    %dma_start3A_59 = tpu.memref_squeeze %dma_start3A_58 : memref<1x128x64xf32, #tpu.memory_space<hbm>> -> memref<128x64xf32, #tpu.memory_space<hbm>>
    tpu.enqueue_dma source(%dma_start3A_59 : memref<128x64xf32, #tpu.memory_space<hbm>>) target(%arg12 : memref<128x64xf32, #tpu.memory_space<vmem>>) target_semaphore(%arg19 : memref<!tpu.dma_semaphore, #tpu.memory_space<semaphore_mem>>)
    %scan3A_60 = arith.constant 0 : i32
    %scan3A_61 = arith.constant 80 : i32
    %scan3A_62 = arith.addi %scan3A_60, %scan3A_61 : i32
    %scan3A_63 = arith.constant 1 : i32
    scf.for %scan3A_79 = %scan3A_60 to %scan3A_62 step %scan3A_63  : i32 {
      %mul3A_80 = arith.constant 2 : i32
      %mul3A_81 = arith.muli %scan3A_79, %mul3A_80 : i32
      %add3A_82 = arith.constant 0 : i32
      %add3A_83 = arith.addi %add3A_82, %mul3A_81 : i32
      %add3A_84 = arith.constant 0 : i32
      %add3A_85 = arith.addi %add3A_83, %add3A_84 : i32
      %mul3A_86 = arith.constant 20480 : i32
      %mul3A_87 = arith.muli %arg1, %mul3A_86 : i32
      %mul3A_88 = arith.constant 128 : i32
      %mul3A_89 = arith.muli %add3A_85, %mul3A_88 : i32
      %add3A_90 = arith.addi %mul3A_87, %mul3A_89 : i32
      %dma_wait3A_91 = arith.constant 0 : i32
      %dma_wait3A_92 = tpu.memref_slice %arg7[%add3A_85, %dma_wait3A_91] : memref<160x128xi32, #tpu.memory_space<vmem>> -> memref<1x128xi32, #tpu.memory_space<vmem>>
      %dma_wait3A_93 = tpu.memref_squeeze %dma_wait3A_92 : memref<1x128xi32, #tpu.memory_space<vmem>> -> memref<128xi32, #tpu.memory_space<vmem>>
      %dma_wait3A_94 = arith.constant 0 : i32
      %dma_wait3A_95 = arith.constant 0 : i32
      %dma_wait3A_96 = tpu.memref_slice %arg2[%arg0, %dma_wait3A_94, %dma_wait3A_95] : memref<2x10000x64xf32, #tpu.memory_space<hbm>> -> memref<1x10000x64xf32, #tpu.memory_space<hbm>>
      %dma_wait3A_97 = tpu.memref_squeeze %dma_wait3A_96 : memref<1x10000x64xf32, #tpu.memory_space<hbm>> -> memref<10000x64xf32, #tpu.memory_space<hbm>>
      %dma_wait3A_98 = arith.constant 0 : i32
      %dma_wait3A_99 = arith.constant 0 : i32
      %dma_wait3A_100 = tpu.memref_slice %dma_wait3A_97[%dma_wait3A_98, %dma_wait3A_99] : memref<10000x64xf32, #tpu.memory_space<hbm>> -> memref<10000x64xf32, #tpu.memory_space<hbm>>
      tpu.wait_indirect_dma semaphore(%arg16 : memref<!tpu.dma_semaphore, #tpu.memory_space<semaphore_mem>>) src(%dma_wait3A_100 : memref<10000x64xf32, #tpu.memory_space<hbm>>) dst(%arg9 : memref<128x64xf32, #tpu.memory_space<vmem>>)
      %dma_wait3A_101 = arith.constant 0 : i32
      %dma_wait3A_102 = tpu.memref_slice %arg3[%arg0, %add3A_90, %dma_wait3A_101] : memref<2x327680x64xf32, #tpu.memory_space<hbm>> -> memref<1x128x64xf32, #tpu.memory_space<hbm>>
      %dma_wait3A_103 = tpu.memref_squeeze %dma_wait3A_102 : memref<1x128x64xf32, #tpu.memory_space<hbm>> -> memref<128x64xf32, #tpu.memory_space<hbm>>
      %dma_wait3A_104 = arith.constant 0 : i32
      %dma_wait3A_105 = tpu.memref_slice %arg3[%arg0, %add3A_90, %dma_wait3A_104] : memref<2x327680x64xf32, #tpu.memory_space<hbm>> -> memref<1x128x64xf32, #tpu.memory_space<hbm>>
      %dma_wait3A_106 = tpu.memref_squeeze %dma_wait3A_105 : memref<1x128x64xf32, #tpu.memory_space<hbm>> -> memref<128x64xf32, #tpu.memory_space<hbm>>
      tpu.wait_dma2 semaphore(%arg18 : memref<!tpu.dma_semaphore, #tpu.memory_space<semaphore_mem>>) src(%dma_wait3A_106 : memref<128x64xf32, #tpu.memory_space<hbm>>) dst(%arg11 : memref<128x64xf32, #tpu.memory_space<vmem>>)
      %ge3A = arith.constant 2 : i32
      %ge3A_107 = arith.cmpi sge, %add3A_85, %ge3A : i32
      %convert_element_type3A = arith.extui %ge3A_107 : i1 to i32
      %cond3A = arith.constant 0 : i32
      %cond3A_108 = arith.cmpi ne, %convert_element_type3A, %cond3A : i32
      scf.if %cond3A_108 {
        %sub3A_172 = arith.constant 2 : i32
        %sub3A_173 = arith.subi %add3A_85, %sub3A_172 : i32
        %dma_wait3A_174 = arith.constant 0 : i32
        %dma_wait3A_175 = tpu.memref_slice %arg8[%sub3A_173, %dma_wait3A_174] : memref<160x128xi32, #tpu.memory_space<vmem>> -> memref<1x128xi32, #tpu.memory_space<vmem>>
        %dma_wait3A_176 = tpu.memref_squeeze %dma_wait3A_175 : memref<1x128xi32, #tpu.memory_space<vmem>> -> memref<128xi32, #tpu.memory_space<vmem>>
        %dma_wait3A_177 = arith.constant 0 : i32
        %dma_wait3A_178 = arith.constant 0 : i32
        %dma_wait3A_179 = tpu.memref_slice %arg15[%dma_wait3A_177, %dma_wait3A_178] : memref<10112x64xf32, #tpu.memory_space<vmem_shared>> -> memref<10112x64xf32, #tpu.memory_space<vmem_shared>>
        tpu.wait_indirect_dma semaphore(%arg20 : memref<!tpu.dma_semaphore, #tpu.memory_space<semaphore_mem>>) src(%arg13 : memref<128x64xf32, #tpu.memory_space<vmem>>) dst(%dma_wait3A_179 : memref<10112x64xf32, #tpu.memory_space<vmem_shared>>)
      } else {
      }
      %scan3A_109 = arith.constant 0 : i32
      %scan3A_110 = arith.constant 128 : i32
      %scan3A_111 = arith.addi %scan3A_109, %scan3A_110 : i32
      %scan3A_112 = arith.constant 1 : i32
      scf.for %scan3A_172 = %scan3A_109 to %scan3A_111 step %scan3A_112  : i32 {
        %mul3A_173 = arith.constant 1 : i32
        %mul3A_174 = arith.muli %scan3A_172, %mul3A_173 : i32
        %add3A_175 = arith.constant 0 : i32
        %add3A_176 = arith.addi %add3A_175, %mul3A_174 : i32
        %get3A = arith.index_cast %add3A_176 : i32 to index
        %get3A_177 = arith.constant 0 : index
        %get3A_178 = tpu.vector_load %arg9[%get3A, %get3A_177] {strides = array<i32>} : memref<128x64xf32, #tpu.memory_space<vmem>>, vector<16xf32>,
        %get3A_179 = arith.index_cast %add3A_176 : i32 to index
        %get3A_180 = arith.constant 0 : index
        %get3A_181 = tpu.vector_load %arg11[%get3A_179, %get3A_180] {strides = array<i32>} : memref<128x64xf32, #tpu.memory_space<vmem>>, vector<16xf32>,
        %mul3A_182 = arith.mulf %get3A_178, %get3A_181 : vector<16xf32>
        %swap3A = arith.index_cast %add3A_176 : i32 to index
        %swap3A_183 = arith.constant 0 : index
        %swap3A_184 = tpu.vector_load %arg13[%swap3A, %swap3A_183] {strides = array<i32>} : memref<128x64xf32, #tpu.memory_space<vmem>>, vector<16xf32>,
        tpu.vector_store %arg13[%swap3A, %swap3A_183], %mul3A_182 {strides = array<i32>} : memref<128x64xf32, #tpu.memory_space<vmem>>, vector<16xf32>,
        %get3A_185 = arith.index_cast %add3A_176 : i32 to index
        %get3A_186 = arith.constant 16 : index
        %get3A_187 = tpu.vector_load %arg9[%get3A_185, %get3A_186] {strides = array<i32>} : memref<128x64xf32, #tpu.memory_space<vmem>>, vector<16xf32>,
        %get3A_188 = arith.index_cast %add3A_176 : i32 to index
        %get3A_189 = arith.constant 16 : index
        %get3A_190 = tpu.vector_load %arg11[%get3A_188, %get3A_189] {strides = array<i32>} : memref<128x64xf32, #tpu.memory_space<vmem>>, vector<16xf32>,
        %mul3A_191 = arith.mulf %get3A_187, %get3A_190 : vector<16xf32>
        %swap3A_192 = arith.index_cast %add3A_176 : i32 to index
        %swap3A_193 = arith.constant 16 : index
        %swap3A_194 = tpu.vector_load %arg13[%swap3A_192, %swap3A_193] {strides = array<i32>} : memref<128x64xf32, #tpu.memory_space<vmem>>, vector<16xf32>,
        tpu.vector_store %arg13[%swap3A_192, %swap3A_193], %mul3A_191 {strides = array<i32>} : memref<128x64xf32, #tpu.memory_space<vmem>>, vector<16xf32>,
        %get3A_195 = arith.index_cast %add3A_176 : i32 to index
        %get3A_196 = arith.constant 32 : index
        %get3A_197 = tpu.vector_load %arg9[%get3A_195, %get3A_196] {strides = array<i32>} : memref<128x64xf32, #tpu.memory_space<vmem>>, vector<16xf32>,
        %get3A_198 = arith.index_cast %add3A_176 : i32 to index
        %get3A_199 = arith.constant 32 : index
        %get3A_200 = tpu.vector_load %arg11[%get3A_198, %get3A_199] {strides = array<i32>} : memref<128x64xf32, #tpu.memory_space<vmem>>, vector<16xf32>,
        %mul3A_201 = arith.mulf %get3A_197, %get3A_200 : vector<16xf32>
        %swap3A_202 = arith.index_cast %add3A_176 : i32 to index
        %swap3A_203 = arith.constant 32 : index
        %swap3A_204 = tpu.vector_load %arg13[%swap3A_202, %swap3A_203] {strides = array<i32>} : memref<128x64xf32, #tpu.memory_space<vmem>>, vector<16xf32>,
        tpu.vector_store %arg13[%swap3A_202, %swap3A_203], %mul3A_201 {strides = array<i32>} : memref<128x64xf32, #tpu.memory_space<vmem>>, vector<16xf32>,
        %get3A_205 = arith.index_cast %add3A_176 : i32 to index
        %get3A_206 = arith.constant 48 : index
        %get3A_207 = tpu.vector_load %arg9[%get3A_205, %get3A_206] {strides = array<i32>} : memref<128x64xf32, #tpu.memory_space<vmem>>, vector<16xf32>,
        %get3A_208 = arith.index_cast %add3A_176 : i32 to index
        %get3A_209 = arith.constant 48 : index
        %get3A_210 = tpu.vector_load %arg11[%get3A_208, %get3A_209] {strides = array<i32>} : memref<128x64xf32, #tpu.memory_space<vmem>>, vector<16xf32>,
        %mul3A_211 = arith.mulf %get3A_207, %get3A_210 : vector<16xf32>
        %swap3A_212 = arith.index_cast %add3A_176 : i32 to index
        %swap3A_213 = arith.constant 48 : index
        %swap3A_214 = tpu.vector_load %arg13[%swap3A_212, %swap3A_213] {strides = array<i32>} : memref<128x64xf32, #tpu.memory_space<vmem>>, vector<16xf32>,
        tpu.vector_store %arg13[%swap3A_212, %swap3A_213], %mul3A_211 {strides = array<i32>} : memref<128x64xf32, #tpu.memory_space<vmem>>, vector<16xf32>,
      }
      %scan3A_113 = arith.constant 128 : i32
      %dma_start3A_114 = arith.constant 0 : i32
      %dma_start3A_115 = tpu.memref_slice %arg8[%add3A_85, %dma_start3A_114] : memref<160x128xi32, #tpu.memory_space<vmem>> -> memref<1x128xi32, #tpu.memory_space<vmem>>
      %dma_start3A_116 = tpu.memref_squeeze %dma_start3A_115 : memref<1x128xi32, #tpu.memory_space<vmem>> -> memref<128xi32, #tpu.memory_space<vmem>>
      %dma_start3A_117 = arith.constant 0 : i32
      %dma_start3A_118 = arith.constant 0 : i32
      %dma_start3A_119 = tpu.memref_slice %arg15[%dma_start3A_117, %dma_start3A_118] : memref<10112x64xf32, #tpu.memory_space<vmem_shared>> -> memref<10112x64xf32, #tpu.memory_space<vmem_shared>>
      tpu.enqueue_indirect_dma source(%arg13 : memref<128x64xf32, #tpu.memory_space<vmem>>) target(%dma_start3A_119 : memref<10112x64xf32, #tpu.memory_space<vmem_shared>>) offsets(%dma_start3A_116 : memref<128xi32, #tpu.memory_space<vmem>>) semaphore(%arg20 : memref<!tpu.dma_semaphore, #tpu.memory_space<semaphore_mem>>) {add = true}
      %add3A_120 = arith.constant 2 : i32
      %add3A_121 = arith.addi %add3A_85, %add3A_120 : i32
      %lt3A = arith.constant 160 : i32
      %lt3A_122 = arith.cmpi slt, %add3A_121, %lt3A : i32
      %convert_element_type3A_123 = arith.extui %lt3A_122 : i1 to i32
      %cond3A_124 = arith.constant 0 : i32
      %cond3A_125 = arith.cmpi ne, %convert_element_type3A_123, %cond3A_124 : i32
      scf.if %cond3A_125 {
        %add3A_172 = arith.constant 2 : i32
        %add3A_173 = arith.addi %add3A_85, %add3A_172 : i32
        %dma_start3A_174 = arith.constant 0 : i32
        %dma_start3A_175 = tpu.memref_slice %arg7[%add3A_173, %dma_start3A_174] : memref<160x128xi32, #tpu.memory_space<vmem>> -> memref<1x128xi32, #tpu.memory_space<vmem>>
        %dma_start3A_176 = tpu.memref_squeeze %dma_start3A_175 : memref<1x128xi32, #tpu.memory_space<vmem>> -> memref<128xi32, #tpu.memory_space<vmem>>
        %dma_start3A_177 = arith.constant 0 : i32
        %dma_start3A_178 = arith.constant 0 : i32
        %dma_start3A_179 = tpu.memref_slice %arg2[%arg0, %dma_start3A_177, %dma_start3A_178] : memref<2x10000x64xf32, #tpu.memory_space<hbm>> -> memref<1x10000x64xf32, #tpu.memory_space<hbm>>
        %dma_start3A_180 = tpu.memref_squeeze %dma_start3A_179 : memref<1x10000x64xf32, #tpu.memory_space<hbm>> -> memref<10000x64xf32, #tpu.memory_space<hbm>>
        %dma_start3A_181 = arith.constant 0 : i32
        %dma_start3A_182 = arith.constant 0 : i32
        %dma_start3A_183 = tpu.memref_slice %dma_start3A_180[%dma_start3A_181, %dma_start3A_182] : memref<10000x64xf32, #tpu.memory_space<hbm>> -> memref<10000x64xf32, #tpu.memory_space<hbm>>
        tpu.enqueue_indirect_dma source(%dma_start3A_183 : memref<10000x64xf32, #tpu.memory_space<hbm>>) target(%arg9 : memref<128x64xf32, #tpu.memory_space<vmem>>) offsets(%dma_start3A_176 : memref<128xi32, #tpu.memory_space<vmem>>) semaphore(%arg16 : memref<!tpu.dma_semaphore, #tpu.memory_space<semaphore_mem>>)
        %add3A_184 = arith.constant 2 : i32
        %add3A_185 = arith.addi %add3A_85, %add3A_184 : i32
        %mul3A_186 = arith.constant 20480 : i32
        %mul3A_187 = arith.muli %arg1, %mul3A_186 : i32
        %mul3A_188 = arith.constant 128 : i32
        %mul3A_189 = arith.muli %add3A_185, %mul3A_188 : i32
        %add3A_190 = arith.addi %mul3A_187, %mul3A_189 : i32
        %dma_start3A_191 = arith.constant 0 : i32
        %dma_start3A_192 = tpu.memref_slice %arg3[%arg0, %add3A_190, %dma_start3A_191] : memref<2x327680x64xf32, #tpu.memory_space<hbm>> -> memref<1x128x64xf32, #tpu.memory_space<hbm>>
        %dma_start3A_193 = tpu.memref_squeeze %dma_start3A_192 : memref<1x128x64xf32, #tpu.memory_space<hbm>> -> memref<128x64xf32, #tpu.memory_space<hbm>>
        %dma_start3A_194 = arith.constant 0 : i32
        %dma_start3A_195 = tpu.memref_slice %arg3[%arg0, %add3A_190, %dma_start3A_194] : memref<2x327680x64xf32, #tpu.memory_space<hbm>> -> memref<1x128x64xf32, #tpu.memory_space<hbm>>
        %dma_start3A_196 = tpu.memref_squeeze %dma_start3A_195 : memref<1x128x64xf32, #tpu.memory_space<hbm>> -> memref<128x64xf32, #tpu.memory_space<hbm>>
        tpu.enqueue_dma source(%dma_start3A_196 : memref<128x64xf32, #tpu.memory_space<hbm>>) target(%arg11 : memref<128x64xf32, #tpu.memory_space<vmem>>) target_semaphore(%arg18 : memref<!tpu.dma_semaphore, #tpu.memory_space<semaphore_mem>>)
      } else {
      }
      %add3A_126 = arith.constant 1 : i32
      %add3A_127 = arith.addi %add3A_83, %add3A_126 : i32
      %mul3A_128 = arith.constant 20480 : i32
      %mul3A_129 = arith.muli %arg1, %mul3A_128 : i32
      %mul3A_130 = arith.constant 128 : i32
      %mul3A_131 = arith.muli %add3A_127, %mul3A_130 : i32
      %add3A_132 = arith.addi %mul3A_129, %mul3A_131 : i32
      %dma_wait3A_133 = arith.constant 0 : i32
      %dma_wait3A_134 = tpu.memref_slice %arg7[%add3A_127, %dma_wait3A_133] : memref<160x128xi32, #tpu.memory_space<vmem>> -> memref<1x128xi32, #tpu.memory_space<vmem>>
      %dma_wait3A_135 = tpu.memref_squeeze %dma_wait3A_134 : memref<1x128xi32, #tpu.memory_space<vmem>> -> memref<128xi32, #tpu.memory_space<vmem>>
      %dma_wait3A_136 = arith.constant 0 : i32
      %dma_wait3A_137 = arith.constant 0 : i32
      %dma_wait3A_138 = tpu.memref_slice %arg2[%arg0, %dma_wait3A_136, %dma_wait3A_137] : memref<2x10000x64xf32, #tpu.memory_space<hbm>> -> memref<1x10000x64xf32, #tpu.memory_space<hbm>>
      %dma_wait3A_139 = tpu.memref_squeeze %dma_wait3A_138 : memref<1x10000x64xf32, #tpu.memory_space<hbm>> -> memref<10000x64xf32, #tpu.memory_space<hbm>>
      %dma_wait3A_140 = arith.constant 0 : i32
      %dma_wait3A_141 = arith.constant 0 : i32
      %dma_wait3A_142 = tpu.memref_slice %dma_wait3A_139[%dma_wait3A_140, %dma_wait3A_141] : memref<10000x64xf32, #tpu.memory_space<hbm>> -> memref<10000x64xf32, #tpu.memory_space<hbm>>
      tpu.wait_indirect_dma semaphore(%arg17 : memref<!tpu.dma_semaphore, #tpu.memory_space<semaphore_mem>>) src(%dma_wait3A_142 : memref<10000x64xf32, #tpu.memory_space<hbm>>) dst(%arg10 : memref<128x64xf32, #tpu.memory_space<vmem>>)
      %dma_wait3A_143 = arith.constant 0 : i32
      %dma_wait3A_144 = tpu.memref_slice %arg3[%arg0, %add3A_132, %dma_wait3A_143] : memref<2x327680x64xf32, #tpu.memory_space<hbm>> -> memref<1x128x64xf32, #tpu.memory_space<hbm>>
      %dma_wait3A_145 = tpu.memref_squeeze %dma_wait3A_144 : memref<1x128x64xf32, #tpu.memory_space<hbm>> -> memref<128x64xf32, #tpu.memory_space<hbm>>
      %dma_wait3A_146 = arith.constant 0 : i32
      %dma_wait3A_147 = tpu.memref_slice %arg3[%arg0, %add3A_132, %dma_wait3A_146] : memref<2x327680x64xf32, #tpu.memory_space<hbm>> -> memref<1x128x64xf32, #tpu.memory_space<hbm>>
      %dma_wait3A_148 = tpu.memref_squeeze %dma_wait3A_147 : memref<1x128x64xf32, #tpu.memory_space<hbm>> -> memref<128x64xf32, #tpu.memory_space<hbm>>
      tpu.wait_dma2 semaphore(%arg19 : memref<!tpu.dma_semaphore, #tpu.memory_space<semaphore_mem>>) src(%dma_wait3A_148 : memref<128x64xf32, #tpu.memory_space<hbm>>) dst(%arg12 : memref<128x64xf32, #tpu.memory_space<vmem>>)
      %ge3A_149 = arith.constant 2 : i32
      %ge3A_150 = arith.cmpi sge, %add3A_127, %ge3A_149 : i32
      %convert_element_type3A_151 = arith.extui %ge3A_150 : i1 to i32
      %cond3A_152 = arith.constant 0 : i32
      %cond3A_153 = arith.cmpi ne, %convert_element_type3A_151, %cond3A_152 : i32
      scf.if %cond3A_153 {
        %sub3A_172 = arith.constant 2 : i32
        %sub3A_173 = arith.subi %add3A_127, %sub3A_172 : i32
        %dma_wait3A_174 = arith.constant 0 : i32
        %dma_wait3A_175 = tpu.memref_slice %arg8[%sub3A_173, %dma_wait3A_174] : memref<160x128xi32, #tpu.memory_space<vmem>> -> memref<1x128xi32, #tpu.memory_space<vmem>>
        %dma_wait3A_176 = tpu.memref_squeeze %dma_wait3A_175 : memref<1x128xi32, #tpu.memory_space<vmem>> -> memref<128xi32, #tpu.memory_space<vmem>>
        %dma_wait3A_177 = arith.constant 0 : i32
        %dma_wait3A_178 = arith.constant 0 : i32
        %dma_wait3A_179 = tpu.memref_slice %arg15[%dma_wait3A_177, %dma_wait3A_178] : memref<10112x64xf32, #tpu.memory_space<vmem_shared>> -> memref<10112x64xf32, #tpu.memory_space<vmem_shared>>
        tpu.wait_indirect_dma semaphore(%arg21 : memref<!tpu.dma_semaphore, #tpu.memory_space<semaphore_mem>>) src(%arg14 : memref<128x64xf32, #tpu.memory_space<vmem>>) dst(%dma_wait3A_179 : memref<10112x64xf32, #tpu.memory_space<vmem_shared>>)
      } else {
      }
      %scan3A_154 = arith.constant 0 : i32
      %scan3A_155 = arith.constant 128 : i32
      %scan3A_156 = arith.addi %scan3A_154, %scan3A_155 : i32
      %scan3A_157 = arith.constant 1 : i32
      scf.for %scan3A_172 = %scan3A_154 to %scan3A_156 step %scan3A_157  : i32 {
        %mul3A_173 = arith.constant 1 : i32
        %mul3A_174 = arith.muli %scan3A_172, %mul3A_173 : i32
        %add3A_175 = arith.constant 0 : i32
        %add3A_176 = arith.addi %add3A_175, %mul3A_174 : i32
        %get3A = arith.index_cast %add3A_176 : i32 to index
        %get3A_177 = arith.constant 0 : index
        %get3A_178 = tpu.vector_load %arg10[%get3A, %get3A_177] {strides = array<i32>} : memref<128x64xf32, #tpu.memory_space<vmem>>, vector<16xf32>,
        %get3A_179 = arith.index_cast %add3A_176 : i32 to index
        %get3A_180 = arith.constant 0 : index
        %get3A_181 = tpu.vector_load %arg12[%get3A_179, %get3A_180] {strides = array<i32>} : memref<128x64xf32, #tpu.memory_space<vmem>>, vector<16xf32>,
        %mul3A_182 = arith.mulf %get3A_178, %get3A_181 : vector<16xf32>
        %swap3A = arith.index_cast %add3A_176 : i32 to index
        %swap3A_183 = arith.constant 0 : index
        %swap3A_184 = tpu.vector_load %arg14[%swap3A, %swap3A_183] {strides = array<i32>} : memref<128x64xf32, #tpu.memory_space<vmem>>, vector<16xf32>,
        tpu.vector_store %arg14[%swap3A, %swap3A_183], %mul3A_182 {strides = array<i32>} : memref<128x64xf32, #tpu.memory_space<vmem>>, vector<16xf32>,
        %get3A_185 = arith.index_cast %add3A_176 : i32 to index
        %get3A_186 = arith.constant 16 : index
        %get3A_187 = tpu.vector_load %arg10[%get3A_185, %get3A_186] {strides = array<i32>} : memref<128x64xf32, #tpu.memory_space<vmem>>, vector<16xf32>,
        %get3A_188 = arith.index_cast %add3A_176 : i32 to index
        %get3A_189 = arith.constant 16 : index
        %get3A_190 = tpu.vector_load %arg12[%get3A_188, %get3A_189] {strides = array<i32>} : memref<128x64xf32, #tpu.memory_space<vmem>>, vector<16xf32>,
        %mul3A_191 = arith.mulf %get3A_187, %get3A_190 : vector<16xf32>
        %swap3A_192 = arith.index_cast %add3A_176 : i32 to index
        %swap3A_193 = arith.constant 16 : index
        %swap3A_194 = tpu.vector_load %arg14[%swap3A_192, %swap3A_193] {strides = array<i32>} : memref<128x64xf32, #tpu.memory_space<vmem>>, vector<16xf32>,
        tpu.vector_store %arg14[%swap3A_192, %swap3A_193], %mul3A_191 {strides = array<i32>} : memref<128x64xf32, #tpu.memory_space<vmem>>, vector<16xf32>,
        %get3A_195 = arith.index_cast %add3A_176 : i32 to index
        %get3A_196 = arith.constant 32 : index
        %get3A_197 = tpu.vector_load %arg10[%get3A_195, %get3A_196] {strides = array<i32>} : memref<128x64xf32, #tpu.memory_space<vmem>>, vector<16xf32>,
        %get3A_198 = arith.index_cast %add3A_176 : i32 to index
        %get3A_199 = arith.constant 32 : index
        %get3A_200 = tpu.vector_load %arg12[%get3A_198, %get3A_199] {strides = array<i32>} : memref<128x64xf32, #tpu.memory_space<vmem>>, vector<16xf32>,
        %mul3A_201 = arith.mulf %get3A_197, %get3A_200 : vector<16xf32>
        %swap3A_202 = arith.index_cast %add3A_176 : i32 to index
        %swap3A_203 = arith.constant 32 : index
        %swap3A_204 = tpu.vector_load %arg14[%swap3A_202, %swap3A_203] {strides = array<i32>} : memref<128x64xf32, #tpu.memory_space<vmem>>, vector<16xf32>,
        tpu.vector_store %arg14[%swap3A_202, %swap3A_203], %mul3A_201 {strides = array<i32>} : memref<128x64xf32, #tpu.memory_space<vmem>>, vector<16xf32>,
        %get3A_205 = arith.index_cast %add3A_176 : i32 to index
        %get3A_206 = arith.constant 48 : index
        %get3A_207 = tpu.vector_load %arg10[%get3A_205, %get3A_206] {strides = array<i32>} : memref<128x64xf32, #tpu.memory_space<vmem>>, vector<16xf32>,
        %get3A_208 = arith.index_cast %add3A_176 : i32 to index
        %get3A_209 = arith.constant 48 : index
        %get3A_210 = tpu.vector_load %arg12[%get3A_208, %get3A_209] {strides = array<i32>} : memref<128x64xf32, #tpu.memory_space<vmem>>, vector<16xf32>,
        %mul3A_211 = arith.mulf %get3A_207, %get3A_210 : vector<16xf32>
        %swap3A_212 = arith.index_cast %add3A_176 : i32 to index
        %swap3A_213 = arith.constant 48 : index
        %swap3A_214 = tpu.vector_load %arg14[%swap3A_212, %swap3A_213] {strides = array<i32>} : memref<128x64xf32, #tpu.memory_space<vmem>>, vector<16xf32>,
        tpu.vector_store %arg14[%swap3A_212, %swap3A_213], %mul3A_211 {strides = array<i32>} : memref<128x64xf32, #tpu.memory_space<vmem>>, vector<16xf32>,
      }
      %scan3A_158 = arith.constant 128 : i32
      %dma_start3A_159 = arith.constant 0 : i32
      %dma_start3A_160 = tpu.memref_slice %arg8[%add3A_127, %dma_start3A_159] : memref<160x128xi32, #tpu.memory_space<vmem>> -> memref<1x128xi32, #tpu.memory_space<vmem>>
      %dma_start3A_161 = tpu.memref_squeeze %dma_start3A_160 : memref<1x128xi32, #tpu.memory_space<vmem>> -> memref<128xi32, #tpu.memory_space<vmem>>
      %dma_start3A_162 = arith.constant 0 : i32
      %dma_start3A_163 = arith.constant 0 : i32
      %dma_start3A_164 = tpu.memref_slice %arg15[%dma_start3A_162, %dma_start3A_163] : memref<10112x64xf32, #tpu.memory_space<vmem_shared>> -> memref<10112x64xf32, #tpu.memory_space<vmem_shared>>
      tpu.enqueue_indirect_dma source(%arg14 : memref<128x64xf32, #tpu.memory_space<vmem>>) target(%dma_start3A_164 : memref<10112x64xf32, #tpu.memory_space<vmem_shared>>) offsets(%dma_start3A_161 : memref<128xi32, #tpu.memory_space<vmem>>) semaphore(%arg21 : memref<!tpu.dma_semaphore, #tpu.memory_space<semaphore_mem>>) {add = true}
      %add3A_165 = arith.constant 2 : i32
      %add3A_166 = arith.addi %add3A_127, %add3A_165 : i32
      %lt3A_167 = arith.constant 160 : i32
      %lt3A_168 = arith.cmpi slt, %add3A_166, %lt3A_167 : i32
      %convert_element_type3A_169 = arith.extui %lt3A_168 : i1 to i32
      %cond3A_170 = arith.constant 0 : i32
      %cond3A_171 = arith.cmpi ne, %convert_element_type3A_169, %cond3A_170 : i32
      scf.if %cond3A_171 {
        %add3A_172 = arith.constant 2 : i32
        %add3A_173 = arith.addi %add3A_127, %add3A_172 : i32
        %dma_start3A_174 = arith.constant 0 : i32
        %dma_start3A_175 = tpu.memref_slice %arg7[%add3A_173, %dma_start3A_174] : memref<160x128xi32, #tpu.memory_space<vmem>> -> memref<1x128xi32, #tpu.memory_space<vmem>>
        %dma_start3A_176 = tpu.memref_squeeze %dma_start3A_175 : memref<1x128xi32, #tpu.memory_space<vmem>> -> memref<128xi32, #tpu.memory_space<vmem>>
        %dma_start3A_177 = arith.constant 0 : i32
        %dma_start3A_178 = arith.constant 0 : i32
        %dma_start3A_179 = tpu.memref_slice %arg2[%arg0, %dma_start3A_177, %dma_start3A_178] : memref<2x10000x64xf32, #tpu.memory_space<hbm>> -> memref<1x10000x64xf32, #tpu.memory_space<hbm>>
        %dma_start3A_180 = tpu.memref_squeeze %dma_start3A_179 : memref<1x10000x64xf32, #tpu.memory_space<hbm>> -> memref<10000x64xf32, #tpu.memory_space<hbm>>
        %dma_start3A_181 = arith.constant 0 : i32
        %dma_start3A_182 = arith.constant 0 : i32
        %dma_start3A_183 = tpu.memref_slice %dma_start3A_180[%dma_start3A_181, %dma_start3A_182] : memref<10000x64xf32, #tpu.memory_space<hbm>> -> memref<10000x64xf32, #tpu.memory_space<hbm>>
        tpu.enqueue_indirect_dma source(%dma_start3A_183 : memref<10000x64xf32, #tpu.memory_space<hbm>>) target(%arg10 : memref<128x64xf32, #tpu.memory_space<vmem>>) offsets(%dma_start3A_176 : memref<128xi32, #tpu.memory_space<vmem>>) semaphore(%arg17 : memref<!tpu.dma_semaphore, #tpu.memory_space<semaphore_mem>>)
        %add3A_184 = arith.constant 2 : i32
        %add3A_185 = arith.addi %add3A_127, %add3A_184 : i32
        %mul3A_186 = arith.constant 20480 : i32
        %mul3A_187 = arith.muli %arg1, %mul3A_186 : i32
        %mul3A_188 = arith.constant 128 : i32
        %mul3A_189 = arith.muli %add3A_185, %mul3A_188 : i32
        %add3A_190 = arith.addi %mul3A_187, %mul3A_189 : i32
        %dma_start3A_191 = arith.constant 0 : i32
        %dma_start3A_192 = tpu.memref_slice %arg3[%arg0, %add3A_190, %dma_start3A_191] : memref<2x327680x64xf32, #tpu.memory_space<hbm>> -> memref<1x128x64xf32, #tpu.memory_space<hbm>>
        %dma_start3A_193 = tpu.memref_squeeze %dma_start3A_192 : memref<1x128x64xf32, #tpu.memory_space<hbm>> -> memref<128x64xf32, #tpu.memory_space<hbm>>
        %dma_start3A_194 = arith.constant 0 : i32
        %dma_start3A_195 = tpu.memref_slice %arg3[%arg0, %add3A_190, %dma_start3A_194] : memref<2x327680x64xf32, #tpu.memory_space<hbm>> -> memref<1x128x64xf32, #tpu.memory_space<hbm>>
        %dma_start3A_196 = tpu.memref_squeeze %dma_start3A_195 : memref<1x128x64xf32, #tpu.memory_space<hbm>> -> memref<128x64xf32, #tpu.memory_space<hbm>>
        tpu.enqueue_dma source(%dma_start3A_196 : memref<128x64xf32, #tpu.memory_space<hbm>>) target(%arg12 : memref<128x64xf32, #tpu.memory_space<vmem>>) target_semaphore(%arg19 : memref<!tpu.dma_semaphore, #tpu.memory_space<semaphore_mem>>)
      } else {
      }
    }
    %scan3A_64 = arith.constant 80 : i32
    %dma_wait3A = arith.constant 158 : i32
    %dma_wait3A_65 = arith.constant 0 : i32
    %dma_wait3A_66 = tpu.memref_slice %arg8[%dma_wait3A, %dma_wait3A_65] : memref<160x128xi32, #tpu.memory_space<vmem>> -> memref<1x128xi32, #tpu.memory_space<vmem>>
    %dma_wait3A_67 = tpu.memref_squeeze %dma_wait3A_66 : memref<1x128xi32, #tpu.memory_space<vmem>> -> memref<128xi32, #tpu.memory_space<vmem>>
    %dma_wait3A_68 = arith.constant 0 : i32
    %dma_wait3A_69 = arith.constant 0 : i32
    %dma_wait3A_70 = tpu.memref_slice %arg15[%dma_wait3A_68, %dma_wait3A_69] : memref<10112x64xf32, #tpu.memory_space<vmem_shared>> -> memref<10112x64xf32, #tpu.memory_space<vmem_shared>>
    tpu.wait_indirect_dma semaphore(%arg20 : memref<!tpu.dma_semaphore, #tpu.memory_space<semaphore_mem>>) src(%arg13 : memref<128x64xf32, #tpu.memory_space<vmem>>) dst(%dma_wait3A_70 : memref<10112x64xf32, #tpu.memory_space<vmem_shared>>)
    %dma_wait3A_71 = arith.constant 159 : i32
    %dma_wait3A_72 = arith.constant 0 : i32
    %dma_wait3A_73 = tpu.memref_slice %arg8[%dma_wait3A_71, %dma_wait3A_72] : memref<160x128xi32, #tpu.memory_space<vmem>> -> memref<1x128xi32, #tpu.memory_space<vmem>>
    %dma_wait3A_74 = tpu.memref_squeeze %dma_wait3A_73 : memref<1x128xi32, #tpu.memory_space<vmem>> -> memref<128xi32, #tpu.memory_space<vmem>>
    %dma_wait3A_75 = arith.constant 0 : i32
    %dma_wait3A_76 = arith.constant 0 : i32
    %dma_wait3A_77 = tpu.memref_slice %arg15[%dma_wait3A_75, %dma_wait3A_76] : memref<10112x64xf32, #tpu.memory_space<vmem_shared>> -> memref<10112x64xf32, #tpu.memory_space<vmem_shared>>
    tpu.wait_indirect_dma semaphore(%arg21 : memref<!tpu.dma_semaphore, #tpu.memory_space<semaphore_mem>>) src(%arg14 : memref<128x64xf32, #tpu.memory_space<vmem>>) dst(%dma_wait3A_77 : memref<10112x64xf32, #tpu.memory_space<vmem_shared>>)
    %barrier3A_78 = arith.constant 0 : index
    tpu.barrier barrier_id(%barrier3A_78)
    "tpu.region"() ({
      %run_scoped3A = tpu.sem_alloc : memref<!tpu.dma_semaphore, #tpu.memory_space<semaphore_mem>>
      %dma_start3A_79 = arith.constant 0 : i32
      %dma_start3A_80 = tpu.memref_slice %arg6[%arg0, %mul3A_4, %dma_start3A_79] : memref<2x10112x64xf32, #tpu.memory_space<hbm>> -> memref<1x632x64xf32, #tpu.memory_space<hbm>>
      %dma_start3A_81 = tpu.memref_squeeze %dma_start3A_80 : memref<1x632x64xf32, #tpu.memory_space<hbm>> -> memref<632x64xf32, #tpu.memory_space<hbm>>
      %dma_start3A_82 = arith.constant 0 : i32
      %dma_start3A_83 = tpu.memref_slice %arg15[%mul3A_4, %dma_start3A_82] : memref<10112x64xf32, #tpu.memory_space<vmem_shared>> -> memref<632x64xf32, #tpu.memory_space<vmem_shared>>
      tpu.enqueue_dma source(%dma_start3A_83 : memref<632x64xf32, #tpu.memory_space<vmem_shared>>) target(%dma_start3A_81 : memref<632x64xf32, #tpu.memory_space<hbm>>) target_semaphore(%run_scoped3A : memref<!tpu.dma_semaphore, #tpu.memory_space<semaphore_mem>>)
      %dma_wait3A_84 = arith.constant 0 : i32
      %dma_wait3A_85 = tpu.memref_slice %arg6[%arg0, %mul3A_4, %dma_wait3A_84] : memref<2x10112x64xf32, #tpu.memory_space<hbm>> -> memref<1x632x64xf32, #tpu.memory_space<hbm>>
      %dma_wait3A_86 = tpu.memref_squeeze %dma_wait3A_85 : memref<1x632x64xf32, #tpu.memory_space<hbm>> -> memref<632x64xf32, #tpu.memory_space<hbm>>
      %dma_wait3A_87 = arith.constant 0 : i32
      %dma_wait3A_88 = tpu.memref_slice %arg15[%mul3A_4, %dma_wait3A_87] : memref<10112x64xf32, #tpu.memory_space<vmem_shared>> -> memref<632x64xf32, #tpu.memory_space<vmem_shared>>
      tpu.wait_dma2 semaphore(%run_scoped3A : memref<!tpu.dma_semaphore, #tpu.memory_space<semaphore_mem>>) src(%dma_wait3A_88 : memref<632x64xf32, #tpu.memory_space<vmem_shared>>) dst(%dma_wait3A_86 : memref<632x64xf32, #tpu.memory_space<hbm>>)
      tpu.yield
    }) : () -> ()
    return
  }
}

#map = affine_map<(d0, d1) -> (0)>
module attributes {stable_mosaic.version = 14 : i64} {
  func.func @_sc_d2_body(%arg0: i32, %arg1: i32, %arg2: memref<10240xf32, #tpu.memory_space<hbm>>, %arg3: memref<10240xf32, #tpu.memory_space<hbm>>, %arg4: memref<10240xf32, #tpu.memory_space<hbm>>, %arg5: memref<327680xi32, #tpu.memory_space<hbm>>, %arg6: memref<327680xi32, #tpu.memory_space<hbm>>, %arg7: memref<327680xf32, #tpu.memory_space<hbm>>, %arg8: memref<10240xf32, #tpu.memory_space<vmem>>, %arg9: memref<10240xf32, #tpu.memory_space<vmem>>, %arg10: memref<10240xf32, #tpu.memory_space<vmem>>, %arg11: memref<512xi32, #tpu.memory_space<vmem>>, %arg12: memref<512xi32, #tpu.memory_space<vmem>>, %arg13: memref<512xf32, #tpu.memory_space<vmem>>) attributes {dimension_semantics = [#tpu.dimension_semantics<core_parallel>, #tpu.dimension_semantics<subcore_parallel>], iteration_bounds = array<i64: 2, 16>, scalar_prefetch = 0 : i64, scratch_operands = 6 : i64, tpu.core_type = #tpu.core_type<sc_vector_subcore>, window_params = [{transform_indices = #map}, {transform_indices = #map}, {transform_indices = #map}, {transform_indices = #map}, {transform_indices = #map}, {transform_indices = #map}]} {
    %mul3A = arith.constant 2 : i32
    %mul3A_0 = arith.muli %arg1, %mul3A : i32
    %add3A = arith.addi %mul3A_0, %arg0 : i32
    "tpu.region"() ({
      %run_scoped3A = tpu.sem_alloc : memref<!tpu.dma_semaphore, #tpu.memory_space<semaphore_mem>>
      tpu.enqueue_dma source(%arg2 : memref<10240xf32, #tpu.memory_space<hbm>>) target(%arg8 : memref<10240xf32, #tpu.memory_space<vmem>>) target_semaphore(%run_scoped3A : memref<!tpu.dma_semaphore, #tpu.memory_space<semaphore_mem>>)
      tpu.wait_dma2 semaphore(%run_scoped3A : memref<!tpu.dma_semaphore, #tpu.memory_space<semaphore_mem>>) src(%arg2 : memref<10240xf32, #tpu.memory_space<hbm>>) dst(%arg8 : memref<10240xf32, #tpu.memory_space<vmem>>)
      tpu.yield
    }) : () -> ()
    "tpu.region"() ({
      %run_scoped3A = tpu.sem_alloc : memref<!tpu.dma_semaphore, #tpu.memory_space<semaphore_mem>>
      tpu.enqueue_dma source(%arg3 : memref<10240xf32, #tpu.memory_space<hbm>>) target(%arg9 : memref<10240xf32, #tpu.memory_space<vmem>>) target_semaphore(%run_scoped3A : memref<!tpu.dma_semaphore, #tpu.memory_space<semaphore_mem>>)
      tpu.wait_dma2 semaphore(%run_scoped3A : memref<!tpu.dma_semaphore, #tpu.memory_space<semaphore_mem>>) src(%arg3 : memref<10240xf32, #tpu.memory_space<hbm>>) dst(%arg9 : memref<10240xf32, #tpu.memory_space<vmem>>)
      tpu.yield
    }) : () -> ()
    "tpu.region"() ({
      %run_scoped3A = tpu.sem_alloc : memref<!tpu.dma_semaphore, #tpu.memory_space<semaphore_mem>>
      tpu.enqueue_dma source(%arg4 : memref<10240xf32, #tpu.memory_space<hbm>>) target(%arg10 : memref<10240xf32, #tpu.memory_space<vmem>>) target_semaphore(%run_scoped3A : memref<!tpu.dma_semaphore, #tpu.memory_space<semaphore_mem>>)
      tpu.wait_dma2 semaphore(%run_scoped3A : memref<!tpu.dma_semaphore, #tpu.memory_space<semaphore_mem>>) src(%arg4 : memref<10240xf32, #tpu.memory_space<hbm>>) dst(%arg10 : memref<10240xf32, #tpu.memory_space<vmem>>)
      tpu.yield
    }) : () -> ()
    %iota3A = tpu.iota {dimensions = array<i32: 0>} : vector<16xi32>
    %mul3A_1 = arith.constant 10240 : i32
    %mul3A_2 = arith.muli %add3A, %mul3A_1 : i32
    %scan3A = arith.constant 0 : i32
    %scan3A_3 = arith.constant 20 : i32
    %scan3A_4 = arith.addi %scan3A, %scan3A_3 : i32
    %scan3A_5 = arith.constant 1 : i32
    scf.for %scan3A_7 = %scan3A to %scan3A_4 step %scan3A_5  : i32 {
      %mul3A_8 = arith.constant 1 : i32
      %mul3A_9 = arith.muli %scan3A_7, %mul3A_8 : i32
      %add3A_10 = arith.constant 0 : i32
      %add3A_11 = arith.addi %add3A_10, %mul3A_9 : i32
      %mul3A_12 = arith.constant 512 : i32
      %mul3A_13 = arith.muli %add3A_11, %mul3A_12 : i32
      %add3A_14 = arith.addi %mul3A_2, %mul3A_13 : i32
      "tpu.region"() ({
        %run_scoped3A = tpu.sem_alloc : memref<!tpu.dma_semaphore, #tpu.memory_space<semaphore_mem>>
        %dma_start3A = tpu.memref_slice %arg5[%add3A_14] : memref<327680xi32, #tpu.memory_space<hbm>> -> memref<512xi32, #tpu.memory_space<hbm>>
        %dma_start3A_20 = tpu.memref_slice %arg5[%add3A_14] : memref<327680xi32, #tpu.memory_space<hbm>> -> memref<512xi32, #tpu.memory_space<hbm>>
        tpu.enqueue_dma source(%dma_start3A_20 : memref<512xi32, #tpu.memory_space<hbm>>) target(%arg11 : memref<512xi32, #tpu.memory_space<vmem>>) target_semaphore(%run_scoped3A : memref<!tpu.dma_semaphore, #tpu.memory_space<semaphore_mem>>)
        %dma_wait3A = tpu.memref_slice %arg5[%add3A_14] : memref<327680xi32, #tpu.memory_space<hbm>> -> memref<512xi32, #tpu.memory_space<hbm>>
        %dma_wait3A_21 = tpu.memref_slice %arg5[%add3A_14] : memref<327680xi32, #tpu.memory_space<hbm>> -> memref<512xi32, #tpu.memory_space<hbm>>
        tpu.wait_dma2 semaphore(%run_scoped3A : memref<!tpu.dma_semaphore, #tpu.memory_space<semaphore_mem>>) src(%dma_wait3A_21 : memref<512xi32, #tpu.memory_space<hbm>>) dst(%arg11 : memref<512xi32, #tpu.memory_space<vmem>>)
        tpu.yield
      }) : () -> ()
      "tpu.region"() ({
        %run_scoped3A = tpu.sem_alloc : memref<!tpu.dma_semaphore, #tpu.memory_space<semaphore_mem>>
        %dma_start3A = tpu.memref_slice %arg6[%add3A_14] : memref<327680xi32, #tpu.memory_space<hbm>> -> memref<512xi32, #tpu.memory_space<hbm>>
        %dma_start3A_20 = tpu.memref_slice %arg6[%add3A_14] : memref<327680xi32, #tpu.memory_space<hbm>> -> memref<512xi32, #tpu.memory_space<hbm>>
        tpu.enqueue_dma source(%dma_start3A_20 : memref<512xi32, #tpu.memory_space<hbm>>) target(%arg12 : memref<512xi32, #tpu.memory_space<vmem>>) target_semaphore(%run_scoped3A : memref<!tpu.dma_semaphore, #tpu.memory_space<semaphore_mem>>)
        %dma_wait3A = tpu.memref_slice %arg6[%add3A_14] : memref<327680xi32, #tpu.memory_space<hbm>> -> memref<512xi32, #tpu.memory_space<hbm>>
        %dma_wait3A_21 = tpu.memref_slice %arg6[%add3A_14] : memref<327680xi32, #tpu.memory_space<hbm>> -> memref<512xi32, #tpu.memory_space<hbm>>
        tpu.wait_dma2 semaphore(%run_scoped3A : memref<!tpu.dma_semaphore, #tpu.memory_space<semaphore_mem>>) src(%dma_wait3A_21 : memref<512xi32, #tpu.memory_space<hbm>>) dst(%arg12 : memref<512xi32, #tpu.memory_space<vmem>>)
        tpu.yield
      }) : () -> ()
      %scan3A_15 = arith.constant 0 : i32
      %scan3A_16 = arith.constant 32 : i32
      %scan3A_17 = arith.addi %scan3A_15, %scan3A_16 : i32
      %scan3A_18 = arith.constant 1 : i32
      scf.for %scan3A_20 = %scan3A_15 to %scan3A_17 step %scan3A_18  : i32 {
        %mul3A_21 = arith.constant 1 : i32
        %mul3A_22 = arith.muli %scan3A_20, %mul3A_21 : i32
        %add3A_23 = arith.constant 0 : i32
        %add3A_24 = arith.addi %add3A_23, %mul3A_22 : i32
        %mul3A_25 = arith.constant 16 : i32
        %mul3A_26 = arith.muli %add3A_24, %mul3A_25 : i32
        %get3A = arith.index_cast %mul3A_26 : i32 to index
        %get3A_27 = tpu.vector_load %arg11[%get3A] {strides = array<i32>} : memref<512xi32, #tpu.memory_space<vmem>>, vector<16xi32>,
        %get3A_28 = arith.index_cast %mul3A_26 : i32 to index
        %get3A_29 = tpu.vector_load %arg12[%get3A_28] {strides = array<i32>} : memref<512xi32, #tpu.memory_space<vmem>>, vector<16xi32>,
        %gather3A = tpu.vector_load_idx %arg8[%get3A_29] : memref<10240xf32, #tpu.memory_space<vmem>>[vector<16xi32>], vector<16xf32>,
        %gather3A_30 = tpu.vector_load_idx %arg8[%get3A_27] : memref<10240xf32, #tpu.memory_space<vmem>>[vector<16xi32>], vector<16xf32>,
        %sub3A = arith.subf %gather3A, %gather3A_30 : vector<16xf32>
        %gather3A_31 = tpu.vector_load_idx %arg9[%get3A_29] : memref<10240xf32, #tpu.memory_space<vmem>>[vector<16xi32>], vector<16xf32>,
        %gather3A_32 = tpu.vector_load_idx %arg9[%get3A_27] : memref<10240xf32, #tpu.memory_space<vmem>>[vector<16xi32>], vector<16xf32>,
        %sub3A_33 = arith.subf %gather3A_31, %gather3A_32 : vector<16xf32>
        %gather3A_34 = tpu.vector_load_idx %arg10[%get3A_29] : memref<10240xf32, #tpu.memory_space<vmem>>[vector<16xi32>], vector<16xf32>,
        %gather3A_35 = tpu.vector_load_idx %arg10[%get3A_27] : memref<10240xf32, #tpu.memory_space<vmem>>[vector<16xi32>], vector<16xf32>,
        %sub3A_36 = arith.subf %gather3A_34, %gather3A_35 : vector<16xf32>
        %mul3A_37 = arith.mulf %sub3A, %sub3A : vector<16xf32>
        %mul3A_38 = arith.mulf %sub3A_33, %sub3A_33 : vector<16xf32>
        %add3A_39 = arith.addf %mul3A_37, %mul3A_38 : vector<16xf32>
        %mul3A_40 = arith.mulf %sub3A_36, %sub3A_36 : vector<16xf32>
        %add3A_41 = arith.addf %add3A_39, %mul3A_40 : vector<16xf32>
        %mul3A_42 = arith.constant 16 : i32
        %mul3A_43 = arith.muli %add3A_24, %mul3A_42 : i32
        %add3A_44 = arith.addi %add3A_14, %mul3A_43 : i32
        %add3A_45 = vector.broadcast %add3A_44 : i32 to vector<16xi32>
        %add3A_46 = arith.addi %add3A_45, %iota3A : vector<16xi32>
        %lt3A = arith.constant 320000 : i32
        %lt3A_47 = vector.broadcast %lt3A : i32 to vector<16xi32>
        %lt3A_48 = arith.cmpi slt, %add3A_46, %lt3A_47 : vector<16xi32>
        %jit3A = arith.constant 1.000000e+02 : f32
        %broadcast_in_dim3A = vector.broadcast %jit3A : f32 to vector<16xf32>
        %select_n3A = arith.select %lt3A_48, %add3A_41, %broadcast_in_dim3A : vector<16xi1>, vector<16xf32>
        %swap3A = arith.index_cast %mul3A_26 : i32 to index
        %swap3A_49 = tpu.vector_load %arg13[%swap3A] {strides = array<i32>} : memref<512xf32, #tpu.memory_space<vmem>>, vector<16xf32>,
        tpu.vector_store %arg13[%swap3A], %select_n3A {strides = array<i32>} : memref<512xf32, #tpu.memory_space<vmem>>, vector<16xf32>,
      }
      %scan3A_19 = arith.constant 32 : i32
      "tpu.region"() ({
        %run_scoped3A = tpu.sem_alloc : memref<!tpu.dma_semaphore, #tpu.memory_space<semaphore_mem>>
        %dma_start3A = tpu.memref_slice %arg7[%add3A_14] : memref<327680xf32, #tpu.memory_space<hbm>> -> memref<512xf32, #tpu.memory_space<hbm>>
        %dma_start3A_20 = tpu.memref_slice %arg7[%add3A_14] : memref<327680xf32, #tpu.memory_space<hbm>> -> memref<512xf32, #tpu.memory_space<hbm>>
        tpu.enqueue_dma source(%arg13 : memref<512xf32, #tpu.memory_space<vmem>>) target(%dma_start3A_20 : memref<512xf32, #tpu.memory_space<hbm>>) target_semaphore(%run_scoped3A : memref<!tpu.dma_semaphore, #tpu.memory_space<semaphore_mem>>)
        %dma_wait3A = tpu.memref_slice %arg7[%add3A_14] : memref<327680xf32, #tpu.memory_space<hbm>> -> memref<512xf32, #tpu.memory_space<hbm>>
        %dma_wait3A_21 = tpu.memref_slice %arg7[%add3A_14] : memref<327680xf32, #tpu.memory_space<hbm>> -> memref<512xf32, #tpu.memory_space<hbm>>
        tpu.wait_dma2 semaphore(%run_scoped3A : memref<!tpu.dma_semaphore, #tpu.memory_space<semaphore_mem>>) src(%arg13 : memref<512xf32, #tpu.memory_space<vmem>>) dst(%dma_wait3A_21 : memref<512xf32, #tpu.memory_space<hbm>>)
        tpu.yield
      }) : () -> ()
    }
    %scan3A_6 = arith.constant 20 : i32
    return
  }
}

#map = affine_map<(d0, d1) -> (0, 0, 0)>
#map1 = affine_map<(d0, d1) -> (0, 0)>
module attributes {stable_mosaic.version = 14 : i64} {
  func.func @_sc_cfconv_body(%arg0: i32, %arg1: i32, %arg2: memref<2x10000x64xf32, #tpu.memory_space<hbm>>, %arg3: memref<2x327680x64xf32, #tpu.memory_space<hbm>>, %arg4: memref<2560x128xi32, #tpu.memory_space<hbm>>, %arg5: memref<2560x128xi32, #tpu.memory_space<hbm>>, %arg6: memref<2x10112x64xf32, #tpu.memory_space<hbm>>, %arg7: memref<160x128xi32, #tpu.memory_space<vmem>>, %arg8: memref<160x128xi32, #tpu.memory_space<vmem>>, %arg9: memref<128x64xf32, #tpu.memory_space<vmem>>, %arg10: memref<128x64xf32, #tpu.memory_space<vmem>>, %arg11: memref<128x64xf32, #tpu.memory_space<vmem>>, %arg12: memref<128x64xf32, #tpu.memory_space<vmem>>, %arg13: memref<128x64xf32, #tpu.memory_space<vmem>>, %arg14: memref<128x64xf32, #tpu.memory_space<vmem>>, %arg15: memref<10112x64xf32, #tpu.memory_space<vmem_shared>>, %arg16: memref<!tpu.dma_semaphore, #tpu.memory_space<semaphore_mem>>, %arg17: memref<!tpu.dma_semaphore, #tpu.memory_space<semaphore_mem>>, %arg18: memref<!tpu.dma_semaphore, #tpu.memory_space<semaphore_mem>>, %arg19: memref<!tpu.dma_semaphore, #tpu.memory_space<semaphore_mem>>, %arg20: memref<!tpu.dma_semaphore, #tpu.memory_space<semaphore_mem>>, %arg21: memref<!tpu.dma_semaphore, #tpu.memory_space<semaphore_mem>>) attributes {dimension_semantics = [#tpu.dimension_semantics<core_parallel>, #tpu.dimension_semantics<subcore_parallel>], iteration_bounds = array<i64: 2, 16>, scalar_prefetch = 0 : i64, scratch_operands = 15 : i64, tpu.core_type = #tpu.core_type<sc_vector_subcore>, window_params = [{transform_indices = #map}, {transform_indices = #map}, {transform_indices = #map1}, {transform_indices = #map1}, {transform_indices = #map}]} {
    %scan3A = arith.constant 0 : i32
    %scan3A_0 = arith.constant 128 : i32
    %scan3A_1 = arith.addi %scan3A, %scan3A_0 : i32
    %scan3A_2 = arith.constant 1 : i32
    scf.for %scan3A_79 = %scan3A to %scan3A_1 step %scan3A_2  : i32 {
      %mul3A_80 = arith.constant 1 : i32
      %mul3A_81 = arith.muli %scan3A_79, %mul3A_80 : i32
      %add3A_82 = arith.constant 0 : i32
      %add3A_83 = arith.addi %add3A_82, %mul3A_81 : i32
      %broadcast_in_dim3A = arith.constant 0.000000e+00 : f32
      %broadcast_in_dim3A_84 = vector.broadcast %broadcast_in_dim3A : f32 to vector<16xf32>
      %swap3A = arith.index_cast %add3A_83 : i32 to index
      %swap3A_85 = arith.constant 0 : index
      %swap3A_86 = tpu.vector_load %arg9[%swap3A, %swap3A_85] {strides = array<i32>} : memref<128x64xf32, #tpu.memory_space<vmem>>, vector<16xf32>,
      tpu.vector_store %arg9[%swap3A, %swap3A_85], %broadcast_in_dim3A_84 {strides = array<i32>} : memref<128x64xf32, #tpu.memory_space<vmem>>, vector<16xf32>,
      %broadcast_in_dim3A_87 = arith.constant 0.000000e+00 : f32
      %broadcast_in_dim3A_88 = vector.broadcast %broadcast_in_dim3A_87 : f32 to vector<16xf32>
      %swap3A_89 = arith.index_cast %add3A_83 : i32 to index
      %swap3A_90 = arith.constant 16 : index
      %swap3A_91 = tpu.vector_load %arg9[%swap3A_89, %swap3A_90] {strides = array<i32>} : memref<128x64xf32, #tpu.memory_space<vmem>>, vector<16xf32>,
      tpu.vector_store %arg9[%swap3A_89, %swap3A_90], %broadcast_in_dim3A_88 {strides = array<i32>} : memref<128x64xf32, #tpu.memory_space<vmem>>, vector<16xf32>,
      %broadcast_in_dim3A_92 = arith.constant 0.000000e+00 : f32
      %broadcast_in_dim3A_93 = vector.broadcast %broadcast_in_dim3A_92 : f32 to vector<16xf32>
      %swap3A_94 = arith.index_cast %add3A_83 : i32 to index
      %swap3A_95 = arith.constant 32 : index
      %swap3A_96 = tpu.vector_load %arg9[%swap3A_94, %swap3A_95] {strides = array<i32>} : memref<128x64xf32, #tpu.memory_space<vmem>>, vector<16xf32>,
      tpu.vector_store %arg9[%swap3A_94, %swap3A_95], %broadcast_in_dim3A_93 {strides = array<i32>} : memref<128x64xf32, #tpu.memory_space<vmem>>, vector<16xf32>,
      %broadcast_in_dim3A_97 = arith.constant 0.000000e+00 : f32
      %broadcast_in_dim3A_98 = vector.broadcast %broadcast_in_dim3A_97 : f32 to vector<16xf32>
      %swap3A_99 = arith.index_cast %add3A_83 : i32 to index
      %swap3A_100 = arith.constant 48 : index
      %swap3A_101 = tpu.vector_load %arg9[%swap3A_99, %swap3A_100] {strides = array<i32>} : memref<128x64xf32, #tpu.memory_space<vmem>>, vector<16xf32>,
      tpu.vector_store %arg9[%swap3A_99, %swap3A_100], %broadcast_in_dim3A_98 {strides = array<i32>} : memref<128x64xf32, #tpu.memory_space<vmem>>, vector<16xf32>,
    }
    %scan3A_3 = arith.constant 128 : i32
    %mul3A = arith.constant 632 : i32
    %mul3A_4 = arith.muli %arg1, %mul3A : i32
    %add3A = arith.constant 0 : i32
    %add3A_5 = arith.addi %mul3A_4, %add3A : i32
    "tpu.region"() ({
      %run_scoped3A = tpu.sem_alloc : memref<!tpu.dma_semaphore, #tpu.memory_space<semaphore_mem>>
      %dma_start3A_79 = arith.constant 0 : i32
      %dma_start3A_80 = arith.constant 0 : i32
      %dma_start3A_81 = tpu.memref_slice %arg9[%dma_start3A_79, %dma_start3A_80] : memref<128x64xf32, #tpu.memory_space<vmem>> -> memref<128x64xf32, #tpu.memory_space<vmem>>
      %dma_start3A_82 = arith.constant 0 : i32
      %dma_start3A_83 = tpu.memref_slice %arg15[%add3A_5, %dma_start3A_82] : memref<10112x64xf32, #tpu.memory_space<vmem_shared>> -> memref<128x64xf32, #tpu.memory_space<vmem_shared>>
      %dma_start3A_84 = arith.constant 0 : i32
      %dma_start3A_85 = tpu.memref_slice %arg15[%add3A_5, %dma_start3A_84] : memref<10112x64xf32, #tpu.memory_space<vmem_shared>> -> memref<128x64xf32, #tpu.memory_space<vmem_shared>>
      %dma_start3A_86 = arith.constant 0 : i32
      %dma_start3A_87 = arith.constant 0 : i32
      %dma_start3A_88 = tpu.memref_slice %arg9[%dma_start3A_86, %dma_start3A_87] : memref<128x64xf32, #tpu.memory_space<vmem>> -> memref<128x64xf32, #tpu.memory_space<vmem>>
      tpu.enqueue_dma source(%dma_start3A_88 : memref<128x64xf32, #tpu.memory_space<vmem>>) target(%dma_start3A_85 : memref<128x64xf32, #tpu.memory_space<vmem_shared>>) target_semaphore(%run_scoped3A : memref<!tpu.dma_semaphore, #tpu.memory_space<semaphore_mem>>)
      %dma_wait3A_89 = arith.constant 0 : i32
      %dma_wait3A_90 = arith.constant 0 : i32
      %dma_wait3A_91 = tpu.memref_slice %arg9[%dma_wait3A_89, %dma_wait3A_90] : memref<128x64xf32, #tpu.memory_space<vmem>> -> memref<128x64xf32, #tpu.memory_space<vmem>>
      %dma_wait3A_92 = arith.constant 0 : i32
      %dma_wait3A_93 = tpu.memref_slice %arg15[%add3A_5, %dma_wait3A_92] : memref<10112x64xf32, #tpu.memory_space<vmem_shared>> -> memref<128x64xf32, #tpu.memory_space<vmem_shared>>
      %dma_wait3A_94 = arith.constant 0 : i32
      %dma_wait3A_95 = tpu.memref_slice %arg15[%add3A_5, %dma_wait3A_94] : memref<10112x64xf32, #tpu.memory_space<vmem_shared>> -> memref<128x64xf32, #tpu.memory_space<vmem_shared>>
      %dma_wait3A_96 = arith.constant 0 : i32
      %dma_wait3A_97 = arith.constant 0 : i32
      %dma_wait3A_98 = tpu.memref_slice %arg9[%dma_wait3A_96, %dma_wait3A_97] : memref<128x64xf32, #tpu.memory_space<vmem>> -> memref<128x64xf32, #tpu.memory_space<vmem>>
      tpu.wait_dma2 semaphore(%run_scoped3A : memref<!tpu.dma_semaphore, #tpu.memory_space<semaphore_mem>>) src(%dma_wait3A_98 : memref<128x64xf32, #tpu.memory_space<vmem>>) dst(%dma_wait3A_95 : memref<128x64xf32, #tpu.memory_space<vmem_shared>>)
      tpu.yield
    }) : () -> ()
    %add3A_6 = arith.constant 128 : i32
    %add3A_7 = arith.addi %mul3A_4, %add3A_6 : i32
    "tpu.region"() ({
      %run_scoped3A = tpu.sem_alloc : memref<!tpu.dma_semaphore, #tpu.memory_space<semaphore_mem>>
      %dma_start3A_79 = arith.constant 0 : i32
      %dma_start3A_80 = arith.constant 0 : i32
      %dma_start3A_81 = tpu.memref_slice %arg9[%dma_start3A_79, %dma_start3A_80] : memref<128x64xf32, #tpu.memory_space<vmem>> -> memref<128x64xf32, #tpu.memory_space<vmem>>
      %dma_start3A_82 = arith.constant 0 : i32
      %dma_start3A_83 = tpu.memref_slice %arg15[%add3A_7, %dma_start3A_82] : memref<10112x64xf32, #tpu.memory_space<vmem_shared>> -> memref<128x64xf32, #tpu.memory_space<vmem_shared>>
      %dma_start3A_84 = arith.constant 0 : i32
      %dma_start3A_85 = tpu.memref_slice %arg15[%add3A_7, %dma_start3A_84] : memref<10112x64xf32, #tpu.memory_space<vmem_shared>> -> memref<128x64xf32, #tpu.memory_space<vmem_shared>>
      %dma_start3A_86 = arith.constant 0 : i32
      %dma_start3A_87 = arith.constant 0 : i32
      %dma_start3A_88 = tpu.memref_slice %arg9[%dma_start3A_86, %dma_start3A_87] : memref<128x64xf32, #tpu.memory_space<vmem>> -> memref<128x64xf32, #tpu.memory_space<vmem>>
      tpu.enqueue_dma source(%dma_start3A_88 : memref<128x64xf32, #tpu.memory_space<vmem>>) target(%dma_start3A_85 : memref<128x64xf32, #tpu.memory_space<vmem_shared>>) target_semaphore(%run_scoped3A : memref<!tpu.dma_semaphore, #tpu.memory_space<semaphore_mem>>)
      %dma_wait3A_89 = arith.constant 0 : i32
      %dma_wait3A_90 = arith.constant 0 : i32
      %dma_wait3A_91 = tpu.memref_slice %arg9[%dma_wait3A_89, %dma_wait3A_90] : memref<128x64xf32, #tpu.memory_space<vmem>> -> memref<128x64xf32, #tpu.memory_space<vmem>>
      %dma_wait3A_92 = arith.constant 0 : i32
      %dma_wait3A_93 = tpu.memref_slice %arg15[%add3A_7, %dma_wait3A_92] : memref<10112x64xf32, #tpu.memory_space<vmem_shared>> -> memref<128x64xf32, #tpu.memory_space<vmem_shared>>
      %dma_wait3A_94 = arith.constant 0 : i32
      %dma_wait3A_95 = tpu.memref_slice %arg15[%add3A_7, %dma_wait3A_94] : memref<10112x64xf32, #tpu.memory_space<vmem_shared>> -> memref<128x64xf32, #tpu.memory_space<vmem_shared>>
      %dma_wait3A_96 = arith.constant 0 : i32
      %dma_wait3A_97 = arith.constant 0 : i32
      %dma_wait3A_98 = tpu.memref_slice %arg9[%dma_wait3A_96, %dma_wait3A_97] : memref<128x64xf32, #tpu.memory_space<vmem>> -> memref<128x64xf32, #tpu.memory_space<vmem>>
      tpu.wait_dma2 semaphore(%run_scoped3A : memref<!tpu.dma_semaphore, #tpu.memory_space<semaphore_mem>>) src(%dma_wait3A_98 : memref<128x64xf32, #tpu.memory_space<vmem>>) dst(%dma_wait3A_95 : memref<128x64xf32, #tpu.memory_space<vmem_shared>>)
      tpu.yield
    }) : () -> ()
    %add3A_8 = arith.constant 256 : i32
    %add3A_9 = arith.addi %mul3A_4, %add3A_8 : i32
    "tpu.region"() ({
      %run_scoped3A = tpu.sem_alloc : memref<!tpu.dma_semaphore, #tpu.memory_space<semaphore_mem>>
      %dma_start3A_79 = arith.constant 0 : i32
      %dma_start3A_80 = arith.constant 0 : i32
      %dma_start3A_81 = tpu.memref_slice %arg9[%dma_start3A_79, %dma_start3A_80] : memref<128x64xf32, #tpu.memory_space<vmem>> -> memref<128x64xf32, #tpu.memory_space<vmem>>
      %dma_start3A_82 = arith.constant 0 : i32
      %dma_start3A_83 = tpu.memref_slice %arg15[%add3A_9, %dma_start3A_82] : memref<10112x64xf32, #tpu.memory_space<vmem_shared>> -> memref<128x64xf32, #tpu.memory_space<vmem_shared>>
      %dma_start3A_84 = arith.constant 0 : i32
      %dma_start3A_85 = tpu.memref_slice %arg15[%add3A_9, %dma_start3A_84] : memref<10112x64xf32, #tpu.memory_space<vmem_shared>> -> memref<128x64xf32, #tpu.memory_space<vmem_shared>>
      %dma_start3A_86 = arith.constant 0 : i32
      %dma_start3A_87 = arith.constant 0 : i32
      %dma_start3A_88 = tpu.memref_slice %arg9[%dma_start3A_86, %dma_start3A_87] : memref<128x64xf32, #tpu.memory_space<vmem>> -> memref<128x64xf32, #tpu.memory_space<vmem>>
      tpu.enqueue_dma source(%dma_start3A_88 : memref<128x64xf32, #tpu.memory_space<vmem>>) target(%dma_start3A_85 : memref<128x64xf32, #tpu.memory_space<vmem_shared>>) target_semaphore(%run_scoped3A : memref<!tpu.dma_semaphore, #tpu.memory_space<semaphore_mem>>)
      %dma_wait3A_89 = arith.constant 0 : i32
      %dma_wait3A_90 = arith.constant 0 : i32
      %dma_wait3A_91 = tpu.memref_slice %arg9[%dma_wait3A_89, %dma_wait3A_90] : memref<128x64xf32, #tpu.memory_space<vmem>> -> memref<128x64xf32, #tpu.memory_space<vmem>>
      %dma_wait3A_92 = arith.constant 0 : i32
      %dma_wait3A_93 = tpu.memref_slice %arg15[%add3A_9, %dma_wait3A_92] : memref<10112x64xf32, #tpu.memory_space<vmem_shared>> -> memref<128x64xf32, #tpu.memory_space<vmem_shared>>
      %dma_wait3A_94 = arith.constant 0 : i32
      %dma_wait3A_95 = tpu.memref_slice %arg15[%add3A_9, %dma_wait3A_94] : memref<10112x64xf32, #tpu.memory_space<vmem_shared>> -> memref<128x64xf32, #tpu.memory_space<vmem_shared>>
      %dma_wait3A_96 = arith.constant 0 : i32
      %dma_wait3A_97 = arith.constant 0 : i32
      %dma_wait3A_98 = tpu.memref_slice %arg9[%dma_wait3A_96, %dma_wait3A_97] : memref<128x64xf32, #tpu.memory_space<vmem>> -> memref<128x64xf32, #tpu.memory_space<vmem>>
      tpu.wait_dma2 semaphore(%run_scoped3A : memref<!tpu.dma_semaphore, #tpu.memory_space<semaphore_mem>>) src(%dma_wait3A_98 : memref<128x64xf32, #tpu.memory_space<vmem>>) dst(%dma_wait3A_95 : memref<128x64xf32, #tpu.memory_space<vmem_shared>>)
      tpu.yield
    }) : () -> ()
    %add3A_10 = arith.constant 384 : i32
    %add3A_11 = arith.addi %mul3A_4, %add3A_10 : i32
    "tpu.region"() ({
      %run_scoped3A = tpu.sem_alloc : memref<!tpu.dma_semaphore, #tpu.memory_space<semaphore_mem>>
      %dma_start3A_79 = arith.constant 0 : i32
      %dma_start3A_80 = arith.constant 0 : i32
      %dma_start3A_81 = tpu.memref_slice %arg9[%dma_start3A_79, %dma_start3A_80] : memref<128x64xf32, #tpu.memory_space<vmem>> -> memref<128x64xf32, #tpu.memory_space<vmem>>
      %dma_start3A_82 = arith.constant 0 : i32
      %dma_start3A_83 = tpu.memref_slice %arg15[%add3A_11, %dma_start3A_82] : memref<10112x64xf32, #tpu.memory_space<vmem_shared>> -> memref<128x64xf32, #tpu.memory_space<vmem_shared>>
      %dma_start3A_84 = arith.constant 0 : i32
      %dma_start3A_85 = tpu.memref_slice %arg15[%add3A_11, %dma_start3A_84] : memref<10112x64xf32, #tpu.memory_space<vmem_shared>> -> memref<128x64xf32, #tpu.memory_space<vmem_shared>>
      %dma_start3A_86 = arith.constant 0 : i32
      %dma_start3A_87 = arith.constant 0 : i32
      %dma_start3A_88 = tpu.memref_slice %arg9[%dma_start3A_86, %dma_start3A_87] : memref<128x64xf32, #tpu.memory_space<vmem>> -> memref<128x64xf32, #tpu.memory_space<vmem>>
      tpu.enqueue_dma source(%dma_start3A_88 : memref<128x64xf32, #tpu.memory_space<vmem>>) target(%dma_start3A_85 : memref<128x64xf32, #tpu.memory_space<vmem_shared>>) target_semaphore(%run_scoped3A : memref<!tpu.dma_semaphore, #tpu.memory_space<semaphore_mem>>)
      %dma_wait3A_89 = arith.constant 0 : i32
      %dma_wait3A_90 = arith.constant 0 : i32
      %dma_wait3A_91 = tpu.memref_slice %arg9[%dma_wait3A_89, %dma_wait3A_90] : memref<128x64xf32, #tpu.memory_space<vmem>> -> memref<128x64xf32, #tpu.memory_space<vmem>>
      %dma_wait3A_92 = arith.constant 0 : i32
      %dma_wait3A_93 = tpu.memref_slice %arg15[%add3A_11, %dma_wait3A_92] : memref<10112x64xf32, #tpu.memory_space<vmem_shared>> -> memref<128x64xf32, #tpu.memory_space<vmem_shared>>
      %dma_wait3A_94 = arith.constant 0 : i32
      %dma_wait3A_95 = tpu.memref_slice %arg15[%add3A_11, %dma_wait3A_94] : memref<10112x64xf32, #tpu.memory_space<vmem_shared>> -> memref<128x64xf32, #tpu.memory_space<vmem_shared>>
      %dma_wait3A_96 = arith.constant 0 : i32
      %dma_wait3A_97 = arith.constant 0 : i32
      %dma_wait3A_98 = tpu.memref_slice %arg9[%dma_wait3A_96, %dma_wait3A_97] : memref<128x64xf32, #tpu.memory_space<vmem>> -> memref<128x64xf32, #tpu.memory_space<vmem>>
      tpu.wait_dma2 semaphore(%run_scoped3A : memref<!tpu.dma_semaphore, #tpu.memory_space<semaphore_mem>>) src(%dma_wait3A_98 : memref<128x64xf32, #tpu.memory_space<vmem>>) dst(%dma_wait3A_95 : memref<128x64xf32, #tpu.memory_space<vmem_shared>>)
      tpu.yield
    }) : () -> ()
    %add3A_12 = arith.constant 632 : i32
    %add3A_13 = arith.addi %mul3A_4, %add3A_12 : i32
    %sub3A = arith.constant 120 : i32
    %sub3A_14 = arith.subi %add3A_13, %sub3A : i32
    "tpu.region"() ({
      %run_scoped3A = tpu.sem_alloc : memref<!tpu.dma_semaphore, #tpu.memory_space<semaphore_mem>>
      %dma_start3A_79 = arith.constant 0 : i32
      %dma_start3A_80 = arith.constant 0 : i32
      %dma_start3A_81 = tpu.memref_slice %arg9[%dma_start3A_79, %dma_start3A_80] : memref<128x64xf32, #tpu.memory_space<vmem>> -> memref<120x64xf32, #tpu.memory_space<vmem>>
      %dma_start3A_82 = arith.constant 0 : i32
      %dma_start3A_83 = tpu.memref_slice %arg15[%sub3A_14, %dma_start3A_82] : memref<10112x64xf32, #tpu.memory_space<vmem_shared>> -> memref<120x64xf32, #tpu.memory_space<vmem_shared>>
      %dma_start3A_84 = arith.constant 0 : i32
      %dma_start3A_85 = tpu.memref_slice %arg15[%sub3A_14, %dma_start3A_84] : memref<10112x64xf32, #tpu.memory_space<vmem_shared>> -> memref<120x64xf32, #tpu.memory_space<vmem_shared>>
      %dma_start3A_86 = arith.constant 0 : i32
      %dma_start3A_87 = arith.constant 0 : i32
      %dma_start3A_88 = tpu.memref_slice %arg9[%dma_start3A_86, %dma_start3A_87] : memref<128x64xf32, #tpu.memory_space<vmem>> -> memref<120x64xf32, #tpu.memory_space<vmem>>
      tpu.enqueue_dma source(%dma_start3A_88 : memref<120x64xf32, #tpu.memory_space<vmem>>) target(%dma_start3A_85 : memref<120x64xf32, #tpu.memory_space<vmem_shared>>) target_semaphore(%run_scoped3A : memref<!tpu.dma_semaphore, #tpu.memory_space<semaphore_mem>>)
      %dma_wait3A_89 = arith.constant 0 : i32
      %dma_wait3A_90 = arith.constant 0 : i32
      %dma_wait3A_91 = tpu.memref_slice %arg9[%dma_wait3A_89, %dma_wait3A_90] : memref<128x64xf32, #tpu.memory_space<vmem>> -> memref<120x64xf32, #tpu.memory_space<vmem>>
      %dma_wait3A_92 = arith.constant 0 : i32
      %dma_wait3A_93 = tpu.memref_slice %arg15[%sub3A_14, %dma_wait3A_92] : memref<10112x64xf32, #tpu.memory_space<vmem_shared>> -> memref<120x64xf32, #tpu.memory_space<vmem_shared>>
      %dma_wait3A_94 = arith.constant 0 : i32
      %dma_wait3A_95 = tpu.memref_slice %arg15[%sub3A_14, %dma_wait3A_94] : memref<10112x64xf32, #tpu.memory_space<vmem_shared>> -> memref<120x64xf32, #tpu.memory_space<vmem_shared>>
      %dma_wait3A_96 = arith.constant 0 : i32
      %dma_wait3A_97 = arith.constant 0 : i32
      %dma_wait3A_98 = tpu.memref_slice %arg9[%dma_wait3A_96, %dma_wait3A_97] : memref<128x64xf32, #tpu.memory_space<vmem>> -> memref<120x64xf32, #tpu.memory_space<vmem>>
      tpu.wait_dma2 semaphore(%run_scoped3A : memref<!tpu.dma_semaphore, #tpu.memory_space<semaphore_mem>>) src(%dma_wait3A_98 : memref<120x64xf32, #tpu.memory_space<vmem>>) dst(%dma_wait3A_95 : memref<120x64xf32, #tpu.memory_space<vmem_shared>>)
      tpu.yield
    }) : () -> ()
    %barrier3A = arith.constant 0 : index
    tpu.barrier barrier_id(%barrier3A)
    %mul3A_15 = arith.constant 160 : i32
    %mul3A_16 = arith.muli %arg1, %mul3A_15 : i32
    "tpu.region"() ({
      %run_scoped3A = tpu.sem_alloc : memref<!tpu.dma_semaphore, #tpu.memory_space<semaphore_mem>>
      %dma_start3A_79 = arith.constant 0 : i32
      %dma_start3A_80 = tpu.memref_slice %arg4[%mul3A_16, %dma_start3A_79] : memref<2560x128xi32, #tpu.memory_space<hbm>> -> memref<160x128xi32, #tpu.memory_space<hbm>>
      %dma_start3A_81 = arith.constant 0 : i32
      %dma_start3A_82 = tpu.memref_slice %arg4[%mul3A_16, %dma_start3A_81] : memref<2560x128xi32, #tpu.memory_space<hbm>> -> memref<160x128xi32, #tpu.memory_space<hbm>>
      tpu.enqueue_dma source(%dma_start3A_82 : memref<160x128xi32, #tpu.memory_space<hbm>>) target(%arg7 : memref<160x128xi32, #tpu.memory_space<vmem>>) target_semaphore(%run_scoped3A : memref<!tpu.dma_semaphore, #tpu.memory_space<semaphore_mem>>)
      %dma_wait3A_83 = arith.constant 0 : i32
      %dma_wait3A_84 = tpu.memref_slice %arg4[%mul3A_16, %dma_wait3A_83] : memref<2560x128xi32, #tpu.memory_space<hbm>> -> memref<160x128xi32, #tpu.memory_space<hbm>>
      %dma_wait3A_85 = arith.constant 0 : i32
      %dma_wait3A_86 = tpu.memref_slice %arg4[%mul3A_16, %dma_wait3A_85] : memref<2560x128xi32, #tpu.memory_space<hbm>> -> memref<160x128xi32, #tpu.memory_space<hbm>>
      tpu.wait_dma2 semaphore(%run_scoped3A : memref<!tpu.dma_semaphore, #tpu.memory_space<semaphore_mem>>) src(%dma_wait3A_86 : memref<160x128xi32, #tpu.memory_space<hbm>>) dst(%arg7 : memref<160x128xi32, #tpu.memory_space<vmem>>)
      tpu.yield
    }) : () -> ()
    %mul3A_17 = arith.constant 160 : i32
    %mul3A_18 = arith.muli %arg1, %mul3A_17 : i32
    "tpu.region"() ({
      %run_scoped3A = tpu.sem_alloc : memref<!tpu.dma_semaphore, #tpu.memory_space<semaphore_mem>>
      %dma_start3A_79 = arith.constant 0 : i32
      %dma_start3A_80 = tpu.memref_slice %arg5[%mul3A_18, %dma_start3A_79] : memref<2560x128xi32, #tpu.memory_space<hbm>> -> memref<160x128xi32, #tpu.memory_space<hbm>>
      %dma_start3A_81 = arith.constant 0 : i32
      %dma_start3A_82 = tpu.memref_slice %arg5[%mul3A_18, %dma_start3A_81] : memref<2560x128xi32, #tpu.memory_space<hbm>> -> memref<160x128xi32, #tpu.memory_space<hbm>>
      tpu.enqueue_dma source(%dma_start3A_82 : memref<160x128xi32, #tpu.memory_space<hbm>>) target(%arg8 : memref<160x128xi32, #tpu.memory_space<vmem>>) target_semaphore(%run_scoped3A : memref<!tpu.dma_semaphore, #tpu.memory_space<semaphore_mem>>)
      %dma_wait3A_83 = arith.constant 0 : i32
      %dma_wait3A_84 = tpu.memref_slice %arg5[%mul3A_18, %dma_wait3A_83] : memref<2560x128xi32, #tpu.memory_space<hbm>> -> memref<160x128xi32, #tpu.memory_space<hbm>>
      %dma_wait3A_85 = arith.constant 0 : i32
      %dma_wait3A_86 = tpu.memref_slice %arg5[%mul3A_18, %dma_wait3A_85] : memref<2560x128xi32, #tpu.memory_space<hbm>> -> memref<160x128xi32, #tpu.memory_space<hbm>>
      tpu.wait_dma2 semaphore(%run_scoped3A : memref<!tpu.dma_semaphore, #tpu.memory_space<semaphore_mem>>) src(%dma_wait3A_86 : memref<160x128xi32, #tpu.memory_space<hbm>>) dst(%arg8 : memref<160x128xi32, #tpu.memory_space<vmem>>)
      tpu.yield
    }) : () -> ()
    %dma_start3A = arith.constant 0 : i32
    %dma_start3A_19 = arith.constant 0 : i32
    %dma_start3A_20 = tpu.memref_slice %arg7[%dma_start3A, %dma_start3A_19] : memref<160x128xi32, #tpu.memory_space<vmem>> -> memref<1x128xi32, #tpu.memory_space<vmem>>
    %dma_start3A_21 = tpu.memref_squeeze %dma_start3A_20 : memref<1x128xi32, #tpu.memory_space<vmem>> -> memref<128xi32, #tpu.memory_space<vmem>>
    %dma_start3A_22 = arith.constant 0 : i32
    %dma_start3A_23 = arith.constant 0 : i32
    %dma_start3A_24 = tpu.memref_slice %arg2[%arg0, %dma_start3A_22, %dma_start3A_23] : memref<2x10000x64xf32, #tpu.memory_space<hbm>> -> memref<1x10000x64xf32, #tpu.memory_space<hbm>>
    %dma_start3A_25 = tpu.memref_squeeze %dma_start3A_24 : memref<1x10000x64xf32, #tpu.memory_space<hbm>> -> memref<10000x64xf32, #tpu.memory_space<hbm>>
    %dma_start3A_26 = arith.constant 0 : i32
    %dma_start3A_27 = arith.constant 0 : i32
    %dma_start3A_28 = tpu.memref_slice %dma_start3A_25[%dma_start3A_26, %dma_start3A_27] : memref<10000x64xf32, #tpu.memory_space<hbm>> -> memref<10000x64xf32, #tpu.memory_space<hbm>>
    tpu.enqueue_indirect_dma source(%dma_start3A_28 : memref<10000x64xf32, #tpu.memory_space<hbm>>) target(%arg9 : memref<128x64xf32, #tpu.memory_space<vmem>>) offsets(%dma_start3A_21 : memref<128xi32, #tpu.memory_space<vmem>>) semaphore(%arg16 : memref<!tpu.dma_semaphore, #tpu.memory_space<semaphore_mem>>)
    %dma_start3A_29 = arith.constant 1 : i32
    %dma_start3A_30 = arith.constant 0 : i32
    %dma_start3A_31 = tpu.memref_slice %arg7[%dma_start3A_29, %dma_start3A_30] : memref<160x128xi32, #tpu.memory_space<vmem>> -> memref<1x128xi32, #tpu.memory_space<vmem>>
    %dma_start3A_32 = tpu.memref_squeeze %dma_start3A_31 : memref<1x128xi32, #tpu.memory_space<vmem>> -> memref<128xi32, #tpu.memory_space<vmem>>
    %dma_start3A_33 = arith.constant 0 : i32
    %dma_start3A_34 = arith.constant 0 : i32
    %dma_start3A_35 = tpu.memref_slice %arg2[%arg0, %dma_start3A_33, %dma_start3A_34] : memref<2x10000x64xf32, #tpu.memory_space<hbm>> -> memref<1x10000x64xf32, #tpu.memory_space<hbm>>
    %dma_start3A_36 = tpu.memref_squeeze %dma_start3A_35 : memref<1x10000x64xf32, #tpu.memory_space<hbm>> -> memref<10000x64xf32, #tpu.memory_space<hbm>>
    %dma_start3A_37 = arith.constant 0 : i32
    %dma_start3A_38 = arith.constant 0 : i32
    %dma_start3A_39 = tpu.memref_slice %dma_start3A_36[%dma_start3A_37, %dma_start3A_38] : memref<10000x64xf32, #tpu.memory_space<hbm>> -> memref<10000x64xf32, #tpu.memory_space<hbm>>
    tpu.enqueue_indirect_dma source(%dma_start3A_39 : memref<10000x64xf32, #tpu.memory_space<hbm>>) target(%arg10 : memref<128x64xf32, #tpu.memory_space<vmem>>) offsets(%dma_start3A_32 : memref<128xi32, #tpu.memory_space<vmem>>) semaphore(%arg17 : memref<!tpu.dma_semaphore, #tpu.memory_space<semaphore_mem>>)
    %mul3A_40 = arith.constant 20480 : i32
    %mul3A_41 = arith.muli %arg1, %mul3A_40 : i32
    %add3A_42 = arith.constant 0 : i32
    %add3A_43 = arith.addi %mul3A_41, %add3A_42 : i32
    %dma_start3A_44 = arith.constant 0 : i32
    %dma_start3A_45 = tpu.memref_slice %arg3[%arg0, %add3A_43, %dma_start3A_44] : memref<2x327680x64xf32, #tpu.memory_space<hbm>> -> memref<1x128x64xf32, #tpu.memory_space<hbm>>
    %dma_start3A_46 = tpu.memref_squeeze %dma_start3A_45 : memref<1x128x64xf32, #tpu.memory_space<hbm>> -> memref<128x64xf32, #tpu.memory_space<hbm>>
    %dma_start3A_47 = arith.constant 0 : i32
    %dma_start3A_48 = tpu.memref_slice %arg3[%arg0, %add3A_43, %dma_start3A_47] : memref<2x327680x64xf32, #tpu.memory_space<hbm>> -> memref<1x128x64xf32, #tpu.memory_space<hbm>>
    %dma_start3A_49 = tpu.memref_squeeze %dma_start3A_48 : memref<1x128x64xf32, #tpu.memory_space<hbm>> -> memref<128x64xf32, #tpu.memory_space<hbm>>
    tpu.enqueue_dma source(%dma_start3A_49 : memref<128x64xf32, #tpu.memory_space<hbm>>) target(%arg11 : memref<128x64xf32, #tpu.memory_space<vmem>>) target_semaphore(%arg18 : memref<!tpu.dma_semaphore, #tpu.memory_space<semaphore_mem>>)
    %mul3A_50 = arith.constant 20480 : i32
    %mul3A_51 = arith.muli %arg1, %mul3A_50 : i32
    %add3A_52 = arith.constant 128 : i32
    %add3A_53 = arith.addi %mul3A_51, %add3A_52 : i32
    %dma_start3A_54 = arith.constant 0 : i32
    %dma_start3A_55 = tpu.memref_slice %arg3[%arg0, %add3A_53, %dma_start3A_54] : memref<2x327680x64xf32, #tpu.memory_space<hbm>> -> memref<1x128x64xf32, #tpu.memory_space<hbm>>
    %dma_start3A_56 = tpu.memref_squeeze %dma_start3A_55 : memref<1x128x64xf32, #tpu.memory_space<hbm>> -> memref<128x64xf32, #tpu.memory_space<hbm>>
    %dma_start3A_57 = arith.constant 0 : i32
    %dma_start3A_58 = tpu.memref_slice %arg3[%arg0, %add3A_53, %dma_start3A_57] : memref<2x327680x64xf32, #tpu.memory_space<hbm>> -> memref<1x128x64xf32, #tpu.memory_space<hbm>>
    %dma_start3A_59 = tpu.memref_squeeze %dma_start3A_58 : memref<1x128x64xf32, #tpu.memory_space<hbm>> -> memref<128x64xf32, #tpu.memory_space<hbm>>
    tpu.enqueue_dma source(%dma_start3A_59 : memref<128x64xf32, #tpu.memory_space<hbm>>) target(%arg12 : memref<128x64xf32, #tpu.memory_space<vmem>>) target_semaphore(%arg19 : memref<!tpu.dma_semaphore, #tpu.memory_space<semaphore_mem>>)
    %scan3A_60 = arith.constant 0 : i32
    %scan3A_61 = arith.constant 80 : i32
    %scan3A_62 = arith.addi %scan3A_60, %scan3A_61 : i32
    %scan3A_63 = arith.constant 1 : i32
    scf.for %scan3A_79 = %scan3A_60 to %scan3A_62 step %scan3A_63  : i32 {
      %mul3A_80 = arith.constant 2 : i32
      %mul3A_81 = arith.muli %scan3A_79, %mul3A_80 : i32
      %add3A_82 = arith.constant 0 : i32
      %add3A_83 = arith.addi %add3A_82, %mul3A_81 : i32
      %add3A_84 = arith.constant 0 : i32
      %add3A_85 = arith.addi %add3A_83, %add3A_84 : i32
      %mul3A_86 = arith.constant 20480 : i32
      %mul3A_87 = arith.muli %arg1, %mul3A_86 : i32
      %mul3A_88 = arith.constant 128 : i32
      %mul3A_89 = arith.muli %add3A_85, %mul3A_88 : i32
      %add3A_90 = arith.addi %mul3A_87, %mul3A_89 : i32
      %dma_wait3A_91 = arith.constant 0 : i32
      %dma_wait3A_92 = tpu.memref_slice %arg7[%add3A_85, %dma_wait3A_91] : memref<160x128xi32, #tpu.memory_space<vmem>> -> memref<1x128xi32, #tpu.memory_space<vmem>>
      %dma_wait3A_93 = tpu.memref_squeeze %dma_wait3A_92 : memref<1x128xi32, #tpu.memory_space<vmem>> -> memref<128xi32, #tpu.memory_space<vmem>>
      %dma_wait3A_94 = arith.constant 0 : i32
      %dma_wait3A_95 = arith.constant 0 : i32
      %dma_wait3A_96 = tpu.memref_slice %arg2[%arg0, %dma_wait3A_94, %dma_wait3A_95] : memref<2x10000x64xf32, #tpu.memory_space<hbm>> -> memref<1x10000x64xf32, #tpu.memory_space<hbm>>
      %dma_wait3A_97 = tpu.memref_squeeze %dma_wait3A_96 : memref<1x10000x64xf32, #tpu.memory_space<hbm>> -> memref<10000x64xf32, #tpu.memory_space<hbm>>
      %dma_wait3A_98 = arith.constant 0 : i32
      %dma_wait3A_99 = arith.constant 0 : i32
      %dma_wait3A_100 = tpu.memref_slice %dma_wait3A_97[%dma_wait3A_98, %dma_wait3A_99] : memref<10000x64xf32, #tpu.memory_space<hbm>> -> memref<10000x64xf32, #tpu.memory_space<hbm>>
      tpu.wait_indirect_dma semaphore(%arg16 : memref<!tpu.dma_semaphore, #tpu.memory_space<semaphore_mem>>) src(%dma_wait3A_100 : memref<10000x64xf32, #tpu.memory_space<hbm>>) dst(%arg9 : memref<128x64xf32, #tpu.memory_space<vmem>>)
      %dma_wait3A_101 = arith.constant 0 : i32
      %dma_wait3A_102 = tpu.memref_slice %arg3[%arg0, %add3A_90, %dma_wait3A_101] : memref<2x327680x64xf32, #tpu.memory_space<hbm>> -> memref<1x128x64xf32, #tpu.memory_space<hbm>>
      %dma_wait3A_103 = tpu.memref_squeeze %dma_wait3A_102 : memref<1x128x64xf32, #tpu.memory_space<hbm>> -> memref<128x64xf32, #tpu.memory_space<hbm>>
      %dma_wait3A_104 = arith.constant 0 : i32
      %dma_wait3A_105 = tpu.memref_slice %arg3[%arg0, %add3A_90, %dma_wait3A_104] : memref<2x327680x64xf32, #tpu.memory_space<hbm>> -> memref<1x128x64xf32, #tpu.memory_space<hbm>>
      %dma_wait3A_106 = tpu.memref_squeeze %dma_wait3A_105 : memref<1x128x64xf32, #tpu.memory_space<hbm>> -> memref<128x64xf32, #tpu.memory_space<hbm>>
      tpu.wait_dma2 semaphore(%arg18 : memref<!tpu.dma_semaphore, #tpu.memory_space<semaphore_mem>>) src(%dma_wait3A_106 : memref<128x64xf32, #tpu.memory_space<hbm>>) dst(%arg11 : memref<128x64xf32, #tpu.memory_space<vmem>>)
      %ge3A = arith.constant 2 : i32
      %ge3A_107 = arith.cmpi sge, %add3A_85, %ge3A : i32
      %convert_element_type3A = arith.extui %ge3A_107 : i1 to i32
      %cond3A = arith.constant 0 : i32
      %cond3A_108 = arith.cmpi ne, %convert_element_type3A, %cond3A : i32
      scf.if %cond3A_108 {
        %sub3A_172 = arith.constant 2 : i32
        %sub3A_173 = arith.subi %add3A_85, %sub3A_172 : i32
        %dma_wait3A_174 = arith.constant 0 : i32
        %dma_wait3A_175 = tpu.memref_slice %arg8[%sub3A_173, %dma_wait3A_174] : memref<160x128xi32, #tpu.memory_space<vmem>> -> memref<1x128xi32, #tpu.memory_space<vmem>>
        %dma_wait3A_176 = tpu.memref_squeeze %dma_wait3A_175 : memref<1x128xi32, #tpu.memory_space<vmem>> -> memref<128xi32, #tpu.memory_space<vmem>>
        %dma_wait3A_177 = arith.constant 0 : i32
        %dma_wait3A_178 = arith.constant 0 : i32
        %dma_wait3A_179 = tpu.memref_slice %arg15[%dma_wait3A_177, %dma_wait3A_178] : memref<10112x64xf32, #tpu.memory_space<vmem_shared>> -> memref<10112x64xf32, #tpu.memory_space<vmem_shared>>
        tpu.wait_indirect_dma semaphore(%arg20 : memref<!tpu.dma_semaphore, #tpu.memory_space<semaphore_mem>>) src(%arg13 : memref<128x64xf32, #tpu.memory_space<vmem>>) dst(%dma_wait3A_179 : memref<10112x64xf32, #tpu.memory_space<vmem_shared>>)
      } else {
      }
      %scan3A_109 = arith.constant 0 : i32
      %scan3A_110 = arith.constant 128 : i32
      %scan3A_111 = arith.addi %scan3A_109, %scan3A_110 : i32
      %scan3A_112 = arith.constant 1 : i32
      scf.for %scan3A_172 = %scan3A_109 to %scan3A_111 step %scan3A_112  : i32 {
        %mul3A_173 = arith.constant 1 : i32
        %mul3A_174 = arith.muli %scan3A_172, %mul3A_173 : i32
        %add3A_175 = arith.constant 0 : i32
        %add3A_176 = arith.addi %add3A_175, %mul3A_174 : i32
        %get3A = arith.index_cast %add3A_176 : i32 to index
        %get3A_177 = arith.constant 0 : index
        %get3A_178 = tpu.vector_load %arg9[%get3A, %get3A_177] {strides = array<i32>} : memref<128x64xf32, #tpu.memory_space<vmem>>, vector<16xf32>,
        %get3A_179 = arith.index_cast %add3A_176 : i32 to index
        %get3A_180 = arith.constant 0 : index
        %get3A_181 = tpu.vector_load %arg11[%get3A_179, %get3A_180] {strides = array<i32>} : memref<128x64xf32, #tpu.memory_space<vmem>>, vector<16xf32>,
        %mul3A_182 = arith.mulf %get3A_178, %get3A_181 : vector<16xf32>
        %swap3A = arith.index_cast %add3A_176 : i32 to index
        %swap3A_183 = arith.constant 0 : index
        %swap3A_184 = tpu.vector_load %arg13[%swap3A, %swap3A_183] {strides = array<i32>} : memref<128x64xf32, #tpu.memory_space<vmem>>, vector<16xf32>,
        tpu.vector_store %arg13[%swap3A, %swap3A_183], %mul3A_182 {strides = array<i32>} : memref<128x64xf32, #tpu.memory_space<vmem>>, vector<16xf32>,
        %get3A_185 = arith.index_cast %add3A_176 : i32 to index
        %get3A_186 = arith.constant 16 : index
        %get3A_187 = tpu.vector_load %arg9[%get3A_185, %get3A_186] {strides = array<i32>} : memref<128x64xf32, #tpu.memory_space<vmem>>, vector<16xf32>,
        %get3A_188 = arith.index_cast %add3A_176 : i32 to index
        %get3A_189 = arith.constant 16 : index
        %get3A_190 = tpu.vector_load %arg11[%get3A_188, %get3A_189] {strides = array<i32>} : memref<128x64xf32, #tpu.memory_space<vmem>>, vector<16xf32>,
        %mul3A_191 = arith.mulf %get3A_187, %get3A_190 : vector<16xf32>
        %swap3A_192 = arith.index_cast %add3A_176 : i32 to index
        %swap3A_193 = arith.constant 16 : index
        %swap3A_194 = tpu.vector_load %arg13[%swap3A_192, %swap3A_193] {strides = array<i32>} : memref<128x64xf32, #tpu.memory_space<vmem>>, vector<16xf32>,
        tpu.vector_store %arg13[%swap3A_192, %swap3A_193], %mul3A_191 {strides = array<i32>} : memref<128x64xf32, #tpu.memory_space<vmem>>, vector<16xf32>,
        %get3A_195 = arith.index_cast %add3A_176 : i32 to index
        %get3A_196 = arith.constant 32 : index
        %get3A_197 = tpu.vector_load %arg9[%get3A_195, %get3A_196] {strides = array<i32>} : memref<128x64xf32, #tpu.memory_space<vmem>>, vector<16xf32>,
        %get3A_198 = arith.index_cast %add3A_176 : i32 to index
        %get3A_199 = arith.constant 32 : index
        %get3A_200 = tpu.vector_load %arg11[%get3A_198, %get3A_199] {strides = array<i32>} : memref<128x64xf32, #tpu.memory_space<vmem>>, vector<16xf32>,
        %mul3A_201 = arith.mulf %get3A_197, %get3A_200 : vector<16xf32>
        %swap3A_202 = arith.index_cast %add3A_176 : i32 to index
        %swap3A_203 = arith.constant 32 : index
        %swap3A_204 = tpu.vector_load %arg13[%swap3A_202, %swap3A_203] {strides = array<i32>} : memref<128x64xf32, #tpu.memory_space<vmem>>, vector<16xf32>,
        tpu.vector_store %arg13[%swap3A_202, %swap3A_203], %mul3A_201 {strides = array<i32>} : memref<128x64xf32, #tpu.memory_space<vmem>>, vector<16xf32>,
        %get3A_205 = arith.index_cast %add3A_176 : i32 to index
        %get3A_206 = arith.constant 48 : index
        %get3A_207 = tpu.vector_load %arg9[%get3A_205, %get3A_206] {strides = array<i32>} : memref<128x64xf32, #tpu.memory_space<vmem>>, vector<16xf32>,
        %get3A_208 = arith.index_cast %add3A_176 : i32 to index
        %get3A_209 = arith.constant 48 : index
        %get3A_210 = tpu.vector_load %arg11[%get3A_208, %get3A_209] {strides = array<i32>} : memref<128x64xf32, #tpu.memory_space<vmem>>, vector<16xf32>,
        %mul3A_211 = arith.mulf %get3A_207, %get3A_210 : vector<16xf32>
        %swap3A_212 = arith.index_cast %add3A_176 : i32 to index
        %swap3A_213 = arith.constant 48 : index
        %swap3A_214 = tpu.vector_load %arg13[%swap3A_212, %swap3A_213] {strides = array<i32>} : memref<128x64xf32, #tpu.memory_space<vmem>>, vector<16xf32>,
        tpu.vector_store %arg13[%swap3A_212, %swap3A_213], %mul3A_211 {strides = array<i32>} : memref<128x64xf32, #tpu.memory_space<vmem>>, vector<16xf32>,
      }
      %scan3A_113 = arith.constant 128 : i32
      %dma_start3A_114 = arith.constant 0 : i32
      %dma_start3A_115 = tpu.memref_slice %arg8[%add3A_85, %dma_start3A_114] : memref<160x128xi32, #tpu.memory_space<vmem>> -> memref<1x128xi32, #tpu.memory_space<vmem>>
      %dma_start3A_116 = tpu.memref_squeeze %dma_start3A_115 : memref<1x128xi32, #tpu.memory_space<vmem>> -> memref<128xi32, #tpu.memory_space<vmem>>
      %dma_start3A_117 = arith.constant 0 : i32
      %dma_start3A_118 = arith.constant 0 : i32
      %dma_start3A_119 = tpu.memref_slice %arg15[%dma_start3A_117, %dma_start3A_118] : memref<10112x64xf32, #tpu.memory_space<vmem_shared>> -> memref<10112x64xf32, #tpu.memory_space<vmem_shared>>
      tpu.enqueue_indirect_dma source(%arg13 : memref<128x64xf32, #tpu.memory_space<vmem>>) target(%dma_start3A_119 : memref<10112x64xf32, #tpu.memory_space<vmem_shared>>) offsets(%dma_start3A_116 : memref<128xi32, #tpu.memory_space<vmem>>) semaphore(%arg20 : memref<!tpu.dma_semaphore, #tpu.memory_space<semaphore_mem>>) {add = true}
      %add3A_120 = arith.constant 2 : i32
      %add3A_121 = arith.addi %add3A_85, %add3A_120 : i32
      %lt3A = arith.constant 160 : i32
      %lt3A_122 = arith.cmpi slt, %add3A_121, %lt3A : i32
      %convert_element_type3A_123 = arith.extui %lt3A_122 : i1 to i32
      %cond3A_124 = arith.constant 0 : i32
      %cond3A_125 = arith.cmpi ne, %convert_element_type3A_123, %cond3A_124 : i32
      scf.if %cond3A_125 {
        %add3A_172 = arith.constant 2 : i32
        %add3A_173 = arith.addi %add3A_85, %add3A_172 : i32
        %dma_start3A_174 = arith.constant 0 : i32
        %dma_start3A_175 = tpu.memref_slice %arg7[%add3A_173, %dma_start3A_174] : memref<160x128xi32, #tpu.memory_space<vmem>> -> memref<1x128xi32, #tpu.memory_space<vmem>>
        %dma_start3A_176 = tpu.memref_squeeze %dma_start3A_175 : memref<1x128xi32, #tpu.memory_space<vmem>> -> memref<128xi32, #tpu.memory_space<vmem>>
        %dma_start3A_177 = arith.constant 0 : i32
        %dma_start3A_178 = arith.constant 0 : i32
        %dma_start3A_179 = tpu.memref_slice %arg2[%arg0, %dma_start3A_177, %dma_start3A_178] : memref<2x10000x64xf32, #tpu.memory_space<hbm>> -> memref<1x10000x64xf32, #tpu.memory_space<hbm>>
        %dma_start3A_180 = tpu.memref_squeeze %dma_start3A_179 : memref<1x10000x64xf32, #tpu.memory_space<hbm>> -> memref<10000x64xf32, #tpu.memory_space<hbm>>
        %dma_start3A_181 = arith.constant 0 : i32
        %dma_start3A_182 = arith.constant 0 : i32
        %dma_start3A_183 = tpu.memref_slice %dma_start3A_180[%dma_start3A_181, %dma_start3A_182] : memref<10000x64xf32, #tpu.memory_space<hbm>> -> memref<10000x64xf32, #tpu.memory_space<hbm>>
        tpu.enqueue_indirect_dma source(%dma_start3A_183 : memref<10000x64xf32, #tpu.memory_space<hbm>>) target(%arg9 : memref<128x64xf32, #tpu.memory_space<vmem>>) offsets(%dma_start3A_176 : memref<128xi32, #tpu.memory_space<vmem>>) semaphore(%arg16 : memref<!tpu.dma_semaphore, #tpu.memory_space<semaphore_mem>>)
        %add3A_184 = arith.constant 2 : i32
        %add3A_185 = arith.addi %add3A_85, %add3A_184 : i32
        %mul3A_186 = arith.constant 20480 : i32
        %mul3A_187 = arith.muli %arg1, %mul3A_186 : i32
        %mul3A_188 = arith.constant 128 : i32
        %mul3A_189 = arith.muli %add3A_185, %mul3A_188 : i32
        %add3A_190 = arith.addi %mul3A_187, %mul3A_189 : i32
        %dma_start3A_191 = arith.constant 0 : i32
        %dma_start3A_192 = tpu.memref_slice %arg3[%arg0, %add3A_190, %dma_start3A_191] : memref<2x327680x64xf32, #tpu.memory_space<hbm>> -> memref<1x128x64xf32, #tpu.memory_space<hbm>>
        %dma_start3A_193 = tpu.memref_squeeze %dma_start3A_192 : memref<1x128x64xf32, #tpu.memory_space<hbm>> -> memref<128x64xf32, #tpu.memory_space<hbm>>
        %dma_start3A_194 = arith.constant 0 : i32
        %dma_start3A_195 = tpu.memref_slice %arg3[%arg0, %add3A_190, %dma_start3A_194] : memref<2x327680x64xf32, #tpu.memory_space<hbm>> -> memref<1x128x64xf32, #tpu.memory_space<hbm>>
        %dma_start3A_196 = tpu.memref_squeeze %dma_start3A_195 : memref<1x128x64xf32, #tpu.memory_space<hbm>> -> memref<128x64xf32, #tpu.memory_space<hbm>>
        tpu.enqueue_dma source(%dma_start3A_196 : memref<128x64xf32, #tpu.memory_space<hbm>>) target(%arg11 : memref<128x64xf32, #tpu.memory_space<vmem>>) target_semaphore(%arg18 : memref<!tpu.dma_semaphore, #tpu.memory_space<semaphore_mem>>)
      } else {
      }
      %add3A_126 = arith.constant 1 : i32
      %add3A_127 = arith.addi %add3A_83, %add3A_126 : i32
      %mul3A_128 = arith.constant 20480 : i32
      %mul3A_129 = arith.muli %arg1, %mul3A_128 : i32
      %mul3A_130 = arith.constant 128 : i32
      %mul3A_131 = arith.muli %add3A_127, %mul3A_130 : i32
      %add3A_132 = arith.addi %mul3A_129, %mul3A_131 : i32
      %dma_wait3A_133 = arith.constant 0 : i32
      %dma_wait3A_134 = tpu.memref_slice %arg7[%add3A_127, %dma_wait3A_133] : memref<160x128xi32, #tpu.memory_space<vmem>> -> memref<1x128xi32, #tpu.memory_space<vmem>>
      %dma_wait3A_135 = tpu.memref_squeeze %dma_wait3A_134 : memref<1x128xi32, #tpu.memory_space<vmem>> -> memref<128xi32, #tpu.memory_space<vmem>>
      %dma_wait3A_136 = arith.constant 0 : i32
      %dma_wait3A_137 = arith.constant 0 : i32
      %dma_wait3A_138 = tpu.memref_slice %arg2[%arg0, %dma_wait3A_136, %dma_wait3A_137] : memref<2x10000x64xf32, #tpu.memory_space<hbm>> -> memref<1x10000x64xf32, #tpu.memory_space<hbm>>
      %dma_wait3A_139 = tpu.memref_squeeze %dma_wait3A_138 : memref<1x10000x64xf32, #tpu.memory_space<hbm>> -> memref<10000x64xf32, #tpu.memory_space<hbm>>
      %dma_wait3A_140 = arith.constant 0 : i32
      %dma_wait3A_141 = arith.constant 0 : i32
      %dma_wait3A_142 = tpu.memref_slice %dma_wait3A_139[%dma_wait3A_140, %dma_wait3A_141] : memref<10000x64xf32, #tpu.memory_space<hbm>> -> memref<10000x64xf32, #tpu.memory_space<hbm>>
      tpu.wait_indirect_dma semaphore(%arg17 : memref<!tpu.dma_semaphore, #tpu.memory_space<semaphore_mem>>) src(%dma_wait3A_142 : memref<10000x64xf32, #tpu.memory_space<hbm>>) dst(%arg10 : memref<128x64xf32, #tpu.memory_space<vmem>>)
      %dma_wait3A_143 = arith.constant 0 : i32
      %dma_wait3A_144 = tpu.memref_slice %arg3[%arg0, %add3A_132, %dma_wait3A_143] : memref<2x327680x64xf32, #tpu.memory_space<hbm>> -> memref<1x128x64xf32, #tpu.memory_space<hbm>>
      %dma_wait3A_145 = tpu.memref_squeeze %dma_wait3A_144 : memref<1x128x64xf32, #tpu.memory_space<hbm>> -> memref<128x64xf32, #tpu.memory_space<hbm>>
      %dma_wait3A_146 = arith.constant 0 : i32
      %dma_wait3A_147 = tpu.memref_slice %arg3[%arg0, %add3A_132, %dma_wait3A_146] : memref<2x327680x64xf32, #tpu.memory_space<hbm>> -> memref<1x128x64xf32, #tpu.memory_space<hbm>>
      %dma_wait3A_148 = tpu.memref_squeeze %dma_wait3A_147 : memref<1x128x64xf32, #tpu.memory_space<hbm>> -> memref<128x64xf32, #tpu.memory_space<hbm>>
      tpu.wait_dma2 semaphore(%arg19 : memref<!tpu.dma_semaphore, #tpu.memory_space<semaphore_mem>>) src(%dma_wait3A_148 : memref<128x64xf32, #tpu.memory_space<hbm>>) dst(%arg12 : memref<128x64xf32, #tpu.memory_space<vmem>>)
      %ge3A_149 = arith.constant 2 : i32
      %ge3A_150 = arith.cmpi sge, %add3A_127, %ge3A_149 : i32
      %convert_element_type3A_151 = arith.extui %ge3A_150 : i1 to i32
      %cond3A_152 = arith.constant 0 : i32
      %cond3A_153 = arith.cmpi ne, %convert_element_type3A_151, %cond3A_152 : i32
      scf.if %cond3A_153 {
        %sub3A_172 = arith.constant 2 : i32
        %sub3A_173 = arith.subi %add3A_127, %sub3A_172 : i32
        %dma_wait3A_174 = arith.constant 0 : i32
        %dma_wait3A_175 = tpu.memref_slice %arg8[%sub3A_173, %dma_wait3A_174] : memref<160x128xi32, #tpu.memory_space<vmem>> -> memref<1x128xi32, #tpu.memory_space<vmem>>
        %dma_wait3A_176 = tpu.memref_squeeze %dma_wait3A_175 : memref<1x128xi32, #tpu.memory_space<vmem>> -> memref<128xi32, #tpu.memory_space<vmem>>
        %dma_wait3A_177 = arith.constant 0 : i32
        %dma_wait3A_178 = arith.constant 0 : i32
        %dma_wait3A_179 = tpu.memref_slice %arg15[%dma_wait3A_177, %dma_wait3A_178] : memref<10112x64xf32, #tpu.memory_space<vmem_shared>> -> memref<10112x64xf32, #tpu.memory_space<vmem_shared>>
        tpu.wait_indirect_dma semaphore(%arg21 : memref<!tpu.dma_semaphore, #tpu.memory_space<semaphore_mem>>) src(%arg14 : memref<128x64xf32, #tpu.memory_space<vmem>>) dst(%dma_wait3A_179 : memref<10112x64xf32, #tpu.memory_space<vmem_shared>>)
      } else {
      }
      %scan3A_154 = arith.constant 0 : i32
      %scan3A_155 = arith.constant 128 : i32
      %scan3A_156 = arith.addi %scan3A_154, %scan3A_155 : i32
      %scan3A_157 = arith.constant 1 : i32
      scf.for %scan3A_172 = %scan3A_154 to %scan3A_156 step %scan3A_157  : i32 {
        %mul3A_173 = arith.constant 1 : i32
        %mul3A_174 = arith.muli %scan3A_172, %mul3A_173 : i32
        %add3A_175 = arith.constant 0 : i32
        %add3A_176 = arith.addi %add3A_175, %mul3A_174 : i32
        %get3A = arith.index_cast %add3A_176 : i32 to index
        %get3A_177 = arith.constant 0 : index
        %get3A_178 = tpu.vector_load %arg10[%get3A, %get3A_177] {strides = array<i32>} : memref<128x64xf32, #tpu.memory_space<vmem>>, vector<16xf32>,
        %get3A_179 = arith.index_cast %add3A_176 : i32 to index
        %get3A_180 = arith.constant 0 : index
        %get3A_181 = tpu.vector_load %arg12[%get3A_179, %get3A_180] {strides = array<i32>} : memref<128x64xf32, #tpu.memory_space<vmem>>, vector<16xf32>,
        %mul3A_182 = arith.mulf %get3A_178, %get3A_181 : vector<16xf32>
        %swap3A = arith.index_cast %add3A_176 : i32 to index
        %swap3A_183 = arith.constant 0 : index
        %swap3A_184 = tpu.vector_load %arg14[%swap3A, %swap3A_183] {strides = array<i32>} : memref<128x64xf32, #tpu.memory_space<vmem>>, vector<16xf32>,
        tpu.vector_store %arg14[%swap3A, %swap3A_183], %mul3A_182 {strides = array<i32>} : memref<128x64xf32, #tpu.memory_space<vmem>>, vector<16xf32>,
        %get3A_185 = arith.index_cast %add3A_176 : i32 to index
        %get3A_186 = arith.constant 16 : index
        %get3A_187 = tpu.vector_load %arg10[%get3A_185, %get3A_186] {strides = array<i32>} : memref<128x64xf32, #tpu.memory_space<vmem>>, vector<16xf32>,
        %get3A_188 = arith.index_cast %add3A_176 : i32 to index
        %get3A_189 = arith.constant 16 : index
        %get3A_190 = tpu.vector_load %arg12[%get3A_188, %get3A_189] {strides = array<i32>} : memref<128x64xf32, #tpu.memory_space<vmem>>, vector<16xf32>,
        %mul3A_191 = arith.mulf %get3A_187, %get3A_190 : vector<16xf32>
        %swap3A_192 = arith.index_cast %add3A_176 : i32 to index
        %swap3A_193 = arith.constant 16 : index
        %swap3A_194 = tpu.vector_load %arg14[%swap3A_192, %swap3A_193] {strides = array<i32>} : memref<128x64xf32, #tpu.memory_space<vmem>>, vector<16xf32>,
        tpu.vector_store %arg14[%swap3A_192, %swap3A_193], %mul3A_191 {strides = array<i32>} : memref<128x64xf32, #tpu.memory_space<vmem>>, vector<16xf32>,
        %get3A_195 = arith.index_cast %add3A_176 : i32 to index
        %get3A_196 = arith.constant 32 : index
        %get3A_197 = tpu.vector_load %arg10[%get3A_195, %get3A_196] {strides = array<i32>} : memref<128x64xf32, #tpu.memory_space<vmem>>, vector<16xf32>,
        %get3A_198 = arith.index_cast %add3A_176 : i32 to index
        %get3A_199 = arith.constant 32 : index
        %get3A_200 = tpu.vector_load %arg12[%get3A_198, %get3A_199] {strides = array<i32>} : memref<128x64xf32, #tpu.memory_space<vmem>>, vector<16xf32>,
        %mul3A_201 = arith.mulf %get3A_197, %get3A_200 : vector<16xf32>
        %swap3A_202 = arith.index_cast %add3A_176 : i32 to index
        %swap3A_203 = arith.constant 32 : index
        %swap3A_204 = tpu.vector_load %arg14[%swap3A_202, %swap3A_203] {strides = array<i32>} : memref<128x64xf32, #tpu.memory_space<vmem>>, vector<16xf32>,
        tpu.vector_store %arg14[%swap3A_202, %swap3A_203], %mul3A_201 {strides = array<i32>} : memref<128x64xf32, #tpu.memory_space<vmem>>, vector<16xf32>,
        %get3A_205 = arith.index_cast %add3A_176 : i32 to index
        %get3A_206 = arith.constant 48 : index
        %get3A_207 = tpu.vector_load %arg10[%get3A_205, %get3A_206] {strides = array<i32>} : memref<128x64xf32, #tpu.memory_space<vmem>>, vector<16xf32>,
        %get3A_208 = arith.index_cast %add3A_176 : i32 to index
        %get3A_209 = arith.constant 48 : index
        %get3A_210 = tpu.vector_load %arg12[%get3A_208, %get3A_209] {strides = array<i32>} : memref<128x64xf32, #tpu.memory_space<vmem>>, vector<16xf32>,
        %mul3A_211 = arith.mulf %get3A_207, %get3A_210 : vector<16xf32>
        %swap3A_212 = arith.index_cast %add3A_176 : i32 to index
        %swap3A_213 = arith.constant 48 : index
        %swap3A_214 = tpu.vector_load %arg14[%swap3A_212, %swap3A_213] {strides = array<i32>} : memref<128x64xf32, #tpu.memory_space<vmem>>, vector<16xf32>,
        tpu.vector_store %arg14[%swap3A_212, %swap3A_213], %mul3A_211 {strides = array<i32>} : memref<128x64xf32, #tpu.memory_space<vmem>>, vector<16xf32>,
      }
      %scan3A_158 = arith.constant 128 : i32
      %dma_start3A_159 = arith.constant 0 : i32
      %dma_start3A_160 = tpu.memref_slice %arg8[%add3A_127, %dma_start3A_159] : memref<160x128xi32, #tpu.memory_space<vmem>> -> memref<1x128xi32, #tpu.memory_space<vmem>>
      %dma_start3A_161 = tpu.memref_squeeze %dma_start3A_160 : memref<1x128xi32, #tpu.memory_space<vmem>> -> memref<128xi32, #tpu.memory_space<vmem>>
      %dma_start3A_162 = arith.constant 0 : i32
      %dma_start3A_163 = arith.constant 0 : i32
      %dma_start3A_164 = tpu.memref_slice %arg15[%dma_start3A_162, %dma_start3A_163] : memref<10112x64xf32, #tpu.memory_space<vmem_shared>> -> memref<10112x64xf32, #tpu.memory_space<vmem_shared>>
      tpu.enqueue_indirect_dma source(%arg14 : memref<128x64xf32, #tpu.memory_space<vmem>>) target(%dma_start3A_164 : memref<10112x64xf32, #tpu.memory_space<vmem_shared>>) offsets(%dma_start3A_161 : memref<128xi32, #tpu.memory_space<vmem>>) semaphore(%arg21 : memref<!tpu.dma_semaphore, #tpu.memory_space<semaphore_mem>>) {add = true}
      %add3A_165 = arith.constant 2 : i32
      %add3A_166 = arith.addi %add3A_127, %add3A_165 : i32
      %lt3A_167 = arith.constant 160 : i32
      %lt3A_168 = arith.cmpi slt, %add3A_166, %lt3A_167 : i32
      %convert_element_type3A_169 = arith.extui %lt3A_168 : i1 to i32
      %cond3A_170 = arith.constant 0 : i32
      %cond3A_171 = arith.cmpi ne, %convert_element_type3A_169, %cond3A_170 : i32
      scf.if %cond3A_171 {
        %add3A_172 = arith.constant 2 : i32
        %add3A_173 = arith.addi %add3A_127, %add3A_172 : i32
        %dma_start3A_174 = arith.constant 0 : i32
        %dma_start3A_175 = tpu.memref_slice %arg7[%add3A_173, %dma_start3A_174] : memref<160x128xi32, #tpu.memory_space<vmem>> -> memref<1x128xi32, #tpu.memory_space<vmem>>
        %dma_start3A_176 = tpu.memref_squeeze %dma_start3A_175 : memref<1x128xi32, #tpu.memory_space<vmem>> -> memref<128xi32, #tpu.memory_space<vmem>>
        %dma_start3A_177 = arith.constant 0 : i32
        %dma_start3A_178 = arith.constant 0 : i32
        %dma_start3A_179 = tpu.memref_slice %arg2[%arg0, %dma_start3A_177, %dma_start3A_178] : memref<2x10000x64xf32, #tpu.memory_space<hbm>> -> memref<1x10000x64xf32, #tpu.memory_space<hbm>>
        %dma_start3A_180 = tpu.memref_squeeze %dma_start3A_179 : memref<1x10000x64xf32, #tpu.memory_space<hbm>> -> memref<10000x64xf32, #tpu.memory_space<hbm>>
        %dma_start3A_181 = arith.constant 0 : i32
        %dma_start3A_182 = arith.constant 0 : i32
        %dma_start3A_183 = tpu.memref_slice %dma_start3A_180[%dma_start3A_181, %dma_start3A_182] : memref<10000x64xf32, #tpu.memory_space<hbm>> -> memref<10000x64xf32, #tpu.memory_space<hbm>>
        tpu.enqueue_indirect_dma source(%dma_start3A_183 : memref<10000x64xf32, #tpu.memory_space<hbm>>) target(%arg10 : memref<128x64xf32, #tpu.memory_space<vmem>>) offsets(%dma_start3A_176 : memref<128xi32, #tpu.memory_space<vmem>>) semaphore(%arg17 : memref<!tpu.dma_semaphore, #tpu.memory_space<semaphore_mem>>)
        %add3A_184 = arith.constant 2 : i32
        %add3A_185 = arith.addi %add3A_127, %add3A_184 : i32
        %mul3A_186 = arith.constant 20480 : i32
        %mul3A_187 = arith.muli %arg1, %mul3A_186 : i32
        %mul3A_188 = arith.constant 128 : i32
        %mul3A_189 = arith.muli %add3A_185, %mul3A_188 : i32
        %add3A_190 = arith.addi %mul3A_187, %mul3A_189 : i32
        %dma_start3A_191 = arith.constant 0 : i32
        %dma_start3A_192 = tpu.memref_slice %arg3[%arg0, %add3A_190, %dma_start3A_191] : memref<2x327680x64xf32, #tpu.memory_space<hbm>> -> memref<1x128x64xf32, #tpu.memory_space<hbm>>
        %dma_start3A_193 = tpu.memref_squeeze %dma_start3A_192 : memref<1x128x64xf32, #tpu.memory_space<hbm>> -> memref<128x64xf32, #tpu.memory_space<hbm>>
        %dma_start3A_194 = arith.constant 0 : i32
        %dma_start3A_195 = tpu.memref_slice %arg3[%arg0, %add3A_190, %dma_start3A_194] : memref<2x327680x64xf32, #tpu.memory_space<hbm>> -> memref<1x128x64xf32, #tpu.memory_space<hbm>>
        %dma_start3A_196 = tpu.memref_squeeze %dma_start3A_195 : memref<1x128x64xf32, #tpu.memory_space<hbm>> -> memref<128x64xf32, #tpu.memory_space<hbm>>
        tpu.enqueue_dma source(%dma_start3A_196 : memref<128x64xf32, #tpu.memory_space<hbm>>) target(%arg12 : memref<128x64xf32, #tpu.memory_space<vmem>>) target_semaphore(%arg19 : memref<!tpu.dma_semaphore, #tpu.memory_space<semaphore_mem>>)
      } else {
      }
    }
    %scan3A_64 = arith.constant 80 : i32
    %dma_wait3A = arith.constant 158 : i32
    %dma_wait3A_65 = arith.constant 0 : i32
    %dma_wait3A_66 = tpu.memref_slice %arg8[%dma_wait3A, %dma_wait3A_65] : memref<160x128xi32, #tpu.memory_space<vmem>> -> memref<1x128xi32, #tpu.memory_space<vmem>>
    %dma_wait3A_67 = tpu.memref_squeeze %dma_wait3A_66 : memref<1x128xi32, #tpu.memory_space<vmem>> -> memref<128xi32, #tpu.memory_space<vmem>>
    %dma_wait3A_68 = arith.constant 0 : i32
    %dma_wait3A_69 = arith.constant 0 : i32
    %dma_wait3A_70 = tpu.memref_slice %arg15[%dma_wait3A_68, %dma_wait3A_69] : memref<10112x64xf32, #tpu.memory_space<vmem_shared>> -> memref<10112x64xf32, #tpu.memory_space<vmem_shared>>
    tpu.wait_indirect_dma semaphore(%arg20 : memref<!tpu.dma_semaphore, #tpu.memory_space<semaphore_mem>>) src(%arg13 : memref<128x64xf32, #tpu.memory_space<vmem>>) dst(%dma_wait3A_70 : memref<10112x64xf32, #tpu.memory_space<vmem_shared>>)
    %dma_wait3A_71 = arith.constant 159 : i32
    %dma_wait3A_72 = arith.constant 0 : i32
    %dma_wait3A_73 = tpu.memref_slice %arg8[%dma_wait3A_71, %dma_wait3A_72] : memref<160x128xi32, #tpu.memory_space<vmem>> -> memref<1x128xi32, #tpu.memory_space<vmem>>
    %dma_wait3A_74 = tpu.memref_squeeze %dma_wait3A_73 : memref<1x128xi32, #tpu.memory_space<vmem>> -> memref<128xi32, #tpu.memory_space<vmem>>
    %dma_wait3A_75 = arith.constant 0 : i32
    %dma_wait3A_76 = arith.constant 0 : i32
    %dma_wait3A_77 = tpu.memref_slice %arg15[%dma_wait3A_75, %dma_wait3A_76] : memref<10112x64xf32, #tpu.memory_space<vmem_shared>> -> memref<10112x64xf32, #tpu.memory_space<vmem_shared>>
    tpu.wait_indirect_dma semaphore(%arg21 : memref<!tpu.dma_semaphore, #tpu.memory_space<semaphore_mem>>) src(%arg14 : memref<128x64xf32, #tpu.memory_space<vmem>>) dst(%dma_wait3A_77 : memref<10112x64xf32, #tpu.memory_space<vmem_shared>>)
    %barrier3A_78 = arith.constant 0 : index
    tpu.barrier barrier_id(%barrier3A_78)
    "tpu.region"() ({
      %run_scoped3A = tpu.sem_alloc : memref<!tpu.dma_semaphore, #tpu.memory_space<semaphore_mem>>
      %dma_start3A_79 = arith.constant 0 : i32
      %dma_start3A_80 = tpu.memref_slice %arg6[%arg0, %mul3A_4, %dma_start3A_79] : memref<2x10112x64xf32, #tpu.memory_space<hbm>> -> memref<1x632x64xf32, #tpu.memory_space<hbm>>
      %dma_start3A_81 = tpu.memref_squeeze %dma_start3A_80 : memref<1x632x64xf32, #tpu.memory_space<hbm>> -> memref<632x64xf32, #tpu.memory_space<hbm>>
      %dma_start3A_82 = arith.constant 0 : i32
      %dma_start3A_83 = tpu.memref_slice %arg15[%mul3A_4, %dma_start3A_82] : memref<10112x64xf32, #tpu.memory_space<vmem_shared>> -> memref<632x64xf32, #tpu.memory_space<vmem_shared>>
      tpu.enqueue_dma source(%dma_start3A_83 : memref<632x64xf32, #tpu.memory_space<vmem_shared>>) target(%dma_start3A_81 : memref<632x64xf32, #tpu.memory_space<hbm>>) target_semaphore(%run_scoped3A : memref<!tpu.dma_semaphore, #tpu.memory_space<semaphore_mem>>)
      %dma_wait3A_84 = arith.constant 0 : i32
      %dma_wait3A_85 = tpu.memref_slice %arg6[%arg0, %mul3A_4, %dma_wait3A_84] : memref<2x10112x64xf32, #tpu.memory_space<hbm>> -> memref<1x632x64xf32, #tpu.memory_space<hbm>>
      %dma_wait3A_86 = tpu.memref_squeeze %dma_wait3A_85 : memref<1x632x64xf32, #tpu.memory_space<hbm>> -> memref<632x64xf32, #tpu.memory_space<hbm>>
      %dma_wait3A_87 = arith.constant 0 : i32
      %dma_wait3A_88 = tpu.memref_slice %arg15[%mul3A_4, %dma_wait3A_87] : memref<10112x64xf32, #tpu.memory_space<vmem_shared>> -> memref<632x64xf32, #tpu.memory_space<vmem_shared>>
      tpu.wait_dma2 semaphore(%run_scoped3A : memref<!tpu.dma_semaphore, #tpu.memory_space<semaphore_mem>>) src(%dma_wait3A_88 : memref<632x64xf32, #tpu.memory_space<vmem_shared>>) dst(%dma_wait3A_86 : memref<632x64xf32, #tpu.memory_space<hbm>>)
      tpu.yield
    }) : () -> ()
    return
  }
}

module attributes {stable_mosaic.version = 14 : i64} {
  func.func @_init_body(%arg0: i32, %arg1: memref<2000x1xi32, #tpu.memory_space<vmem>>, %arg2: memref<128x128xf32, #tpu.memory_space<vmem>>, %arg3: memref<2x128x64xf32, #tpu.memory_space<vmem>>, %arg4: memref<2000x128xf32, #tpu.memory_space<vmem>>, %arg5: memref<2x2000x64xf32, #tpu.memory_space<vmem>>) attributes {dimension_semantics = [#tpu.dimension_semantics<arbitrary>], iteration_bounds = array<i64: 5>, scalar_prefetch = 0 : i64, scratch_operands = 0 : i64, tpu.core_type = #tpu.core_type<tc>, window_params = [{transform_indices = @transform_0, window_bounds = array<i64: 2000, 1>}, {pipeline_mode = #tpu.pipeline_mode<synchronous>, transform_indices = @transform_1, window_bounds = array<i64: 128, 128>}, {pipeline_mode = #tpu.pipeline_mode<synchronous>, transform_indices = @transform_2, window_bounds = array<i64: 2, 128, 64>}, {transform_indices = @transform_3, window_bounds = array<i64: 2000, 128>}, {transform_indices = @transform_4, window_bounds = array<i64: 2, 2000, 64>}]} {
    %get3A = arith.constant 0 : index
    %get3A_0 = arith.constant 0 : index
    %get3A_1 = vector.load %arg1[%get3A, %get3A_0] : memref<2000x1xi32, #tpu.memory_space<vmem>>, vector<2000x1xi32>
    %iota3A = tpu.iota {dimensions = array<i32: 1>} : vector<1x128xi32>
    %eq3A = vector.broadcast %get3A_1 : vector<2000x1xi32> to vector<2000x128xi32>
    %eq3A_2 = vector.broadcast %iota3A : vector<1x128xi32> to vector<2000x128xi32>
    %eq3A_3 = arith.cmpi eq, %eq3A, %eq3A_2 : vector<2000x128xi32>
    %convert_element_type3A = arith.extui %eq3A_3 : vector<2000x128xi1> to vector<2000x128xi32>
    %convert_element_type3A_4 = arith.sitofp %convert_element_type3A : vector<2000x128xi32> to vector<2000x128xf32>
    %get3A_5 = arith.constant 0 : index
    %get3A_6 = arith.constant 0 : index
    %get3A_7 = vector.load %arg2[%get3A_5, %get3A_6] : memref<128x128xf32, #tpu.memory_space<vmem>>, vector<128x128xf32>
    %dot_general3A = arith.constant dense<0.000000e+00> : vector<2000x128xf32>
    %dot_general3A_8 = tpu.matmul %convert_element_type3A_4, %get3A_7, %dot_general3A {dimension_numbers = #tpu.dot_dimension_numbers<[1], [0], [0], [1], [0, 0, 1, 1], [], []>, transpose_lhs_hint = false} : vector<2000x128xf32>, vector<128x128xf32>, vector<2000x128xf32> -> vector<2000x128xf32>
    %swap3A = arith.constant 0 : index
    %swap3A_9 = arith.constant 0 : index
    %swap3A_10 = vector.load %arg4[%swap3A, %swap3A_9] : memref<2000x128xf32, #tpu.memory_space<vmem>>, vector<2000x128xf32>
    tpu.vector_store %arg4[%swap3A, %swap3A_9], %dot_general3A_8 {strides = array<i32>} : memref<2000x128xf32, #tpu.memory_space<vmem>>, vector<2000x128xf32>,
    %get3A_11 = arith.constant 0 : index
    %get3A_12 = arith.constant 0 : index
    %get3A_13 = arith.constant 0 : index
    %get3A_14 = vector.load %arg3[%get3A_11, %get3A_12, %get3A_13] : memref<2x128x64xf32, #tpu.memory_space<vmem>>, vector<1x128x64xf32>
    %get3A_15 = vector.shape_cast %get3A_14 : vector<1x128x64xf32> to vector<128x64xf32>
    %dot_general3A_16 = arith.constant dense<0.000000e+00> : vector<2000x64xf32>
    %dot_general3A_17 = tpu.matmul %dot_general3A_8, %get3A_15, %dot_general3A_16 {dimension_numbers = #tpu.dot_dimension_numbers<[1], [0], [0], [1], [0, 0, 1, 1], [], []>, transpose_lhs_hint = false} : vector<2000x128xf32>, vector<128x64xf32>, vector<2000x64xf32> -> vector<2000x64xf32>
    %swap3A_18 = arith.constant 0 : index
    %swap3A_19 = arith.constant 0 : index
    %swap3A_20 = arith.constant 0 : index
    %swap3A_21 = vector.load %arg5[%swap3A_18, %swap3A_19, %swap3A_20] : memref<2x2000x64xf32, #tpu.memory_space<vmem>>, vector<1x2000x64xf32>
    %swap3A_22 = vector.shape_cast %swap3A_21 : vector<1x2000x64xf32> to vector<2000x64xf32>
    %swap3A_23 = vector.shape_cast %dot_general3A_17 : vector<2000x64xf32> to vector<1x2000x64xf32>
    tpu.vector_store %arg5[%swap3A_18, %swap3A_19, %swap3A_20], %swap3A_23 {strides = array<i32>} : memref<2x2000x64xf32, #tpu.memory_space<vmem>>, vector<1x2000x64xf32>,
    %get3A_24 = arith.constant 1 : index
    %get3A_25 = arith.constant 0 : index
    %get3A_26 = arith.constant 0 : index
    %get3A_27 = vector.load %arg3[%get3A_24, %get3A_25, %get3A_26] : memref<2x128x64xf32, #tpu.memory_space<vmem>>, vector<1x128x64xf32>
    %get3A_28 = vector.shape_cast %get3A_27 : vector<1x128x64xf32> to vector<128x64xf32>
    %dot_general3A_29 = arith.constant dense<0.000000e+00> : vector<2000x64xf32>
    %dot_general3A_30 = tpu.matmul %dot_general3A_8, %get3A_28, %dot_general3A_29 {dimension_numbers = #tpu.dot_dimension_numbers<[1], [0], [0], [1], [0, 0, 1, 1], [], []>, transpose_lhs_hint = false} : vector<2000x128xf32>, vector<128x64xf32>, vector<2000x64xf32> -> vector<2000x64xf32>
    %swap3A_31 = arith.constant 1 : index
    %swap3A_32 = arith.constant 0 : index
    %swap3A_33 = arith.constant 0 : index
    %swap3A_34 = vector.load %arg5[%swap3A_31, %swap3A_32, %swap3A_33] : memref<2x2000x64xf32, #tpu.memory_space<vmem>>, vector<1x2000x64xf32>
    %swap3A_35 = vector.shape_cast %swap3A_34 : vector<1x2000x64xf32> to vector<2000x64xf32>
    %swap3A_36 = vector.shape_cast %dot_general3A_30 : vector<2000x64xf32> to vector<1x2000x64xf32>
    tpu.vector_store %arg5[%swap3A_31, %swap3A_32, %swap3A_33], %swap3A_36 {strides = array<i32>} : memref<2x2000x64xf32, #tpu.memory_space<vmem>>, vector<1x2000x64xf32>,
    return
  }
  func.func @transform_0(%arg0: i32) -> (i32, i32) {
    %c0_i32 = arith.constant 0 : i32
    %c0_i32_0 = arith.constant 0 : i32
    return %arg0, %c0_i32 : i32, i32
  }
  func.func @transform_1(%arg0: i32) -> (i32, i32) {
    %c0_i32 = arith.constant 0 : i32
    %c0_i32_0 = arith.constant 0 : i32
    %c0_i32_1 = arith.constant 0 : i32
    return %c0_i32, %c0_i32_0 : i32, i32
  }
  func.func @transform_2(%arg0: i32) -> (i32, i32, i32) {
    %c0_i32 = arith.constant 0 : i32
    %c0_i32_0 = arith.constant 0 : i32
    %c0_i32_1 = arith.constant 0 : i32
    %c0_i32_2 = arith.constant 0 : i32
    return %c0_i32, %c0_i32_0, %c0_i32_1 : i32, i32, i32
  }
  func.func @transform_3(%arg0: i32) -> (i32, i32) {
    %c0_i32 = arith.constant 0 : i32
    %c0_i32_0 = arith.constant 0 : i32
    return %arg0, %c0_i32 : i32, i32
  }
  func.func @transform_4(%arg0: i32) -> (i32, i32, i32) {
    %c0_i32 = arith.constant 0 : i32
    %c0_i32_0 = arith.constant 0 : i32
    %c0_i32_1 = arith.constant 0 : i32
    return %c0_i32, %arg0, %c0_i32_0 : i32, i32, i32
  }
}

module attributes {stable_mosaic.version = 14 : i64} {
  func.func @_smear_body(%arg0: i32, %arg1: memref<1024x1xf32, #tpu.memory_space<vmem>>, %arg2: memref<1024x32xbf16, #tpu.memory_space<vmem>>, %arg3: memref<1024x1xf32, #tpu.memory_space<vmem>>) attributes {dimension_semantics = [#tpu.dimension_semantics<arbitrary>], iteration_bounds = array<i64: 320>, scalar_prefetch = 0 : i64, scratch_operands = 0 : i64, tpu.core_type = #tpu.core_type<tc>, window_params = [{transform_indices = @transform_0, window_bounds = array<i64: 1024, 1>}, {transform_indices = @transform_1, window_bounds = array<i64: 1024, 32>}, {transform_indices = @transform_2, window_bounds = array<i64: 1024, 1>}]} {
    %get3A = arith.constant 0 : index
    %get3A_0 = arith.constant 0 : index
    %get3A_1 = vector.load %arg1[%get3A, %get3A_0] : memref<1024x1xf32, #tpu.memory_space<vmem>>, vector<1024x1xf32>
    %add3A = arith.constant 9.99999996E-13 : f32
    %add3A_2 = vector.broadcast %add3A : f32 to vector<1024x1xf32>
    %add3A_3 = arith.addf %get3A_1, %add3A_2 : vector<1024x1xf32>
    %sqrt3A = math.sqrt %add3A_3 : vector<1024x1xf32>
    %mul3A = arith.constant 0.628318548 : f32
    %mul3A_4 = vector.broadcast %mul3A : f32 to vector<1024x1xf32>
    %mul3A_5 = arith.mulf %sqrt3A, %mul3A_4 : vector<1024x1xf32>
    %mul3A_6 = arith.mulf %mul3A_5, %mul3A_5 : vector<1024x1xf32>
    %mul3A_7 = arith.constant 1.73689962E-9 : f32
    %mul3A_8 = vector.broadcast %mul3A_7 : f32 to vector<1024x1xf32>
    %mul3A_9 = arith.mulf %mul3A_8, %mul3A_6 : vector<1024x1xf32>
    %add3A_10 = arith.constant -2.71133388E-7 : f32
    %add3A_11 = vector.broadcast %add3A_10 : f32 to vector<1024x1xf32>
    %add3A_12 = arith.addf %mul3A_9, %add3A_11 : vector<1024x1xf32>
    %mul3A_13 = arith.mulf %add3A_12, %mul3A_6 : vector<1024x1xf32>
    %add3A_14 = arith.constant 2.47734206E-5 : f32
    %add3A_15 = vector.broadcast %add3A_14 : f32 to vector<1024x1xf32>
    %add3A_16 = arith.addf %mul3A_13, %add3A_15 : vector<1024x1xf32>
    %mul3A_17 = arith.mulf %add3A_16, %mul3A_6 : vector<1024x1xf32>
    %add3A_18 = arith.constant -0.00138879707 : f32
    %add3A_19 = vector.broadcast %add3A_18 : f32 to vector<1024x1xf32>
    %add3A_20 = arith.addf %mul3A_17, %add3A_19 : vector<1024x1xf32>
    %mul3A_21 = arith.mulf %add3A_20, %mul3A_6 : vector<1024x1xf32>
    %add3A_22 = arith.constant 0.0416665226 : f32
    %add3A_23 = vector.broadcast %add3A_22 : f32 to vector<1024x1xf32>
    %add3A_24 = arith.addf %mul3A_21, %add3A_23 : vector<1024x1xf32>
    %mul3A_25 = arith.mulf %add3A_24, %mul3A_6 : vector<1024x1xf32>
    %add3A_26 = arith.constant -0.499999911 : f32
    %add3A_27 = vector.broadcast %add3A_26 : f32 to vector<1024x1xf32>
    %add3A_28 = arith.addf %mul3A_25, %add3A_27 : vector<1024x1xf32>
    %mul3A_29 = arith.mulf %add3A_28, %mul3A_6 : vector<1024x1xf32>
    %add3A_30 = arith.constant 1.000000e+00 : f32
    %add3A_31 = vector.broadcast %add3A_30 : f32 to vector<1024x1xf32>
    %add3A_32 = arith.addf %mul3A_29, %add3A_31 : vector<1024x1xf32>
    %add3A_33 = arith.constant 1.000000e+00 : f32
    %add3A_34 = vector.broadcast %add3A_33 : f32 to vector<1024x1xf32>
    %add3A_35 = arith.addf %add3A_32, %add3A_34 : vector<1024x1xf32>
    %mul3A_36 = arith.constant 5.000000e-01 : f32
    %mul3A_37 = vector.broadcast %mul3A_36 : f32 to vector<1024x1xf32>
    %mul3A_38 = arith.mulf %mul3A_37, %add3A_35 : vector<1024x1xf32>
    %lt3A = arith.constant 5.000000e+00 : f32
    %lt3A_39 = vector.broadcast %lt3A : f32 to vector<1024x1xf32>
    %lt3A_40 = arith.cmpf olt, %sqrt3A, %lt3A_39 : vector<1024x1xf32>
    %jit3A = arith.constant 0.000000e+00 : f32
    %broadcast_in_dim3A = vector.broadcast %jit3A : f32 to vector<1024x1xf32>
    %select_n3A = arith.select %lt3A_40, %mul3A_38, %broadcast_in_dim3A : vector<1024x1xi1>, vector<1024x1xf32>
    %swap3A = arith.constant 0 : index
    %swap3A_41 = arith.constant 0 : index
    %swap3A_42 = vector.load %arg3[%swap3A, %swap3A_41] : memref<1024x1xf32, #tpu.memory_space<vmem>>, vector<1024x1xf32>
    tpu.vector_store %arg3[%swap3A, %swap3A_41], %select_n3A {strides = array<i32>} : memref<1024x1xf32, #tpu.memory_space<vmem>>, vector<1024x1xf32>,
    %iota3A = tpu.iota {dimensions = array<i32: 1>} : vector<1x32xi32>
    %convert_element_type3A = arith.sitofp %iota3A : vector<1x32xi32> to vector<1x32xf32>
    %mul3A_43 = arith.constant 0.208333328 : f32
    %mul3A_44 = vector.broadcast %mul3A_43 : f32 to vector<1x32xf32>
    %mul3A_45 = arith.mulf %convert_element_type3A, %mul3A_44 : vector<1x32xf32>
    %sub3A = vector.broadcast %sqrt3A : vector<1024x1xf32> to vector<1024x32xf32>
    %sub3A_46 = vector.broadcast %mul3A_45 : vector<1x32xf32> to vector<1024x32xf32>
    %sub3A_47 = arith.subf %sub3A, %sub3A_46 : vector<1024x32xf32>
    %mul3A_48 = arith.constant -1.152000e+01 : f32
    %mul3A_49 = vector.broadcast %mul3A_48 : f32 to vector<1024x32xf32>
    %mul3A_50 = arith.mulf %mul3A_49, %sub3A_47 : vector<1024x32xf32>
    %mul3A_51 = arith.mulf %mul3A_50, %sub3A_47 : vector<1024x32xf32>
    %exp3A = math.exp %mul3A_51 : vector<1024x32xf32>
    %lt3A_52 = arith.constant 25 : i32
    %lt3A_53 = vector.broadcast %lt3A_52 : i32 to vector<1x32xi32>
    %lt3A_54 = arith.cmpi slt, %iota3A, %lt3A_53 : vector<1x32xi32>
    %jit3A_55 = arith.constant 0.000000e+00 : f32
    %broadcast_in_dim3A_56 = vector.shape_cast %lt3A_54 : vector<1x32xi1> to vector<1x32xi1>
    %broadcast_in_dim3A_57 = vector.broadcast %broadcast_in_dim3A_56 : vector<1x32xi1> to vector<1024x32xi1>
    %broadcast_in_dim3A_58 = vector.broadcast %jit3A_55 : f32 to vector<1024x32xf32>
    %select_n3A_59 = arith.select %broadcast_in_dim3A_57, %exp3A, %broadcast_in_dim3A_58 : vector<1024x32xi1>, vector<1024x32xf32>
    %convert_element_type3A_60 = arith.truncf %select_n3A_59 : vector<1024x32xf32> to vector<1024x32xbf16>
    %swap3A_61 = arith.constant 0 : index
    %swap3A_62 = arith.constant 0 : index
    %swap3A_63 = vector.load %arg2[%swap3A_61, %swap3A_62] : memref<1024x32xbf16, #tpu.memory_space<vmem>>, vector<1024x32xbf16>
    tpu.vector_store %arg2[%swap3A_61, %swap3A_62], %convert_element_type3A_60 {strides = array<i32>} : memref<1024x32xbf16, #tpu.memory_space<vmem>>, vector<1024x32xbf16>,
    return
  }
  func.func @transform_0(%arg0: i32) -> (i32, i32) {
    %c0_i32 = arith.constant 0 : i32
    %c0_i32_0 = arith.constant 0 : i32
    return %arg0, %c0_i32 : i32, i32
  }
  func.func @transform_1(%arg0: i32) -> (i32, i32) {
    %c0_i32 = arith.constant 0 : i32
    %c0_i32_0 = arith.constant 0 : i32
    return %arg0, %c0_i32 : i32, i32
  }
  func.func @transform_2(%arg0: i32) -> (i32, i32) {
    %c0_i32 = arith.constant 0 : i32
    %c0_i32_0 = arith.constant 0 : i32
    return %arg0, %c0_i32 : i32, i32
  }
}

module attributes {stable_mosaic.version = 14 : i64} {
  func.func @_edge_filter_body(%arg0: i32, %arg1: memref<1024x32xbf16, #tpu.memory_space<vmem>>, %arg2: memref<1024x1xf32, #tpu.memory_space<vmem>>, %arg3: memref<32x128xbf16, #tpu.memory_space<vmem>>, %arg4: memref<2x128x64xbf16, #tpu.memory_space<vmem>>, %arg5: memref<1x128xf32, #tpu.memory_space<vmem>>, %arg6: memref<2x1x64xf32, #tpu.memory_space<vmem>>, %arg7: memref<2x1024x64xf32, #tpu.memory_space<vmem>>) attributes {dimension_semantics = [#tpu.dimension_semantics<arbitrary>], iteration_bounds = array<i64: 320>, scalar_prefetch = 0 : i64, scratch_operands = 0 : i64, tpu.core_type = #tpu.core_type<tc>, window_params = [{transform_indices = @transform_0, window_bounds = array<i64: 1024, 32>}, {transform_indices = @transform_1, window_bounds = array<i64: 1024, 1>}, {pipeline_mode = #tpu.pipeline_mode<synchronous>, transform_indices = @transform_2, window_bounds = array<i64: 32, 128>}, {pipeline_mode = #tpu.pipeline_mode<synchronous>, transform_indices = @transform_3, window_bounds = array<i64: 2, 128, 64>}, {pipeline_mode = #tpu.pipeline_mode<synchronous>, transform_indices = @transform_4, window_bounds = array<i64: 1, 128>}, {pipeline_mode = #tpu.pipeline_mode<synchronous>, transform_indices = @transform_5, window_bounds = array<i64: 2, 1, 64>}, {transform_indices = @transform_6, window_bounds = array<i64: 2, 1024, 64>}]} {
    %get3A = arith.constant 0 : index
    %get3A_0 = arith.constant 0 : index
    %get3A_1 = vector.load %arg1[%get3A, %get3A_0] : memref<1024x32xbf16, #tpu.memory_space<vmem>>, vector<1024x32xbf16>
    %get3A_2 = arith.constant 0 : index
    %get3A_3 = arith.constant 0 : index
    %get3A_4 = vector.load %arg3[%get3A_2, %get3A_3] : memref<32x128xbf16, #tpu.memory_space<vmem>>, vector<32x128xbf16>
    %dot_general3A = arith.constant dense<0.000000e+00> : vector<1024x128xf32>
    %dot_general3A_5 = tpu.matmul %get3A_1, %get3A_4, %dot_general3A {dimension_numbers = #tpu.dot_dimension_numbers<[1], [0], [0], [1], [0, 0, 1, 1], [], []>, transpose_lhs_hint = false} : vector<1024x32xbf16>, vector<32x128xbf16>, vector<1024x128xf32> -> vector<1024x128xf32>
    %get3A_6 = arith.constant 0 : index
    %get3A_7 = arith.constant 0 : index
    %get3A_8 = vector.load %arg5[%get3A_6, %get3A_7] : memref<1x128xf32, #tpu.memory_space<vmem>>, vector<1x128xf32>
    %add3A = vector.broadcast %get3A_8 : vector<1x128xf32> to vector<1024x128xf32>
    %add3A_9 = arith.addf %dot_general3A_5, %add3A : vector<1024x128xf32>
    %logistic3A = arith.negf %add3A_9 : vector<1024x128xf32>
    %logistic3A_10 = math.exp %logistic3A : vector<1024x128xf32>
    %logistic3A_11 = arith.constant 1.000000e+00 : f32
    %logistic3A_12 = vector.broadcast %logistic3A_11 : f32 to vector<1024x128xf32>
    %logistic3A_13 = arith.addf %logistic3A_12, %logistic3A_10 : vector<1024x128xf32>
    %logistic3A_14 = arith.divf %logistic3A_12, %logistic3A_13 : vector<1024x128xf32>
    %mul3A = arith.mulf %add3A_9, %logistic3A_14 : vector<1024x128xf32>
    %convert_element_type3A = arith.truncf %mul3A : vector<1024x128xf32> to vector<1024x128xbf16>
    %get3A_15 = arith.constant 0 : index
    %get3A_16 = arith.constant 0 : index
    %get3A_17 = vector.load %arg2[%get3A_15, %get3A_16] : memref<1024x1xf32, #tpu.memory_space<vmem>>, vector<1024x1xf32>
    %get3A_18 = arith.constant 0 : index
    %get3A_19 = arith.constant 0 : index
    %get3A_20 = arith.constant 0 : index
    %get3A_21 = vector.load %arg4[%get3A_18, %get3A_19, %get3A_20] : memref<2x128x64xbf16, #tpu.memory_space<vmem>>, vector<1x128x64xbf16>
    %get3A_22 = vector.shape_cast %get3A_21 : vector<1x128x64xbf16> to vector<128x64xbf16>
    %dot_general3A_23 = arith.constant dense<0.000000e+00> : vector<1024x64xf32>
    %dot_general3A_24 = tpu.matmul %convert_element_type3A, %get3A_22, %dot_general3A_23 {dimension_numbers = #tpu.dot_dimension_numbers<[1], [0], [0], [1], [0, 0, 1, 1], [], []>, transpose_lhs_hint = false} : vector<1024x128xbf16>, vector<128x64xbf16>, vector<1024x64xf32> -> vector<1024x64xf32>
    %get3A_25 = arith.constant 0 : index
    %get3A_26 = arith.constant 0 : index
    %get3A_27 = arith.constant 0 : index
    %get3A_28 = vector.load %arg6[%get3A_25, %get3A_26, %get3A_27] : memref<2x1x64xf32, #tpu.memory_space<vmem>>, vector<1x1x64xf32>
    %get3A_29 = vector.shape_cast %get3A_28 : vector<1x1x64xf32> to vector<1x64xf32>
    %add3A_30 = vector.broadcast %get3A_29 : vector<1x64xf32> to vector<1024x64xf32>
    %add3A_31 = arith.addf %dot_general3A_24, %add3A_30 : vector<1024x64xf32>
    %mul3A_32 = vector.broadcast %get3A_17 : vector<1024x1xf32> to vector<1024x64xf32>
    %mul3A_33 = arith.mulf %add3A_31, %mul3A_32 : vector<1024x64xf32>
    %swap3A = arith.constant 0 : index
    %swap3A_34 = arith.constant 0 : index
    %swap3A_35 = arith.constant 0 : index
    %swap3A_36 = vector.load %arg7[%swap3A, %swap3A_34, %swap3A_35] : memref<2x1024x64xf32, #tpu.memory_space<vmem>>, vector<1x1024x64xf32>
    %swap3A_37 = vector.shape_cast %swap3A_36 : vector<1x1024x64xf32> to vector<1024x64xf32>
    %swap3A_38 = vector.shape_cast %mul3A_33 : vector<1024x64xf32> to vector<1x1024x64xf32>
    tpu.vector_store %arg7[%swap3A, %swap3A_34, %swap3A_35], %swap3A_38 {strides = array<i32>} : memref<2x1024x64xf32, #tpu.memory_space<vmem>>, vector<1x1024x64xf32>,
    %get3A_39 = arith.constant 1 : index
    %get3A_40 = arith.constant 0 : index
    %get3A_41 = arith.constant 0 : index
    %get3A_42 = vector.load %arg4[%get3A_39, %get3A_40, %get3A_41] : memref<2x128x64xbf16, #tpu.memory_space<vmem>>, vector<1x128x64xbf16>
    %get3A_43 = vector.shape_cast %get3A_42 : vector<1x128x64xbf16> to vector<128x64xbf16>
    %dot_general3A_44 = arith.constant dense<0.000000e+00> : vector<1024x64xf32>
    %dot_general3A_45 = tpu.matmul %convert_element_type3A, %get3A_43, %dot_general3A_44 {dimension_numbers = #tpu.dot_dimension_numbers<[1], [0], [0], [1], [0, 0, 1, 1], [], []>, transpose_lhs_hint = false} : vector<1024x128xbf16>, vector<128x64xbf16>, vector<1024x64xf32> -> vector<1024x64xf32>
    %get3A_46 = arith.constant 1 : index
    %get3A_47 = arith.constant 0 : index
    %get3A_48 = arith.constant 0 : index
    %get3A_49 = vector.load %arg6[%get3A_46, %get3A_47, %get3A_48] : memref<2x1x64xf32, #tpu.memory_space<vmem>>, vector<1x1x64xf32>
    %get3A_50 = vector.shape_cast %get3A_49 : vector<1x1x64xf32> to vector<1x64xf32>
    %add3A_51 = vector.broadcast %get3A_50 : vector<1x64xf32> to vector<1024x64xf32>
    %add3A_52 = arith.addf %dot_general3A_45, %add3A_51 : vector<1024x64xf32>
    %mul3A_53 = vector.broadcast %get3A_17 : vector<1024x1xf32> to vector<1024x64xf32>
    %mul3A_54 = arith.mulf %add3A_52, %mul3A_53 : vector<1024x64xf32>
    %swap3A_55 = arith.constant 1 : index
    %swap3A_56 = arith.constant 0 : index
    %swap3A_57 = arith.constant 0 : index
    %swap3A_58 = vector.load %arg7[%swap3A_55, %swap3A_56, %swap3A_57] : memref<2x1024x64xf32, #tpu.memory_space<vmem>>, vector<1x1024x64xf32>
    %swap3A_59 = vector.shape_cast %swap3A_58 : vector<1x1024x64xf32> to vector<1024x64xf32>
    %swap3A_60 = vector.shape_cast %mul3A_54 : vector<1024x64xf32> to vector<1x1024x64xf32>
    tpu.vector_store %arg7[%swap3A_55, %swap3A_56, %swap3A_57], %swap3A_60 {strides = array<i32>} : memref<2x1024x64xf32, #tpu.memory_space<vmem>>, vector<1x1024x64xf32>,
    return
  }
  func.func @transform_0(%arg0: i32) -> (i32, i32) {
    %c0_i32 = arith.constant 0 : i32
    %c0_i32_0 = arith.constant 0 : i32
    return %arg0, %c0_i32 : i32, i32
  }
  func.func @transform_1(%arg0: i32) -> (i32, i32) {
    %c0_i32 = arith.constant 0 : i32
    %c0_i32_0 = arith.constant 0 : i32
    return %arg0, %c0_i32 : i32, i32
  }
  func.func @transform_2(%arg0: i32) -> (i32, i32) {
    %c0_i32 = arith.constant 0 : i32
    %c0_i32_0 = arith.constant 0 : i32
    %c0_i32_1 = arith.constant 0 : i32
    return %c0_i32, %c0_i32_0 : i32, i32
  }
  func.func @transform_3(%arg0: i32) -> (i32, i32, i32) {
    %c0_i32 = arith.constant 0 : i32
    %c0_i32_0 = arith.constant 0 : i32
    %c0_i32_1 = arith.constant 0 : i32
    %c0_i32_2 = arith.constant 0 : i32
    return %c0_i32, %c0_i32_0, %c0_i32_1 : i32, i32, i32
  }
  func.func @transform_4(%arg0: i32) -> (i32, i32) {
    %c0_i32 = arith.constant 0 : i32
    %c0_i32_0 = arith.constant 0 : i32
    %c0_i32_1 = arith.constant 0 : i32
    return %c0_i32, %c0_i32_0 : i32, i32
  }
  func.func @transform_5(%arg0: i32) -> (i32, i32, i32) {
    %c0_i32 = arith.constant 0 : i32
    %c0_i32_0 = arith.constant 0 : i32
    %c0_i32_1 = arith.constant 0 : i32
    %c0_i32_2 = arith.constant 0 : i32
    return %c0_i32, %c0_i32_0, %c0_i32_1 : i32, i32, i32
  }
  func.func @transform_6(%arg0: i32) -> (i32, i32, i32) {
    %c0_i32 = arith.constant 0 : i32
    %c0_i32_0 = arith.constant 0 : i32
    %c0_i32_1 = arith.constant 0 : i32
    return %c0_i32, %arg0, %c0_i32_0 : i32, i32, i32
  }
}

module attributes {stable_mosaic.version = 14 : i64} {
  func.func @_node_body(%arg0: i32, %arg1: memref<2000x128xf32, #tpu.memory_space<vmem>>, %arg2: memref<2x2000x64xf32, #tpu.memory_space<vmem>>, %arg3: memref<128x128xf32, #tpu.memory_space<vmem>>, %arg4: memref<128x128xf32, #tpu.memory_space<vmem>>, %arg5: memref<1x128xf32, #tpu.memory_space<vmem>>, %arg6: memref<1x128xf32, #tpu.memory_space<vmem>>, %arg7: memref<1x128xf32, #tpu.memory_space<vmem>>, %arg8: memref<1x128xf32, #tpu.memory_space<vmem>>, %arg9: memref<2x128x64xf32, #tpu.memory_space<vmem>>, %arg10: memref<2000x128xf32, #tpu.memory_space<vmem>>, %arg11: memref<2x2000x64xf32, #tpu.memory_space<vmem>>) attributes {dimension_semantics = [#tpu.dimension_semantics<arbitrary>], iteration_bounds = array<i64: 5>, scalar_prefetch = 0 : i64, scratch_operands = 0 : i64, tpu.core_type = #tpu.core_type<tc>, window_params = [{transform_indices = @transform_0, window_bounds = array<i64: 2000, 128>}, {transform_indices = @transform_1, window_bounds = array<i64: 2, 2000, 64>}, {pipeline_mode = #tpu.pipeline_mode<synchronous>, transform_indices = @transform_2, window_bounds = array<i64: 128, 128>}, {pipeline_mode = #tpu.pipeline_mode<synchronous>, transform_indices = @transform_3, window_bounds = array<i64: 128, 128>}, {pipeline_mode = #tpu.pipeline_mode<synchronous>, transform_indices = @transform_4, window_bounds = array<i64: 1, 128>}, {pipeline_mode = #tpu.pipeline_mode<synchronous>, transform_indices = @transform_5, window_bounds = array<i64: 1, 128>}, {pipeline_mode = #tpu.pipeline_mode<synchronous>, transform_indices = @transform_6, window_bounds = array<i64: 1, 128>}, {pipeline_mode = #tpu.pipeline_mode<synchronous>, transform_indices = @transform_7, window_bounds = array<i64: 1, 128>}, {pipeline_mode = #tpu.pipeline_mode<synchronous>, transform_indices = @transform_8, window_bounds = array<i64: 2, 128, 64>}, {transform_indices = @transform_9, window_bounds = array<i64: 2000, 128>}, {transform_indices = @transform_10, window_bounds = array<i64: 2, 2000, 64>}]} {
    %get3A = arith.constant 0 : index
    %get3A_0 = arith.constant 0 : index
    %get3A_1 = arith.constant 0 : index
    %get3A_2 = vector.load %arg2[%get3A, %get3A_0, %get3A_1] : memref<2x2000x64xf32, #tpu.memory_space<vmem>>, vector<1x2000x64xf32>
    %get3A_3 = vector.shape_cast %get3A_2 : vector<1x2000x64xf32> to vector<2000x64xf32>
    %get3A_4 = arith.constant 1 : index
    %get3A_5 = arith.constant 0 : index
    %get3A_6 = arith.constant 0 : index
    %get3A_7 = vector.load %arg2[%get3A_4, %get3A_5, %get3A_6] : memref<2x2000x64xf32, #tpu.memory_space<vmem>>, vector<1x2000x64xf32>
    %get3A_8 = vector.shape_cast %get3A_7 : vector<1x2000x64xf32> to vector<2000x64xf32>
    %concatenate3A = tpu.concatenate %get3A_3, %get3A_8 in 1 : vector<2000x64xf32>, vector<2000x64xf32> -> vector<2000x128xf32>
    %get3A_9 = arith.constant 0 : index
    %get3A_10 = arith.constant 0 : index
    %get3A_11 = vector.load %arg3[%get3A_9, %get3A_10] : memref<128x128xf32, #tpu.memory_space<vmem>>, vector<128x128xf32>
    %dot_general3A = arith.constant dense<0.000000e+00> : vector<2000x128xf32>
    %dot_general3A_12 = tpu.matmul %concatenate3A, %get3A_11, %dot_general3A {dimension_numbers = #tpu.dot_dimension_numbers<[1], [0], [0], [1], [0, 0, 1, 1], [], []>, transpose_lhs_hint = false} : vector<2000x128xf32>, vector<128x128xf32>, vector<2000x128xf32> -> vector<2000x128xf32>
    %get3A_13 = arith.constant 0 : index
    %get3A_14 = arith.constant 0 : index
    %get3A_15 = vector.load %arg5[%get3A_13, %get3A_14] : memref<1x128xf32, #tpu.memory_space<vmem>>, vector<1x128xf32>
    %add3A = vector.broadcast %get3A_15 : vector<1x128xf32> to vector<2000x128xf32>
    %add3A_16 = arith.addf %dot_general3A_12, %add3A : vector<2000x128xf32>
    %logistic3A = arith.negf %add3A_16 : vector<2000x128xf32>
    %logistic3A_17 = math.exp %logistic3A : vector<2000x128xf32>
    %logistic3A_18 = arith.constant 1.000000e+00 : f32
    %logistic3A_19 = vector.broadcast %logistic3A_18 : f32 to vector<2000x128xf32>
    %logistic3A_20 = arith.addf %logistic3A_19, %logistic3A_17 : vector<2000x128xf32>
    %logistic3A_21 = arith.divf %logistic3A_19, %logistic3A_20 : vector<2000x128xf32>
    %mul3A = arith.mulf %add3A_16, %logistic3A_21 : vector<2000x128xf32>
    %get3A_22 = arith.constant 0 : index
    %get3A_23 = arith.constant 0 : index
    %get3A_24 = vector.load %arg4[%get3A_22, %get3A_23] : memref<128x128xf32, #tpu.memory_space<vmem>>, vector<128x128xf32>
    %dot_general3A_25 = arith.constant dense<0.000000e+00> : vector<2000x128xf32>
    %dot_general3A_26 = tpu.matmul %mul3A, %get3A_24, %dot_general3A_25 {dimension_numbers = #tpu.dot_dimension_numbers<[1], [0], [0], [1], [0, 0, 1, 1], [], []>, transpose_lhs_hint = false} : vector<2000x128xf32>, vector<128x128xf32>, vector<2000x128xf32> -> vector<2000x128xf32>
    %get3A_27 = arith.constant 0 : index
    %get3A_28 = arith.constant 0 : index
    %get3A_29 = vector.load %arg6[%get3A_27, %get3A_28] : memref<1x128xf32, #tpu.memory_space<vmem>>, vector<1x128xf32>
    %add3A_30 = vector.broadcast %get3A_29 : vector<1x128xf32> to vector<2000x128xf32>
    %add3A_31 = arith.addf %dot_general3A_26, %add3A_30 : vector<2000x128xf32>
    %get3A_32 = arith.constant 0 : index
    %get3A_33 = arith.constant 0 : index
    %get3A_34 = vector.load %arg1[%get3A_32, %get3A_33] : memref<2000x128xf32, #tpu.memory_space<vmem>>, vector<2000x128xf32>
    %add3A_35 = arith.addf %get3A_34, %add3A_31 : vector<2000x128xf32>
    %reduce_sum3A = arith.constant dense<0.000000e+00> : vector<2000xf32>
    %reduce_sum3A_36 = vector.multi_reduction <add>, %add3A_35, %reduce_sum3A [1] : vector<2000x128xf32> to vector<2000xf32>
    %broadcast_in_dim3A = vector.shape_cast %reduce_sum3A_36 : vector<2000xf32> to vector<2000x1xf32>
    %div3A = arith.constant 1.280000e+02 : f32
    %div3A_37 = vector.broadcast %div3A : f32 to vector<2000x1xf32>
    %div3A_38 = arith.divf %broadcast_in_dim3A, %div3A_37 : vector<2000x1xf32>
    %sub3A = vector.broadcast %div3A_38 : vector<2000x1xf32> to vector<2000x128xf32>
    %sub3A_39 = arith.subf %add3A_35, %sub3A : vector<2000x128xf32>
    %mul3A_40 = arith.mulf %sub3A_39, %sub3A_39 : vector<2000x128xf32>
    %reduce_sum3A_41 = arith.constant dense<0.000000e+00> : vector<2000xf32>
    %reduce_sum3A_42 = vector.multi_reduction <add>, %mul3A_40, %reduce_sum3A_41 [1] : vector<2000x128xf32> to vector<2000xf32>
    %broadcast_in_dim3A_43 = vector.shape_cast %reduce_sum3A_42 : vector<2000xf32> to vector<2000x1xf32>
    %div3A_44 = arith.constant 1.280000e+02 : f32
    %div3A_45 = vector.broadcast %div3A_44 : f32 to vector<2000x1xf32>
    %div3A_46 = arith.divf %broadcast_in_dim3A_43, %div3A_45 : vector<2000x1xf32>
    %get3A_47 = arith.constant 0 : index
    %get3A_48 = arith.constant 0 : index
    %get3A_49 = vector.load %arg7[%get3A_47, %get3A_48] : memref<1x128xf32, #tpu.memory_space<vmem>>, vector<1x128xf32>
    %mul3A_50 = vector.broadcast %get3A_49 : vector<1x128xf32> to vector<2000x128xf32>
    %mul3A_51 = arith.mulf %mul3A_50, %sub3A_39 : vector<2000x128xf32>
    %add3A_52 = arith.constant 9.99999974E-6 : f32
    %add3A_53 = vector.broadcast %add3A_52 : f32 to vector<2000x1xf32>
    %add3A_54 = arith.addf %div3A_46, %add3A_53 : vector<2000x1xf32>
    %rsqrt3A = math.rsqrt %add3A_54 : vector<2000x1xf32>
    %mul3A_55 = vector.broadcast %rsqrt3A : vector<2000x1xf32> to vector<2000x128xf32>
    %mul3A_56 = arith.mulf %mul3A_51, %mul3A_55 : vector<2000x128xf32>
    %get3A_57 = arith.constant 0 : index
    %get3A_58 = arith.constant 0 : index
    %get3A_59 = vector.load %arg8[%get3A_57, %get3A_58] : memref<1x128xf32, #tpu.memory_space<vmem>>, vector<1x128xf32>
    %add3A_60 = vector.broadcast %get3A_59 : vector<1x128xf32> to vector<2000x128xf32>
    %add3A_61 = arith.addf %mul3A_56, %add3A_60 : vector<2000x128xf32>
    %swap3A = arith.constant 0 : index
    %swap3A_62 = arith.constant 0 : index
    %swap3A_63 = vector.load %arg10[%swap3A, %swap3A_62] : memref<2000x128xf32, #tpu.memory_space<vmem>>, vector<2000x128xf32>
    tpu.vector_store %arg10[%swap3A, %swap3A_62], %add3A_61 {strides = array<i32>} : memref<2000x128xf32, #tpu.memory_space<vmem>>, vector<2000x128xf32>,
    %get3A_64 = arith.constant 0 : index
    %get3A_65 = arith.constant 0 : index
    %get3A_66 = arith.constant 0 : index
    %get3A_67 = vector.load %arg9[%get3A_64, %get3A_65, %get3A_66] : memref<2x128x64xf32, #tpu.memory_space<vmem>>, vector<1x128x64xf32>
    %get3A_68 = vector.shape_cast %get3A_67 : vector<1x128x64xf32> to vector<128x64xf32>
    %dot_general3A_69 = arith.constant dense<0.000000e+00> : vector<2000x64xf32>
    %dot_general3A_70 = tpu.matmul %add3A_61, %get3A_68, %dot_general3A_69 {dimension_numbers = #tpu.dot_dimension_numbers<[1], [0], [0], [1], [0, 0, 1, 1], [], []>, transpose_lhs_hint = false} : vector<2000x128xf32>, vector<128x64xf32>, vector<2000x64xf32> -> vector<2000x64xf32>
    %swap3A_71 = arith.constant 0 : index
    %swap3A_72 = arith.constant 0 : index
    %swap3A_73 = arith.constant 0 : index
    %swap3A_74 = vector.load %arg11[%swap3A_71, %swap3A_72, %swap3A_73] : memref<2x2000x64xf32, #tpu.memory_space<vmem>>, vector<1x2000x64xf32>
    %swap3A_75 = vector.shape_cast %swap3A_74 : vector<1x2000x64xf32> to vector<2000x64xf32>
    %swap3A_76 = vector.shape_cast %dot_general3A_70 : vector<2000x64xf32> to vector<1x2000x64xf32>
    tpu.vector_store %arg11[%swap3A_71, %swap3A_72, %swap3A_73], %swap3A_76 {strides = array<i32>} : memref<2x2000x64xf32, #tpu.memory_space<vmem>>, vector<1x2000x64xf32>,
    %get3A_77 = arith.constant 1 : index
    %get3A_78 = arith.constant 0 : index
    %get3A_79 = arith.constant 0 : index
    %get3A_80 = vector.load %arg9[%get3A_77, %get3A_78, %get3A_79] : memref<2x128x64xf32, #tpu.memory_space<vmem>>, vector<1x128x64xf32>
    %get3A_81 = vector.shape_cast %get3A_80 : vector<1x128x64xf32> to vector<128x64xf32>
    %dot_general3A_82 = arith.constant dense<0.000000e+00> : vector<2000x64xf32>
    %dot_general3A_83 = tpu.matmul %add3A_61, %get3A_81, %dot_general3A_82 {dimension_numbers = #tpu.dot_dimension_numbers<[1], [0], [0], [1], [0, 0, 1, 1], [], []>, transpose_lhs_hint = false} : vector<2000x128xf32>, vector<128x64xf32>, vector<2000x64xf32> -> vector<2000x64xf32>
    %swap3A_84 = arith.constant 1 : index
    %swap3A_85 = arith.constant 0 : index
    %swap3A_86 = arith.constant 0 : index
    %swap3A_87 = vector.load %arg11[%swap3A_84, %swap3A_85, %swap3A_86] : memref<2x2000x64xf32, #tpu.memory_space<vmem>>, vector<1x2000x64xf32>
    %swap3A_88 = vector.shape_cast %swap3A_87 : vector<1x2000x64xf32> to vector<2000x64xf32>
    %swap3A_89 = vector.shape_cast %dot_general3A_83 : vector<2000x64xf32> to vector<1x2000x64xf32>
    tpu.vector_store %arg11[%swap3A_84, %swap3A_85, %swap3A_86], %swap3A_89 {strides = array<i32>} : memref<2x2000x64xf32, #tpu.memory_space<vmem>>, vector<1x2000x64xf32>,
    return
  }
  func.func @transform_0(%arg0: i32) -> (i32, i32) {
    %c0_i32 = arith.constant 0 : i32
    %c0_i32_0 = arith.constant 0 : i32
    return %arg0, %c0_i32 : i32, i32
  }
  func.func @transform_1(%arg0: i32) -> (i32, i32, i32) {
    %c0_i32 = arith.constant 0 : i32
    %c0_i32_0 = arith.constant 0 : i32
    %c0_i32_1 = arith.constant 0 : i32
    return %c0_i32, %arg0, %c0_i32_0 : i32, i32, i32
  }
  func.func @transform_2(%arg0: i32) -> (i32, i32) {
    %c0_i32 = arith.constant 0 : i32
    %c0_i32_0 = arith.constant 0 : i32
    %c0_i32_1 = arith.constant 0 : i32
    return %c0_i32, %c0_i32_0 : i32, i32
  }
  func.func @transform_3(%arg0: i32) -> (i32, i32) {
    %c0_i32 = arith.constant 0 : i32
    %c0_i32_0 = arith.constant 0 : i32
    %c0_i32_1 = arith.constant 0 : i32
    return %c0_i32, %c0_i32_0 : i32, i32
  }
  func.func @transform_4(%arg0: i32) -> (i32, i32) {
    %c0_i32 = arith.constant 0 : i32
    %c0_i32_0 = arith.constant 0 : i32
    %c0_i32_1 = arith.constant 0 : i32
    return %c0_i32, %c0_i32_0 : i32, i32
  }
  func.func @transform_5(%arg0: i32) -> (i32, i32) {
    %c0_i32 = arith.constant 0 : i32
    %c0_i32_0 = arith.constant 0 : i32
    %c0_i32_1 = arith.constant 0 : i32
    return %c0_i32, %c0_i32_0 : i32, i32
  }
  func.func @transform_6(%arg0: i32) -> (i32, i32) {
    %c0_i32 = arith.constant 0 : i32
    %c0_i32_0 = arith.constant 0 : i32
    %c0_i32_1 = arith.constant 0 : i32
    return %c0_i32, %c0_i32_0 : i32, i32
  }
  func.func @transform_7(%arg0: i32) -> (i32, i32) {
    %c0_i32 = arith.constant 0 : i32
    %c0_i32_0 = arith.constant 0 : i32
    %c0_i32_1 = arith.constant 0 : i32
    return %c0_i32, %c0_i32_0 : i32, i32
  }
  func.func @transform_8(%arg0: i32) -> (i32, i32, i32) {
    %c0_i32 = arith.constant 0 : i32
    %c0_i32_0 = arith.constant 0 : i32
    %c0_i32_1 = arith.constant 0 : i32
    %c0_i32_2 = arith.constant 0 : i32
    return %c0_i32, %c0_i32_0, %c0_i32_1 : i32, i32, i32
  }
  func.func @transform_9(%arg0: i32) -> (i32, i32) {
    %c0_i32 = arith.constant 0 : i32
    %c0_i32_0 = arith.constant 0 : i32
    return %arg0, %c0_i32 : i32, i32
  }
  func.func @transform_10(%arg0: i32) -> (i32, i32, i32) {
    %c0_i32 = arith.constant 0 : i32
    %c0_i32_0 = arith.constant 0 : i32
    %c0_i32_1 = arith.constant 0 : i32
    return %c0_i32, %arg0, %c0_i32_0 : i32, i32, i32
  }
}

module attributes {stable_mosaic.version = 14 : i64} {
  func.func @_node_body(%arg0: i32, %arg1: memref<2000x128xf32, #tpu.memory_space<vmem>>, %arg2: memref<2x2000x64xf32, #tpu.memory_space<vmem>>, %arg3: memref<128x128xf32, #tpu.memory_space<vmem>>, %arg4: memref<128x128xf32, #tpu.memory_space<vmem>>, %arg5: memref<1x128xf32, #tpu.memory_space<vmem>>, %arg6: memref<1x128xf32, #tpu.memory_space<vmem>>, %arg7: memref<1x128xf32, #tpu.memory_space<vmem>>, %arg8: memref<1x128xf32, #tpu.memory_space<vmem>>, %arg9: memref<2x128x64xf32, #tpu.memory_space<vmem>>, %arg10: memref<2000x128xf32, #tpu.memory_space<vmem>>, %arg11: memref<2x2000x64xf32, #tpu.memory_space<vmem>>) attributes {dimension_semantics = [#tpu.dimension_semantics<arbitrary>], iteration_bounds = array<i64: 5>, scalar_prefetch = 0 : i64, scratch_operands = 0 : i64, tpu.core_type = #tpu.core_type<tc>, window_params = [{transform_indices = @transform_0, window_bounds = array<i64: 2000, 128>}, {transform_indices = @transform_1, window_bounds = array<i64: 2, 2000, 64>}, {pipeline_mode = #tpu.pipeline_mode<synchronous>, transform_indices = @transform_2, window_bounds = array<i64: 128, 128>}, {pipeline_mode = #tpu.pipeline_mode<synchronous>, transform_indices = @transform_3, window_bounds = array<i64: 128, 128>}, {pipeline_mode = #tpu.pipeline_mode<synchronous>, transform_indices = @transform_4, window_bounds = array<i64: 1, 128>}, {pipeline_mode = #tpu.pipeline_mode<synchronous>, transform_indices = @transform_5, window_bounds = array<i64: 1, 128>}, {pipeline_mode = #tpu.pipeline_mode<synchronous>, transform_indices = @transform_6, window_bounds = array<i64: 1, 128>}, {pipeline_mode = #tpu.pipeline_mode<synchronous>, transform_indices = @transform_7, window_bounds = array<i64: 1, 128>}, {pipeline_mode = #tpu.pipeline_mode<synchronous>, transform_indices = @transform_8, window_bounds = array<i64: 2, 128, 64>}, {transform_indices = @transform_9, window_bounds = array<i64: 2000, 128>}, {transform_indices = @transform_10, window_bounds = array<i64: 2, 2000, 64>}]} {
    %get3A = arith.constant 0 : index
    %get3A_0 = arith.constant 0 : index
    %get3A_1 = arith.constant 0 : index
    %get3A_2 = vector.load %arg2[%get3A, %get3A_0, %get3A_1] : memref<2x2000x64xf32, #tpu.memory_space<vmem>>, vector<1x2000x64xf32>
    %get3A_3 = vector.shape_cast %get3A_2 : vector<1x2000x64xf32> to vector<2000x64xf32>
    %get3A_4 = arith.constant 1 : index
    %get3A_5 = arith.constant 0 : index
    %get3A_6 = arith.constant 0 : index
    %get3A_7 = vector.load %arg2[%get3A_4, %get3A_5, %get3A_6] : memref<2x2000x64xf32, #tpu.memory_space<vmem>>, vector<1x2000x64xf32>
    %get3A_8 = vector.shape_cast %get3A_7 : vector<1x2000x64xf32> to vector<2000x64xf32>
    %concatenate3A = tpu.concatenate %get3A_3, %get3A_8 in 1 : vector<2000x64xf32>, vector<2000x64xf32> -> vector<2000x128xf32>
    %get3A_9 = arith.constant 0 : index
    %get3A_10 = arith.constant 0 : index
    %get3A_11 = vector.load %arg3[%get3A_9, %get3A_10] : memref<128x128xf32, #tpu.memory_space<vmem>>, vector<128x128xf32>
    %dot_general3A = arith.constant dense<0.000000e+00> : vector<2000x128xf32>
    %dot_general3A_12 = tpu.matmul %concatenate3A, %get3A_11, %dot_general3A {dimension_numbers = #tpu.dot_dimension_numbers<[1], [0], [0], [1], [0, 0, 1, 1], [], []>, transpose_lhs_hint = false} : vector<2000x128xf32>, vector<128x128xf32>, vector<2000x128xf32> -> vector<2000x128xf32>
    %get3A_13 = arith.constant 0 : index
    %get3A_14 = arith.constant 0 : index
    %get3A_15 = vector.load %arg5[%get3A_13, %get3A_14] : memref<1x128xf32, #tpu.memory_space<vmem>>, vector<1x128xf32>
    %add3A = vector.broadcast %get3A_15 : vector<1x128xf32> to vector<2000x128xf32>
    %add3A_16 = arith.addf %dot_general3A_12, %add3A : vector<2000x128xf32>
    %logistic3A = arith.negf %add3A_16 : vector<2000x128xf32>
    %logistic3A_17 = math.exp %logistic3A : vector<2000x128xf32>
    %logistic3A_18 = arith.constant 1.000000e+00 : f32
    %logistic3A_19 = vector.broadcast %logistic3A_18 : f32 to vector<2000x128xf32>
    %logistic3A_20 = arith.addf %logistic3A_19, %logistic3A_17 : vector<2000x128xf32>
    %logistic3A_21 = arith.divf %logistic3A_19, %logistic3A_20 : vector<2000x128xf32>
    %mul3A = arith.mulf %add3A_16, %logistic3A_21 : vector<2000x128xf32>
    %get3A_22 = arith.constant 0 : index
    %get3A_23 = arith.constant 0 : index
    %get3A_24 = vector.load %arg4[%get3A_22, %get3A_23] : memref<128x128xf32, #tpu.memory_space<vmem>>, vector<128x128xf32>
    %dot_general3A_25 = arith.constant dense<0.000000e+00> : vector<2000x128xf32>
    %dot_general3A_26 = tpu.matmul %mul3A, %get3A_24, %dot_general3A_25 {dimension_numbers = #tpu.dot_dimension_numbers<[1], [0], [0], [1], [0, 0, 1, 1], [], []>, transpose_lhs_hint = false} : vector<2000x128xf32>, vector<128x128xf32>, vector<2000x128xf32> -> vector<2000x128xf32>
    %get3A_27 = arith.constant 0 : index
    %get3A_28 = arith.constant 0 : index
    %get3A_29 = vector.load %arg6[%get3A_27, %get3A_28] : memref<1x128xf32, #tpu.memory_space<vmem>>, vector<1x128xf32>
    %add3A_30 = vector.broadcast %get3A_29 : vector<1x128xf32> to vector<2000x128xf32>
    %add3A_31 = arith.addf %dot_general3A_26, %add3A_30 : vector<2000x128xf32>
    %get3A_32 = arith.constant 0 : index
    %get3A_33 = arith.constant 0 : index
    %get3A_34 = vector.load %arg1[%get3A_32, %get3A_33] : memref<2000x128xf32, #tpu.memory_space<vmem>>, vector<2000x128xf32>
    %add3A_35 = arith.addf %get3A_34, %add3A_31 : vector<2000x128xf32>
    %reduce_sum3A = arith.constant dense<0.000000e+00> : vector<2000xf32>
    %reduce_sum3A_36 = vector.multi_reduction <add>, %add3A_35, %reduce_sum3A [1] : vector<2000x128xf32> to vector<2000xf32>
    %broadcast_in_dim3A = vector.shape_cast %reduce_sum3A_36 : vector<2000xf32> to vector<2000x1xf32>
    %div3A = arith.constant 1.280000e+02 : f32
    %div3A_37 = vector.broadcast %div3A : f32 to vector<2000x1xf32>
    %div3A_38 = arith.divf %broadcast_in_dim3A, %div3A_37 : vector<2000x1xf32>
    %sub3A = vector.broadcast %div3A_38 : vector<2000x1xf32> to vector<2000x128xf32>
    %sub3A_39 = arith.subf %add3A_35, %sub3A : vector<2000x128xf32>
    %mul3A_40 = arith.mulf %sub3A_39, %sub3A_39 : vector<2000x128xf32>
    %reduce_sum3A_41 = arith.constant dense<0.000000e+00> : vector<2000xf32>
    %reduce_sum3A_42 = vector.multi_reduction <add>, %mul3A_40, %reduce_sum3A_41 [1] : vector<2000x128xf32> to vector<2000xf32>
    %broadcast_in_dim3A_43 = vector.shape_cast %reduce_sum3A_42 : vector<2000xf32> to vector<2000x1xf32>
    %div3A_44 = arith.constant 1.280000e+02 : f32
    %div3A_45 = vector.broadcast %div3A_44 : f32 to vector<2000x1xf32>
    %div3A_46 = arith.divf %broadcast_in_dim3A_43, %div3A_45 : vector<2000x1xf32>
    %get3A_47 = arith.constant 0 : index
    %get3A_48 = arith.constant 0 : index
    %get3A_49 = vector.load %arg7[%get3A_47, %get3A_48] : memref<1x128xf32, #tpu.memory_space<vmem>>, vector<1x128xf32>
    %mul3A_50 = vector.broadcast %get3A_49 : vector<1x128xf32> to vector<2000x128xf32>
    %mul3A_51 = arith.mulf %mul3A_50, %sub3A_39 : vector<2000x128xf32>
    %add3A_52 = arith.constant 9.99999974E-6 : f32
    %add3A_53 = vector.broadcast %add3A_52 : f32 to vector<2000x1xf32>
    %add3A_54 = arith.addf %div3A_46, %add3A_53 : vector<2000x1xf32>
    %rsqrt3A = math.rsqrt %add3A_54 : vector<2000x1xf32>
    %mul3A_55 = vector.broadcast %rsqrt3A : vector<2000x1xf32> to vector<2000x128xf32>
    %mul3A_56 = arith.mulf %mul3A_51, %mul3A_55 : vector<2000x128xf32>
    %get3A_57 = arith.constant 0 : index
    %get3A_58 = arith.constant 0 : index
    %get3A_59 = vector.load %arg8[%get3A_57, %get3A_58] : memref<1x128xf32, #tpu.memory_space<vmem>>, vector<1x128xf32>
    %add3A_60 = vector.broadcast %get3A_59 : vector<1x128xf32> to vector<2000x128xf32>
    %add3A_61 = arith.addf %mul3A_56, %add3A_60 : vector<2000x128xf32>
    %swap3A = arith.constant 0 : index
    %swap3A_62 = arith.constant 0 : index
    %swap3A_63 = vector.load %arg10[%swap3A, %swap3A_62] : memref<2000x128xf32, #tpu.memory_space<vmem>>, vector<2000x128xf32>
    tpu.vector_store %arg10[%swap3A, %swap3A_62], %add3A_61 {strides = array<i32>} : memref<2000x128xf32, #tpu.memory_space<vmem>>, vector<2000x128xf32>,
    %get3A_64 = arith.constant 0 : index
    %get3A_65 = arith.constant 0 : index
    %get3A_66 = arith.constant 0 : index
    %get3A_67 = vector.load %arg9[%get3A_64, %get3A_65, %get3A_66] : memref<2x128x64xf32, #tpu.memory_space<vmem>>, vector<1x128x64xf32>
    %get3A_68 = vector.shape_cast %get3A_67 : vector<1x128x64xf32> to vector<128x64xf32>
    %dot_general3A_69 = arith.constant dense<0.000000e+00> : vector<2000x64xf32>
    %dot_general3A_70 = tpu.matmul %add3A_61, %get3A_68, %dot_general3A_69 {dimension_numbers = #tpu.dot_dimension_numbers<[1], [0], [0], [1], [0, 0, 1, 1], [], []>, transpose_lhs_hint = false} : vector<2000x128xf32>, vector<128x64xf32>, vector<2000x64xf32> -> vector<2000x64xf32>
    %swap3A_71 = arith.constant 0 : index
    %swap3A_72 = arith.constant 0 : index
    %swap3A_73 = arith.constant 0 : index
    %swap3A_74 = vector.load %arg11[%swap3A_71, %swap3A_72, %swap3A_73] : memref<2x2000x64xf32, #tpu.memory_space<vmem>>, vector<1x2000x64xf32>
    %swap3A_75 = vector.shape_cast %swap3A_74 : vector<1x2000x64xf32> to vector<2000x64xf32>
    %swap3A_76 = vector.shape_cast %dot_general3A_70 : vector<2000x64xf32> to vector<1x2000x64xf32>
    tpu.vector_store %arg11[%swap3A_71, %swap3A_72, %swap3A_73], %swap3A_76 {strides = array<i32>} : memref<2x2000x64xf32, #tpu.memory_space<vmem>>, vector<1x2000x64xf32>,
    %get3A_77 = arith.constant 1 : index
    %get3A_78 = arith.constant 0 : index
    %get3A_79 = arith.constant 0 : index
    %get3A_80 = vector.load %arg9[%get3A_77, %get3A_78, %get3A_79] : memref<2x128x64xf32, #tpu.memory_space<vmem>>, vector<1x128x64xf32>
    %get3A_81 = vector.shape_cast %get3A_80 : vector<1x128x64xf32> to vector<128x64xf32>
    %dot_general3A_82 = arith.constant dense<0.000000e+00> : vector<2000x64xf32>
    %dot_general3A_83 = tpu.matmul %add3A_61, %get3A_81, %dot_general3A_82 {dimension_numbers = #tpu.dot_dimension_numbers<[1], [0], [0], [1], [0, 0, 1, 1], [], []>, transpose_lhs_hint = false} : vector<2000x128xf32>, vector<128x64xf32>, vector<2000x64xf32> -> vector<2000x64xf32>
    %swap3A_84 = arith.constant 1 : index
    %swap3A_85 = arith.constant 0 : index
    %swap3A_86 = arith.constant 0 : index
    %swap3A_87 = vector.load %arg11[%swap3A_84, %swap3A_85, %swap3A_86] : memref<2x2000x64xf32, #tpu.memory_space<vmem>>, vector<1x2000x64xf32>
    %swap3A_88 = vector.shape_cast %swap3A_87 : vector<1x2000x64xf32> to vector<2000x64xf32>
    %swap3A_89 = vector.shape_cast %dot_general3A_83 : vector<2000x64xf32> to vector<1x2000x64xf32>
    tpu.vector_store %arg11[%swap3A_84, %swap3A_85, %swap3A_86], %swap3A_89 {strides = array<i32>} : memref<2x2000x64xf32, #tpu.memory_space<vmem>>, vector<1x2000x64xf32>,
    return
  }
  func.func @transform_0(%arg0: i32) -> (i32, i32) {
    %c0_i32 = arith.constant 0 : i32
    %c0_i32_0 = arith.constant 0 : i32
    return %arg0, %c0_i32 : i32, i32
  }
  func.func @transform_1(%arg0: i32) -> (i32, i32, i32) {
    %c0_i32 = arith.constant 0 : i32
    %c0_i32_0 = arith.constant 0 : i32
    %c0_i32_1 = arith.constant 0 : i32
    return %c0_i32, %arg0, %c0_i32_0 : i32, i32, i32
  }
  func.func @transform_2(%arg0: i32) -> (i32, i32) {
    %c0_i32 = arith.constant 0 : i32
    %c0_i32_0 = arith.constant 0 : i32
    %c0_i32_1 = arith.constant 0 : i32
    return %c0_i32, %c0_i32_0 : i32, i32
  }
  func.func @transform_3(%arg0: i32) -> (i32, i32) {
    %c0_i32 = arith.constant 0 : i32
    %c0_i32_0 = arith.constant 0 : i32
    %c0_i32_1 = arith.constant 0 : i32
    return %c0_i32, %c0_i32_0 : i32, i32
  }
  func.func @transform_4(%arg0: i32) -> (i32, i32) {
    %c0_i32 = arith.constant 0 : i32
    %c0_i32_0 = arith.constant 0 : i32
    %c0_i32_1 = arith.constant 0 : i32
    return %c0_i32, %c0_i32_0 : i32, i32
  }
  func.func @transform_5(%arg0: i32) -> (i32, i32) {
    %c0_i32 = arith.constant 0 : i32
    %c0_i32_0 = arith.constant 0 : i32
    %c0_i32_1 = arith.constant 0 : i32
    return %c0_i32, %c0_i32_0 : i32, i32
  }
  func.func @transform_6(%arg0: i32) -> (i32, i32) {
    %c0_i32 = arith.constant 0 : i32
    %c0_i32_0 = arith.constant 0 : i32
    %c0_i32_1 = arith.constant 0 : i32
    return %c0_i32, %c0_i32_0 : i32, i32
  }
  func.func @transform_7(%arg0: i32) -> (i32, i32) {
    %c0_i32 = arith.constant 0 : i32
    %c0_i32_0 = arith.constant 0 : i32
    %c0_i32_1 = arith.constant 0 : i32
    return %c0_i32, %c0_i32_0 : i32, i32
  }
  func.func @transform_8(%arg0: i32) -> (i32, i32, i32) {
    %c0_i32 = arith.constant 0 : i32
    %c0_i32_0 = arith.constant 0 : i32
    %c0_i32_1 = arith.constant 0 : i32
    %c0_i32_2 = arith.constant 0 : i32
    return %c0_i32, %c0_i32_0, %c0_i32_1 : i32, i32, i32
  }
  func.func @transform_9(%arg0: i32) -> (i32, i32) {
    %c0_i32 = arith.constant 0 : i32
    %c0_i32_0 = arith.constant 0 : i32
    return %arg0, %c0_i32 : i32, i32
  }
  func.func @transform_10(%arg0: i32) -> (i32, i32, i32) {
    %c0_i32 = arith.constant 0 : i32
    %c0_i32_0 = arith.constant 0 : i32
    %c0_i32_1 = arith.constant 0 : i32
    return %c0_i32, %arg0, %c0_i32_0 : i32, i32, i32
  }
}

</mosaic_0001>

<sc_bundles>
// kernel: kernel.14.cloned.1.call-start
scs
__scs_entry_jumppad:
0x0: {  	(pc) =	sbr.rel $0x88, $3  }
0x1: {  	(tag) =	ssettag $0x0;
	lr =	simm.s32 $0x1  }
0x2: {  	[smem:$0x3F92] =	sst lr;
	_ =	strace $0xD0000000  }
0x3: {  	_ = 	snop  }
0x4: {  	_ = 	snop  }
0x5: {  	_ = 	snop  }
0x6: {  	_ = 	snop  }
0x7: {  	_ = 	snop  }
__scs_overlays_trampoline_lowered:
0x8: {  	[smem:$0x3FA1] =	sst s0  }
0x9: {  	[smem:$0x3FA2] =	sst s1  }
0xa: {  	[smem:$0x3FA3] =	sst s2  }
0xb: {  	[smem:$0x3FA4] =	sst s3  }
0xc: {  	[smem:$0x3FA5] =	sst s4  }
0xd: {  	[smem:$0x3FA6] =	sst s5  }
0xe: {  	[smem:$0x3FA7] =	sst s6  }
0xf: {  	[smem:$0x3FA8] =	sst s7  }
0x10: {  	[smem:$0x3FA9] =	sst s8  }
0x11: {  	[smem:$0x3FAA] =	sst s9;
	s0 =	simm.s32 @!p0 $0x0  }
0x12: {  	s1 =	sld [smem:$0x3F90];
	s0 =	simm.s32 @p0 $0x1  }
0x13: {  	[smem:$0x3FAB] =	sst s0;
	s0 =	simm.s32 @!p1 $0x0  }
0x14: {  	s2 =	sld [smem:$0x3F8F];
	s0 =	simm.s32 @p1 $0x1  }
0x15: {  	[smem:$0x3FAC] =	sst s0;
	s0 =	simm.s32 @!p2 $0x0  }
0x16: {  	s3 =	sld [smem:$0x3FDB];
	s0 =	simm.s32 @p2 $0x1  }
0x17: {  	s4 =	simm.s32 $0x1BF5;
	[smem:$0x3FAE] =	sst s0  }
0x18: {  	s0 =	sld [smem:$0x3F91];
	_ =	swait.ge [sflag:s4], $0x0  }
0x19: {  	s7 =	sld [smem:$0x3F92]  }
0x1a: {  	s8 =	sadd.s32 $0xFFFFE003, lr  }
0x1b: {  	s9 =	sadd.s32 $0xFFFFFEF7, lr;
	s5 =	simm.s32 $0xFFFFFFFF;
	p2 =	slt.u32 s8, $0xFFFFF086  }
0x1c: {  	p1 =	slt.u32 s9, $0xF7A;
	s5 =	simm.s32 @!p2 $0x0  }
0x1d: {  	s5 =	simm.s32 @p1 $0x1;
	p0 =	seq.s32 s7, s2  }
0x1e: {  	s7 =	smul.u32 @!p0 $0xF7A, s2;
	p2 =	seq.s32 @!p0 s5, $0x0  }
0x1f: {  	s9 =	smul.u32 $0xF7A, s1;
	s8 =	simm.s32 @!p0 $0x1BF5;
	p2 =	por !p2, p0  }
0x20: {  	[sflag:s8] =	ssyncset.s32 @!p0 $0xFFFFF086;
	s6 =	sadd.s32 @!p0 s3, s7;
	s7 =	simm.s32 @!p0 $0x108  }
0x21: {  	s3 =	sadd.s32 s3, s9;
	s6 =	sadd.s32 @!p0 $0x88, s6;
	s7 =	simm.s32 @p2 $0x1082  }
0x22: {  	[simem:s7], [sflag:s8] =	dma.local @!p0 [hbm:s6], $0xF7A  }
0x23: {  	s9 =	sor.u32 $0xD0000000, s2;
	s6 =	simm.s32 $0x108;
	_ =	swait.ge @!p0 [sflag:s8], $0x0  }
0x24: {  	s3 =	sadd.s32 $0x88, s3;
	s6 =	simm.s32 @!p1 $0x1082;
	[sflag:s4] =	ssyncset.s32 $0xFFFFF086  }
0x25: {  	[simem:s6], [sflag:s4] =	dma.local [hbm:s3], $0xF7A  }
0x26: {  	[smem:$0x3F92] =	sst s1;
	(tag) =	ssettag s2;
	_ =	strace s9  }
0x27: {  	s1 =	sld [smem:$0x3FA2]  }
0x28: {  	s2 =	sld [smem:$0x3FA3]  }
0x29: {  	s4 =	sld [smem:$0x3FA5]  }
0x2a: {  	p0 =	seq.s32 s5, $0x0;
	s5 =	sld [smem:$0x3FA6]  }
0x2b: {  	s6 =	sld [smem:$0x3FA7]  }
0x2c: {  	s7 =	sld [smem:$0x3FA8]  }
0x2d: {  	s3 =	simm.s32 $0x108;
	s8 =	sld [smem:$0x3FA9]  }
0x2e: {  	s3 =	simm.s32 @!p0 $0x1082;
	s9 =	sld [smem:$0x3FAA]  }
0x2f: {  	lr =	sadd.s32 s0, s3;
	s0 =	sld [smem:$0x3FA1]  }
0x30: {  	s3 =	sld [smem:$0x3FA4]  }
0x31: {  	[smem:$0x3FAD] =	sst s10  }
0x32: {  	s10 =	sld [smem:$0x3FAB];
	_ =	sdelay $0x3  }
0x33: {  	p0 =	seq.s32 s10, $0x1;
	s10 =	sld [smem:$0x3FAD];
	_ =	sdelay $0x3  }
0x34: {  	[smem:$0x3FAD] =	sst s10  }
0x35: {  	s10 =	sld [smem:$0x3FAC];
	_ =	sdelay $0x3  }
0x36: {  	p1 =	seq.s32 s10, $0x1;
	s10 =	sld [smem:$0x3FAD];
	_ =	sdelay $0x3  }
0x37: {  	[smem:$0x3FAD] =	sst s10  }
0x38: {  	s10 =	sld [smem:$0x3FAE]  }
0x39: {  	_ = 	snop;
	(pc) =	sbr.ind lr, $3  }
0x3a: {  	_ = 	snop  }
0x3b: {  	_ = 	snop  }
0x3c: {  	p2 =	seq.s32 s10, $0x1;
	s10 =	sld [smem:$0x3FAD]  }
0x3d: {  	_ =	shalt  }
0x3e: {  	_ =	shalt  }
0x3f: {  	_ =	shalt  }
0x40: {  	_ =	shalt  }
0x41: {  	_ =	shalt  }
0x42: {  	_ =	shalt  }
0x43: {  	_ =	shalt  }
0x44: {  	_ =	shalt  }
0x45: {  	_ =	shalt  }
0x46: {  	_ =	shalt  }
0x47: {  	_ =	shalt  }
0x48: {  	_ =	shalt  }
0x49: {  	_ =	shalt  }
0x4a: {  	_ =	shalt  }
0x4b: {  	_ =	shalt  }
0x4c: {  	_ =	shalt  }
0x4d: {  	_ =	shalt  }
0x4e: {  	_ =	shalt  }
0x4f: {  	_ =	shalt  }
0x50: {  	_ =	shalt  }
0x51: {  	_ =	shalt  }
0x52: {  	_ =	shalt  }
0x53: {  	_ =	shalt  }
0x54: {  	_ =	shalt  }
0x55: {  	_ =	shalt  }
0x56: {  	_ =	shalt  }
0x57: {  	_ =	shalt  }
0x58: {  	_ =	shalt  }
0x59: {  	_ =	shalt  }
0x5a: {  	_ =	shalt  }
0x5b: {  	_ =	shalt  }
0x5c: {  	_ =	shalt  }
0x5d: {  	_ =	shalt  }
0x5e: {  	_ =	shalt  }
0x5f: {  	_ =	shalt  }
0x60: {  	_ =	shalt  }
0x61: {  	_ =	shalt  }
0x62: {  	_ =	shalt  }
0x63: {  	_ =	shalt  }
0x64: {  	_ =	shalt  }
0x65: {  	_ =	shalt  }
0x66: {  	_ =	shalt  }
0x67: {  	_ =	shalt  }
0x68: {  	_ =	shalt  }
0x69: {  	_ =	shalt  }
0x6a: {  	_ =	shalt  }
0x6b: {  	_ =	shalt  }
0x6c: {  	_ =	shalt  }
0x6d: {  	_ =	shalt  }
0x6e: {  	_ =	shalt  }
0x6f: {  	_ =	shalt  }
0x70: {  	_ =	shalt  }
0x71: {  	_ =	shalt  }
0x72: {  	_ =	shalt  }
0x73: {  	_ =	shalt  }
0x74: {  	_ =	shalt  }
0x75: {  	_ =	shalt  }
0x76: {  	_ =	shalt  }
0x77: {  	_ =	shalt  }
0x78: {  	_ =	shalt  }
0x79: {  	_ =	shalt  }
0x7a: {  	_ =	shalt  }
0x7b: {  	_ =	shalt  }
0x7c: {  	_ =	shalt  }
0x7d: {  	_ =	shalt  }
0x7e: {  	_ =	shalt  }
0x7f: {  	_ =	shalt  }
0x80: {  	_ =	shalt  }
0x81: {  	_ =	shalt  }
0x82: {  	_ =	shalt  }
0x83: {  	_ =	shalt  }
0x84: {  	_ =	shalt  }
0x85: {  	_ =	shalt  }
0x86: {  	_ =	shalt  }
0x87: {  	_ =	shalt  }
.Lfunc_end0:
.L_simem_size_0:
called_computation_lowered:
.L_overlay_start_0:
0x88: {  	s2 =	sld [smem:$0x3FD9]  }
0x89: {  	s3 =	sld [smem:$0x3FFE];
	_ =	sdelay $0x1  }
0x8a: {  	s1 =	srdreg.scid  }
0x8b: {  	s0 =	sand.u32 $0x1, s1  }
0x8c: {  	s16 =	sshll.u32 s0, $0xA;
	s2 =	sadd.s32 s3, s2  }
0x8d: {  	s2 =	sadd.s32 s2, s16  }
0x8e: {  	[smem:$0x3FB9] =	sst s2  }
0x8f: {  	_ = 	snop  }
0x90: {  	(tm) =	ssettm $0x1  }
0x91: {  	s17 =	sld [smem:$0x3FFB];
	_ =	sdelay $0x3  }
0x92: {  	_ =	strace s17  }
0x93: {  	s2 =	sld [smem:$0x3FFC];
	_ =	sdelay $0x3  }
0x94: {  	_ =	strace s2  }
0x95: {  	s2 =	sld [smem:$0x3FFD];
	_ =	sdelay $0x3  }
0x96: {  	_ =	strace s2  }
0x97: {  	_ =	strace $0x8FFFFFFF  }
0x98: {  	s18 =	sld [smem:$0x3FDB];
	_ =	sdelay $0x1  }
0x99: {  	s19 =	simm.s32 $_scs_section_size  }
0x9a: {  	s4 =	simm.s32 $_size__tile_overlayer_lowered;
	s5 =	simm.s32 $_tile_overlayer_lowered  }
0x9b: {  	s22 =	simm.s32 $0x1BFF;
	s21 =	sshll.u32 s5, $0x1;
	s2 =	sadd.s32 s19, s18  }
0x9c: {  	s6 =	simm.s32 $0x0;
	s20 =	sshll.u32 s4, $0x1;
	s4 =	sadd.s32 s21, s2  }
0x9d: {  	[timem:s6], [sflag:s22] =	dma.local [hbm:s4], s20  }
0x9e: {  	_ =	swait.ge [sflag:s22], s20  }
0x9f: {  	s3 =	ssub.s32 $0x0, s20;
	[sflag:s22] =	ssyncset.done $0x0  }
0xa0: {  	[sflag:s22] =	ssyncadd.s32 s3;
	_ =	sdelay $0x1  }
0xa1: {  	s23 =	simm.s32 $0x1B8B  }
0xa2: {  	_ =	swait.ge [sflag:s23], $0x1  }
0xa3: {  	[sflag:s23] =	ssyncset.done $0x0  }
0xa4: {  	s25 =	simm.s32 $0x1B8E;
	s24 =	sld [smem:$0x3FFE];
	[sflag:s23] =	ssyncadd.s32 $0xFFFFFFFF  }
0xa5: {  	s26 =	simm.s32 $execute0_lowered;
	[smem:$0x3FD2] =	sst s25  }
0xa6: {  	s4 =	sshll.u32 s26, $0x1;
	_ =	strace $0x80000046;
	[dreg:$0x1] =	wrdreg $0xFFFFFFFF  }
0xa7: {  	s28 =	simm.s32 $_size_execute0_lowered;
	s2 =	sadd.s32 s2, s4;
	[dreg:$0x0] =	wrdreg $0x0  }
0xa8: {  	s4 =	sshll.u32 s28, $0x1;
	[dreg:$0x2] =	wrdreg s2  }
0xa9: {  	[dreg:$0x3] =	wrdreg s4  }
0xaa: {  	[dreg:$0x4] =	wrdreg $0xC0  }
0xab: {  	_ =	task [dreg:s6], $0x5FFFF  }
0xac: {  	[dreg:$0x1] =	wrdreg $0xFFFFFFFF  }
0xad: {  	[dreg:$0x0] =	wrdreg $0x60  }
0xae: {  	[dreg:$0x2] =	wrdreg s24  }
0xaf: {  	[dreg:$0x3] =	wrdreg $0x9  }
0xb0: {  	_ =	task.clear_ibuf [dreg:s6], $0x4FFFF;
	_ =	strace $0x90000046  }
0xb1: {  	s29 =	simm.s32 $0x9;
	_ =	strace $0x80000048  }
0xb2: {  	_ =	swait.ge [sflag:s29], $0x1  }
0xb3: {  	[sflag:s29] =	ssyncadd.s32 $0xFFFFFFFF  }
0xb4: {  	_ =	strace $0x90000048  }
0xb5: {  	_ =	sfence  }
0xb6: {  	s30 =	sld [smem:$0x0];
	_ =	sdelay $0x2  }
0xb7: {  	s31 =	sshll.u32 s1, $0xD;
	s1 =	sshrl.u32 s1, $0x2  }
0xb8: {  	s3 =	sand.u32 $0x4000, s31;
	s1 =	sadd.s32 s1, s30  }
0xb9: {  	s0 =	sor.u32 s3, s0;
	s1 =	sshll.u32 s1, $0x11  }
0xba: {  	s0 =	sor.u32 s1, s0  }
0xbb: {  	s0 =	sadd.s32 $0x8F2B, s0  }
0xbc: {  	[sflag:s0] =	ssyncadd.remote.s32 $0x1  }
0xbd: {  	_ =	sfence.sel $0xFFFF  }
0xbe: {  	[dreg:$0x0] =	wrdreg $0xFFFFFFFF;
	(pc) =	sbr.abs _section_cstart, $3  }
0xbf: {  	[dreg:$0x1] =	wrdreg $0xFFFFFFFF  }
0xc0: {  	_ =	task.clear_ibuf [dreg:s6], $0x2FFFF;
	_ =	strace $0x9FFFFFFF  }
0xc1: {  	(tm) =	ssettm $0x7FFFFFFF  }
tec
execute0_lowered:
.L_overlay_start_1:
0x0: {  	(tag) =	ssettag $0x1  }
0x1: {  	s8 =	rddreg [dreg:$0x0]  }
0x2: {  	s0 =	rddreg [dreg:$0x1];
	s1 =	simm.s32 $0x0;
	s9 =	srdreg.scid  }
0x3: {  	s4 =	stileid.u32;
	s15 =	simm.s32 $0x7800;
	s16 =	simm.s32 $0x7A00  }
0x4: {  	s17 =	simm.s32 $0x7C00;
	s18 =	simm.s32 $0x0;
	[smem:$0x7FF] =	sst s1  }
0x5: {  	s2 =	sadd.s32 $0x9A00, s8;
	s3 =	sadd.s32 $0x9400, s8;
	s5 =	sadd.s32 $0x8E00, s8  }
0x6: {  	s6 =	sadd.s32 $0xA000, s8;
	s7 =	sadd.s32 $0x14000, s8;
	s9 =	sand.u32 $0x1, s9  }
0x7: {  	s11 =	sshll.u32 s4, $0x1;
	s12 =	smul.u32 $0x5000, s4;
	s8 =	sadd.s32 $0x1E000, s8  }
0x8: {  	s10 =	ssub.s32 $0x2, s9;
	s11 =	sor.u32 s9, s11;
	s14 =	smul.u32 $0x2800, s9  }
0x9: {  	_ =	strace $0x80000047;
	s13 =	sshrl.u32 s10, $0x1;
	s9 =	smul.u32 $0x2800, s11  }
0xa: {  	s10 =	ssub.s32 s10, s13;
	s11 =	sadd.s32 s14, s12;
	s12 =	simm.s32 $0x1  }
0xb: {  	s13 =	simm.s32 $0x2800;
	s14 =	simm.s32 $0x5000;
	s10 =	smax.u32 s10, $0x1  }
.LBB2_1:
0xc: {  	[tilespmem:s1], [sflag:$0x1] =	stream.linear.gather [hbm4b:s2+s1], $0x2800, $0x38;
	[tilespmem:$0x7E00] =	vst v63  }
0xd: {  	_ =	swait.ge [sflag:s12], $0x2800  }
0xe: {  	[sflag:s12] =	ssyncset.done $0x0  }
0xf: {  	[sflag:s12] =	ssyncadd.s32 $0xFFFFD800  }
0x10: {  	[tilespmem:s13], [sflag:$0x1] =	stream.linear.gather [hbm4b:s3+s1], $0x2800, $0x38;
	[tilespmem:$0x7E00] =	vst v63  }
0x11: {  	_ =	swait.ge [sflag:s12], $0x2800  }
0x12: {  	[sflag:s12] =	ssyncset.done $0x0  }
0x13: {  	[sflag:s12] =	ssyncadd.s32 $0xFFFFD800  }
0x14: {  	[tilespmem:s14], [sflag:$0x1] =	stream.linear.gather [hbm4b:s5+s1], $0x2800, $0x38;
	[tilespmem:$0x7E00] =	vst v63  }
0x15: {  	_ =	swait.ge [sflag:s12], $0x2800  }
0x16: {  	[sflag:s12] =	ssyncset.done $0x0  }
0x17: {  	s19 =	smov.u32 s11;
	s20 =	simm.s32 $0x0;
	[sflag:s12] =	ssyncadd.s32 $0xFFFFD800  }
.LBB2_2:
0x18: {  	s21 =	sshll.u32 s20, $0x9  }
0x19: {  	s21 =	sadd.s32 s9, s21  }
0x1a: {  	s21 =	sshrl.u32 s21, $0x3  }
0x1b: {  	s23 =	simm.s32 $0x0;
	s22 =	sadd.s32 s6, s21  }
0x1c: {  	[tilespmem:s15], [sflag:$0x1] =	stream.linear.gather [hbm4b:s22+s23], $0x200, $0x38;
	[tilespmem:$0x7E00] =	vst v63  }
0x1d: {  	_ =	swait.ge [sflag:s12], $0x200  }
0x1e: {  	[sflag:s12] =	ssyncset.done $0x0  }
0x1f: {  	s30 =	sadd.s32 s7, s21;
	[sflag:s12] =	ssyncadd.s32 $0xFFFFFE00  }
0x20: {  	[tilespmem:s16], [sflag:$0x1] =	stream.linear.gather [hbm4b:s30+s23], $0x200, $0x38;
	[tilespmem:$0x7E00] =	vst v63  }
0x21: {  	_ =	swait.ge [sflag:s12], $0x200  }
0x22: {  	[sflag:s12] =	ssyncset.done $0x0  }
0x23: {  	s31 =	simm.s32 $0x0;
	[sflag:s12] =	ssyncadd.s32 $0xFFFFFE00  }
0x24: {  	v0 =	vld [tilespmem:s31+$0x7800]  }
0x25: {  	v1 =	vld [tilespmem:s31+$0x7A00];
	_ =	sdelay $0x6  }
0x26: {  	v2 =	vld.idx.msk [tilespmem:v0+s1+$0x0], $0xffff  }
0x27: {  	v3 =	vld.idx.msk [tilespmem:v1+s1+$0x0], $0xffff  }
0x28: {  	v4 =	vld.idx.msk [tilespmem:v1+s13+$0x0], $0xffff  }
0x29: {  	v5 =	vld.idx.msk [tilespmem:v0+s13+$0x0], $0xffff  }
0x2a: {  	v1 =	vld.idx.msk [tilespmem:v1+s14+$0x0], $0xffff  }
0x2b: {  	v0 =	vld.idx.msk [tilespmem:v0+s14+$0x0], $0xffff;
	_ =	sdelay $0x2  }
0x2c: {  	v2 =	vsub.f32 v3, v2;
	v3 =	vsub.f32 v4, v5  }
0x2d: {  	s22 =	simm.s32 $0x10  }
0x2e: {  	v4 =	vld [tilespmem:s22+$0x7800];
	v0 =	vsub.f32 v1, v0;
	v1 =	vmul.f32 v2, v2;
	v2 =	vmul.f32 v3, v3  }
0x2f: {  	v3 =	vld [tilespmem:s22+$0x7A00]  }
0x30: {  	v0 =	vmul.f32 v0, v0;
	v1 =	vadd.f32 v2, v1;
	_ =	sdelay $0x1  }
0x31: {  	v0 =	vadd.f32 v0, v1  }
0x32: {  	p0 =	slt.u32 s19, $0x4E200  }
0x33: {  	v0 =	vpsel !p0, $0x42C80000, v0  }
0x34: {  	[tilespmem:s31+$0x7C00] =	vst v0  }
0x35: {  	v0 =	vld.idx.msk [tilespmem:v4+s1+$0x0], $0xffff  }
0x36: {  	v1 =	vld.idx.msk [tilespmem:v3+s1+$0x0], $0xffff  }
0x37: {  	v2 =	vld.idx.msk [tilespmem:v3+s13+$0x0], $0xffff  }
0x38: {  	v5 =	vld.idx.msk [tilespmem:v4+s13+$0x0], $0xffff  }
0x39: {  	v3 =	vld.idx.msk [tilespmem:v3+s14+$0x0], $0xffff  }
0x3a: {  	v4 =	vld.idx.msk [tilespmem:v4+s14+$0x0], $0xffff;
	_ =	sdelay $0x2  }
0x3b: {  	v0 =	vsub.f32 v1, v0;
	v1 =	vsub.f32 v2, v5  }
0x3c: {  	s23 =	simm.s32 $0x20  }
0x3d: {  	v3 =	vsub.f32 v3, v4;
	v2 =	vmul.f32 v0, v0;
	v4 =	vmul.f32 v1, v1;
	v0 =	vld [tilespmem:s23+$0x7800]  }
0x3e: {  	v1 =	vld [tilespmem:s23+$0x7A00]  }
0x3f: {  	s24 =	simm.s32 $0xC0;
	s25 =	smov.u32 s19;
	v3 =	vmul.f32 v3, v3;
	v2 =	vadd.f32 v4, v2  }
.LBB2_3:
0x40: {  	p0 =	sne.s32 s24, $0x7C0  }
0x41: {  	s25 =	sadd.s32 $0x10, s25;
	v2 =	vadd.f32 v3, v2  }
0x42: {  	p1 =	slt.u32 s25, $0x4E200  }
0x43: {  	v2 =	vpsel !p1, $0x42C80000, v2  }
0x44: {  	[tilespmem:s22+$0x7C00] =	vst v2;
	s22 =	smov.u32 s23  }
0x45: {  	v2 =	vld.idx.msk [tilespmem:v0+s1+$0x0], $0xffff  }
0x46: {  	v3 =	vld.idx.msk [tilespmem:v1+s1+$0x0], $0xffff  }
0x47: {  	v4 =	vld.idx.msk [tilespmem:v1+s13+$0x0], $0xffff  }
0x48: {  	v5 =	vld.idx.msk [tilespmem:v0+s13+$0x0], $0xffff  }
0x49: {  	v1 =	vld.idx.msk [tilespmem:v1+s14+$0x0], $0xffff  }
0x4a: {  	v6 =	vld.idx.msk [tilespmem:v0+s14+$0x0], $0xffff;
	_ =	sdelay $0x3  }
.Ltmp0:
0x4b: {  	v2 =	vsub.f32 v3, v2;
	v3 =	vsub.f32 v4, v5;
	(pc) =	sbr.rel @p0 .LBB2_3-.Ltmp0, $4  }
0x4c: {  	s23 =	sshra.s32 s24, $0x2  }
0x4d: {  	v2 =	vmul.f32 v2, v2;
	v4 =	vsub.f32 v1, v6;
	v3 =	vmul.f32 v3, v3;
	v0 =	vld [tilespmem:s23+$0x7800]  }
0x4e: {  	v1 =	vld [tilespmem:s23+$0x7A00]  }
0x4f: {  	s24 =	sadd.s32 $0x40, s24;
	v2 =	vadd.f32 v3, v2;
	v3 =	vmul.f32 v4, v4  }
0x50: {  	_ =	sdelay $0x1  }
0x51: {  	s24 =	sadd.s32 $0x10, s25;
	v2 =	vadd.f32 v3, v2  }
0x52: {  	p0 =	slt.u32 s24, $0x4E200  }
0x53: {  	v2 =	vpsel !p0, $0x42C80000, v2  }
0x54: {  	[tilespmem:s22+$0x7C00] =	vst v2  }
0x55: {  	v2 =	vld.idx.msk [tilespmem:v0+s1+$0x0], $0xffff  }
0x56: {  	v58 =	vld.idx.msk [tilespmem:v1+s1+$0x0], $0xffff  }
0x57: {  	v4 =	vld.idx.msk [tilespmem:v1+s13+$0x0], $0xffff  }
0x58: {  	v5 =	vld.idx.msk [tilespmem:v0+s13+$0x0], $0xffff  }
0x59: {  	v59 =	vld.idx.msk [tilespmem:v1+s14+$0x0], $0xffff  }
0x5a: {  	v60 =	vld.idx.msk [tilespmem:v0+s14+$0x0], $0xffff;
	_ =	sdelay $0x2  }
0x5b: {  	v2 =	vsub.f32 v58, v2;
	v61 =	vsub.f32 v4, v5;
	_ =	sdelay $0x1  }
0x5c: {  	v0 =	vsub.f32 v59, v60;
	v62 =	vmul.f32 v2, v2;
	v63 =	vmul.f32 v61, v61;
	_ =	sdelay $0x1  }
0x5d: {  	v0 =	vmul.f32 v0, v0;
	v1 =	vadd.f32 v63, v62;
	_ =	sdelay $0x1  }
0x5e: {  	s31 =	sadd.s32 $0x10, s24;
	v0 =	vadd.f32 v0, v1  }
0x5f: {  	s20 =	sadd.s32 $0x1, s20;
	p6 =	slt.u32 s31, $0x4E200  }
0x60: {  	p0 =	sne.s32 s20, $0x14;
	v0 =	vpsel !p6, $0x42C80000, v0  }
.Ltmp1:
0x61: {  	s21 =	sadd.s32 s8, s21;
	[tilespmem:s23+$0x7C00] =	vst v0;
	(pc) =	sbr.rel @p0 .LBB2_2-.Ltmp1, $4  }
0x62: {  	[hbm4b:s21+s1] =	stream.linear.scatter [tilespmem:s17], [sflag:$0x1], $0x200, $0x38;
	[tilespmem:$0x7E00] =	vst v63  }
0x63: {  	_ =	swait.ge [sflag:s12], $0x200  }
0x64: {  	[sflag:s12] =	ssyncset.done $0x0  }
0x65: {  	s19 =	sadd.s32 $0x200, s19;
	[sflag:s12] =	ssyncadd.s32 $0xFFFFFE00  }
0x66: {  	s18 =	sadd.s32 $0x1, s18  }
0x67: {  	p0 =	sne.s32 s18, s10  }
.Ltmp2:
0x68: {  	_ = 	snop;
	(pc) =	sbr.rel @p0 .LBB2_1-.Ltmp2, $1  }
0x69: {  	_ =	sdelay $0x3  }
0x6a: {  	_ =	sfence.sel $0x180000  }
0x6b: {  	[bflag:$0x0] =	sbarrier.arrive $0xFFFF  }
0x6c: {  	p0 =	sne.s32 s4, $0x0;
	_ =	strace $0x90000047  }
0x6d: {  	s0 =	sadd.s32 @!p0 $0x100000, s0;
	[bflag:$0x2] =	sbarrier.arrive $0xFFFF  }
0x6e: {  	[sflag:s0] =	ssyncadd.tile.s32 @!p0 $0x1;
	_ =	shalt  }
.Lfunc_end2:
_tile_overlayer_lowered:
.L_overlay_start_2:
0x6f: {  	(tag) =	ssettag $0x2  }
0x70: {  	s0 =	rddreg [dreg:$0x0];
	s2 =	stileid.u32  }
0x71: {  	s1 =	rddreg [dreg:$0x1];
	p0 =	sne.s32 s2, $0x0  }
0x72: {  	s3 =	rddreg [dreg:$0x2];
	[bflag:$0x3] =	sbarrier.arrive $0xFFFF;
	s2 =	simm.s32 @!p0 $0x1C01  }
0x73: {  	[timem:s3], [sflag:s2] =	dma.local @!p0 [hbm:s0], s1  }
0x74: {  	s0 =	simm.s32 @!p0 $0x1  }
0x75: {  	_ =	swait.ge @!p0 [sflag:s0], s1  }
0x76: {  	s1 =	ssub.s32 @!p0 $0x0, s1;
	[sflag:s0] =	ssyncset.done @!p0 $0x0  }
0x77: {  	[sflag:s0] =	ssyncadd.s32 @!p0 s1  }
0x78: {  	[bflag:$0x3] =	sbarrier.arrive $0xFFFF  }
0x79: {  	_ =	shalt  }

// kernel: kernel.17.cloned.1.call-start
scs
__scs_entry_jumppad:
0x0: {  	(pc) =	sbr.rel $0x88, $3  }
0x1: {  	(tag) =	ssettag $0x0;
	lr =	simm.s32 $0x1  }
0x2: {  	[smem:$0x3F92] =	sst lr;
	_ =	strace $0xD0000000  }
0x3: {  	_ = 	snop  }
0x4: {  	_ = 	snop  }
0x5: {  	_ = 	snop  }
0x6: {  	_ = 	snop  }
0x7: {  	_ = 	snop  }
__scs_overlays_trampoline_lowered:
0x8: {  	[smem:$0x3FA1] =	sst s0  }
0x9: {  	[smem:$0x3FA2] =	sst s1  }
0xa: {  	[smem:$0x3FA3] =	sst s2  }
0xb: {  	[smem:$0x3FA4] =	sst s3  }
0xc: {  	[smem:$0x3FA5] =	sst s4  }
0xd: {  	[smem:$0x3FA6] =	sst s5  }
0xe: {  	[smem:$0x3FA7] =	sst s6  }
0xf: {  	[smem:$0x3FA8] =	sst s7  }
0x10: {  	[smem:$0x3FA9] =	sst s8  }
0x11: {  	[smem:$0x3FAA] =	sst s9;
	s0 =	simm.s32 @!p0 $0x0  }
0x12: {  	s1 =	sld [smem:$0x3F90];
	s0 =	simm.s32 @p0 $0x1  }
0x13: {  	[smem:$0x3FAB] =	sst s0;
	s0 =	simm.s32 @!p1 $0x0  }
0x14: {  	s2 =	sld [smem:$0x3F8F];
	s0 =	simm.s32 @p1 $0x1  }
0x15: {  	[smem:$0x3FAC] =	sst s0;
	s0 =	simm.s32 @!p2 $0x0  }
0x16: {  	s3 =	sld [smem:$0x3FDB];
	s0 =	simm.s32 @p2 $0x1  }
0x17: {  	s4 =	simm.s32 $0x1BF5;
	[smem:$0x3FAE] =	sst s0  }
0x18: {  	s0 =	sld [smem:$0x3F91];
	_ =	swait.ge [sflag:s4], $0x0  }
0x19: {  	s7 =	sld [smem:$0x3F92]  }
0x1a: {  	s8 =	sadd.s32 $0xFFFFE003, lr  }
0x1b: {  	s9 =	sadd.s32 $0xFFFFFEF7, lr;
	s5 =	simm.s32 $0xFFFFFFFF;
	p2 =	slt.u32 s8, $0xFFFFF086  }
0x1c: {  	p1 =	slt.u32 s9, $0xF7A;
	s5 =	simm.s32 @!p2 $0x0  }
0x1d: {  	s5 =	simm.s32 @p1 $0x1;
	p0 =	seq.s32 s7, s2  }
0x1e: {  	s7 =	smul.u32 @!p0 $0xF7A, s2;
	p2 =	seq.s32 @!p0 s5, $0x0  }
0x1f: {  	s9 =	smul.u32 $0xF7A, s1;
	s8 =	simm.s32 @!p0 $0x1BF5;
	p2 =	por !p2, p0  }
0x20: {  	[sflag:s8] =	ssyncset.s32 @!p0 $0xFFFFF086;
	s6 =	sadd.s32 @!p0 s3, s7;
	s7 =	simm.s32 @!p0 $0x108  }
0x21: {  	s3 =	sadd.s32 s3, s9;
	s6 =	sadd.s32 @!p0 $0x88, s6;
	s7 =	simm.s32 @p2 $0x1082  }
0x22: {  	[simem:s7], [sflag:s8] =	dma.local @!p0 [hbm:s6], $0xF7A  }
0x23: {  	s9 =	sor.u32 $0xD0000000, s2;
	s6 =	simm.s32 $0x108;
	_ =	swait.ge @!p0 [sflag:s8], $0x0  }
0x24: {  	s3 =	sadd.s32 $0x88, s3;
	s6 =	simm.s32 @!p1 $0x1082;
	[sflag:s4] =	ssyncset.s32 $0xFFFFF086  }
0x25: {  	[simem:s6], [sflag:s4] =	dma.local [hbm:s3], $0xF7A  }
0x26: {  	[smem:$0x3F92] =	sst s1;
	(tag) =	ssettag s2;
	_ =	strace s9  }
0x27: {  	s1 =	sld [smem:$0x3FA2]  }
0x28: {  	s2 =	sld [smem:$0x3FA3]  }
0x29: {  	s4 =	sld [smem:$0x3FA5]  }
0x2a: {  	p0 =	seq.s32 s5, $0x0;
	s5 =	sld [smem:$0x3FA6]  }
0x2b: {  	s6 =	sld [smem:$0x3FA7]  }
0x2c: {  	s7 =	sld [smem:$0x3FA8]  }
0x2d: {  	s3 =	simm.s32 $0x108;
	s8 =	sld [smem:$0x3FA9]  }
0x2e: {  	s3 =	simm.s32 @!p0 $0x1082;
	s9 =	sld [smem:$0x3FAA]  }
0x2f: {  	lr =	sadd.s32 s0, s3;
	s0 =	sld [smem:$0x3FA1]  }
0x30: {  	s3 =	sld [smem:$0x3FA4]  }
0x31: {  	[smem:$0x3FAD] =	sst s10  }
0x32: {  	s10 =	sld [smem:$0x3FAB];
	_ =	sdelay $0x3  }
0x33: {  	p0 =	seq.s32 s10, $0x1;
	s10 =	sld [smem:$0x3FAD];
	_ =	sdelay $0x3  }
0x34: {  	[smem:$0x3FAD] =	sst s10  }
0x35: {  	s10 =	sld [smem:$0x3FAC];
	_ =	sdelay $0x3  }
0x36: {  	p1 =	seq.s32 s10, $0x1;
	s10 =	sld [smem:$0x3FAD];
	_ =	sdelay $0x3  }
0x37: {  	[smem:$0x3FAD] =	sst s10  }
0x38: {  	s10 =	sld [smem:$0x3FAE]  }
0x39: {  	_ = 	snop;
	(pc) =	sbr.ind lr, $3  }
0x3a: {  	_ = 	snop  }
0x3b: {  	_ = 	snop  }
0x3c: {  	p2 =	seq.s32 s10, $0x1;
	s10 =	sld [smem:$0x3FAD]  }
0x3d: {  	_ =	shalt  }
0x3e: {  	_ =	shalt  }
0x3f: {  	_ =	shalt  }
0x40: {  	_ =	shalt  }
0x41: {  	_ =	shalt  }
0x42: {  	_ =	shalt  }
0x43: {  	_ =	shalt  }
0x44: {  	_ =	shalt  }
0x45: {  	_ =	shalt  }
0x46: {  	_ =	shalt  }
0x47: {  	_ =	shalt  }
0x48: {  	_ =	shalt  }
0x49: {  	_ =	shalt  }
0x4a: {  	_ =	shalt  }
0x4b: {  	_ =	shalt  }
0x4c: {  	_ =	shalt  }
0x4d: {  	_ =	shalt  }
0x4e: {  	_ =	shalt  }
0x4f: {  	_ =	shalt  }
0x50: {  	_ =	shalt  }
0x51: {  	_ =	shalt  }
0x52: {  	_ =	shalt  }
0x53: {  	_ =	shalt  }
0x54: {  	_ =	shalt  }
0x55: {  	_ =	shalt  }
0x56: {  	_ =	shalt  }
0x57: {  	_ =	shalt  }
0x58: {  	_ =	shalt  }
0x59: {  	_ =	shalt  }
0x5a: {  	_ =	shalt  }
0x5b: {  	_ =	shalt  }
0x5c: {  	_ =	shalt  }
0x5d: {  	_ =	shalt  }
0x5e: {  	_ =	shalt  }
0x5f: {  	_ =	shalt  }
0x60: {  	_ =	shalt  }
0x61: {  	_ =	shalt  }
0x62: {  	_ =	shalt  }
0x63: {  	_ =	shalt  }
0x64: {  	_ =	shalt  }
0x65: {  	_ =	shalt  }
0x66: {  	_ =	shalt  }
0x67: {  	_ =	shalt  }
0x68: {  	_ =	shalt  }
0x69: {  	_ =	shalt  }
0x6a: {  	_ =	shalt  }
0x6b: {  	_ =	shalt  }
0x6c: {  	_ =	shalt  }
0x6d: {  	_ =	shalt  }
0x6e: {  	_ =	shalt  }
0x6f: {  	_ =	shalt  }
0x70: {  	_ =	shalt  }
0x71: {  	_ =	shalt  }
0x72: {  	_ =	shalt  }
0x73: {  	_ =	shalt  }
0x74: {  	_ =	shalt  }
0x75: {  	_ =	shalt  }
0x76: {  	_ =	shalt  }
0x77: {  	_ =	shalt  }
0x78: {  	_ =	shalt  }
0x79: {  	_ =	shalt  }
0x7a: {  	_ =	shalt  }
0x7b: {  	_ =	shalt  }
0x7c: {  	_ =	shalt  }
0x7d: {  	_ =	shalt  }
0x7e: {  	_ =	shalt  }
0x7f: {  	_ =	shalt  }
0x80: {  	_ =	shalt  }
0x81: {  	_ =	shalt  }
0x82: {  	_ =	shalt  }
0x83: {  	_ =	shalt  }
0x84: {  	_ =	shalt  }
0x85: {  	_ =	shalt  }
0x86: {  	_ =	shalt  }
0x87: {  	_ =	shalt  }
.Lfunc_end0:
.L_simem_size_0:
called_computation.1_lowered:
.L_overlay_start_0:
0x88: {  	s2 =	sld [smem:$0x3FD9]  }
0x89: {  	s3 =	sld [smem:$0x3FFE];
	_ =	sdelay $0x1  }
0x8a: {  	s1 =	srdreg.scid  }
0x8b: {  	s0 =	sand.u32 $0x1, s1  }
0x8c: {  	s16 =	sshll.u32 s0, $0xA;
	s2 =	sadd.s32 s3, s2  }
0x8d: {  	s2 =	sadd.s32 s2, s16  }
0x8e: {  	[smem:$0x3FB9] =	sst s2  }
0x8f: {  	_ = 	snop  }
0x90: {  	(tm) =	ssettm $0x1  }
0x91: {  	s17 =	sld [smem:$0x3FFB];
	_ =	sdelay $0x3  }
0x92: {  	_ =	strace s17  }
0x93: {  	s2 =	sld [smem:$0x3FFC];
	_ =	sdelay $0x3  }
0x94: {  	_ =	strace s2  }
0x95: {  	s2 =	sld [smem:$0x3FFD];
	_ =	sdelay $0x3  }
0x96: {  	_ =	strace s2  }
0x97: {  	_ =	strace $0x8FFFFFFF  }
0x98: {  	s18 =	sld [smem:$0x3FDB];
	_ =	sdelay $0x1  }
0x99: {  	s19 =	simm.s32 $_scs_section_size  }
0x9a: {  	s4 =	simm.s32 $_size__tile_overlayer_lowered;
	s5 =	simm.s32 $_tile_overlayer_lowered  }
0x9b: {  	s22 =	simm.s32 $0x1BFF;
	s21 =	sshll.u32 s5, $0x1;
	s2 =	sadd.s32 s19, s18  }
0x9c: {  	s6 =	simm.s32 $0x0;
	s20 =	sshll.u32 s4, $0x1;
	s4 =	sadd.s32 s21, s2  }
0x9d: {  	[timem:s6], [sflag:s22] =	dma.local [hbm:s4], s20  }
0x9e: {  	_ =	swait.ge [sflag:s22], s20  }
0x9f: {  	s3 =	ssub.s32 $0x0, s20;
	[sflag:s22] =	ssyncset.done $0x0  }
0xa0: {  	[sflag:s22] =	ssyncadd.s32 s3;
	_ =	sdelay $0x1  }
0xa1: {  	s23 =	simm.s32 $0x1B8B  }
0xa2: {  	_ =	swait.ge [sflag:s23], $0x1  }
0xa3: {  	[sflag:s23] =	ssyncset.done $0x0  }
0xa4: {  	s25 =	simm.s32 $0x1B8E;
	s24 =	sld [smem:$0x3FFE];
	[sflag:s23] =	ssyncadd.s32 $0xFFFFFFFF  }
0xa5: {  	s26 =	simm.s32 $execute0_lowered;
	[smem:$0x3FD2] =	sst s25  }
0xa6: {  	s4 =	sshll.u32 s26, $0x1;
	_ =	strace $0x80000049;
	[dreg:$0x1] =	wrdreg $0xFFFFFFFF  }
0xa7: {  	s28 =	simm.s32 $_size_execute0_lowered;
	s2 =	sadd.s32 s2, s4;
	[dreg:$0x0] =	wrdreg $0x0  }
0xa8: {  	s4 =	sshll.u32 s28, $0x1;
	[dreg:$0x2] =	wrdreg s2  }
0xa9: {  	[dreg:$0x3] =	wrdreg s4  }
0xaa: {  	[dreg:$0x4] =	wrdreg $0xC0  }
0xab: {  	_ =	task [dreg:s6], $0x5FFFF  }
0xac: {  	[dreg:$0x1] =	wrdreg $0xFFFFFFFF  }
0xad: {  	[dreg:$0x0] =	wrdreg $0x60  }
0xae: {  	[dreg:$0x2] =	wrdreg s24  }
0xaf: {  	[dreg:$0x3] =	wrdreg $0x160000  }
0xb0: {  	[dreg:$0x4] =	wrdreg $0x9  }
0xb1: {  	_ =	task.clear_ibuf [dreg:s6], $0x5FFFF;
	_ =	strace $0x90000049  }
0xb2: {  	s29 =	simm.s32 $0x9;
	_ =	strace $0x8000004B  }
0xb3: {  	_ =	swait.ge [sflag:s29], $0x1  }
0xb4: {  	[sflag:s29] =	ssyncadd.s32 $0xFFFFFFFF  }
0xb5: {  	_ =	strace $0x9000004B  }
0xb6: {  	_ =	sfence  }
0xb7: {  	s30 =	sld [smem:$0x0];
	_ =	sdelay $0x2  }
0xb8: {  	s31 =	sshll.u32 s1, $0xD;
	s1 =	sshrl.u32 s1, $0x2  }
0xb9: {  	s3 =	sand.u32 $0x4000, s31;
	s1 =	sadd.s32 s1, s30  }
0xba: {  	s0 =	sor.u32 s3, s0;
	s1 =	sshll.u32 s1, $0x11  }
0xbb: {  	s0 =	sor.u32 s1, s0  }
0xbc: {  	s0 =	sadd.s32 $0x8F2B, s0  }
0xbd: {  	[sflag:s0] =	ssyncadd.remote.s32 $0x1  }
0xbe: {  	_ =	sfence.sel $0xFFFF  }
0xbf: {  	[dreg:$0x0] =	wrdreg $0xFFFFFFFF;
	(pc) =	sbr.abs _section_cstart, $3  }
0xc0: {  	[dreg:$0x1] =	wrdreg $0xFFFFFFFF  }
0xc1: {  	_ =	task.clear_ibuf [dreg:s6], $0x2FFFF;
	_ =	strace $0x9FFFFFFF  }
0xc2: {  	(tm) =	ssettm $0x7FFFFFFF  }
0xc3: {  	_ =	shalt  }
tec
execute0_lowered:
.L_overlay_start_1:
0x0: {  	(tag) =	ssettag $0x1  }
0x1: {  	s12 =	stileid.u32  }
0x2: {  	s0 =	rddreg [dreg:$0x0];
	s6 =	smul.u32 $0x9E00, s12  }
0x3: {  	s1 =	srdreg.scid;
	s8 =	smul.u32 $0xA00, s12  }
0x4: {  	s2 =	rddreg [dreg:$0x1];
	s9 =	smul.u32 $0x27800, s12  }
0x5: {  	s3 =	simm.s32 $0x0;
	s28 =	simm.s32 $0x3;
	s19 =	smul.u32 $0x140000, s12  }
0x6: {  	s29 =	simm.s32 $0x12000;
	s1 =	sand.u32 $0x1, s1;
	s14 =	smul.u32 $0x5000, s12  }
0x7: {  	s30 =	simm.s32 $0x2;
	s31 =	simm.s32 $0x4;
	s4 =	smul.u32 $0x13880, s1  }
0x8: {  	[smem:$0x7FF] =	sst s3;
	s5 =	smul.u32 $0x9E000, s1;
	s10 =	ssub.s32 $0x2, s1  }
0x9: {  	_ =	strace $0x8000004A;
	s8 =	sadd.s32 s8, s0;
	s11 =	sshrl.u32 s10, $0x1  }
0xa: {  	s9 =	sshrl.u32 s9, $0x2;
	s7 =	sadd.s32 s4, s0;
	s5 =	sadd.s32 s6, s5  }
0xb: {  	s4 =	sadd.s32 $0x53600, s0;
	s18 =	ssub.s32 s10, s11;
	s9 =	sadd.s32 s9, s2  }
0xc: {  	s6 =	sadd.s32 s6, s2;
	s24 =	sadd.s32 $0xA000, s8;
	s8 =	sadd.s32 $0x14000, s8  }
0xd: {  	s5 =	sshrl.u32 s5, $0x3;
	s20 =	sadd.s32 $0x2000, s9;
	[dreg:$0x7] =	wrdreg s24  }
0xe: {  	s21 =	sadd.s32 $0x4000, s9;
	s22 =	sadd.s32 $0x6000, s9;
	[dreg:$0x8] =	wrdreg s8  }
0xf: {  	s9 =	sadd.s32 $0x8000, s9;
	s13 =	sadd.s32 $0x2B000, s7;
	[dreg:$0x3] =	wrdreg s20  }
0x10: {  	s18 =	smax.u32 s18, $0x1;
	s24 =	simm.s32 $0x6;
	[dreg:$0x4] =	wrdreg s21  }
0x11: {  	s0 =	sadd.s32 s5, s0;
	s5 =	smul.u32 $0x1400000, s1;
	[dreg:$0x5] =	wrdreg s22  }
0x12: {  	[dreg:$0x6] =	wrdreg s9;
	s20 =	simm.s32 $0x7;
	s22 =	simm.s32 $0x80  }
.Ltmp0:
0x13: {  	s21 =	simm.s32 $0x5;
	s1 =	simm.s32 $0x0;
	(pc) =	sbr.rel .LBB2_1-.Ltmp0, $4  }
0x14: {  	s17 =	sadd.s32 $0xCD3600, s0;
	s0 =	simm.s32 $0x14000;
	s23 =	sadd.s32 s19, s5  }
0x15: {  	s19 =	simm.s32 $0xA000;
	s25 =	sor.u32 $0x2000, s23;
	s26 =	sshrl.u32 s23, $0x3  }
0x16: {  	s23 =	simm.s32 $0xC000;
	s8 =	sshrl.u32 s25, $0x3;
	s15 =	sadd.s32 s4, s26  }
0x17: {  	v0 =	vimm.f32 $0.0e+00;
	s25 =	simm.s32 $0x10000;
	s26 =	simm.s32 $0x1;
	s16 =	sadd.s32 s4, s8  }
.LBB2_10:
0x18: {  	_ =	swait.ge [sflag:s21], $0x2000  }
0x19: {  	[sflag:s21] =	ssyncset.done $0x0  }
0x1a: {  	[sflag:s21] =	ssyncadd.s32 $0xFFFFE000  }
0x1b: {  	s7 =	stileid.u32;
	_ =	swait.ge [sflag:s24], $0x2000  }
0x1c: {  	s8 =	sshrl.u32 s6, $0x3;
	s1 =	sadd.s32 $0x1, s1;
	[sflag:s24] =	ssyncset.done $0x0  }
0x1d: {  	s7 =	sshll.u32 s7, $0x6;
	p0 =	sne.s32 s1, s18;
	[sflag:s24] =	ssyncadd.s32 $0xFFFFE000  }
.Ltmp1:
0x1e: {  	s7 =	sor.u32 $0x1C07, s7;
	[bflag:$0x0] =	sbarrier.arrive $0xFFFF;
	(pc) =	sbr.rel @!p0 .LBB2_11-.Ltmp1, $4  }
0x1f: {  	[hbm:s17], [sflag:s7] =	dma.local [spmem:s8], $0x13C0  }
0x20: {  	_ =	swait.ge [sflag:s20], $0x13C0  }
0x21: {  	[sflag:s20] =	ssyncset.done $0x0  }
0x22: {  	[sflag:s20] =	ssyncadd.s32 $0xFFFFEC40  }
.LBB2_1:
0x23: {  	s8 =	simm.s32 $0x100;
	s7 =	simm.s32 $0x0  }
.LBB2_2:
0x24: {  	p0 =	sne.s32 s8, $0x7F00;
	[tilespmem:s7+$0xA030] =	vst v0;
	s9 =	smov.u32 s8;
	s8 =	sadd.s32 $0x100, s8  }
.Ltmp2:
0x25: {  	[tilespmem:s7+$0xA020] =	vst v0;
	(pc) =	sbr.rel @p0 .LBB2_2-.Ltmp2, $3  }
0x26: {  	[tilespmem:s7+$0xA000] =	vst v0  }
0x27: {  	[tilespmem:s7+$0xA010] =	vst v0;
	_ =	sdelay $0x1  }
0x28: {  	s7 =	sshra.s32 s9, $0x2  }
0x29: {  	[tilespmem:s7+$0xA030] =	vst v0  }
0x2a: {  	[tilespmem:s7+$0xA020] =	vst v0  }
0x2b: {  	[tilespmem:s7+$0xA000] =	vst v0  }
0x2c: {  	[tilespmem:s7+$0xA010] =	vst v0  }
0x2d: {  	[spmem:s6] =	stream.linear.scatter [tilespmem:s19], [sflag:$0x7], $0x2000, $0x38;
	[tilespmem:$0x1FE00] =	vst v63  }
0x2e: {  	_ =	swait.ge [sflag:s20], $0x2000  }
0x2f: {  	[sflag:s20] =	ssyncset.done $0x0  }
0x30: {  	s12 =	rddreg [dreg:$0x3];
	[sflag:s20] =	ssyncadd.s32 $0xFFFFE000  }
0x31: {  	[spmem:s12] =	stream.linear.scatter [tilespmem:s19], [sflag:$0x7], $0x2000, $0x38;
	[tilespmem:$0x1FE00] =	vst v63  }
0x32: {  	_ =	swait.ge [sflag:s20], $0x2000  }
0x33: {  	[sflag:s20] =	ssyncset.done $0x0  }
0x34: {  	s8 =	rddreg [dreg:$0x4];
	[sflag:s20] =	ssyncadd.s32 $0xFFFFE000  }
0x35: {  	[spmem:s8] =	stream.linear.scatter [tilespmem:s19], [sflag:$0x7], $0x2000, $0x38;
	[tilespmem:$0x1FE00] =	vst v63  }
0x36: {  	_ =	swait.ge [sflag:s20], $0x2000  }
0x37: {  	[sflag:s20] =	ssyncset.done $0x0  }
0x38: {  	s9 =	rddreg [dreg:$0x5];
	[sflag:s20] =	ssyncadd.s32 $0xFFFFE000  }
0x39: {  	[spmem:s9] =	stream.linear.scatter [tilespmem:s19], [sflag:$0x7], $0x2000, $0x38;
	[tilespmem:$0x1FE00] =	vst v63  }
0x3a: {  	_ =	swait.ge [sflag:s20], $0x2000  }
0x3b: {  	[sflag:s20] =	ssyncset.done $0x0  }
0x3c: {  	s10 =	rddreg [dreg:$0x6];
	[sflag:s20] =	ssyncadd.s32 $0xFFFFE000  }
0x3d: {  	[spmem:s10] =	stream.linear.scatter [tilespmem:s19], [sflag:$0x7], $0x1E00, $0x38;
	[tilespmem:$0x1FE00] =	vst v63  }
0x3e: {  	_ =	swait.ge [sflag:s20], $0x1E00  }
0x3f: {  	[sflag:s20] =	ssyncset.done $0x0  }
0x40: {  	[sflag:s20] =	ssyncadd.s32 $0xFFFFE200  }
0x41: {  	[bflag:$0x0] =	sbarrier.arrive $0xFFFF  }
0x42: {  	s7 =	simm.s32 $0x0;
	s8 =	rddreg [dreg:$0x7]  }
0x43: {  	[tilespmem:s7], [sflag:$0x7] =	stream.linear.gather [hbm4b:s8+s7], $0x5000, $0x38;
	[tilespmem:$0x1FE00] =	vst v63  }
0x44: {  	_ =	swait.ge [sflag:s20], $0x5000  }
0x45: {  	[sflag:s20] =	ssyncset.done $0x0  }
0x46: {  	s9 =	simm.s32 $0x5000;
	s11 =	rddreg [dreg:$0x8];
	[sflag:s20] =	ssyncadd.s32 $0xFFFFB000  }
0x47: {  	[tilespmem:s9], [sflag:$0x7] =	stream.linear.gather [hbm4b:s11+s7], $0x5000, $0x38;
	[tilespmem:$0x1FE00] =	vst v63  }
0x48: {  	_ =	swait.ge [sflag:s20], $0x5000  }
0x49: {  	[sflag:s20] =	ssyncset.done $0x0  }
0x4a: {  	[sflag:s20] =	ssyncadd.s32 $0xFFFFB000  }
0x4b: {  	[tilespmem:s19], [sflag:$0x1] =	stream.indirect.gather [hbm4b:s13+s22], $0x40, s7, s22, $0xb8;
	[tilespmem:$0x1FE00] =	vst v63  }
0x4c: {  	_ = 	snop  }
0x4d: {  	[tilespmem:s23], [sflag:$0x2] =	stream.indirect.gather [hbm4b:s13+s22], $0x40, s22, s22, $0xb8;
	[tilespmem:$0x1FE00] =	vst v63  }
0x4e: {  	s12 =	simm.s32 $0xE000  }
0x4f: {  	[tilespmem:s12], [sflag:$0x3] =	stream.linear.gather [hbm4b:s15+s7], $0x2000, $0x38;
	[tilespmem:$0x1FE00] =	vst v63  }
0x50: {  	_ = 	snop  }
0x51: {  	[tilespmem:s25], [sflag:$0x4] =	stream.linear.gather [hbm4b:s16+s7], $0x2000, $0x38;
	[tilespmem:$0x1FE00] =	vst v63  }
.LBB2_4:
0x52: {  	_ =	swait.ge [sflag:s26], $0x2000  }
0x53: {  	[sflag:s26] =	ssyncset.done $0x0  }
0x54: {  	[sflag:s26] =	ssyncadd.s32 $0xFFFFE000  }
0x55: {  	_ =	swait.ge [sflag:s28], $0x2000  }
0x56: {  	p0 =	seq.s32 s7, $0x0;
	[sflag:s28] =	ssyncset.done $0x0  }
0x57: {  	s8 =	simm.s32 @!p0 $0x5;
	[sflag:s28] =	ssyncadd.s32 $0xFFFFE000  }
0x58: {  	_ =	swait.ge @!p0 [sflag:s8], $0x2000  }
0x59: {  	[sflag:s8] =	ssyncset.done @!p0 $0x0  }
0x5a: {  	s9 =	simm.s32 $0x0;
	[sflag:s8] =	ssyncadd.s32 @!p0 $0xFFFFE000  }
0x5b: {  	v3 =	vld [tilespmem:s9+$0xA030]  }
0x5c: {  	v5 =	vld [tilespmem:s9+$0xE030]  }
0x5d: {  	v6 =	vld [tilespmem:s9+$0xA000]  }
0x5e: {  	v7 =	vld [tilespmem:s9+$0xE000]  }
0x5f: {  	v2 =	vld [tilespmem:s9+$0xA010]  }
0x60: {  	v4 =	vld [tilespmem:s9+$0xE010]  }
0x61: {  	v1 =	vld [tilespmem:s9+$0xA020];
	v8 =	vmul.f32 v5, v3  }
0x62: {  	s10 =	simm.s32 $0x40;
	v5 =	vld [tilespmem:s9+$0xE020]  }
0x63: {  	s11 =	simm.s32 $0x200;
	s8 =	sshll.u32 s7, $0x8;
	v3 =	vld [tilespmem:s10+$0xA030];
	v6 =	vmul.f32 v7, v6;
	[tilespmem:s9+$0x12030] =	vst v8  }
.LBB2_5:
0x64: {  	p1 =	sne.s32 s11, $0x7F00;
	v7 =	vld [tilespmem:s10+$0xE030]  }
0x65: {  	v8 =	vld [tilespmem:s10+$0xA000];
	[tilespmem:s9+$0x12000] =	vst v6;
	v4 =	vmul.f32 v4, v2  }
0x66: {  	v6 =	vld [tilespmem:s10+$0xE000]  }
.Ltmp3:
0x67: {  	v2 =	vld [tilespmem:s10+$0xA010];
	[tilespmem:s9+$0x12010] =	vst v4;
	v5 =	vmul.f32 v5, v1;
	(pc) =	sbr.rel @p1 .LBB2_5-.Ltmp3, $4  }
0x68: {  	v4 =	vld [tilespmem:s10+$0xE010]  }
0x69: {  	v1 =	vld [tilespmem:s10+$0xA020];
	v7 =	vmul.f32 v7, v3;
	[tilespmem:s9+$0x12020] =	vst v5;
	s9 =	smov.u32 s10  }
0x6a: {  	s10 =	sshra.s32 s11, $0x2;
	v5 =	vld [tilespmem:s9+$0xE020]  }
0x6b: {  	s11 =	sadd.s32 $0x100, s11;
	v3 =	vld [tilespmem:s10+$0xA030];
	v6 =	vmul.f32 v6, v8;
	[tilespmem:s9+$0x12030] =	vst v7  }
0x6c: {  	v7 =	vld [tilespmem:s10+$0xE030]  }
0x6d: {  	v8 =	vld [tilespmem:s10+$0xA000];
	[tilespmem:s9+$0x12000] =	vst v6;
	v2 =	vmul.f32 v4, v2  }
0x6e: {  	v4 =	vld [tilespmem:s10+$0xE000]  }
0x6f: {  	v6 =	vld [tilespmem:s10+$0xA010];
	[tilespmem:s9+$0x12010] =	vst v2;
	v1 =	vmul.f32 v5, v1  }
0x70: {  	v2 =	vld [tilespmem:s10+$0xE010]  }
0x71: {  	v5 =	vld [tilespmem:s10+$0xA020];
	[tilespmem:s9+$0x12020] =	vst v1  }
0x72: {  	v1 =	vld [tilespmem:s10+$0xE020];
	_ =	sdelay $0x1  }
0x73: {  	v3 =	vmul.f32 v7, v3  }
0x74: {  	v4 =	vmul.f32 v4, v8  }
0x75: {  	[tilespmem:s10+$0x12030] =	vst v3;
	v2 =	vmul.f32 v2, v6  }
0x76: {  	[tilespmem:s10+$0x12000] =	vst v4;
	v1 =	vmul.f32 v1, v5  }
0x77: {  	s9 =	sand.u32 $0x3FFFFF00, s8;
	[tilespmem:s10+$0x12010] =	vst v2  }
0x78: {  	p1 =	seq.s32 s7, $0x4F;
	s12 =	sadd.s32 $0x5000, s9;
	[tilespmem:s10+$0x12020] =	vst v1  }
0x79: {  	[spmem:s2] =	stream.indirect.scatter.add.f32 [tilespmem:s29], [sflag:$0x5], $0x40, s12, s22, $0xb8;
	[tilespmem:$0x1FE00] =	vst v63  }
0x7a: {  	s11 =	simm.s32 @!p1 $0x80;
	s10 =	sadd.s32 @!p1 $0x100, s8;
	s12 =	simm.s32 @!p1 $0xA000  }
0x7b: {  	[tilespmem:s12], [sflag:$0x1] =	stream.indirect.gather @!p1 [hbm4b:s13+s11], $0x40, s10, s11, $0xb8;
	[tilespmem:$0x1FE00] =	vst v63  }
0x7c: {  	s10 =	sadd.s32 @!p1 s14, s10  }
0x7d: {  	s10 =	sshll.u32 @!p1 s10, $0x6  }
0x7e: {  	s10 =	sadd.s32 @!p1 s5, s10  }
0x7f: {  	s10 =	sshrl.u32 @!p1 s10, $0x3  }
0x80: {  	s11 =	simm.s32 @!p1 $0x0;
	s12 =	simm.s32 @!p1 $0xE000;
	s10 =	sadd.s32 @!p1 s4, s10  }
0x81: {  	[tilespmem:s12], [sflag:$0x3] =	stream.linear.gather @!p1 [hbm4b:s10+s11], $0x2000, $0x38;
	[tilespmem:$0x1FE00] =	vst v63  }
0x82: {  	_ =	swait.ge [sflag:s30], $0x2000  }
0x83: {  	[sflag:s30] =	ssyncset.done $0x0  }
0x84: {  	[sflag:s30] =	ssyncadd.s32 $0xFFFFE000  }
0x85: {  	_ =	swait.ge [sflag:s31], $0x2000  }
0x86: {  	[sflag:s31] =	ssyncset.done $0x0  }
0x87: {  	s10 =	simm.s32 @!p0 $0x6;
	[sflag:s31] =	ssyncadd.s32 $0xFFFFE000  }
0x88: {  	_ =	swait.ge @!p0 [sflag:s10], $0x2000  }
0x89: {  	[sflag:s10] =	ssyncset.done @!p0 $0x0  }
0x8a: {  	[sflag:s10] =	ssyncadd.s32 @!p0 $0xFFFFE000;
	s10 =	simm.s32 $0x0  }
0x8b: {  	v3 =	vld [tilespmem:s10+$0xC030]  }
0x8c: {  	v5 =	vld [tilespmem:s10+$0x10030]  }
0x8d: {  	v6 =	vld [tilespmem:s10+$0xC000]  }
0x8e: {  	v7 =	vld [tilespmem:s10+$0x10000]  }
0x8f: {  	v2 =	vld [tilespmem:s10+$0xC010]  }
0x90: {  	v4 =	vld [tilespmem:s10+$0x10010]  }
0x91: {  	v1 =	vld [tilespmem:s10+$0xC020];
	v8 =	vmul.f32 v5, v3  }
0x92: {  	s11 =	simm.s32 $0x40;
	v5 =	vld [tilespmem:s10+$0x10020]  }
0x93: {  	s12 =	simm.s32 $0x200;
	v3 =	vld [tilespmem:s11+$0xC030];
	v6 =	vmul.f32 v7, v6;
	[tilespmem:s10+$0x14030] =	vst v8  }
.LBB2_7:
0x94: {  	p0 =	sne.s32 s12, $0x7F00;
	v7 =	vld [tilespmem:s11+$0x10030]  }
0x95: {  	v8 =	vld [tilespmem:s11+$0xC000];
	[tilespmem:s10+$0x14000] =	vst v6;
	v4 =	vmul.f32 v4, v2  }
0x96: {  	v6 =	vld [tilespmem:s11+$0x10000]  }
.Ltmp4:
0x97: {  	v2 =	vld [tilespmem:s11+$0xC010];
	[tilespmem:s10+$0x14010] =	vst v4;
	v5 =	vmul.f32 v5, v1;
	(pc) =	sbr.rel @p0 .LBB2_7-.Ltmp4, $4  }
0x98: {  	v4 =	vld [tilespmem:s11+$0x10010]  }
0x99: {  	v1 =	vld [tilespmem:s11+$0xC020];
	v7 =	vmul.f32 v7, v3;
	[tilespmem:s10+$0x14020] =	vst v5;
	s10 =	smov.u32 s11  }
0x9a: {  	s11 =	sshra.s32 s12, $0x2;
	v5 =	vld [tilespmem:s10+$0x10020]  }
0x9b: {  	s12 =	sadd.s32 $0x100, s12;
	v3 =	vld [tilespmem:s11+$0xC030];
	v6 =	vmul.f32 v6, v8;
	[tilespmem:s10+$0x14030] =	vst v7  }
0x9c: {  	v7 =	vld [tilespmem:s11+$0x10030]  }
0x9d: {  	v8 =	vld [tilespmem:s11+$0xC000];
	[tilespmem:s10+$0x14000] =	vst v6;
	v2 =	vmul.f32 v4, v2  }
0x9e: {  	v62 =	vld [tilespmem:s11+$0x10000]  }
0x9f: {  	v6 =	vld [tilespmem:s11+$0xC010];
	[tilespmem:s10+$0x14010] =	vst v2;
	v1 =	vmul.f32 v5, v1  }
0xa0: {  	v2 =	vld [tilespmem:s11+$0x10010]  }
0xa1: {  	v63 =	vld [tilespmem:s11+$0xC020];
	[tilespmem:s10+$0x14020] =	vst v1  }
0xa2: {  	v1 =	vld [tilespmem:s11+$0x10020];
	_ =	sdelay $0x1  }
0xa3: {  	v3 =	vmul.f32 v7, v3  }
0xa4: {  	v4 =	vmul.f32 v62, v8  }
.Ltmp5:
0xa5: {  	[tilespmem:s11+$0x14030] =	vst v3;
	v2 =	vmul.f32 v2, v6;
	(pc) =	sbr.rel @p1 .LBB2_10-.Ltmp5, $4  }
0xa6: {  	[tilespmem:s11+$0x14000] =	vst v4;
	v1 =	vmul.f32 v1, v63  }
0xa7: {  	[tilespmem:s11+$0x14010] =	vst v2  }
0xa8: {  	s9 =	sadd.s32 $0x5080, s9;
	[tilespmem:s11+$0x14020] =	vst v1  }
0xa9: {  	[spmem:s2] =	stream.indirect.scatter.add.f32 [tilespmem:s0], [sflag:$0x6], $0x40, s9, s22, $0xb8;
	[tilespmem:$0x1FE00] =	vst v63  }
0xaa: {  	s8 =	sadd.s32 $0x180, s8  }
0xab: {  	[tilespmem:s23], [sflag:$0x2] =	stream.indirect.gather [hbm4b:s13+s22], $0x40, s8, s22, $0xb8;
	[tilespmem:$0x1FE00] =	vst v63  }
0xac: {  	s8 =	sadd.s32 s14, s8  }
.Ltmp6:
0xad: {  	s8 =	sshll.u32 s8, $0x6;
	(pc) =	sbr.rel .LBB2_4-.Ltmp6, $4  }
0xae: {  	s8 =	sadd.s32 s5, s8  }
0xaf: {  	s8 =	sshrl.u32 s8, $0x3  }
0xb0: {  	s7 =	sadd.s32 $0x1, s7;
	s8 =	sadd.s32 s4, s8  }
0xb1: {  	[tilespmem:s25], [sflag:$0x4] =	stream.linear.gather [hbm4b:s8+s3], $0x2000, $0x38;
	[tilespmem:$0x1FE00] =	vst v63  }
.LBB2_11:
0xb2: {  	_ =	sfence.sel $0x180000  }
0xb3: {  	[bflag:$0x0] =	sbarrier.arrive $0xFFFF  }
0xb4: {  	_ =	strace $0x9000004A  }
0xb5: {  	s0 =	stileid.u32;
	[bflag:$0x2] =	sbarrier.arrive $0xFFFF  }
0xb6: {  	p0 =	sne.s32 s0, $0x0;
	s0 =	rddreg [dreg:$0x2]  }
0xb7: {  	s0 =	sadd.s32 @!p0 $0x100000, s0  }
0xb8: {  	[sflag:s0] =	ssyncadd.tile.s32 @!p0 $0x1;
	_ =	shalt  }
.Lfunc_end2:
_tile_overlayer_lowered:
.L_overlay_start_2:
0xb9: {  	(tag) =	ssettag $0x2  }
0xba: {  	s0 =	rddreg [dreg:$0x0];
	s2 =	stileid.u32  }
0xbb: {  	s1 =	rddreg [dreg:$0x1];
	p0 =	sne.s32 s2, $0x0  }
0xbc: {  	s3 =	rddreg [dreg:$0x2];
	[bflag:$0x3] =	sbarrier.arrive $0xFFFF;
	s2 =	simm.s32 @!p0 $0x1C07  }
0xbd: {  	[timem:s3], [sflag:s2] =	dma.local @!p0 [hbm:s0], s1  }
0xbe: {  	s0 =	simm.s32 @!p0 $0x7  }
0xbf: {  	_ =	swait.ge @!p0 [sflag:s0], s1  }
0xc0: {  	s1 =	ssub.s32 @!p0 $0x0, s1;
	[sflag:s0] =	ssyncset.done @!p0 $0x0  }
0xc1: {  	[sflag:s0] =	ssyncadd.s32 @!p0 s1  }
0xc2: {  	[bflag:$0x3] =	sbarrier.arrive $0xFFFF  }
0xc3: {  	_ =	shalt  }

// kernel: kernel.20.cloned.1.call-start
scs
__scs_entry_jumppad:
0x0: {  	(pc) =	sbr.rel $0x88, $3  }
0x1: {  	(tag) =	ssettag $0x0;
	lr =	simm.s32 $0x1  }
0x2: {  	[smem:$0x3F92] =	sst lr;
	_ =	strace $0xD0000000  }
0x3: {  	_ = 	snop  }
0x4: {  	_ = 	snop  }
0x5: {  	_ = 	snop  }
0x6: {  	_ = 	snop  }
0x7: {  	_ = 	snop  }
__scs_overlays_trampoline_lowered:
0x8: {  	[smem:$0x3FA1] =	sst s0  }
0x9: {  	[smem:$0x3FA2] =	sst s1  }
0xa: {  	[smem:$0x3FA3] =	sst s2  }
0xb: {  	[smem:$0x3FA4] =	sst s3  }
0xc: {  	[smem:$0x3FA5] =	sst s4  }
0xd: {  	[smem:$0x3FA6] =	sst s5  }
0xe: {  	[smem:$0x3FA7] =	sst s6  }
0xf: {  	[smem:$0x3FA8] =	sst s7  }
0x10: {  	[smem:$0x3FA9] =	sst s8  }
0x11: {  	[smem:$0x3FAA] =	sst s9;
	s0 =	simm.s32 @!p0 $0x0  }
0x12: {  	s1 =	sld [smem:$0x3F90];
	s0 =	simm.s32 @p0 $0x1  }
0x13: {  	[smem:$0x3FAB] =	sst s0;
	s0 =	simm.s32 @!p1 $0x0  }
0x14: {  	s2 =	sld [smem:$0x3F8F];
	s0 =	simm.s32 @p1 $0x1  }
0x15: {  	[smem:$0x3FAC] =	sst s0;
	s0 =	simm.s32 @!p2 $0x0  }
0x16: {  	s3 =	sld [smem:$0x3FDB];
	s0 =	simm.s32 @p2 $0x1  }
0x17: {  	s4 =	simm.s32 $0x1BF5;
	[smem:$0x3FAE] =	sst s0  }
0x18: {  	s0 =	sld [smem:$0x3F91];
	_ =	swait.ge [sflag:s4], $0x0  }
0x19: {  	s7 =	sld [smem:$0x3F92]  }
0x1a: {  	s8 =	sadd.s32 $0xFFFFE003, lr  }
0x1b: {  	s9 =	sadd.s32 $0xFFFFFEF7, lr;
	s5 =	simm.s32 $0xFFFFFFFF;
	p2 =	slt.u32 s8, $0xFFFFF086  }
0x1c: {  	p1 =	slt.u32 s9, $0xF7A;
	s5 =	simm.s32 @!p2 $0x0  }
0x1d: {  	s5 =	simm.s32 @p1 $0x1;
	p0 =	seq.s32 s7, s2  }
0x1e: {  	s7 =	smul.u32 @!p0 $0xF7A, s2;
	p2 =	seq.s32 @!p0 s5, $0x0  }
0x1f: {  	s9 =	smul.u32 $0xF7A, s1;
	s8 =	simm.s32 @!p0 $0x1BF5;
	p2 =	por !p2, p0  }
0x20: {  	[sflag:s8] =	ssyncset.s32 @!p0 $0xFFFFF086;
	s6 =	sadd.s32 @!p0 s3, s7;
	s7 =	simm.s32 @!p0 $0x108  }
0x21: {  	s3 =	sadd.s32 s3, s9;
	s6 =	sadd.s32 @!p0 $0x88, s6;
	s7 =	simm.s32 @p2 $0x1082  }
0x22: {  	[simem:s7], [sflag:s8] =	dma.local @!p0 [hbm:s6], $0xF7A  }
0x23: {  	s9 =	sor.u32 $0xD0000000, s2;
	s6 =	simm.s32 $0x108;
	_ =	swait.ge @!p0 [sflag:s8], $0x0  }
0x24: {  	s3 =	sadd.s32 $0x88, s3;
	s6 =	simm.s32 @!p1 $0x1082;
	[sflag:s4] =	ssyncset.s32 $0xFFFFF086  }
0x25: {  	[simem:s6], [sflag:s4] =	dma.local [hbm:s3], $0xF7A  }
0x26: {  	[smem:$0x3F92] =	sst s1;
	(tag) =	ssettag s2;
	_ =	strace s9  }
0x27: {  	s1 =	sld [smem:$0x3FA2]  }
0x28: {  	s2 =	sld [smem:$0x3FA3]  }
0x29: {  	s4 =	sld [smem:$0x3FA5]  }
0x2a: {  	p0 =	seq.s32 s5, $0x0;
	s5 =	sld [smem:$0x3FA6]  }
0x2b: {  	s6 =	sld [smem:$0x3FA7]  }
0x2c: {  	s7 =	sld [smem:$0x3FA8]  }
0x2d: {  	s3 =	simm.s32 $0x108;
	s8 =	sld [smem:$0x3FA9]  }
0x2e: {  	s3 =	simm.s32 @!p0 $0x1082;
	s9 =	sld [smem:$0x3FAA]  }
0x2f: {  	lr =	sadd.s32 s0, s3;
	s0 =	sld [smem:$0x3FA1]  }
0x30: {  	s3 =	sld [smem:$0x3FA4]  }
0x31: {  	[smem:$0x3FAD] =	sst s10  }
0x32: {  	s10 =	sld [smem:$0x3FAB];
	_ =	sdelay $0x3  }
0x33: {  	p0 =	seq.s32 s10, $0x1;
	s10 =	sld [smem:$0x3FAD];
	_ =	sdelay $0x3  }
0x34: {  	[smem:$0x3FAD] =	sst s10  }
0x35: {  	s10 =	sld [smem:$0x3FAC];
	_ =	sdelay $0x3  }
0x36: {  	p1 =	seq.s32 s10, $0x1;
	s10 =	sld [smem:$0x3FAD];
	_ =	sdelay $0x3  }
0x37: {  	[smem:$0x3FAD] =	sst s10  }
0x38: {  	s10 =	sld [smem:$0x3FAE]  }
0x39: {  	_ = 	snop;
	(pc) =	sbr.ind lr, $3  }
0x3a: {  	_ = 	snop  }
0x3b: {  	_ = 	snop  }
0x3c: {  	p2 =	seq.s32 s10, $0x1;
	s10 =	sld [smem:$0x3FAD]  }
0x3d: {  	_ =	shalt  }
0x3e: {  	_ =	shalt  }
0x3f: {  	_ =	shalt  }
0x40: {  	_ =	shalt  }
0x41: {  	_ =	shalt  }
0x42: {  	_ =	shalt  }
0x43: {  	_ =	shalt  }
0x44: {  	_ =	shalt  }
0x45: {  	_ =	shalt  }
0x46: {  	_ =	shalt  }
0x47: {  	_ =	shalt  }
0x48: {  	_ =	shalt  }
0x49: {  	_ =	shalt  }
0x4a: {  	_ =	shalt  }
0x4b: {  	_ =	shalt  }
0x4c: {  	_ =	shalt  }
0x4d: {  	_ =	shalt  }
0x4e: {  	_ =	shalt  }
0x4f: {  	_ =	shalt  }
0x50: {  	_ =	shalt  }
0x51: {  	_ =	shalt  }
0x52: {  	_ =	shalt  }
0x53: {  	_ =	shalt  }
0x54: {  	_ =	shalt  }
0x55: {  	_ =	shalt  }
0x56: {  	_ =	shalt  }
0x57: {  	_ =	shalt  }
0x58: {  	_ =	shalt  }
0x59: {  	_ =	shalt  }
0x5a: {  	_ =	shalt  }
0x5b: {  	_ =	shalt  }
0x5c: {  	_ =	shalt  }
0x5d: {  	_ =	shalt  }
0x5e: {  	_ =	shalt  }
0x5f: {  	_ =	shalt  }
0x60: {  	_ =	shalt  }
0x61: {  	_ =	shalt  }
0x62: {  	_ =	shalt  }
0x63: {  	_ =	shalt  }
0x64: {  	_ =	shalt  }
0x65: {  	_ =	shalt  }
0x66: {  	_ =	shalt  }
0x67: {  	_ =	shalt  }
0x68: {  	_ =	shalt  }
0x69: {  	_ =	shalt  }
0x6a: {  	_ =	shalt  }
0x6b: {  	_ =	shalt  }
0x6c: {  	_ =	shalt  }
0x6d: {  	_ =	shalt  }
0x6e: {  	_ =	shalt  }
0x6f: {  	_ =	shalt  }
0x70: {  	_ =	shalt  }
0x71: {  	_ =	shalt  }
0x72: {  	_ =	shalt  }
0x73: {  	_ =	shalt  }
0x74: {  	_ =	shalt  }
0x75: {  	_ =	shalt  }
0x76: {  	_ =	shalt  }
0x77: {  	_ =	shalt  }
0x78: {  	_ =	shalt  }
0x79: {  	_ =	shalt  }
0x7a: {  	_ =	shalt  }
0x7b: {  	_ =	shalt  }
0x7c: {  	_ =	shalt  }
0x7d: {  	_ =	shalt  }
0x7e: {  	_ =	shalt  }
0x7f: {  	_ =	shalt  }
0x80: {  	_ =	shalt  }
0x81: {  	_ =	shalt  }
0x82: {  	_ =	shalt  }
0x83: {  	_ =	shalt  }
0x84: {  	_ =	shalt  }
0x85: {  	_ =	shalt  }
0x86: {  	_ =	shalt  }
0x87: {  	_ =	shalt  }
.Lfunc_end0:
.L_simem_size_0:
called_computation.2_lowered:
.L_overlay_start_0:
0x88: {  	s2 =	sld [smem:$0x3FD9]  }
0x89: {  	s3 =	sld [smem:$0x3FFE];
	_ =	sdelay $0x1  }
0x8a: {  	s1 =	srdreg.scid  }
0x8b: {  	s0 =	sand.u32 $0x1, s1  }
0x8c: {  	s16 =	sshll.u32 s0, $0xA;
	s2 =	sadd.s32 s3, s2  }
0x8d: {  	s2 =	sadd.s32 s2, s16  }
0x8e: {  	[smem:$0x3FB9] =	sst s2  }
0x8f: {  	_ = 	snop  }
0x90: {  	(tm) =	ssettm $0x1  }
0x91: {  	s17 =	sld [smem:$0x3FFB];
	_ =	sdelay $0x3  }
0x92: {  	_ =	strace s17  }
0x93: {  	s2 =	sld [smem:$0x3FFC];
	_ =	sdelay $0x3  }
0x94: {  	_ =	strace s2  }
0x95: {  	s2 =	sld [smem:$0x3FFD];
	_ =	sdelay $0x3  }
0x96: {  	_ =	strace s2  }
0x97: {  	_ =	strace $0x8FFFFFFF  }
0x98: {  	s18 =	sld [smem:$0x3FDB];
	_ =	sdelay $0x1  }
0x99: {  	s19 =	simm.s32 $_scs_section_size  }
0x9a: {  	s4 =	simm.s32 $_size__tile_overlayer_lowered;
	s5 =	simm.s32 $_tile_overlayer_lowered  }
0x9b: {  	s22 =	simm.s32 $0x1BFF;
	s21 =	sshll.u32 s5, $0x1;
	s2 =	sadd.s32 s19, s18  }
0x9c: {  	s6 =	simm.s32 $0x0;
	s20 =	sshll.u32 s4, $0x1;
	s4 =	sadd.s32 s21, s2  }
0x9d: {  	[timem:s6], [sflag:s22] =	dma.local [hbm:s4], s20  }
0x9e: {  	_ =	swait.ge [sflag:s22], s20  }
0x9f: {  	s3 =	ssub.s32 $0x0, s20;
	[sflag:s22] =	ssyncset.done $0x0  }
0xa0: {  	[sflag:s22] =	ssyncadd.s32 s3;
	_ =	sdelay $0x1  }
0xa1: {  	s23 =	simm.s32 $0x1B8B  }
0xa2: {  	_ =	swait.ge [sflag:s23], $0x1  }
0xa3: {  	[sflag:s23] =	ssyncset.done $0x0  }
0xa4: {  	s25 =	simm.s32 $0x1B8E;
	s24 =	sld [smem:$0x3FFE];
	[sflag:s23] =	ssyncadd.s32 $0xFFFFFFFF  }
0xa5: {  	s26 =	simm.s32 $execute0_lowered;
	[smem:$0x3FD2] =	sst s25  }
0xa6: {  	s4 =	sshll.u32 s26, $0x1;
	_ =	strace $0x8000004C;
	[dreg:$0x1] =	wrdreg $0xFFFFFFFF  }
0xa7: {  	s28 =	simm.s32 $_size_execute0_lowered;
	s2 =	sadd.s32 s2, s4;
	[dreg:$0x0] =	wrdreg $0x0  }
0xa8: {  	s4 =	sshll.u32 s28, $0x1;
	[dreg:$0x2] =	wrdreg s2  }
0xa9: {  	[dreg:$0x3] =	wrdreg s4  }
0xaa: {  	[dreg:$0x4] =	wrdreg $0xC0  }
0xab: {  	_ =	task [dreg:s6], $0x5FFFF  }
0xac: {  	[dreg:$0x1] =	wrdreg $0xFFFFFFFF  }
0xad: {  	[dreg:$0x0] =	wrdreg $0x60  }
0xae: {  	[dreg:$0x2] =	wrdreg s24  }
0xaf: {  	[dreg:$0x3] =	wrdreg $0x160000  }
0xb0: {  	[dreg:$0x4] =	wrdreg $0x9  }
0xb1: {  	_ =	task.clear_ibuf [dreg:s6], $0x5FFFF;
	_ =	strace $0x9000004C  }
0xb2: {  	s29 =	simm.s32 $0x9;
	_ =	strace $0x8000004E  }
0xb3: {  	_ =	swait.ge [sflag:s29], $0x1  }
0xb4: {  	[sflag:s29] =	ssyncadd.s32 $0xFFFFFFFF  }
0xb5: {  	_ =	strace $0x9000004E  }
0xb6: {  	_ =	sfence  }
0xb7: {  	s30 =	sld [smem:$0x0];
	_ =	sdelay $0x2  }
0xb8: {  	s31 =	sshll.u32 s1, $0xD;
	s1 =	sshrl.u32 s1, $0x2  }
0xb9: {  	s3 =	sand.u32 $0x4000, s31;
	s1 =	sadd.s32 s1, s30  }
0xba: {  	s0 =	sor.u32 s3, s0;
	s1 =	sshll.u32 s1, $0x11  }
0xbb: {  	s0 =	sor.u32 s1, s0  }
0xbc: {  	s0 =	sadd.s32 $0x8F2B, s0  }
0xbd: {  	[sflag:s0] =	ssyncadd.remote.s32 $0x1  }
0xbe: {  	_ =	sfence.sel $0xFFFF  }
0xbf: {  	[dreg:$0x0] =	wrdreg $0xFFFFFFFF;
	(pc) =	sbr.abs _section_cstart, $3  }
0xc0: {  	[dreg:$0x1] =	wrdreg $0xFFFFFFFF  }
0xc1: {  	_ =	task.clear_ibuf [dreg:s6], $0x2FFFF;
	_ =	strace $0x9FFFFFFF  }
0xc2: {  	(tm) =	ssettm $0x7FFFFFFF  }
0xc3: {  	_ =	shalt  }
tec
execute0_lowered:
.L_overlay_start_1:
0x0: {  	(tag) =	ssettag $0x1  }
0x1: {  	s12 =	stileid.u32  }
0x2: {  	s0 =	rddreg [dreg:$0x0];
	s6 =	smul.u32 $0x9E00, s12  }
0x3: {  	s1 =	srdreg.scid;
	s8 =	smul.u32 $0xA00, s12  }
0x4: {  	s2 =	rddreg [dreg:$0x1];
	s9 =	smul.u32 $0x27800, s12  }
0x5: {  	s3 =	simm.s32 $0x0;
	s28 =	simm.s32 $0x3;
	s19 =	smul.u32 $0x140000, s12  }
0x6: {  	s29 =	simm.s32 $0x12000;
	s1 =	sand.u32 $0x1, s1;
	s14 =	smul.u32 $0x5000, s12  }
0x7: {  	s30 =	simm.s32 $0x2;
	s31 =	simm.s32 $0x4;
	s4 =	smul.u32 $0x13880, s1  }
0x8: {  	[smem:$0x7FF] =	sst s3;
	s5 =	smul.u32 $0x9E000, s1;
	s10 =	ssub.s32 $0x2, s1  }
0x9: {  	_ =	strace $0x8000004D;
	s8 =	sadd.s32 s8, s0;
	s11 =	sshrl.u32 s10, $0x1  }
0xa: {  	s9 =	sshrl.u32 s9, $0x2;
	s7 =	sadd.s32 s4, s0;
	s5 =	sadd.s32 s6, s5  }
0xb: {  	s4 =	sadd.s32 $0x16FAE00, s0;
	s18 =	ssub.s32 s10, s11;
	s9 =	sadd.s32 s9, s2  }
0xc: {  	s6 =	sadd.s32 s6, s2;
	s24 =	sadd.s32 $0xA000, s8;
	s8 =	sadd.s32 $0x14000, s8  }
0xd: {  	s5 =	sshrl.u32 s5, $0x3;
	s20 =	sadd.s32 $0x2000, s9;
	[dreg:$0x7] =	wrdreg s24  }
0xe: {  	s21 =	sadd.s32 $0x4000, s9;
	s22 =	sadd.s32 $0x6000, s9;
	[dreg:$0x8] =	wrdreg s8  }
0xf: {  	s9 =	sadd.s32 $0x8000, s9;
	s13 =	sadd.s32 $0x2B000, s7;
	[dreg:$0x3] =	wrdreg s20  }
0x10: {  	s18 =	smax.u32 s18, $0x1;
	s24 =	simm.s32 $0x6;
	[dreg:$0x4] =	wrdreg s21  }
0x11: {  	s0 =	sadd.s32 s5, s0;
	s5 =	smul.u32 $0x1400000, s1;
	[dreg:$0x5] =	wrdreg s22  }
0x12: {  	[dreg:$0x6] =	wrdreg s9;
	s20 =	simm.s32 $0x7;
	s22 =	simm.s32 $0x80  }
.Ltmp0:
0x13: {  	s21 =	simm.s32 $0x5;
	s1 =	simm.s32 $0x0;
	(pc) =	sbr.rel .LBB2_1-.Ltmp0, $4  }
0x14: {  	s17 =	sadd.s32 $0x53600, s0;
	s0 =	simm.s32 $0x14000;
	s23 =	sadd.s32 s19, s5  }
0x15: {  	s19 =	simm.s32 $0xA000;
	s25 =	sor.u32 $0x2000, s23;
	s26 =	sshrl.u32 s23, $0x3  }
0x16: {  	s23 =	simm.s32 $0xC000;
	s8 =	sshrl.u32 s25, $0x3;
	s15 =	sadd.s32 s4, s26  }
0x17: {  	v0 =	vimm.f32 $0.0e+00;
	s25 =	simm.s32 $0x10000;
	s26 =	simm.s32 $0x1;
	s16 =	sadd.s32 s4, s8  }
.LBB2_10:
0x18: {  	_ =	swait.ge [sflag:s21], $0x2000  }
0x19: {  	[sflag:s21] =	ssyncset.done $0x0  }
0x1a: {  	[sflag:s21] =	ssyncadd.s32 $0xFFFFE000  }
0x1b: {  	s7 =	stileid.u32;
	_ =	swait.ge [sflag:s24], $0x2000  }
0x1c: {  	s8 =	sshrl.u32 s6, $0x3;
	s1 =	sadd.s32 $0x1, s1;
	[sflag:s24] =	ssyncset.done $0x0  }
0x1d: {  	s7 =	sshll.u32 s7, $0x6;
	p0 =	sne.s32 s1, s18;
	[sflag:s24] =	ssyncadd.s32 $0xFFFFE000  }
.Ltmp1:
0x1e: {  	s7 =	sor.u32 $0x1C07, s7;
	[bflag:$0x0] =	sbarrier.arrive $0xFFFF;
	(pc) =	sbr.rel @!p0 .LBB2_11-.Ltmp1, $4  }
0x1f: {  	[hbm:s17], [sflag:s7] =	dma.local [spmem:s8], $0x13C0  }
0x20: {  	_ =	swait.ge [sflag:s20], $0x13C0  }
0x21: {  	[sflag:s20] =	ssyncset.done $0x0  }
0x22: {  	[sflag:s20] =	ssyncadd.s32 $0xFFFFEC40  }
.LBB2_1:
0x23: {  	s8 =	simm.s32 $0x100;
	s7 =	simm.s32 $0x0  }
.LBB2_2:
0x24: {  	p0 =	sne.s32 s8, $0x7F00;
	[tilespmem:s7+$0xA030] =	vst v0;
	s9 =	smov.u32 s8;
	s8 =	sadd.s32 $0x100, s8  }
.Ltmp2:
0x25: {  	[tilespmem:s7+$0xA020] =	vst v0;
	(pc) =	sbr.rel @p0 .LBB2_2-.Ltmp2, $3  }
0x26: {  	[tilespmem:s7+$0xA000] =	vst v0  }
0x27: {  	[tilespmem:s7+$0xA010] =	vst v0;
	_ =	sdelay $0x1  }
0x28: {  	s7 =	sshra.s32 s9, $0x2  }
0x29: {  	[tilespmem:s7+$0xA030] =	vst v0  }
0x2a: {  	[tilespmem:s7+$0xA020] =	vst v0  }
0x2b: {  	[tilespmem:s7+$0xA000] =	vst v0  }
0x2c: {  	[tilespmem:s7+$0xA010] =	vst v0  }
0x2d: {  	[spmem:s6] =	stream.linear.scatter [tilespmem:s19], [sflag:$0x7], $0x2000, $0x38;
	[tilespmem:$0x1FE00] =	vst v63  }
0x2e: {  	_ =	swait.ge [sflag:s20], $0x2000  }
0x2f: {  	[sflag:s20] =	ssyncset.done $0x0  }
0x30: {  	s12 =	rddreg [dreg:$0x3];
	[sflag:s20] =	ssyncadd.s32 $0xFFFFE000  }
0x31: {  	[spmem:s12] =	stream.linear.scatter [tilespmem:s19], [sflag:$0x7], $0x2000, $0x38;
	[tilespmem:$0x1FE00] =	vst v63  }
0x32: {  	_ =	swait.ge [sflag:s20], $0x2000  }
0x33: {  	[sflag:s20] =	ssyncset.done $0x0  }
0x34: {  	s8 =	rddreg [dreg:$0x4];
	[sflag:s20] =	ssyncadd.s32 $0xFFFFE000  }
0x35: {  	[spmem:s8] =	stream.linear.scatter [tilespmem:s19], [sflag:$0x7], $0x2000, $0x38;
	[tilespmem:$0x1FE00] =	vst v63  }
0x36: {  	_ =	swait.ge [sflag:s20], $0x2000  }
0x37: {  	[sflag:s20] =	ssyncset.done $0x0  }
0x38: {  	s9 =	rddreg [dreg:$0x5];
	[sflag:s20] =	ssyncadd.s32 $0xFFFFE000  }
0x39: {  	[spmem:s9] =	stream.linear.scatter [tilespmem:s19], [sflag:$0x7], $0x2000, $0x38;
	[tilespmem:$0x1FE00] =	vst v63  }
0x3a: {  	_ =	swait.ge [sflag:s20], $0x2000  }
0x3b: {  	[sflag:s20] =	ssyncset.done $0x0  }
0x3c: {  	s10 =	rddreg [dreg:$0x6];
	[sflag:s20] =	ssyncadd.s32 $0xFFFFE000  }
0x3d: {  	[spmem:s10] =	stream.linear.scatter [tilespmem:s19], [sflag:$0x7], $0x1E00, $0x38;
	[tilespmem:$0x1FE00] =	vst v63  }
0x3e: {  	_ =	swait.ge [sflag:s20], $0x1E00  }
0x3f: {  	[sflag:s20] =	ssyncset.done $0x0  }
0x40: {  	[sflag:s20] =	ssyncadd.s32 $0xFFFFE200  }
0x41: {  	[bflag:$0x0] =	sbarrier.arrive $0xFFFF  }
0x42: {  	s7 =	simm.s32 $0x0;
	s8 =	rddreg [dreg:$0x7]  }
0x43: {  	[tilespmem:s7], [sflag:$0x7] =	stream.linear.gather [hbm4b:s8+s7], $0x5000, $0x38;
	[tilespmem:$0x1FE00] =	vst v63  }
0x44: {  	_ =	swait.ge [sflag:s20], $0x5000  }
0x45: {  	[sflag:s20] =	ssyncset.done $0x0  }
0x46: {  	s9 =	simm.s32 $0x5000;
	s11 =	rddreg [dreg:$0x8];
	[sflag:s20] =	ssyncadd.s32 $0xFFFFB000  }
0x47: {  	[tilespmem:s9], [sflag:$0x7] =	stream.linear.gather [hbm4b:s11+s7], $0x5000, $0x38;
	[tilespmem:$0x1FE00] =	vst v63  }
0x48: {  	_ =	swait.ge [sflag:s20], $0x5000  }
0x49: {  	[sflag:s20] =	ssyncset.done $0x0  }
0x4a: {  	[sflag:s20] =	ssyncadd.s32 $0xFFFFB000  }
0x4b: {  	[tilespmem:s19], [sflag:$0x1] =	stream.indirect.gather [hbm4b:s13+s22], $0x40, s7, s22, $0xb8;
	[tilespmem:$0x1FE00] =	vst v63  }
0x4c: {  	_ = 	snop  }
0x4d: {  	[tilespmem:s23], [sflag:$0x2] =	stream.indirect.gather [hbm4b:s13+s22], $0x40, s22, s22, $0xb8;
	[tilespmem:$0x1FE00] =	vst v63  }
0x4e: {  	s12 =	simm.s32 $0xE000  }
0x4f: {  	[tilespmem:s12], [sflag:$0x3] =	stream.linear.gather [hbm4b:s15+s7], $0x2000, $0x38;
	[tilespmem:$0x1FE00] =	vst v63  }
0x50: {  	_ = 	snop  }
0x51: {  	[tilespmem:s25], [sflag:$0x4] =	stream.linear.gather [hbm4b:s16+s7], $0x2000, $0x38;
	[tilespmem:$0x1FE00] =	vst v63  }
.LBB2_4:
0x52: {  	_ =	swait.ge [sflag:s26], $0x2000  }
0x53: {  	[sflag:s26] =	ssyncset.done $0x0  }
0x54: {  	[sflag:s26] =	ssyncadd.s32 $0xFFFFE000  }
0x55: {  	_ =	swait.ge [sflag:s28], $0x2000  }
0x56: {  	p0 =	seq.s32 s7, $0x0;
	[sflag:s28] =	ssyncset.done $0x0  }
0x57: {  	s8 =	simm.s32 @!p0 $0x5;
	[sflag:s28] =	ssyncadd.s32 $0xFFFFE000  }
0x58: {  	_ =	swait.ge @!p0 [sflag:s8], $0x2000  }
0x59: {  	[sflag:s8] =	ssyncset.done @!p0 $0x0  }
0x5a: {  	s9 =	simm.s32 $0x0;
	[sflag:s8] =	ssyncadd.s32 @!p0 $0xFFFFE000  }
0x5b: {  	v3 =	vld [tilespmem:s9+$0xA030]  }
0x5c: {  	v5 =	vld [tilespmem:s9+$0xE030]  }
0x5d: {  	v6 =	vld [tilespmem:s9+$0xA000]  }
0x5e: {  	v7 =	vld [tilespmem:s9+$0xE000]  }
0x5f: {  	v2 =	vld [tilespmem:s9+$0xA010]  }
0x60: {  	v4 =	vld [tilespmem:s9+$0xE010]  }
0x61: {  	v1 =	vld [tilespmem:s9+$0xA020];
	v8 =	vmul.f32 v5, v3  }
0x62: {  	s10 =	simm.s32 $0x40;
	v5 =	vld [tilespmem:s9+$0xE020]  }
0x63: {  	s11 =	simm.s32 $0x200;
	s8 =	sshll.u32 s7, $0x8;
	v3 =	vld [tilespmem:s10+$0xA030];
	v6 =	vmul.f32 v7, v6;
	[tilespmem:s9+$0x12030] =	vst v8  }
.LBB2_5:
0x64: {  	p1 =	sne.s32 s11, $0x7F00;
	v7 =	vld [tilespmem:s10+$0xE030]  }
0x65: {  	v8 =	vld [tilespmem:s10+$0xA000];
	[tilespmem:s9+$0x12000] =	vst v6;
	v4 =	vmul.f32 v4, v2  }
0x66: {  	v6 =	vld [tilespmem:s10+$0xE000]  }
.Ltmp3:
0x67: {  	v2 =	vld [tilespmem:s10+$0xA010];
	[tilespmem:s9+$0x12010] =	vst v4;
	v5 =	vmul.f32 v5, v1;
	(pc) =	sbr.rel @p1 .LBB2_5-.Ltmp3, $4  }
0x68: {  	v4 =	vld [tilespmem:s10+$0xE010]  }
0x69: {  	v1 =	vld [tilespmem:s10+$0xA020];
	v7 =	vmul.f32 v7, v3;
	[tilespmem:s9+$0x12020] =	vst v5;
	s9 =	smov.u32 s10  }
0x6a: {  	s10 =	sshra.s32 s11, $0x2;
	v5 =	vld [tilespmem:s9+$0xE020]  }
0x6b: {  	s11 =	sadd.s32 $0x100, s11;
	v3 =	vld [tilespmem:s10+$0xA030];
	v6 =	vmul.f32 v6, v8;
	[tilespmem:s9+$0x12030] =	vst v7  }
0x6c: {  	v7 =	vld [tilespmem:s10+$0xE030]  }
0x6d: {  	v8 =	vld [tilespmem:s10+$0xA000];
	[tilespmem:s9+$0x12000] =	vst v6;
	v2 =	vmul.f32 v4, v2  }
0x6e: {  	v4 =	vld [tilespmem:s10+$0xE000]  }
0x6f: {  	v6 =	vld [tilespmem:s10+$0xA010];
	[tilespmem:s9+$0x12010] =	vst v2;
	v1 =	vmul.f32 v5, v1  }
0x70: {  	v2 =	vld [tilespmem:s10+$0xE010]  }
0x71: {  	v5 =	vld [tilespmem:s10+$0xA020];
	[tilespmem:s9+$0x12020] =	vst v1  }
0x72: {  	v1 =	vld [tilespmem:s10+$0xE020];
	_ =	sdelay $0x1  }
0x73: {  	v3 =	vmul.f32 v7, v3  }
0x74: {  	v4 =	vmul.f32 v4, v8  }
0x75: {  	[tilespmem:s10+$0x12030] =	vst v3;
	v2 =	vmul.f32 v2, v6  }
0x76: {  	[tilespmem:s10+$0x12000] =	vst v4;
	v1 =	vmul.f32 v1, v5  }
0x77: {  	s9 =	sand.u32 $0x3FFFFF00, s8;
	[tilespmem:s10+$0x12010] =	vst v2  }
0x78: {  	p1 =	seq.s32 s7, $0x4F;
	s12 =	sadd.s32 $0x5000, s9;
	[tilespmem:s10+$0x12020] =	vst v1  }
0x79: {  	[spmem:s2] =	stream.indirect.scatter.add.f32 [tilespmem:s29], [sflag:$0x5], $0x40, s12, s22, $0xb8;
	[tilespmem:$0x1FE00] =	vst v63  }
0x7a: {  	s11 =	simm.s32 @!p1 $0x80;
	s10 =	sadd.s32 @!p1 $0x100, s8;
	s12 =	simm.s32 @!p1 $0xA000  }
0x7b: {  	[tilespmem:s12], [sflag:$0x1] =	stream.indirect.gather @!p1 [hbm4b:s13+s11], $0x40, s10, s11, $0xb8;
	[tilespmem:$0x1FE00] =	vst v63  }
0x7c: {  	s10 =	sadd.s32 @!p1 s14, s10  }
0x7d: {  	s10 =	sshll.u32 @!p1 s10, $0x6  }
0x7e: {  	s10 =	sadd.s32 @!p1 s5, s10  }
0x7f: {  	s10 =	sshrl.u32 @!p1 s10, $0x3  }
0x80: {  	s11 =	simm.s32 @!p1 $0x0;
	s12 =	simm.s32 @!p1 $0xE000;
	s10 =	sadd.s32 @!p1 s4, s10  }
0x81: {  	[tilespmem:s12], [sflag:$0x3] =	stream.linear.gather @!p1 [hbm4b:s10+s11], $0x2000, $0x38;
	[tilespmem:$0x1FE00] =	vst v63  }
0x82: {  	_ =	swait.ge [sflag:s30], $0x2000  }
0x83: {  	[sflag:s30] =	ssyncset.done $0x0  }
0x84: {  	[sflag:s30] =	ssyncadd.s32 $0xFFFFE000  }
0x85: {  	_ =	swait.ge [sflag:s31], $0x2000  }
0x86: {  	[sflag:s31] =	ssyncset.done $0x0  }
0x87: {  	s10 =	simm.s32 @!p0 $0x6;
	[sflag:s31] =	ssyncadd.s32 $0xFFFFE000  }
0x88: {  	_ =	swait.ge @!p0 [sflag:s10], $0x2000  }
0x89: {  	[sflag:s10] =	ssyncset.done @!p0 $0x0  }
0x8a: {  	[sflag:s10] =	ssyncadd.s32 @!p0 $0xFFFFE000;
	s10 =	simm.s32 $0x0  }
0x8b: {  	v3 =	vld [tilespmem:s10+$0xC030]  }
0x8c: {  	v5 =	vld [tilespmem:s10+$0x10030]  }
0x8d: {  	v6 =	vld [tilespmem:s10+$0xC000]  }
0x8e: {  	v7 =	vld [tilespmem:s10+$0x10000]  }
0x8f: {  	v2 =	vld [tilespmem:s10+$0xC010]  }
0x90: {  	v4 =	vld [tilespmem:s10+$0x10010]  }
0x91: {  	v1 =	vld [tilespmem:s10+$0xC020];
	v8 =	vmul.f32 v5, v3  }
0x92: {  	s11 =	simm.s32 $0x40;
	v5 =	vld [tilespmem:s10+$0x10020]  }
0x93: {  	s12 =	simm.s32 $0x200;
	v3 =	vld [tilespmem:s11+$0xC030];
	v6 =	vmul.f32 v7, v6;
	[tilespmem:s10+$0x14030] =	vst v8  }
.LBB2_7:
0x94: {  	p0 =	sne.s32 s12, $0x7F00;
	v7 =	vld [tilespmem:s11+$0x10030]  }
0x95: {  	v8 =	vld [tilespmem:s11+$0xC000];
	[tilespmem:s10+$0x14000] =	vst v6;
	v4 =	vmul.f32 v4, v2  }
0x96: {  	v6 =	vld [tilespmem:s11+$0x10000]  }
.Ltmp4:
0x97: {  	v2 =	vld [tilespmem:s11+$0xC010];
	[tilespmem:s10+$0x14010] =	vst v4;
	v5 =	vmul.f32 v5, v1;
	(pc) =	sbr.rel @p0 .LBB2_7-.Ltmp4, $4  }
0x98: {  	v4 =	vld [tilespmem:s11+$0x10010]  }
0x99: {  	v1 =	vld [tilespmem:s11+$0xC020];
	v7 =	vmul.f32 v7, v3;
	[tilespmem:s10+$0x14020] =	vst v5;
	s10 =	smov.u32 s11  }
0x9a: {  	s11 =	sshra.s32 s12, $0x2;
	v5 =	vld [tilespmem:s10+$0x10020]  }
0x9b: {  	s12 =	sadd.s32 $0x100, s12;
	v3 =	vld [tilespmem:s11+$0xC030];
	v6 =	vmul.f32 v6, v8;
	[tilespmem:s10+$0x14030] =	vst v7  }
0x9c: {  	v7 =	vld [tilespmem:s11+$0x10030]  }
0x9d: {  	v8 =	vld [tilespmem:s11+$0xC000];
	[tilespmem:s10+$0x14000] =	vst v6;
	v2 =	vmul.f32 v4, v2  }
0x9e: {  	v62 =	vld [tilespmem:s11+$0x10000]  }
0x9f: {  	v6 =	vld [tilespmem:s11+$0xC010];
	[tilespmem:s10+$0x14010] =	vst v2;
	v1 =	vmul.f32 v5, v1  }
0xa0: {  	v2 =	vld [tilespmem:s11+$0x10010]  }
0xa1: {  	v63 =	vld [tilespmem:s11+$0xC020];
	[tilespmem:s10+$0x14020] =	vst v1  }
0xa2: {  	v1 =	vld [tilespmem:s11+$0x10020];
	_ =	sdelay $0x1  }
0xa3: {  	v3 =	vmul.f32 v7, v3  }
0xa4: {  	v4 =	vmul.f32 v62, v8  }
.Ltmp5:
0xa5: {  	[tilespmem:s11+$0x14030] =	vst v3;
	v2 =	vmul.f32 v2, v6;
	(pc) =	sbr.rel @p1 .LBB2_10-.Ltmp5, $4  }
0xa6: {  	[tilespmem:s11+$0x14000] =	vst v4;
	v1 =	vmul.f32 v1, v63  }
0xa7: {  	[tilespmem:s11+$0x14010] =	vst v2  }
0xa8: {  	s9 =	sadd.s32 $0x5080, s9;
	[tilespmem:s11+$0x14020] =	vst v1  }
0xa9: {  	[spmem:s2] =	stream.indirect.scatter.add.f32 [tilespmem:s0], [sflag:$0x6], $0x40, s9, s22, $0xb8;
	[tilespmem:$0x1FE00] =	vst v63  }
0xaa: {  	s8 =	sadd.s32 $0x180, s8  }
0xab: {  	[tilespmem:s23], [sflag:$0x2] =	stream.indirect.gather [hbm4b:s13+s22], $0x40, s8, s22, $0xb8;
	[tilespmem:$0x1FE00] =	vst v63  }
0xac: {  	s8 =	sadd.s32 s14, s8  }
.Ltmp6:
0xad: {  	s8 =	sshll.u32 s8, $0x6;
	(pc) =	sbr.rel .LBB2_4-.Ltmp6, $4  }
0xae: {  	s8 =	sadd.s32 s5, s8  }
0xaf: {  	s8 =	sshrl.u32 s8, $0x3  }
0xb0: {  	s7 =	sadd.s32 $0x1, s7;
	s8 =	sadd.s32 s4, s8  }
0xb1: {  	[tilespmem:s25], [sflag:$0x4] =	stream.linear.gather [hbm4b:s8+s3], $0x2000, $0x38;
	[tilespmem:$0x1FE00] =	vst v63  }
.LBB2_11:
0xb2: {  	_ =	sfence.sel $0x180000  }
0xb3: {  	[bflag:$0x0] =	sbarrier.arrive $0xFFFF  }
0xb4: {  	_ =	strace $0x9000004D  }
0xb5: {  	s0 =	stileid.u32;
	[bflag:$0x2] =	sbarrier.arrive $0xFFFF  }
0xb6: {  	p0 =	sne.s32 s0, $0x0;
	s0 =	rddreg [dreg:$0x2]  }
0xb7: {  	s0 =	sadd.s32 @!p0 $0x100000, s0  }
0xb8: {  	[sflag:s0] =	ssyncadd.tile.s32 @!p0 $0x1;
	_ =	shalt  }
.Lfunc_end2:
_tile_overlayer_lowered:
.L_overlay_start_2:
0xb9: {  	(tag) =	ssettag $0x2  }
0xba: {  	s0 =	rddreg [dreg:$0x0];
	s2 =	stileid.u32  }
0xbb: {  	s1 =	rddreg [dreg:$0x1];
	p0 =	sne.s32 s2, $0x0  }
0xbc: {  	s3 =	rddreg [dreg:$0x2];
	[bflag:$0x3] =	sbarrier.arrive $0xFFFF;
	s2 =	simm.s32 @!p0 $0x1C07  }
0xbd: {  	[timem:s3], [sflag:s2] =	dma.local @!p0 [hbm:s0], s1  }
0xbe: {  	s0 =	simm.s32 @!p0 $0x7  }
0xbf: {  	_ =	swait.ge @!p0 [sflag:s0], s1  }
0xc0: {  	s1 =	ssub.s32 @!p0 $0x0, s1;
	[sflag:s0] =	ssyncset.done @!p0 $0x0  }
0xc1: {  	[sflag:s0] =	ssyncadd.s32 @!p0 s1  }
0xc2: {  	[bflag:$0x3] =	sbarrier.arrive $0xFFFF  }
0xc3: {  	_ =	shalt  }

// kernel: kernel.23.cloned.1.call-start
scs
__scs_entry_jumppad:
0x0: {  	(pc) =	sbr.rel $0x88, $3  }
0x1: {  	(tag) =	ssettag $0x0;
	lr =	simm.s32 $0x1  }
0x2: {  	[smem:$0x3F92] =	sst lr;
	_ =	strace $0xD0000000  }
0x3: {  	_ = 	snop  }
0x4: {  	_ = 	snop  }
0x5: {  	_ = 	snop  }
0x6: {  	_ = 	snop  }
0x7: {  	_ = 	snop  }
__scs_overlays_trampoline_lowered:
0x8: {  	[smem:$0x3FA1] =	sst s0  }
0x9: {  	[smem:$0x3FA2] =	sst s1  }
0xa: {  	[smem:$0x3FA3] =	sst s2  }
0xb: {  	[smem:$0x3FA4] =	sst s3  }
0xc: {  	[smem:$0x3FA5] =	sst s4  }
0xd: {  	[smem:$0x3FA6] =	sst s5  }
0xe: {  	[smem:$0x3FA7] =	sst s6  }
0xf: {  	[smem:$0x3FA8] =	sst s7  }
0x10: {  	[smem:$0x3FA9] =	sst s8  }
0x11: {  	[smem:$0x3FAA] =	sst s9;
	s0 =	simm.s32 @!p0 $0x0  }
0x12: {  	s1 =	sld [smem:$0x3F90];
	s0 =	simm.s32 @p0 $0x1  }
0x13: {  	[smem:$0x3FAB] =	sst s0;
	s0 =	simm.s32 @!p1 $0x0  }
0x14: {  	s2 =	sld [smem:$0x3F8F];
	s0 =	simm.s32 @p1 $0x1  }
0x15: {  	[smem:$0x3FAC] =	sst s0;
	s0 =	simm.s32 @!p2 $0x0  }
0x16: {  	s3 =	sld [smem:$0x3FDB];
	s0 =	simm.s32 @p2 $0x1  }
0x17: {  	s4 =	simm.s32 $0x1BF5;
	[smem:$0x3FAE] =	sst s0  }
0x18: {  	s0 =	sld [smem:$0x3F91];
	_ =	swait.ge [sflag:s4], $0x0  }
0x19: {  	s7 =	sld [smem:$0x3F92]  }
0x1a: {  	s8 =	sadd.s32 $0xFFFFE003, lr  }
0x1b: {  	s9 =	sadd.s32 $0xFFFFFEF7, lr;
	s5 =	simm.s32 $0xFFFFFFFF;
	p2 =	slt.u32 s8, $0xFFFFF086  }
0x1c: {  	p1 =	slt.u32 s9, $0xF7A;
	s5 =	simm.s32 @!p2 $0x0  }
0x1d: {  	s5 =	simm.s32 @p1 $0x1;
	p0 =	seq.s32 s7, s2  }
0x1e: {  	s7 =	smul.u32 @!p0 $0xF7A, s2;
	p2 =	seq.s32 @!p0 s5, $0x0  }
0x1f: {  	s9 =	smul.u32 $0xF7A, s1;
	s8 =	simm.s32 @!p0 $0x1BF5;
	p2 =	por !p2, p0  }
0x20: {  	[sflag:s8] =	ssyncset.s32 @!p0 $0xFFFFF086;
	s6 =	sadd.s32 @!p0 s3, s7;
	s7 =	simm.s32 @!p0 $0x108  }
0x21: {  	s3 =	sadd.s32 s3, s9;
	s6 =	sadd.s32 @!p0 $0x88, s6;
	s7 =	simm.s32 @p2 $0x1082  }
0x22: {  	[simem:s7], [sflag:s8] =	dma.local @!p0 [hbm:s6], $0xF7A  }
0x23: {  	s9 =	sor.u32 $0xD0000000, s2;
	s6 =	simm.s32 $0x108;
	_ =	swait.ge @!p0 [sflag:s8], $0x0  }
0x24: {  	s3 =	sadd.s32 $0x88, s3;
	s6 =	simm.s32 @!p1 $0x1082;
	[sflag:s4] =	ssyncset.s32 $0xFFFFF086  }
0x25: {  	[simem:s6], [sflag:s4] =	dma.local [hbm:s3], $0xF7A  }
0x26: {  	[smem:$0x3F92] =	sst s1;
	(tag) =	ssettag s2;
	_ =	strace s9  }
0x27: {  	s1 =	sld [smem:$0x3FA2]  }
0x28: {  	s2 =	sld [smem:$0x3FA3]  }
0x29: {  	s4 =	sld [smem:$0x3FA5]  }
0x2a: {  	p0 =	seq.s32 s5, $0x0;
	s5 =	sld [smem:$0x3FA6]  }
0x2b: {  	s6 =	sld [smem:$0x3FA7]  }
0x2c: {  	s7 =	sld [smem:$0x3FA8]  }
0x2d: {  	s3 =	simm.s32 $0x108;
	s8 =	sld [smem:$0x3FA9]  }
0x2e: {  	s3 =	simm.s32 @!p0 $0x1082;
	s9 =	sld [smem:$0x3FAA]  }
0x2f: {  	lr =	sadd.s32 s0, s3;
	s0 =	sld [smem:$0x3FA1]  }
0x30: {  	s3 =	sld [smem:$0x3FA4]  }
0x31: {  	[smem:$0x3FAD] =	sst s10  }
0x32: {  	s10 =	sld [smem:$0x3FAB];
	_ =	sdelay $0x3  }
0x33: {  	p0 =	seq.s32 s10, $0x1;
	s10 =	sld [smem:$0x3FAD];
	_ =	sdelay $0x3  }
0x34: {  	[smem:$0x3FAD] =	sst s10  }
0x35: {  	s10 =	sld [smem:$0x3FAC];
	_ =	sdelay $0x3  }
0x36: {  	p1 =	seq.s32 s10, $0x1;
	s10 =	sld [smem:$0x3FAD];
	_ =	sdelay $0x3  }
0x37: {  	[smem:$0x3FAD] =	sst s10  }
0x38: {  	s10 =	sld [smem:$0x3FAE]  }
0x39: {  	_ = 	snop;
	(pc) =	sbr.ind lr, $3  }
0x3a: {  	_ = 	snop  }
0x3b: {  	_ = 	snop  }
0x3c: {  	p2 =	seq.s32 s10, $0x1;
	s10 =	sld [smem:$0x3FAD]  }
0x3d: {  	_ =	shalt  }
0x3e: {  	_ =	shalt  }
0x3f: {  	_ =	shalt  }
0x40: {  	_ =	shalt  }
0x41: {  	_ =	shalt  }
0x42: {  	_ =	shalt  }
0x43: {  	_ =	shalt  }
0x44: {  	_ =	shalt  }
0x45: {  	_ =	shalt  }
0x46: {  	_ =	shalt  }
0x47: {  	_ =	shalt  }
0x48: {  	_ =	shalt  }
0x49: {  	_ =	shalt  }
0x4a: {  	_ =	shalt  }
0x4b: {  	_ =	shalt  }
0x4c: {  	_ =	shalt  }
0x4d: {  	_ =	shalt  }
0x4e: {  	_ =	shalt  }
0x4f: {  	_ =	shalt  }
0x50: {  	_ =	shalt  }
0x51: {  	_ =	shalt  }
0x52: {  	_ =	shalt  }
0x53: {  	_ =	shalt  }
0x54: {  	_ =	shalt  }
0x55: {  	_ =	shalt  }
0x56: {  	_ =	shalt  }
0x57: {  	_ =	shalt  }
0x58: {  	_ =	shalt  }
0x59: {  	_ =	shalt  }
0x5a: {  	_ =	shalt  }
0x5b: {  	_ =	shalt  }
0x5c: {  	_ =	shalt  }
0x5d: {  	_ =	shalt  }
0x5e: {  	_ =	shalt  }
0x5f: {  	_ =	shalt  }
0x60: {  	_ =	shalt  }
0x61: {  	_ =	shalt  }
0x62: {  	_ =	shalt  }
0x63: {  	_ =	shalt  }
0x64: {  	_ =	shalt  }
0x65: {  	_ =	shalt  }
0x66: {  	_ =	shalt  }
0x67: {  	_ =	shalt  }
0x68: {  	_ =	shalt  }
0x69: {  	_ =	shalt  }
0x6a: {  	_ =	shalt  }
0x6b: {  	_ =	shalt  }
0x6c: {  	_ =	shalt  }
0x6d: {  	_ =	shalt  }
0x6e: {  	_ =	shalt  }
0x6f: {  	_ =	shalt  }
0x70: {  	_ =	shalt  }
0x71: {  	_ =	shalt  }
0x72: {  	_ =	shalt  }
0x73: {  	_ =	shalt  }
0x74: {  	_ =	shalt  }
0x75: {  	_ =	shalt  }
0x76: {  	_ =	shalt  }
0x77: {  	_ =	shalt  }
0x78: {  	_ =	shalt  }
0x79: {  	_ =	shalt  }
0x7a: {  	_ =	shalt  }
0x7b: {  	_ =	shalt  }
0x7c: {  	_ =	shalt  }
0x7d: {  	_ =	shalt  }
0x7e: {  	_ =	shalt  }
0x7f: {  	_ =	shalt  }
0x80: {  	_ =	shalt  }
0x81: {  	_ =	shalt  }
0x82: {  	_ =	shalt  }
0x83: {  	_ =	shalt  }
0x84: {  	_ =	shalt  }
0x85: {  	_ =	shalt  }
0x86: {  	_ =	shalt  }
0x87: {  	_ =	shalt  }
.Lfunc_end0:
.L_simem_size_0:
called_computation.3_lowered:
.L_overlay_start_0:
0x88: {  	s2 =	sld [smem:$0x3FD9]  }
0x89: {  	s3 =	sld [smem:$0x3FFE];
	_ =	sdelay $0x1  }
0x8a: {  	s1 =	srdreg.scid  }
0x8b: {  	s0 =	sand.u32 $0x1, s1  }
0x8c: {  	s16 =	sshll.u32 s0, $0xA;
	s2 =	sadd.s32 s3, s2  }
0x8d: {  	s2 =	sadd.s32 s2, s16  }
0x8e: {  	[smem:$0x3FB9] =	sst s2  }
0x8f: {  	_ = 	snop  }
0x90: {  	(tm) =	ssettm $0x1  }
0x91: {  	s17 =	sld [smem:$0x3FFB];
	_ =	sdelay $0x3  }
0x92: {  	_ =	strace s17  }
0x93: {  	s2 =	sld [smem:$0x3FFC];
	_ =	sdelay $0x3  }
0x94: {  	_ =	strace s2  }
0x95: {  	s2 =	sld [smem:$0x3FFD];
	_ =	sdelay $0x3  }
0x96: {  	_ =	strace s2  }
0x97: {  	_ =	strace $0x8FFFFFFF  }
0x98: {  	s18 =	sld [smem:$0x3FDB];
	_ =	sdelay $0x1  }
0x99: {  	s19 =	simm.s32 $_scs_section_size  }
0x9a: {  	s4 =	simm.s32 $_size__tile_overlayer_lowered;
	s5 =	simm.s32 $_tile_overlayer_lowered  }
0x9b: {  	s22 =	simm.s32 $0x1BFF;
	s21 =	sshll.u32 s5, $0x1;
	s2 =	sadd.s32 s19, s18  }
0x9c: {  	s6 =	simm.s32 $0x0;
	s20 =	sshll.u32 s4, $0x1;
	s4 =	sadd.s32 s21, s2  }
0x9d: {  	[timem:s6], [sflag:s22] =	dma.local [hbm:s4], s20  }
0x9e: {  	_ =	swait.ge [sflag:s22], s20  }
0x9f: {  	s3 =	ssub.s32 $0x0, s20;
	[sflag:s22] =	ssyncset.done $0x0  }
0xa0: {  	[sflag:s22] =	ssyncadd.s32 s3;
	_ =	sdelay $0x1  }
0xa1: {  	s23 =	simm.s32 $0x1B8B  }
0xa2: {  	_ =	swait.ge [sflag:s23], $0x1  }
0xa3: {  	[sflag:s23] =	ssyncset.done $0x0  }
0xa4: {  	s25 =	simm.s32 $0x1B8E;
	s24 =	sld [smem:$0x3FFE];
	[sflag:s23] =	ssyncadd.s32 $0xFFFFFFFF  }
0xa5: {  	s26 =	simm.s32 $execute0_lowered;
	[smem:$0x3FD2] =	sst s25  }
0xa6: {  	s4 =	sshll.u32 s26, $0x1;
	_ =	strace $0x8000004F;
	[dreg:$0x1] =	wrdreg $0xFFFFFFFF  }
0xa7: {  	s28 =	simm.s32 $_size_execute0_lowered;
	s2 =	sadd.s32 s2, s4;
	[dreg:$0x0] =	wrdreg $0x0  }
0xa8: {  	s4 =	sshll.u32 s28, $0x1;
	[dreg:$0x2] =	wrdreg s2  }
0xa9: {  	[dreg:$0x3] =	wrdreg s4  }
0xaa: {  	[dreg:$0x4] =	wrdreg $0xC0  }
0xab: {  	_ =	task [dreg:s6], $0x5FFFF  }
0xac: {  	[dreg:$0x1] =	wrdreg $0xFFFFFFFF  }
0xad: {  	[dreg:$0x0] =	wrdreg $0x60  }
0xae: {  	[dreg:$0x2] =	wrdreg s24  }
0xaf: {  	[dreg:$0x3] =	wrdreg $0x160000  }
0xb0: {  	[dreg:$0x4] =	wrdreg $0x9  }
0xb1: {  	_ =	task.clear_ibuf [dreg:s6], $0x5FFFF;
	_ =	strace $0x9000004F  }
0xb2: {  	s29 =	simm.s32 $0x9;
	_ =	strace $0x80000051  }
0xb3: {  	_ =	swait.ge [sflag:s29], $0x1  }
0xb4: {  	[sflag:s29] =	ssyncadd.s32 $0xFFFFFFFF  }
0xb5: {  	_ =	strace $0x90000051  }
0xb6: {  	_ =	sfence  }
0xb7: {  	s30 =	sld [smem:$0x0];
	_ =	sdelay $0x2  }
0xb8: {  	s31 =	sshll.u32 s1, $0xD;
	s1 =	sshrl.u32 s1, $0x2  }
0xb9: {  	s3 =	sand.u32 $0x4000, s31;
	s1 =	sadd.s32 s1, s30  }
0xba: {  	s0 =	sor.u32 s3, s0;
	s1 =	sshll.u32 s1, $0x11  }
0xbb: {  	s0 =	sor.u32 s1, s0  }
0xbc: {  	s0 =	sadd.s32 $0x8F2B, s0  }
0xbd: {  	[sflag:s0] =	ssyncadd.remote.s32 $0x1  }
0xbe: {  	_ =	sfence.sel $0xFFFF  }
0xbf: {  	[dreg:$0x0] =	wrdreg $0xFFFFFFFF;
	(pc) =	sbr.abs _section_cstart, $3  }
0xc0: {  	[dreg:$0x1] =	wrdreg $0xFFFFFFFF  }
0xc1: {  	_ =	task.clear_ibuf [dreg:s6], $0x2FFFF;
	_ =	strace $0x9FFFFFFF  }
0xc2: {  	(tm) =	ssettm $0x7FFFFFFF  }
0xc3: {  	_ =	shalt  }
tec
execute0_lowered:
.L_overlay_start_1:
0x0: {  	(tag) =	ssettag $0x1  }
0x1: {  	s12 =	stileid.u32  }
0x2: {  	s0 =	rddreg [dreg:$0x0];
	s6 =	smul.u32 $0x9E00, s12  }
0x3: {  	s1 =	srdreg.scid;
	s8 =	smul.u32 $0xA00, s12  }
0x4: {  	s2 =	rddreg [dreg:$0x1];
	s9 =	smul.u32 $0x27800, s12  }
0x5: {  	s3 =	simm.s32 $0x0;
	s28 =	simm.s32 $0x3;
	s19 =	smul.u32 $0x140000, s12  }
0x6: {  	s29 =	simm.s32 $0x12000;
	s1 =	sand.u32 $0x1, s1;
	s14 =	smul.u32 $0x5000, s12  }
0x7: {  	s30 =	simm.s32 $0x2;
	s31 =	simm.s32 $0x4;
	s4 =	smul.u32 $0x13880, s1  }
0x8: {  	[smem:$0x7FF] =	sst s3;
	s5 =	smul.u32 $0x9E000, s1;
	s10 =	ssub.s32 $0x2, s1  }
0x9: {  	_ =	strace $0x80000050;
	s8 =	sadd.s32 s8, s0;
	s11 =	sshrl.u32 s10, $0x1  }
0xa: {  	s9 =	sshrl.u32 s9, $0x2;
	s7 =	sadd.s32 s4, s0;
	s5 =	sadd.s32 s6, s5  }
0xb: {  	s4 =	sadd.s32 $0x7AE00, s0;
	s18 =	ssub.s32 s10, s11;
	s9 =	sadd.s32 s9, s2  }
0xc: {  	s6 =	sadd.s32 s6, s2;
	s24 =	sadd.s32 $0xA000, s8;
	s8 =	sadd.s32 $0x14000, s8  }
0xd: {  	s5 =	sshrl.u32 s5, $0x3;
	s20 =	sadd.s32 $0x2000, s9;
	[dreg:$0x7] =	wrdreg s24  }
0xe: {  	s21 =	sadd.s32 $0x4000, s9;
	s22 =	sadd.s32 $0x6000, s9;
	[dreg:$0x8] =	wrdreg s8  }
0xf: {  	s9 =	sadd.s32 $0x8000, s9;
	s13 =	sadd.s32 $0x2B000, s7;
	[dreg:$0x3] =	wrdreg s20  }
0x10: {  	s18 =	smax.u32 s18, $0x1;
	s24 =	simm.s32 $0x6;
	[dreg:$0x4] =	wrdreg s21  }
0x11: {  	s0 =	sadd.s32 s5, s0;
	s5 =	smul.u32 $0x1400000, s1;
	[dreg:$0x5] =	wrdreg s22  }
0x12: {  	[dreg:$0x6] =	wrdreg s9;
	s20 =	simm.s32 $0x7;
	s22 =	simm.s32 $0x80  }
.Ltmp0:
0x13: {  	s21 =	simm.s32 $0x5;
	s1 =	simm.s32 $0x0;
	(pc) =	sbr.rel .LBB2_1-.Ltmp0, $4  }
0x14: {  	s17 =	sadd.s32 $0x52200, s0;
	s0 =	simm.s32 $0x14000;
	s23 =	sadd.s32 s19, s5  }
0x15: {  	s19 =	simm.s32 $0xA000;
	s25 =	sor.u32 $0x2000, s23;
	s26 =	sshrl.u32 s23, $0x3  }
0x16: {  	s23 =	simm.s32 $0xC000;
	s8 =	sshrl.u32 s25, $0x3;
	s15 =	sadd.s32 s4, s26  }
0x17: {  	v0 =	vimm.f32 $0.0e+00;
	s25 =	simm.s32 $0x10000;
	s26 =	simm.s32 $0x1;
	s16 =	sadd.s32 s4, s8  }
.LBB2_10:
0x18: {  	_ =	swait.ge [sflag:s21], $0x2000  }
0x19: {  	[sflag:s21] =	ssyncset.done $0x0  }
0x1a: {  	[sflag:s21] =	ssyncadd.s32 $0xFFFFE000  }
0x1b: {  	s7 =	stileid.u32;
	_ =	swait.ge [sflag:s24], $0x2000  }
0x1c: {  	s8 =	sshrl.u32 s6, $0x3;
	s1 =	sadd.s32 $0x1, s1;
	[sflag:s24] =	ssyncset.done $0x0  }
0x1d: {  	s7 =	sshll.u32 s7, $0x6;
	p0 =	sne.s32 s1, s18;
	[sflag:s24] =	ssyncadd.s32 $0xFFFFE000  }
.Ltmp1:
0x1e: {  	s7 =	sor.u32 $0x1C07, s7;
	[bflag:$0x0] =	sbarrier.arrive $0xFFFF;
	(pc) =	sbr.rel @!p0 .LBB2_11-.Ltmp1, $4  }
0x1f: {  	[hbm:s17], [sflag:s7] =	dma.local [spmem:s8], $0x13C0  }
0x20: {  	_ =	swait.ge [sflag:s20], $0x13C0  }
0x21: {  	[sflag:s20] =	ssyncset.done $0x0  }
0x22: {  	[sflag:s20] =	ssyncadd.s32 $0xFFFFEC40  }
.LBB2_1:
0x23: {  	s8 =	simm.s32 $0x100;
	s7 =	simm.s32 $0x0  }
.LBB2_2:
0x24: {  	p0 =	sne.s32 s8, $0x7F00;
	[tilespmem:s7+$0xA030] =	vst v0;
	s9 =	smov.u32 s8;
	s8 =	sadd.s32 $0x100, s8  }
.Ltmp2:
0x25: {  	[tilespmem:s7+$0xA020] =	vst v0;
	(pc) =	sbr.rel @p0 .LBB2_2-.Ltmp2, $3  }
0x26: {  	[tilespmem:s7+$0xA000] =	vst v0  }
0x27: {  	[tilespmem:s7+$0xA010] =	vst v0;
	_ =	sdelay $0x1  }
0x28: {  	s7 =	sshra.s32 s9, $0x2  }
0x29: {  	[tilespmem:s7+$0xA030] =	vst v0  }
0x2a: {  	[tilespmem:s7+$0xA020] =	vst v0  }
0x2b: {  	[tilespmem:s7+$0xA000] =	vst v0  }
0x2c: {  	[tilespmem:s7+$0xA010] =	vst v0  }
0x2d: {  	[spmem:s6] =	stream.linear.scatter [tilespmem:s19], [sflag:$0x7], $0x2000, $0x38;
	[tilespmem:$0x1FE00] =	vst v63  }
0x2e: {  	_ =	swait.ge [sflag:s20], $0x2000  }
0x2f: {  	[sflag:s20] =	ssyncset.done $0x0  }
0x30: {  	s12 =	rddreg [dreg:$0x3];
	[sflag:s20] =	ssyncadd.s32 $0xFFFFE000  }
0x31: {  	[spmem:s12] =	stream.linear.scatter [tilespmem:s19], [sflag:$0x7], $0x2000, $0x38;
	[tilespmem:$0x1FE00] =	vst v63  }
0x32: {  	_ =	swait.ge [sflag:s20], $0x2000  }
0x33: {  	[sflag:s20] =	ssyncset.done $0x0  }
0x34: {  	s8 =	rddreg [dreg:$0x4];
	[sflag:s20] =	ssyncadd.s32 $0xFFFFE000  }
0x35: {  	[spmem:s8] =	stream.linear.scatter [tilespmem:s19], [sflag:$0x7], $0x2000, $0x38;
	[tilespmem:$0x1FE00] =	vst v63  }
0x36: {  	_ =	swait.ge [sflag:s20], $0x2000  }
0x37: {  	[sflag:s20] =	ssyncset.done $0x0  }
0x38: {  	s9 =	rddreg [dreg:$0x5];
	[sflag:s20] =	ssyncadd.s32 $0xFFFFE000  }
0x39: {  	[spmem:s9] =	stream.linear.scatter [tilespmem:s19], [sflag:$0x7], $0x2000, $0x38;
	[tilespmem:$0x1FE00] =	vst v63  }
0x3a: {  	_ =	swait.ge [sflag:s20], $0x2000  }
0x3b: {  	[sflag:s20] =	ssyncset.done $0x0  }
0x3c: {  	s10 =	rddreg [dreg:$0x6];
	[sflag:s20] =	ssyncadd.s32 $0xFFFFE000  }
0x3d: {  	[spmem:s10] =	stream.linear.scatter [tilespmem:s19], [sflag:$0x7], $0x1E00, $0x38;
	[tilespmem:$0x1FE00] =	vst v63  }
0x3e: {  	_ =	swait.ge [sflag:s20], $0x1E00  }
0x3f: {  	[sflag:s20] =	ssyncset.done $0x0  }
0x40: {  	[sflag:s20] =	ssyncadd.s32 $0xFFFFE200  }
0x41: {  	[bflag:$0x0] =	sbarrier.arrive $0xFFFF  }
0x42: {  	s7 =	simm.s32 $0x0;
	s8 =	rddreg [dreg:$0x7]  }
0x43: {  	[tilespmem:s7], [sflag:$0x7] =	stream.linear.gather [hbm4b:s8+s7], $0x5000, $0x38;
	[tilespmem:$0x1FE00] =	vst v63  }
0x44: {  	_ =	swait.ge [sflag:s20], $0x5000  }
0x45: {  	[sflag:s20] =	ssyncset.done $0x0  }
0x46: {  	s9 =	simm.s32 $0x5000;
	s11 =	rddreg [dreg:$0x8];
	[sflag:s20] =	ssyncadd.s32 $0xFFFFB000  }
0x47: {  	[tilespmem:s9], [sflag:$0x7] =	stream.linear.gather [hbm4b:s11+s7], $0x5000, $0x38;
	[tilespmem:$0x1FE00] =	vst v63  }
0x48: {  	_ =	swait.ge [sflag:s20], $0x5000  }
0x49: {  	[sflag:s20] =	ssyncset.done $0x0  }
0x4a: {  	[sflag:s20] =	ssyncadd.s32 $0xFFFFB000  }
0x4b: {  	[tilespmem:s19], [sflag:$0x1] =	stream.indirect.gather [hbm4b:s13+s22], $0x40, s7, s22, $0xb8;
	[tilespmem:$0x1FE00] =	vst v63  }
0x4c: {  	_ = 	snop  }
0x4d: {  	[tilespmem:s23], [sflag:$0x2] =	stream.indirect.gather [hbm4b:s13+s22], $0x40, s22, s22, $0xb8;
	[tilespmem:$0x1FE00] =	vst v63  }
0x4e: {  	s12 =	simm.s32 $0xE000  }
0x4f: {  	[tilespmem:s12], [sflag:$0x3] =	stream.linear.gather [hbm4b:s15+s7], $0x2000, $0x38;
	[tilespmem:$0x1FE00] =	vst v63  }
0x50: {  	_ = 	snop  }
0x51: {  	[tilespmem:s25], [sflag:$0x4] =	stream.linear.gather [hbm4b:s16+s7], $0x2000, $0x38;
	[tilespmem:$0x1FE00] =	vst v63  }
.LBB2_4:
0x52: {  	_ =	swait.ge [sflag:s26], $0x2000  }
0x53: {  	[sflag:s26] =	ssyncset.done $0x0  }
0x54: {  	[sflag:s26] =	ssyncadd.s32 $0xFFFFE000  }
0x55: {  	_ =	swait.ge [sflag:s28], $0x2000  }
0x56: {  	p0 =	seq.s32 s7, $0x0;
	[sflag:s28] =	ssyncset.done $0x0  }
0x57: {  	s8 =	simm.s32 @!p0 $0x5;
	[sflag:s28] =	ssyncadd.s32 $0xFFFFE000  }
0x58: {  	_ =	swait.ge @!p0 [sflag:s8], $0x2000  }
0x59: {  	[sflag:s8] =	ssyncset.done @!p0 $0x0  }
0x5a: {  	s9 =	simm.s32 $0x0;
	[sflag:s8] =	ssyncadd.s32 @!p0 $0xFFFFE000  }
0x5b: {  	v3 =	vld [tilespmem:s9+$0xA030]  }
0x5c: {  	v5 =	vld [tilespmem:s9+$0xE030]  }
0x5d: {  	v6 =	vld [tilespmem:s9+$0xA000]  }
0x5e: {  	v7 =	vld [tilespmem:s9+$0xE000]  }
0x5f: {  	v2 =	vld [tilespmem:s9+$0xA010]  }
0x60: {  	v4 =	vld [tilespmem:s9+$0xE010]  }
0x61: {  	v1 =	vld [tilespmem:s9+$0xA020];
	v8 =	vmul.f32 v5, v3  }
0x62: {  	s10 =	simm.s32 $0x40;
	v5 =	vld [tilespmem:s9+$0xE020]  }
0x63: {  	s11 =	simm.s32 $0x200;
	s8 =	sshll.u32 s7, $0x8;
	v3 =	vld [tilespmem:s10+$0xA030];
	v6 =	vmul.f32 v7, v6;
	[tilespmem:s9+$0x12030] =	vst v8  }
.LBB2_5:
0x64: {  	p1 =	sne.s32 s11, $0x7F00;
	v7 =	vld [tilespmem:s10+$0xE030]  }
0x65: {  	v8 =	vld [tilespmem:s10+$0xA000];
	[tilespmem:s9+$0x12000] =	vst v6;
	v4 =	vmul.f32 v4, v2  }
0x66: {  	v6 =	vld [tilespmem:s10+$0xE000]  }
.Ltmp3:
0x67: {  	v2 =	vld [tilespmem:s10+$0xA010];
	[tilespmem:s9+$0x12010] =	vst v4;
	v5 =	vmul.f32 v5, v1;
	(pc) =	sbr.rel @p1 .LBB2_5-.Ltmp3, $4  }
0x68: {  	v4 =	vld [tilespmem:s10+$0xE010]  }
0x69: {  	v1 =	vld [tilespmem:s10+$0xA020];
	v7 =	vmul.f32 v7, v3;
	[tilespmem:s9+$0x12020] =	vst v5;
	s9 =	smov.u32 s10  }
0x6a: {  	s10 =	sshra.s32 s11, $0x2;
	v5 =	vld [tilespmem:s9+$0xE020]  }
0x6b: {  	s11 =	sadd.s32 $0x100, s11;
	v3 =	vld [tilespmem:s10+$0xA030];
	v6 =	vmul.f32 v6, v8;
	[tilespmem:s9+$0x12030] =	vst v7  }
0x6c: {  	v7 =	vld [tilespmem:s10+$0xE030]  }
0x6d: {  	v8 =	vld [tilespmem:s10+$0xA000];
	[tilespmem:s9+$0x12000] =	vst v6;
	v2 =	vmul.f32 v4, v2  }
0x6e: {  	v4 =	vld [tilespmem:s10+$0xE000]  }
0x6f: {  	v6 =	vld [tilespmem:s10+$0xA010];
	[tilespmem:s9+$0x12010] =	vst v2;
	v1 =	vmul.f32 v5, v1  }
0x70: {  	v2 =	vld [tilespmem:s10+$0xE010]  }
0x71: {  	v5 =	vld [tilespmem:s10+$0xA020];
	[tilespmem:s9+$0x12020] =	vst v1  }
0x72: {  	v1 =	vld [tilespmem:s10+$0xE020];
	_ =	sdelay $0x1  }
0x73: {  	v3 =	vmul.f32 v7, v3  }
0x74: {  	v4 =	vmul.f32 v4, v8  }
0x75: {  	[tilespmem:s10+$0x12030] =	vst v3;
	v2 =	vmul.f32 v2, v6  }
0x76: {  	[tilespmem:s10+$0x12000] =	vst v4;
	v1 =	vmul.f32 v1, v5  }
0x77: {  	s9 =	sand.u32 $0x3FFFFF00, s8;
	[tilespmem:s10+$0x12010] =	vst v2  }
0x78: {  	p1 =	seq.s32 s7, $0x4F;
	s12 =	sadd.s32 $0x5000, s9;
	[tilespmem:s10+$0x12020] =	vst v1  }
0x79: {  	[spmem:s2] =	stream.indirect.scatter.add.f32 [tilespmem:s29], [sflag:$0x5], $0x40, s12, s22, $0xb8;
	[tilespmem:$0x1FE00] =	vst v63  }
0x7a: {  	s11 =	simm.s32 @!p1 $0x80;
	s10 =	sadd.s32 @!p1 $0x100, s8;
	s12 =	simm.s32 @!p1 $0xA000  }
0x7b: {  	[tilespmem:s12], [sflag:$0x1] =	stream.indirect.gather @!p1 [hbm4b:s13+s11], $0x40, s10, s11, $0xb8;
	[tilespmem:$0x1FE00] =	vst v63  }
0x7c: {  	s10 =	sadd.s32 @!p1 s14, s10  }
0x7d: {  	s10 =	sshll.u32 @!p1 s10, $0x6  }
0x7e: {  	s10 =	sadd.s32 @!p1 s5, s10  }
0x7f: {  	s10 =	sshrl.u32 @!p1 s10, $0x3  }
0x80: {  	s11 =	simm.s32 @!p1 $0x0;
	s12 =	simm.s32 @!p1 $0xE000;
	s10 =	sadd.s32 @!p1 s4, s10  }
0x81: {  	[tilespmem:s12], [sflag:$0x3] =	stream.linear.gather @!p1 [hbm4b:s10+s11], $0x2000, $0x38;
	[tilespmem:$0x1FE00] =	vst v63  }
0x82: {  	_ =	swait.ge [sflag:s30], $0x2000  }
0x83: {  	[sflag:s30] =	ssyncset.done $0x0  }
0x84: {  	[sflag:s30] =	ssyncadd.s32 $0xFFFFE000  }
0x85: {  	_ =	swait.ge [sflag:s31], $0x2000  }
0x86: {  	[sflag:s31] =	ssyncset.done $0x0  }
0x87: {  	s10 =	simm.s32 @!p0 $0x6;
	[sflag:s31] =	ssyncadd.s32 $0xFFFFE000  }
0x88: {  	_ =	swait.ge @!p0 [sflag:s10], $0x2000  }
0x89: {  	[sflag:s10] =	ssyncset.done @!p0 $0x0  }
0x8a: {  	[sflag:s10] =	ssyncadd.s32 @!p0 $0xFFFFE000;
	s10 =	simm.s32 $0x0  }
0x8b: {  	v3 =	vld [tilespmem:s10+$0xC030]  }
0x8c: {  	v5 =	vld [tilespmem:s10+$0x10030]  }
0x8d: {  	v6 =	vld [tilespmem:s10+$0xC000]  }
0x8e: {  	v7 =	vld [tilespmem:s10+$0x10000]  }
0x8f: {  	v2 =	vld [tilespmem:s10+$0xC010]  }
0x90: {  	v4 =	vld [tilespmem:s10+$0x10010]  }
0x91: {  	v1 =	vld [tilespmem:s10+$0xC020];
	v8 =	vmul.f32 v5, v3  }
0x92: {  	s11 =	simm.s32 $0x40;
	v5 =	vld [tilespmem:s10+$0x10020]  }
0x93: {  	s12 =	simm.s32 $0x200;
	v3 =	vld [tilespmem:s11+$0xC030];
	v6 =	vmul.f32 v7, v6;
	[tilespmem:s10+$0x14030] =	vst v8  }
.LBB2_7:
0x94: {  	p0 =	sne.s32 s12, $0x7F00;
	v7 =	vld [tilespmem:s11+$0x10030]  }
0x95: {  	v8 =	vld [tilespmem:s11+$0xC000];
	[tilespmem:s10+$0x14000] =	vst v6;
	v4 =	vmul.f32 v4, v2  }
0x96: {  	v6 =	vld [tilespmem:s11+$0x10000]  }
.Ltmp4:
0x97: {  	v2 =	vld [tilespmem:s11+$0xC010];
	[tilespmem:s10+$0x14010] =	vst v4;
	v5 =	vmul.f32 v5, v1;
	(pc) =	sbr.rel @p0 .LBB2_7-.Ltmp4, $4  }
0x98: {  	v4 =	vld [tilespmem:s11+$0x10010]  }
0x99: {  	v1 =	vld [tilespmem:s11+$0xC020];
	v7 =	vmul.f32 v7, v3;
	[tilespmem:s10+$0x14020] =	vst v5;
	s10 =	smov.u32 s11  }
0x9a: {  	s11 =	sshra.s32 s12, $0x2;
	v5 =	vld [tilespmem:s10+$0x10020]  }
0x9b: {  	s12 =	sadd.s32 $0x100, s12;
	v3 =	vld [tilespmem:s11+$0xC030];
	v6 =	vmul.f32 v6, v8;
	[tilespmem:s10+$0x14030] =	vst v7  }
0x9c: {  	v7 =	vld [tilespmem:s11+$0x10030]  }
0x9d: {  	v8 =	vld [tilespmem:s11+$0xC000];
	[tilespmem:s10+$0x14000] =	vst v6;
	v2 =	vmul.f32 v4, v2  }
0x9e: {  	v62 =	vld [tilespmem:s11+$0x10000]  }
0x9f: {  	v6 =	vld [tilespmem:s11+$0xC010];
	[tilespmem:s10+$0x14010] =	vst v2;
	v1 =	vmul.f32 v5, v1  }
0xa0: {  	v2 =	vld [tilespmem:s11+$0x10010]  }
0xa1: {  	v63 =	vld [tilespmem:s11+$0xC020];
	[tilespmem:s10+$0x14020] =	vst v1  }
0xa2: {  	v1 =	vld [tilespmem:s11+$0x10020];
	_ =	sdelay $0x1  }
0xa3: {  	v3 =	vmul.f32 v7, v3  }
0xa4: {  	v4 =	vmul.f32 v62, v8  }
.Ltmp5:
0xa5: {  	[tilespmem:s11+$0x14030] =	vst v3;
	v2 =	vmul.f32 v2, v6;
	(pc) =	sbr.rel @p1 .LBB2_10-.Ltmp5, $4  }
0xa6: {  	[tilespmem:s11+$0x14000] =	vst v4;
	v1 =	vmul.f32 v1, v63  }
0xa7: {  	[tilespmem:s11+$0x14010] =	vst v2  }
0xa8: {  	s9 =	sadd.s32 $0x5080, s9;
	[tilespmem:s11+$0x14020] =	vst v1  }
0xa9: {  	[spmem:s2] =	stream.indirect.scatter.add.f32 [tilespmem:s0], [sflag:$0x6], $0x40, s9, s22, $0xb8;
	[tilespmem:$0x1FE00] =	vst v63  }
0xaa: {  	s8 =	sadd.s32 $0x180, s8  }
0xab: {  	[tilespmem:s23], [sflag:$0x2] =	stream.indirect.gather [hbm4b:s13+s22], $0x40, s8, s22, $0xb8;
	[tilespmem:$0x1FE00] =	vst v63  }
0xac: {  	s8 =	sadd.s32 s14, s8  }
.Ltmp6:
0xad: {  	s8 =	sshll.u32 s8, $0x6;
	(pc) =	sbr.rel .LBB2_4-.Ltmp6, $4  }
0xae: {  	s8 =	sadd.s32 s5, s8  }
0xaf: {  	s8 =	sshrl.u32 s8, $0x3  }
0xb0: {  	s7 =	sadd.s32 $0x1, s7;
	s8 =	sadd.s32 s4, s8  }
0xb1: {  	[tilespmem:s25], [sflag:$0x4] =	stream.linear.gather [hbm4b:s8+s3], $0x2000, $0x38;
	[tilespmem:$0x1FE00] =	vst v63  }
.LBB2_11:
0xb2: {  	_ =	sfence.sel $0x180000  }
0xb3: {  	[bflag:$0x0] =	sbarrier.arrive $0xFFFF  }
0xb4: {  	_ =	strace $0x90000050  }
0xb5: {  	s0 =	stileid.u32;
	[bflag:$0x2] =	sbarrier.arrive $0xFFFF  }
0xb6: {  	p0 =	sne.s32 s0, $0x0;
	s0 =	rddreg [dreg:$0x2]  }
0xb7: {  	s0 =	sadd.s32 @!p0 $0x100000, s0  }
0xb8: {  	[sflag:s0] =	ssyncadd.tile.s32 @!p0 $0x1;
	_ =	shalt  }
.Lfunc_end2:
_tile_overlayer_lowered:
.L_overlay_start_2:
0xb9: {  	(tag) =	ssettag $0x2  }
0xba: {  	s0 =	rddreg [dreg:$0x0];
	s2 =	stileid.u32  }
0xbb: {  	s1 =	rddreg [dreg:$0x1];
	p0 =	sne.s32 s2, $0x0  }
0xbc: {  	s3 =	rddreg [dreg:$0x2];
	[bflag:$0x3] =	sbarrier.arrive $0xFFFF;
	s2 =	simm.s32 @!p0 $0x1C07  }
0xbd: {  	[timem:s3], [sflag:s2] =	dma.local @!p0 [hbm:s0], s1  }
0xbe: {  	s0 =	simm.s32 @!p0 $0x7  }
0xbf: {  	_ =	swait.ge @!p0 [sflag:s0], s1  }
0xc0: {  	s1 =	ssub.s32 @!p0 $0x0, s1;
	[sflag:s0] =	ssyncset.done @!p0 $0x0  }
0xc1: {  	[sflag:s0] =	ssyncadd.s32 @!p0 s1  }
0xc2: {  	[bflag:$0x3] =	sbarrier.arrive $0xFFFF  }
0xc3: {  	_ =	shalt  }

</sc_bundles>
